<compile_context>
chip_gen: v7x
topology: tpu7x:2x2x1
jax: 0.10.2.dev20260603
libtpu: 0.0.44.dev20260713+nightly
codegen_flags: <defaults>
</compile_context>

<pallas_src>
import functools

import numpy as np
import jax
import jax.numpy as jnp
from jax import lax
from jax.experimental import pallas as pl
from jax.experimental.pallas import tpu as pltpu
from jax.experimental.pallas import tpu_sc as plsc

H, W, C, N, KN = 20, 64, 128, 1280, 16
K = 7
SPOT = 8
HEADS = 4
DH = C // HEADS
P = H * W
PAD = K // 2
KK = K * K

NC, NS = 2, 16
NW = NC * NS
ROWS_PER_W = P // NW


def _prep_body(im_ref, pc_ref, wq_ref, wk_ref, wv_ref, wo_ref,
               x_ref, xn_ref, bs_ref, bi_ref, q_ref, kf_ref, vwo_ref):
    im4 = im_ref[...]
    xt = jnp.concatenate([im4[0, :, y, :] for y in range(H)], axis=1)
    x = jnp.transpose(xt, (1, 0))
    pc = pc_ref[0]
    xn = x / (jnp.sqrt(jnp.sum(x * x, axis=1, keepdims=True)) + 1e-12)
    yn = pc / (jnp.sqrt(jnp.sum(pc * pc, axis=1, keepdims=True)) + 1e-12)
    fs = lax.dot_general(xn, yn, (((1,), (1,)), ((), ())),
                         preferred_element_type=jnp.float32)
    fs3 = fs.reshape(H, W, N)
    bs = jnp.max(fs3, axis=2, keepdims=True)
    ii = lax.broadcasted_iota(jnp.int32, fs3.shape, 2)
    bi = jnp.min(jnp.where(fs3 == bs, ii, N), axis=2)
    x_ref[...] = x
    xn_ref[...] = xn.reshape(H, W, C)
    bs_ref[...] = bs[..., 0]
    bi_ref[...] = bi
    scale = float(1.0 / np.sqrt(DH))
    q_ref[...] = jnp.dot(x, wq_ref[...],
                         preferred_element_type=jnp.float32) * scale
    kf_ref[...] = jnp.dot(pc, wk_ref[...], preferred_element_type=jnp.float32)
    vf = jnp.dot(pc, wv_ref[...], preferred_element_type=jnp.float32)
    for h in range(HEADS):
        vwo_ref[h * N:(h + 1) * N, :] = jnp.dot(
            vf[:, h * DH:(h + 1) * DH], wo_ref[h * DH:(h + 1) * DH, :],
            preferred_element_type=jnp.float32)


def _prep_call(im4, pc3, Wq, Wk, Wv, Wo):
    return pl.pallas_call(
        _prep_body,
        out_shape=[
            jax.ShapeDtypeStruct((P, C), jnp.float32),
            jax.ShapeDtypeStruct((H, W, C), jnp.float32),
            jax.ShapeDtypeStruct((H, W), jnp.float32),
            jax.ShapeDtypeStruct((H, W), jnp.int32),
            jax.ShapeDtypeStruct((P, C), jnp.float32),
            jax.ShapeDtypeStruct((N, C), jnp.float32),
            jax.ShapeDtypeStruct((HEADS * N, C), jnp.float32),
        ],
    )(im4, pc3, Wq, Wk, Wv, Wo)


def _select_body(znp_ref, bsp_ref, nb_ref, sc_ref):
    zc = znp_ref[...]
    bs2 = bsp_ref[...]

    labs = jnp.log(jnp.maximum(jnp.abs(bs2), 1e-38))
    sgp = jnp.where(bs2 > 0.0, 1.0, -1.0).astype(jnp.float32)
    ttp = jnp.where(bs2 > 0.0, labs, -labs - 1000.0).astype(jnp.float32)

    def shift_x(a, dx, axis):
        if dx == 0:
            return a
        idx = [slice(None)] * a.ndim
        edge = [slice(None)] * a.ndim
        if dx < 0:
            idx[axis] = slice(0, W + dx)
            edge[axis] = slice(0, 1)
            parts = [a[tuple(edge)]] * (-dx) + [a[tuple(idx)]]
        else:
            idx[axis] = slice(dx, W)
            edge[axis] = slice(W - 1, W)
            parts = [a[tuple(idx)]] + [a[tuple(edge)]] * dx
        return jnp.concatenate(parts, axis=axis)

    def pad_y(a):
        return jnp.concatenate([a[:1]] * PAD + [a] + [a[-1:]] * PAD, axis=0)

    zdx = [pad_y(shift_x(zc, dx, 1)) for dx in range(-PAD, PAD + 1)]
    sgdx = [pad_y(shift_x(sgp, dx, 1)) for dx in range(-PAD, PAD + 1)]
    ttdx = [pad_y(shift_x(ttp, dx, 1)) for dx in range(-PAD, PAD + 1)]

    yy = lax.broadcasted_iota(jnp.int32, (H, W), 0)
    xx = lax.broadcasted_iota(jnp.int32, (H, W), 1)
    for k in range(KK):
        dy, dx = k // K - PAD, k % K - PAD
        if k == KK // 2:
            sc_ref[k] = jnp.full((H, W), -1e8, jnp.float32)
            continue
        sh = zdx[dx + PAD][PAD + dy:PAD + dy + H, :, :]
        sim = jnp.sum(sh * zc, axis=2)
        key = (sim * sgdx[dx + PAD][PAD + dy:PAD + dy + H, :]
               + ttdx[dx + PAD][PAD + dy:PAD + dy + H, :])
        valid = (yy + dy >= 0) & (yy + dy < H) & (xx + dx >= 0) & (xx + dx < W)
        sc_ref[k] = jnp.where(valid, key, -1e8)

    arr = sc_ref[...]
    kio = lax.broadcasted_iota(jnp.int32, (KK, H, W), 0)
    pgrid = yy * W + xx
    nb_ref[0] = pgrid
    for j in range(SPOT - 1):
        mx = jnp.max(arr, axis=0)
        kidx = jnp.min(jnp.where(arr == mx[None], kio, KK), axis=0)
        dyj = kidx // K - PAD
        dxj = kidx % K - PAD
        nb_ref[j + 1] = pgrid + dyj * W + dxj
        arr = jnp.where(kio == kidx[None], -3e38, arr)


def _select_call(xn3, bs2):
    return pl.pallas_call(
        _select_body,
        out_shape=jax.ShapeDtypeStruct((SPOT, H, W), jnp.int32),
        compiler_params=pltpu.CompilerParams(
            vmem_limit_bytes=128 * 1024 * 1024),
        scratch_shapes=[pltpu.VMEM((KK, H, W), jnp.float32)],
    )(xn3, bs2)


def _mask_sc_body(np_hbm, bi_hbm, nb_hbm, mask_hbm, np_v, bi_v, nb_v, mask_v,
                  sem1, sem2, sem3):
    cid = lax.axis_index("c")
    sid = lax.axis_index("s")
    wid = sid * NC + cid

    c1 = pltpu.async_copy(bi_hbm, bi_v, sem1)
    c2 = pltpu.async_copy(nb_hbm, nb_v, sem2)
    c3 = pltpu.async_copy(np_hbm.at[pl.ds(wid * ROWS_PER_W * SPOT,
                                          ROWS_PER_W * SPOT)], np_v, sem3)

    zeros16 = jnp.zeros((16,), jnp.float32)
    ones16 = jnp.ones((16,), jnp.float32)
    lane = lax.iota(jnp.int32, 16)
    half = jnp.where(lane >= 8, 1, 0)

    c1.wait()
    c2.wait()
    c3.wait()

    def pair_body(t, carry):
        for u in range(N // 16):
            mask_v[t * 2, pl.ds(u * 16, 16)] = zeros16
            mask_v[t * 2 + 1, pl.ds(u * 16, 16)] = zeros16
        npx = np_v[pl.ds(t * 16, 16)]
        seeds = plsc.load_gather(bi_v, [npx])
        rows = t * 2 + half
        base16 = seeds * KN
        for j in range(KN):
            vals = plsc.load_gather(nb_v, [base16 + j])
            plsc.store_scatter(mask_v, [rows, vals], ones16)
        return carry

    lax.fori_loop(0, ROWS_PER_W // 2, pair_body, 0)

    pltpu.sync_copy(mask_v, mask_hbm.at[pl.ds(wid * ROWS_PER_W, ROWS_PER_W), :])


def _mask_sc_call(np_flat, bi_flat, nb_flat):
    mesh = plsc.VectorSubcoreMesh(core_axis_name="c", subcore_axis_name="s",
                                  num_cores=NC, num_subcores=NS)
    fn = pl.kernel(
        _mask_sc_body,
        out_type=jax.ShapeDtypeStruct((P, N), jnp.float32),
        mesh=mesh,
        compiler_params=pltpu.CompilerParams(needs_layout_passes=False),
        scratch_types=[
            pltpu.VMEM((ROWS_PER_W * SPOT,), jnp.int32),
            pltpu.VMEM((P,), jnp.int32),
            pltpu.VMEM((N * KN,), jnp.int32),
            pltpu.VMEM((ROWS_PER_W, N), jnp.float32),
            pltpu.SemaphoreType.DMA,
            pltpu.SemaphoreType.DMA,
            pltpu.SemaphoreType.DMA,
        ],
    )
    return fn(np_flat, bi_flat, nb_flat)


TP = 256


def _attn_body(q_ref, x_ref, mask_ref, kf_ref, vwo_ref, out_ref):
    q = q_ref[...]
    mask = mask_ref[...]
    acc = x_ref[...]
    for h in range(HEADS):
        qh = q[:, h * DH:(h + 1) * DH]
        kh = kf_ref[:, h * DH:(h + 1) * DH]
        lg = lax.dot_general(qh, kh, (((1,), (1,)), ((), ())),
                             preferred_element_type=jnp.float32)
        e = jnp.exp(lg) * mask
        r = 1.0 / jnp.sum(e, axis=1, keepdims=True)
        mh = lax.dot_general(e, vwo_ref[h * N:(h + 1) * N, :],
                             (((1,), (0,)), ((), ())),
                             preferred_element_type=jnp.float32)
        acc = acc + mh * r
    out_ref[...] = acc


def _attn_call(q, x, mask, kf, vwo):
    grid = (P // TP,)
    return pl.pallas_call(
        _attn_body,
        grid=grid,
        in_specs=[
            pl.BlockSpec((TP, C), lambda i: (i, 0)),
            pl.BlockSpec((TP, C), lambda i: (i, 0)),
            pl.BlockSpec((TP, N), lambda i: (i, 0)),
            pl.BlockSpec((N, C), lambda i: (0, 0)),
            pl.BlockSpec((HEADS * N, C), lambda i: (0, 0)),
        ],
        out_specs=pl.BlockSpec((TP, C), lambda i: (i, 0)),
        out_shape=jax.ShapeDtypeStruct((P, C), jnp.float32),
    )(q, x, mask, kf, vwo)


def kernel(im_feats_h, pc_feats_h, neighbor_pcidx, Wq, Wk, Wv, Wo):
    x, xn3, bs2, bi2, q, kf, vwo = _prep_call(im_feats_h, pc_feats_h,
                                              Wq, Wk, Wv, Wo)

    nb_pix = _select_call(xn3, bs2)
    np_flat = nb_pix.reshape(SPOT, P).T.reshape(P * SPOT)

    mask = _mask_sc_call(np_flat, bi2.reshape(P),
                         neighbor_pcidx.reshape(N * KN))

    out = _attn_call(q, x, mask, kf, vwo)
    return out[None]

# --- scband reference (transcript-rebuilt; emitter-appended) ---
"""Pipeline reference for scband-spot-guided-aggregation-74388833566806 (READ-ONLY COPY).

The authoritative reference and input builder live on the scoring server;
editing this copy changes nothing except your own understanding.
"""

import jax, jax.numpy as jnp
import numpy as np

H, W, C, N, KN = 20, 64, 128, 1280, 16
K = 7
SPOT = 8
HEADS = 4

def l2n(x, axis):
    return x / (jnp.linalg.norm(x, axis=axis, keepdims=True) + 1e-12)

def extract_patches(xp, k, H_, W_):
    ii = jnp.arange(H_)[:, None] + jnp.arange(k)[None, :]
    jj = jnp.arange(W_)[:, None] + jnp.arange(k)[None, :]
    p = xp[:, :, ii[:, None, :, None], jj[None, :, None, :]]
    p = jnp.transpose(p, (0, 1, 4, 5, 2, 3)).reshape(xp.shape[0], xp.shape[1], k * k, H_ * W_)
    return p

def setup_inputs(seed: int = 0):
    key = jax.random.key(seed)
    ks = jax.random.split(key, 7)
    im_feats_h = jax.random.normal(ks[0], (1, C, H, W), dtype=jnp.float32)
    pc_feats_h = jax.random.normal(ks[1], (1, N, C), dtype=jnp.float32)
    neighbor_pcidx = jax.random.randint(ks[2], (1, N, KN), 0, N, dtype=jnp.int32)
    Wq = jax.random.normal(ks[3], (C, C), dtype=jnp.float32) * 0.05
    Wk = jax.random.normal(ks[4], (C, C), dtype=jnp.float32) * 0.05
    Wv = jax.random.normal(ks[5], (C, C), dtype=jnp.float32) * 0.05
    Wo = jax.random.normal(ks[6], (C, C), dtype=jnp.float32) * 0.05
    return {'im_feats_h': im_feats_h, 'pc_feats_h': pc_feats_h, 'neighbor_pcidx': neighbor_pcidx, 'Wq': Wq, 'Wk': Wk, 'Wv': Wv, 'Wo': Wo}

def _forward(im_feats_h, pc_feats_h, Wq, Wk, Wv, Wo, neighbor_pcidx):
    B = 1
    P = H * W
    pad = K // 2
    kk = K * K
    imp = jnp.pad(im_feats_h, ((0, 0), (0, 0), (pad, pad), (pad, pad)), mode='edge')
    patches = extract_patches(imp, K, H, W)
    neigh = im_feats_h.reshape(B, C, P)[:, :, None, :]
    sim = jnp.sum(l2n(patches, 1) * l2n(neigh, 1), axis=1)
    sim = jax.nn.softmax(sim, axis=1)
    x_im = jnp.transpose(im_feats_h.reshape(B, C, P), (0, 2, 1))
    xn = l2n(x_im, -1)
    yn = l2n(pc_feats_h, -1)
    full_sim = jnp.einsum('bmc,bnc->bmn', xn, yn)
    best_score = jnp.max(full_sim, axis=-1)
    best_index = jnp.argmax(full_sim, axis=-1)
    bs_map = best_score.reshape(B, 1, H, W)
    bsp = jnp.pad(bs_map, ((0, 0), (0, 0), (pad, pad), (pad, pad)), mode='edge')
    conf = extract_patches(bsp, K, H, W).reshape(B, kk, P)
    select_score = sim * conf
    igrid = jnp.arange(P, dtype=jnp.float32).reshape(1, 1, H, W)
    igp = jnp.pad(igrid, ((0, 0), (0, 0), (pad, pad), (pad, pad)), mode='constant', constant_values=-1.0)
    idx_patches = extract_patches(igp, K, H, W).reshape(B, kk, P).astype(jnp.int32)
    select_score = jnp.where(idx_patches == -1, -1e8, select_score)
    select_score = select_score.at[:, kk // 2, :].set(-1e8)
    st = jnp.transpose(select_score, (0, 2, 1))
    _, ti = jax.lax.top_k(st, SPOT - 1)
    center = jnp.full((B, P, 1), kk // 2, dtype=ti.dtype)
    topk_idx = jnp.concatenate([center, ti], axis=2)
    idx_t = jnp.transpose(idx_patches, (0, 2, 1))
    neighbor_pixels = jnp.take_along_axis(idx_t, topk_idx, axis=2)
    neighbor_pixels = jnp.clip(neighbor_pixels, 0, P - 1)
    seed = best_index[0][neighbor_pixels[0]]
    nb0 = neighbor_pcidx[0].astype(jnp.int32)
    spot = nb0[seed].reshape(P, SPOT * KN)
    mask = jnp.zeros((P, N), dtype=jnp.float32).at[jnp.arange(P)[:, None], spot].set(1.0)
    spot_mask, spot_idx = jax.lax.top_k(mask, SPOT * KN)
    dh = C // HEADS
    q = (x_im[0] @ Wq).reshape(P, HEADS, dh)
    kf = pc_feats_h[0] @ Wk
    vf = pc_feats_h[0] @ Wv
    kg = kf[spot_idx].reshape(P, SPOT * KN, HEADS, dh)
    vg = vf[spot_idx].reshape(P, SPOT * KN, HEADS, dh)
    logits = jnp.einsum('phd,pshd->phs', q, kg) / float(np.sqrt(dh))
    logits = jnp.where(spot_mask[:, None, :] > 0, logits, -1e9)
    attn = jax.nn.softmax(logits, axis=-1)
    msg = jnp.einsum('phs,pshd->phd', attn, vg).reshape(P, C) @ Wo
    return x_im + msg[None]

def reference(im_feats_h, pc_feats_h, neighbor_pcidx, Wq, Wk, Wv, Wo):
    return _forward(im_feats_h, pc_feats_h, Wq, Wk, Wv, Wo, neighbor_pcidx)

if __name__ == "__main__":
    import jax
    _d = setup_inputs()
    print(jax.jit(kernel)(*tuple(_d.values())))

</pallas_src>

<mosaic_0001>
#map = affine_map<(d0, d1) -> (0)>
#map1 = affine_map<(d0, d1) -> (0, 0)>
module attributes {stable_mosaic.version = 14 : i64} {
  func.func @_mask_sc_body(%arg0: i32, %arg1: i32, %arg2: memref<10240xi32, #tpu.memory_space<hbm>>, %arg3: memref<1280xi32, #tpu.memory_space<hbm>>, %arg4: memref<20480xi32, #tpu.memory_space<hbm>>, %arg5: memref<1280x1280xf32, #tpu.memory_space<hbm>>, %arg6: memref<320xi32, #tpu.memory_space<vmem>>, %arg7: memref<1280xi32, #tpu.memory_space<vmem>>, %arg8: memref<20480xi32, #tpu.memory_space<vmem>>, %arg9: memref<40x1280xf32, #tpu.memory_space<vmem>>, %arg10: memref<!tpu.dma_semaphore, #tpu.memory_space<semaphore_mem>>, %arg11: memref<!tpu.dma_semaphore, #tpu.memory_space<semaphore_mem>>, %arg12: memref<!tpu.dma_semaphore, #tpu.memory_space<semaphore_mem>>) attributes {dimension_semantics = [#tpu.dimension_semantics<core_parallel>, #tpu.dimension_semantics<subcore_parallel>], iteration_bounds = array<i64: 2, 16>, scalar_prefetch = 0 : i64, scratch_operands = 7 : i64, tpu.core_type = #tpu.core_type<sc_vector_subcore>, window_params = [{transform_indices = #map}, {transform_indices = #map}, {transform_indices = #map}, {transform_indices = #map1}]} {
    %mul3A = arith.constant 2 : i32
    %mul3A_0 = arith.muli %arg1, %mul3A : i32
    %add3A = arith.addi %mul3A_0, %arg0 : i32
    tpu.enqueue_dma source(%arg3 : memref<1280xi32, #tpu.memory_space<hbm>>) target(%arg7 : memref<1280xi32, #tpu.memory_space<vmem>>) target_semaphore(%arg10 : memref<!tpu.dma_semaphore, #tpu.memory_space<semaphore_mem>>)
    tpu.enqueue_dma source(%arg4 : memref<20480xi32, #tpu.memory_space<hbm>>) target(%arg8 : memref<20480xi32, #tpu.memory_space<vmem>>) target_semaphore(%arg11 : memref<!tpu.dma_semaphore, #tpu.memory_space<semaphore_mem>>)
    %mul3A_1 = arith.constant 40 : i32
    %mul3A_2 = arith.muli %add3A, %mul3A_1 : i32
    %mul3A_3 = arith.constant 8 : i32
    %mul3A_4 = arith.muli %mul3A_2, %mul3A_3 : i32
    %dma_start3A = tpu.memref_slice %arg2[%mul3A_4] : memref<10240xi32, #tpu.memory_space<hbm>> -> memref<320xi32, #tpu.memory_space<hbm>>
    %dma_start3A_5 = tpu.memref_slice %arg2[%mul3A_4] : memref<10240xi32, #tpu.memory_space<hbm>> -> memref<320xi32, #tpu.memory_space<hbm>>
    tpu.enqueue_dma source(%dma_start3A_5 : memref<320xi32, #tpu.memory_space<hbm>>) target(%arg6 : memref<320xi32, #tpu.memory_space<vmem>>) target_semaphore(%arg12 : memref<!tpu.dma_semaphore, #tpu.memory_space<semaphore_mem>>)
    %broadcast_in_dim3A = arith.constant 0.000000e+00 : f32
    %broadcast_in_dim3A_6 = vector.broadcast %broadcast_in_dim3A : f32 to vector<16xf32>
    %broadcast_in_dim3A_7 = arith.constant 1.000000e+00 : f32
    %broadcast_in_dim3A_8 = vector.broadcast %broadcast_in_dim3A_7 : f32 to vector<16xf32>
    %iota3A = tpu.iota {dimensions = array<i32: 0>} : vector<16xi32>
    %ge3A = arith.constant 8 : i32
    %ge3A_9 = vector.broadcast %ge3A : i32 to vector<16xi32>
    %ge3A_10 = arith.cmpi sge, %iota3A, %ge3A_9 : vector<16xi32>
    %jit3A = arith.constant 1 : i32
    %jit3A_11 = arith.constant 0 : i32
    %broadcast_in_dim3A_12 = vector.broadcast %jit3A : i32 to vector<16xi32>
    %broadcast_in_dim3A_13 = vector.broadcast %jit3A_11 : i32 to vector<16xi32>
    %select_n3A = arith.select %ge3A_10, %broadcast_in_dim3A_12, %broadcast_in_dim3A_13 : vector<16xi1>, vector<16xi32>
    tpu.wait_dma2 semaphore(%arg10 : memref<!tpu.dma_semaphore, #tpu.memory_space<semaphore_mem>>) src(%arg3 : memref<1280xi32, #tpu.memory_space<hbm>>) dst(%arg7 : memref<1280xi32, #tpu.memory_space<vmem>>)
    tpu.wait_dma2 semaphore(%arg11 : memref<!tpu.dma_semaphore, #tpu.memory_space<semaphore_mem>>) src(%arg4 : memref<20480xi32, #tpu.memory_space<hbm>>) dst(%arg8 : memref<20480xi32, #tpu.memory_space<vmem>>)
    %dma_wait3A = tpu.memref_slice %arg2[%mul3A_4] : memref<10240xi32, #tpu.memory_space<hbm>> -> memref<320xi32, #tpu.memory_space<hbm>>
    %dma_wait3A_14 = tpu.memref_slice %arg2[%mul3A_4] : memref<10240xi32, #tpu.memory_space<hbm>> -> memref<320xi32, #tpu.memory_space<hbm>>
    tpu.wait_dma2 semaphore(%arg12 : memref<!tpu.dma_semaphore, #tpu.memory_space<semaphore_mem>>) src(%dma_wait3A_14 : memref<320xi32, #tpu.memory_space<hbm>>) dst(%arg6 : memref<320xi32, #tpu.memory_space<vmem>>)
    %scan3A = arith.constant 0 : i32
    %scan3A_15 = arith.constant 0 : i32
    %scan3A_16 = arith.constant 20 : i32
    %scan3A_17 = arith.addi %scan3A_15, %scan3A_16 : i32
    %scan3A_18 = arith.constant 1 : i32
    scf.for %scan3A_22 = %scan3A_15 to %scan3A_17 step %scan3A_18  : i32 {
      %mul3A_23 = arith.constant 2 : i32
      %mul3A_24 = arith.muli %scan3A_22, %mul3A_23 : i32
      %swap3A = arith.index_cast %mul3A_24 : i32 to index
      %swap3A_25 = arith.constant 0 : index
      %swap3A_26 = tpu.vector_load %arg9[%swap3A, %swap3A_25] {strides = array<i32>} : memref<40x1280xf32, #tpu.memory_space<vmem>>, vector<16xf32>,
      tpu.vector_store %arg9[%swap3A, %swap3A_25], %broadcast_in_dim3A_6 {strides = array<i32>} : memref<40x1280xf32, #tpu.memory_space<vmem>>, vector<16xf32>,
      %mul3A_27 = arith.constant 2 : i32
      %mul3A_28 = arith.muli %scan3A_22, %mul3A_27 : i32
      %add3A_29 = arith.constant 1 : i32
      %add3A_30 = arith.addi %mul3A_28, %add3A_29 : i32
      %swap3A_31 = arith.index_cast %add3A_30 : i32 to index
      %swap3A_32 = arith.constant 0 : index
      %swap3A_33 = tpu.vector_load %arg9[%swap3A_31, %swap3A_32] {strides = array<i32>} : memref<40x1280xf32, #tpu.memory_space<vmem>>, vector<16xf32>,
      tpu.vector_store %arg9[%swap3A_31, %swap3A_32], %broadcast_in_dim3A_6 {strides = array<i32>} : memref<40x1280xf32, #tpu.memory_space<vmem>>, vector<16xf32>,
      %mul3A_34 = arith.constant 2 : i32
      %mul3A_35 = arith.muli %scan3A_22, %mul3A_34 : i32
      %swap3A_36 = arith.index_cast %mul3A_35 : i32 to index
      %swap3A_37 = arith.constant 16 : index
      %swap3A_38 = tpu.vector_load %arg9[%swap3A_36, %swap3A_37] {strides = array<i32>} : memref<40x1280xf32, #tpu.memory_space<vmem>>, vector<16xf32>,
      tpu.vector_store %arg9[%swap3A_36, %swap3A_37], %broadcast_in_dim3A_6 {strides = array<i32>} : memref<40x1280xf32, #tpu.memory_space<vmem>>, vector<16xf32>,
      %mul3A_39 = arith.constant 2 : i32
      %mul3A_40 = arith.muli %scan3A_22, %mul3A_39 : i32
      %add3A_41 = arith.constant 1 : i32
      %add3A_42 = arith.addi %mul3A_40, %add3A_41 : i32
      %swap3A_43 = arith.index_cast %add3A_42 : i32 to index
      %swap3A_44 = arith.constant 16 : index
      %swap3A_45 = tpu.vector_load %arg9[%swap3A_43, %swap3A_44] {strides = array<i32>} : memref<40x1280xf32, #tpu.memory_space<vmem>>, vector<16xf32>,
      tpu.vector_store %arg9[%swap3A_43, %swap3A_44], %broadcast_in_dim3A_6 {strides = array<i32>} : memref<40x1280xf32, #tpu.memory_space<vmem>>, vector<16xf32>,
      %mul3A_46 = arith.constant 2 : i32
      %mul3A_47 = arith.muli %scan3A_22, %mul3A_46 : i32
      %swap3A_48 = arith.index_cast %mul3A_47 : i32 to index
      %swap3A_49 = arith.constant 32 : index
      %swap3A_50 = tpu.vector_load %arg9[%swap3A_48, %swap3A_49] {strides = array<i32>} : memref<40x1280xf32, #tpu.memory_space<vmem>>, vector<16xf32>,
      tpu.vector_store %arg9[%swap3A_48, %swap3A_49], %broadcast_in_dim3A_6 {strides = array<i32>} : memref<40x1280xf32, #tpu.memory_space<vmem>>, vector<16xf32>,
      %mul3A_51 = arith.constant 2 : i32
      %mul3A_52 = arith.muli %scan3A_22, %mul3A_51 : i32
      %add3A_53 = arith.constant 1 : i32
      %add3A_54 = arith.addi %mul3A_52, %add3A_53 : i32
      %swap3A_55 = arith.index_cast %add3A_54 : i32 to index
      %swap3A_56 = arith.constant 32 : index
      %swap3A_57 = tpu.vector_load %arg9[%swap3A_55, %swap3A_56] {strides = array<i32>} : memref<40x1280xf32, #tpu.memory_space<vmem>>, vector<16xf32>,
      tpu.vector_store %arg9[%swap3A_55, %swap3A_56], %broadcast_in_dim3A_6 {strides = array<i32>} : memref<40x1280xf32, #tpu.memory_space<vmem>>, vector<16xf32>,
      %mul3A_58 = arith.constant 2 : i32
      %mul3A_59 = arith.muli %scan3A_22, %mul3A_58 : i32
      %swap3A_60 = arith.index_cast %mul3A_59 : i32 to index
      %swap3A_61 = arith.constant 48 : index
      %swap3A_62 = tpu.vector_load %arg9[%swap3A_60, %swap3A_61] {strides = array<i32>} : memref<40x1280xf32, #tpu.memory_space<vmem>>, vector<16xf32>,
      tpu.vector_store %arg9[%swap3A_60, %swap3A_61], %broadcast_in_dim3A_6 {strides = array<i32>} : memref<40x1280xf32, #tpu.memory_space<vmem>>, vector<16xf32>,
      %mul3A_63 = arith.constant 2 : i32
      %mul3A_64 = arith.muli %scan3A_22, %mul3A_63 : i32
      %add3A_65 = arith.constant 1 : i32
      %add3A_66 = arith.addi %mul3A_64, %add3A_65 : i32
      %swap3A_67 = arith.index_cast %add3A_66 : i32 to index
      %swap3A_68 = arith.constant 48 : index
      %swap3A_69 = tpu.vector_load %arg9[%swap3A_67, %swap3A_68] {strides = array<i32>} : memref<40x1280xf32, #tpu.memory_space<vmem>>, vector<16xf32>,
      tpu.vector_store %arg9[%swap3A_67, %swap3A_68], %broadcast_in_dim3A_6 {strides = array<i32>} : memref<40x1280xf32, #tpu.memory_space<vmem>>, vector<16xf32>,
      %mul3A_70 = arith.constant 2 : i32
      %mul3A_71 = arith.muli %scan3A_22, %mul3A_70 : i32
      %swap3A_72 = arith.index_cast %mul3A_71 : i32 to index
      %swap3A_73 = arith.constant 64 : index
      %swap3A_74 = tpu.vector_load %arg9[%swap3A_72, %swap3A_73] {strides = array<i32>} : memref<40x1280xf32, #tpu.memory_space<vmem>>, vector<16xf32>,
      tpu.vector_store %arg9[%swap3A_72, %swap3A_73], %broadcast_in_dim3A_6 {strides = array<i32>} : memref<40x1280xf32, #tpu.memory_space<vmem>>, vector<16xf32>,
      %mul3A_75 = arith.constant 2 : i32
      %mul3A_76 = arith.muli %scan3A_22, %mul3A_75 : i32
      %add3A_77 = arith.constant 1 : i32
      %add3A_78 = arith.addi %mul3A_76, %add3A_77 : i32
      %swap3A_79 = arith.index_cast %add3A_78 : i32 to index
      %swap3A_80 = arith.constant 64 : index
      %swap3A_81 = tpu.vector_load %arg9[%swap3A_79, %swap3A_80] {strides = array<i32>} : memref<40x1280xf32, #tpu.memory_space<vmem>>, vector<16xf32>,
      tpu.vector_store %arg9[%swap3A_79, %swap3A_80], %broadcast_in_dim3A_6 {strides = array<i32>} : memref<40x1280xf32, #tpu.memory_space<vmem>>, vector<16xf32>,
      %mul3A_82 = arith.constant 2 : i32
      %mul3A_83 = arith.muli %scan3A_22, %mul3A_82 : i32
      %swap3A_84 = arith.index_cast %mul3A_83 : i32 to index
      %swap3A_85 = arith.constant 80 : index
      %swap3A_86 = tpu.vector_load %arg9[%swap3A_84, %swap3A_85] {strides = array<i32>} : memref<40x1280xf32, #tpu.memory_space<vmem>>, vector<16xf32>,
      tpu.vector_store %arg9[%swap3A_84, %swap3A_85], %broadcast_in_dim3A_6 {strides = array<i32>} : memref<40x1280xf32, #tpu.memory_space<vmem>>, vector<16xf32>,
      %mul3A_87 = arith.constant 2 : i32
      %mul3A_88 = arith.muli %scan3A_22, %mul3A_87 : i32
      %add3A_89 = arith.constant 1 : i32
      %add3A_90 = arith.addi %mul3A_88, %add3A_89 : i32
      %swap3A_91 = arith.index_cast %add3A_90 : i32 to index
      %swap3A_92 = arith.constant 80 : index
      %swap3A_93 = tpu.vector_load %arg9[%swap3A_91, %swap3A_92] {strides = array<i32>} : memref<40x1280xf32, #tpu.memory_space<vmem>>, vector<16xf32>,
      tpu.vector_store %arg9[%swap3A_91, %swap3A_92], %broadcast_in_dim3A_6 {strides = array<i32>} : memref<40x1280xf32, #tpu.memory_space<vmem>>, vector<16xf32>,
      %mul3A_94 = arith.constant 2 : i32
      %mul3A_95 = arith.muli %scan3A_22, %mul3A_94 : i32
      %swap3A_96 = arith.index_cast %mul3A_95 : i32 to index
      %swap3A_97 = arith.constant 96 : index
      %swap3A_98 = tpu.vector_load %arg9[%swap3A_96, %swap3A_97] {strides = array<i32>} : memref<40x1280xf32, #tpu.memory_space<vmem>>, vector<16xf32>,
      tpu.vector_store %arg9[%swap3A_96, %swap3A_97], %broadcast_in_dim3A_6 {strides = array<i32>} : memref<40x1280xf32, #tpu.memory_space<vmem>>, vector<16xf32>,
      %mul3A_99 = arith.constant 2 : i32
      %mul3A_100 = arith.muli %scan3A_22, %mul3A_99 : i32
      %add3A_101 = arith.constant 1 : i32
      %add3A_102 = arith.addi %mul3A_100, %add3A_101 : i32
      %swap3A_103 = arith.index_cast %add3A_102 : i32 to index
      %swap3A_104 = arith.constant 96 : index
      %swap3A_105 = tpu.vector_load %arg9[%swap3A_103, %swap3A_104] {strides = array<i32>} : memref<40x1280xf32, #tpu.memory_space<vmem>>, vector<16xf32>,
      tpu.vector_store %arg9[%swap3A_103, %swap3A_104], %broadcast_in_dim3A_6 {strides = array<i32>} : memref<40x1280xf32, #tpu.memory_space<vmem>>, vector<16xf32>,
      %mul3A_106 = arith.constant 2 : i32
      %mul3A_107 = arith.muli %scan3A_22, %mul3A_106 : i32
      %swap3A_108 = arith.index_cast %mul3A_107 : i32 to index
      %swap3A_109 = arith.constant 112 : index
      %swap3A_110 = tpu.vector_load %arg9[%swap3A_108, %swap3A_109] {strides = array<i32>} : memref<40x1280xf32, #tpu.memory_space<vmem>>, vector<16xf32>,
      tpu.vector_store %arg9[%swap3A_108, %swap3A_109], %broadcast_in_dim3A_6 {strides = array<i32>} : memref<40x1280xf32, #tpu.memory_space<vmem>>, vector<16xf32>,
      %mul3A_111 = arith.constant 2 : i32
      %mul3A_112 = arith.muli %scan3A_22, %mul3A_111 : i32
      %add3A_113 = arith.constant 1 : i32
      %add3A_114 = arith.addi %mul3A_112, %add3A_113 : i32
      %swap3A_115 = arith.index_cast %add3A_114 : i32 to index
      %swap3A_116 = arith.constant 112 : index
      %swap3A_117 = tpu.vector_load %arg9[%swap3A_115, %swap3A_116] {strides = array<i32>} : memref<40x1280xf32, #tpu.memory_space<vmem>>, vector<16xf32>,
      tpu.vector_store %arg9[%swap3A_115, %swap3A_116], %broadcast_in_dim3A_6 {strides = array<i32>} : memref<40x1280xf32, #tpu.memory_space<vmem>>, vector<16xf32>,
      %mul3A_118 = arith.constant 2 : i32
      %mul3A_119 = arith.muli %scan3A_22, %mul3A_118 : i32
      %swap3A_120 = arith.index_cast %mul3A_119 : i32 to index
      %swap3A_121 = arith.constant 128 : index
      %swap3A_122 = tpu.vector_load %arg9[%swap3A_120, %swap3A_121] {strides = array<i32>} : memref<40x1280xf32, #tpu.memory_space<vmem>>, vector<16xf32>,
      tpu.vector_store %arg9[%swap3A_120, %swap3A_121], %broadcast_in_dim3A_6 {strides = array<i32>} : memref<40x1280xf32, #tpu.memory_space<vmem>>, vector<16xf32>,
      %mul3A_123 = arith.constant 2 : i32
      %mul3A_124 = arith.muli %scan3A_22, %mul3A_123 : i32
      %add3A_125 = arith.constant 1 : i32
      %add3A_126 = arith.addi %mul3A_124, %add3A_125 : i32
      %swap3A_127 = arith.index_cast %add3A_126 : i32 to index
      %swap3A_128 = arith.constant 128 : index
      %swap3A_129 = tpu.vector_load %arg9[%swap3A_127, %swap3A_128] {strides = array<i32>} : memref<40x1280xf32, #tpu.memory_space<vmem>>, vector<16xf32>,
      tpu.vector_store %arg9[%swap3A_127, %swap3A_128], %broadcast_in_dim3A_6 {strides = array<i32>} : memref<40x1280xf32, #tpu.memory_space<vmem>>, vector<16xf32>,
      %mul3A_130 = arith.constant 2 : i32
      %mul3A_131 = arith.muli %scan3A_22, %mul3A_130 : i32
      %swap3A_132 = arith.index_cast %mul3A_131 : i32 to index
      %swap3A_133 = arith.constant 144 : index
      %swap3A_134 = tpu.vector_load %arg9[%swap3A_132, %swap3A_133] {strides = array<i32>} : memref<40x1280xf32, #tpu.memory_space<vmem>>, vector<16xf32>,
      tpu.vector_store %arg9[%swap3A_132, %swap3A_133], %broadcast_in_dim3A_6 {strides = array<i32>} : memref<40x1280xf32, #tpu.memory_space<vmem>>, vector<16xf32>,
      %mul3A_135 = arith.constant 2 : i32
      %mul3A_136 = arith.muli %scan3A_22, %mul3A_135 : i32
      %add3A_137 = arith.constant 1 : i32
      %add3A_138 = arith.addi %mul3A_136, %add3A_137 : i32
      %swap3A_139 = arith.index_cast %add3A_138 : i32 to index
      %swap3A_140 = arith.constant 144 : index
      %swap3A_141 = tpu.vector_load %arg9[%swap3A_139, %swap3A_140] {strides = array<i32>} : memref<40x1280xf32, #tpu.memory_space<vmem>>, vector<16xf32>,
      tpu.vector_store %arg9[%swap3A_139, %swap3A_140], %broadcast_in_dim3A_6 {strides = array<i32>} : memref<40x1280xf32, #tpu.memory_space<vmem>>, vector<16xf32>,
      %mul3A_142 = arith.constant 2 : i32
      %mul3A_143 = arith.muli %scan3A_22, %mul3A_142 : i32
      %swap3A_144 = arith.index_cast %mul3A_143 : i32 to index
      %swap3A_145 = arith.constant 160 : index
      %swap3A_146 = tpu.vector_load %arg9[%swap3A_144, %swap3A_145] {strides = array<i32>} : memref<40x1280xf32, #tpu.memory_space<vmem>>, vector<16xf32>,
      tpu.vector_store %arg9[%swap3A_144, %swap3A_145], %broadcast_in_dim3A_6 {strides = array<i32>} : memref<40x1280xf32, #tpu.memory_space<vmem>>, vector<16xf32>,
      %mul3A_147 = arith.constant 2 : i32
      %mul3A_148 = arith.muli %scan3A_22, %mul3A_147 : i32
      %add3A_149 = arith.constant 1 : i32
      %add3A_150 = arith.addi %mul3A_148, %add3A_149 : i32
      %swap3A_151 = arith.index_cast %add3A_150 : i32 to index
      %swap3A_152 = arith.constant 160 : index
      %swap3A_153 = tpu.vector_load %arg9[%swap3A_151, %swap3A_152] {strides = array<i32>} : memref<40x1280xf32, #tpu.memory_space<vmem>>, vector<16xf32>,
      tpu.vector_store %arg9[%swap3A_151, %swap3A_152], %broadcast_in_dim3A_6 {strides = array<i32>} : memref<40x1280xf32, #tpu.memory_space<vmem>>, vector<16xf32>,
      %mul3A_154 = arith.constant 2 : i32
      %mul3A_155 = arith.muli %scan3A_22, %mul3A_154 : i32
      %swap3A_156 = arith.index_cast %mul3A_155 : i32 to index
      %swap3A_157 = arith.constant 176 : index
      %swap3A_158 = tpu.vector_load %arg9[%swap3A_156, %swap3A_157] {strides = array<i32>} : memref<40x1280xf32, #tpu.memory_space<vmem>>, vector<16xf32>,
      tpu.vector_store %arg9[%swap3A_156, %swap3A_157], %broadcast_in_dim3A_6 {strides = array<i32>} : memref<40x1280xf32, #tpu.memory_space<vmem>>, vector<16xf32>,
      %mul3A_159 = arith.constant 2 : i32
      %mul3A_160 = arith.muli %scan3A_22, %mul3A_159 : i32
      %add3A_161 = arith.constant 1 : i32
      %add3A_162 = arith.addi %mul3A_160, %add3A_161 : i32
      %swap3A_163 = arith.index_cast %add3A_162 : i32 to index
      %swap3A_164 = arith.constant 176 : index
      %swap3A_165 = tpu.vector_load %arg9[%swap3A_163, %swap3A_164] {strides = array<i32>} : memref<40x1280xf32, #tpu.memory_space<vmem>>, vector<16xf32>,
      tpu.vector_store %arg9[%swap3A_163, %swap3A_164], %broadcast_in_dim3A_6 {strides = array<i32>} : memref<40x1280xf32, #tpu.memory_space<vmem>>, vector<16xf32>,
      %mul3A_166 = arith.constant 2 : i32
      %mul3A_167 = arith.muli %scan3A_22, %mul3A_166 : i32
      %swap3A_168 = arith.index_cast %mul3A_167 : i32 to index
      %swap3A_169 = arith.constant 192 : index
      %swap3A_170 = tpu.vector_load %arg9[%swap3A_168, %swap3A_169] {strides = array<i32>} : memref<40x1280xf32, #tpu.memory_space<vmem>>, vector<16xf32>,
      tpu.vector_store %arg9[%swap3A_168, %swap3A_169], %broadcast_in_dim3A_6 {strides = array<i32>} : memref<40x1280xf32, #tpu.memory_space<vmem>>, vector<16xf32>,
      %mul3A_171 = arith.constant 2 : i32
      %mul3A_172 = arith.muli %scan3A_22, %mul3A_171 : i32
      %add3A_173 = arith.constant 1 : i32
      %add3A_174 = arith.addi %mul3A_172, %add3A_173 : i32
      %swap3A_175 = arith.index_cast %add3A_174 : i32 to index
      %swap3A_176 = arith.constant 192 : index
      %swap3A_177 = tpu.vector_load %arg9[%swap3A_175, %swap3A_176] {strides = array<i32>} : memref<40x1280xf32, #tpu.memory_space<vmem>>, vector<16xf32>,
      tpu.vector_store %arg9[%swap3A_175, %swap3A_176], %broadcast_in_dim3A_6 {strides = array<i32>} : memref<40x1280xf32, #tpu.memory_space<vmem>>, vector<16xf32>,
      %mul3A_178 = arith.constant 2 : i32
      %mul3A_179 = arith.muli %scan3A_22, %mul3A_178 : i32
      %swap3A_180 = arith.index_cast %mul3A_179 : i32 to index
      %swap3A_181 = arith.constant 208 : index
      %swap3A_182 = tpu.vector_load %arg9[%swap3A_180, %swap3A_181] {strides = array<i32>} : memref<40x1280xf32, #tpu.memory_space<vmem>>, vector<16xf32>,
      tpu.vector_store %arg9[%swap3A_180, %swap3A_181], %broadcast_in_dim3A_6 {strides = array<i32>} : memref<40x1280xf32, #tpu.memory_space<vmem>>, vector<16xf32>,
      %mul3A_183 = arith.constant 2 : i32
      %mul3A_184 = arith.muli %scan3A_22, %mul3A_183 : i32
      %add3A_185 = arith.constant 1 : i32
      %add3A_186 = arith.addi %mul3A_184, %add3A_185 : i32
      %swap3A_187 = arith.index_cast %add3A_186 : i32 to index
      %swap3A_188 = arith.constant 208 : index
      %swap3A_189 = tpu.vector_load %arg9[%swap3A_187, %swap3A_188] {strides = array<i32>} : memref<40x1280xf32, #tpu.memory_space<vmem>>, vector<16xf32>,
      tpu.vector_store %arg9[%swap3A_187, %swap3A_188], %broadcast_in_dim3A_6 {strides = array<i32>} : memref<40x1280xf32, #tpu.memory_space<vmem>>, vector<16xf32>,
      %mul3A_190 = arith.constant 2 : i32
      %mul3A_191 = arith.muli %scan3A_22, %mul3A_190 : i32
      %swap3A_192 = arith.index_cast %mul3A_191 : i32 to index
      %swap3A_193 = arith.constant 224 : index
      %swap3A_194 = tpu.vector_load %arg9[%swap3A_192, %swap3A_193] {strides = array<i32>} : memref<40x1280xf32, #tpu.memory_space<vmem>>, vector<16xf32>,
      tpu.vector_store %arg9[%swap3A_192, %swap3A_193], %broadcast_in_dim3A_6 {strides = array<i32>} : memref<40x1280xf32, #tpu.memory_space<vmem>>, vector<16xf32>,
      %mul3A_195 = arith.constant 2 : i32
      %mul3A_196 = arith.muli %scan3A_22, %mul3A_195 : i32
      %add3A_197 = arith.constant 1 : i32
      %add3A_198 = arith.addi %mul3A_196, %add3A_197 : i32
      %swap3A_199 = arith.index_cast %add3A_198 : i32 to index
      %swap3A_200 = arith.constant 224 : index
      %swap3A_201 = tpu.vector_load %arg9[%swap3A_199, %swap3A_200] {strides = array<i32>} : memref<40x1280xf32, #tpu.memory_space<vmem>>, vector<16xf32>,
      tpu.vector_store %arg9[%swap3A_199, %swap3A_200], %broadcast_in_dim3A_6 {strides = array<i32>} : memref<40x1280xf32, #tpu.memory_space<vmem>>, vector<16xf32>,
      %mul3A_202 = arith.constant 2 : i32
      %mul3A_203 = arith.muli %scan3A_22, %mul3A_202 : i32
      %swap3A_204 = arith.index_cast %mul3A_203 : i32 to index
      %swap3A_205 = arith.constant 240 : index
      %swap3A_206 = tpu.vector_load %arg9[%swap3A_204, %swap3A_205] {strides = array<i32>} : memref<40x1280xf32, #tpu.memory_space<vmem>>, vector<16xf32>,
      tpu.vector_store %arg9[%swap3A_204, %swap3A_205], %broadcast_in_dim3A_6 {strides = array<i32>} : memref<40x1280xf32, #tpu.memory_space<vmem>>, vector<16xf32>,
      %mul3A_207 = arith.constant 2 : i32
      %mul3A_208 = arith.muli %scan3A_22, %mul3A_207 : i32
      %add3A_209 = arith.constant 1 : i32
      %add3A_210 = arith.addi %mul3A_208, %add3A_209 : i32
      %swap3A_211 = arith.index_cast %add3A_210 : i32 to index
      %swap3A_212 = arith.constant 240 : index
      %swap3A_213 = tpu.vector_load %arg9[%swap3A_211, %swap3A_212] {strides = array<i32>} : memref<40x1280xf32, #tpu.memory_space<vmem>>, vector<16xf32>,
      tpu.vector_store %arg9[%swap3A_211, %swap3A_212], %broadcast_in_dim3A_6 {strides = array<i32>} : memref<40x1280xf32, #tpu.memory_space<vmem>>, vector<16xf32>,
      %mul3A_214 = arith.constant 2 : i32
      %mul3A_215 = arith.muli %scan3A_22, %mul3A_214 : i32
      %swap3A_216 = arith.index_cast %mul3A_215 : i32 to index
      %swap3A_217 = arith.constant 256 : index
      %swap3A_218 = tpu.vector_load %arg9[%swap3A_216, %swap3A_217] {strides = array<i32>} : memref<40x1280xf32, #tpu.memory_space<vmem>>, vector<16xf32>,
      tpu.vector_store %arg9[%swap3A_216, %swap3A_217], %broadcast_in_dim3A_6 {strides = array<i32>} : memref<40x1280xf32, #tpu.memory_space<vmem>>, vector<16xf32>,
      %mul3A_219 = arith.constant 2 : i32
      %mul3A_220 = arith.muli %scan3A_22, %mul3A_219 : i32
      %add3A_221 = arith.constant 1 : i32
      %add3A_222 = arith.addi %mul3A_220, %add3A_221 : i32
      %swap3A_223 = arith.index_cast %add3A_222 : i32 to index
      %swap3A_224 = arith.constant 256 : index
      %swap3A_225 = tpu.vector_load %arg9[%swap3A_223, %swap3A_224] {strides = array<i32>} : memref<40x1280xf32, #tpu.memory_space<vmem>>, vector<16xf32>,
      tpu.vector_store %arg9[%swap3A_223, %swap3A_224], %broadcast_in_dim3A_6 {strides = array<i32>} : memref<40x1280xf32, #tpu.memory_space<vmem>>, vector<16xf32>,
      %mul3A_226 = arith.constant 2 : i32
      %mul3A_227 = arith.muli %scan3A_22, %mul3A_226 : i32
      %swap3A_228 = arith.index_cast %mul3A_227 : i32 to index
      %swap3A_229 = arith.constant 272 : index
      %swap3A_230 = tpu.vector_load %arg9[%swap3A_228, %swap3A_229] {strides = array<i32>} : memref<40x1280xf32, #tpu.memory_space<vmem>>, vector<16xf32>,
      tpu.vector_store %arg9[%swap3A_228, %swap3A_229], %broadcast_in_dim3A_6 {strides = array<i32>} : memref<40x1280xf32, #tpu.memory_space<vmem>>, vector<16xf32>,
      %mul3A_231 = arith.constant 2 : i32
      %mul3A_232 = arith.muli %scan3A_22, %mul3A_231 : i32
      %add3A_233 = arith.constant 1 : i32
      %add3A_234 = arith.addi %mul3A_232, %add3A_233 : i32
      %swap3A_235 = arith.index_cast %add3A_234 : i32 to index
      %swap3A_236 = arith.constant 272 : index
      %swap3A_237 = tpu.vector_load %arg9[%swap3A_235, %swap3A_236] {strides = array<i32>} : memref<40x1280xf32, #tpu.memory_space<vmem>>, vector<16xf32>,
      tpu.vector_store %arg9[%swap3A_235, %swap3A_236], %broadcast_in_dim3A_6 {strides = array<i32>} : memref<40x1280xf32, #tpu.memory_space<vmem>>, vector<16xf32>,
      %mul3A_238 = arith.constant 2 : i32
      %mul3A_239 = arith.muli %scan3A_22, %mul3A_238 : i32
      %swap3A_240 = arith.index_cast %mul3A_239 : i32 to index
      %swap3A_241 = arith.constant 288 : index
      %swap3A_242 = tpu.vector_load %arg9[%swap3A_240, %swap3A_241] {strides = array<i32>} : memref<40x1280xf32, #tpu.memory_space<vmem>>, vector<16xf32>,
      tpu.vector_store %arg9[%swap3A_240, %swap3A_241], %broadcast_in_dim3A_6 {strides = array<i32>} : memref<40x1280xf32, #tpu.memory_space<vmem>>, vector<16xf32>,
      %mul3A_243 = arith.constant 2 : i32
      %mul3A_244 = arith.muli %scan3A_22, %mul3A_243 : i32
      %add3A_245 = arith.constant 1 : i32
      %add3A_246 = arith.addi %mul3A_244, %add3A_245 : i32
      %swap3A_247 = arith.index_cast %add3A_246 : i32 to index
      %swap3A_248 = arith.constant 288 : index
      %swap3A_249 = tpu.vector_load %arg9[%swap3A_247, %swap3A_248] {strides = array<i32>} : memref<40x1280xf32, #tpu.memory_space<vmem>>, vector<16xf32>,
      tpu.vector_store %arg9[%swap3A_247, %swap3A_248], %broadcast_in_dim3A_6 {strides = array<i32>} : memref<40x1280xf32, #tpu.memory_space<vmem>>, vector<16xf32>,
      %mul3A_250 = arith.constant 2 : i32
      %mul3A_251 = arith.muli %scan3A_22, %mul3A_250 : i32
      %swap3A_252 = arith.index_cast %mul3A_251 : i32 to index
      %swap3A_253 = arith.constant 304 : index
      %swap3A_254 = tpu.vector_load %arg9[%swap3A_252, %swap3A_253] {strides = array<i32>} : memref<40x1280xf32, #tpu.memory_space<vmem>>, vector<16xf32>,
      tpu.vector_store %arg9[%swap3A_252, %swap3A_253], %broadcast_in_dim3A_6 {strides = array<i32>} : memref<40x1280xf32, #tpu.memory_space<vmem>>, vector<16xf32>,
      %mul3A_255 = arith.constant 2 : i32
      %mul3A_256 = arith.muli %scan3A_22, %mul3A_255 : i32
      %add3A_257 = arith.constant 1 : i32
      %add3A_258 = arith.addi %mul3A_256, %add3A_257 : i32
      %swap3A_259 = arith.index_cast %add3A_258 : i32 to index
      %swap3A_260 = arith.constant 304 : index
      %swap3A_261 = tpu.vector_load %arg9[%swap3A_259, %swap3A_260] {strides = array<i32>} : memref<40x1280xf32, #tpu.memory_space<vmem>>, vector<16xf32>,
      tpu.vector_store %arg9[%swap3A_259, %swap3A_260], %broadcast_in_dim3A_6 {strides = array<i32>} : memref<40x1280xf32, #tpu.memory_space<vmem>>, vector<16xf32>,
      %mul3A_262 = arith.constant 2 : i32
      %mul3A_263 = arith.muli %scan3A_22, %mul3A_262 : i32
      %swap3A_264 = arith.index_cast %mul3A_263 : i32 to index
      %swap3A_265 = arith.constant 320 : index
      %swap3A_266 = tpu.vector_load %arg9[%swap3A_264, %swap3A_265] {strides = array<i32>} : memref<40x1280xf32, #tpu.memory_space<vmem>>, vector<16xf32>,
      tpu.vector_store %arg9[%swap3A_264, %swap3A_265], %broadcast_in_dim3A_6 {strides = array<i32>} : memref<40x1280xf32, #tpu.memory_space<vmem>>, vector<16xf32>,
      %mul3A_267 = arith.constant 2 : i32
      %mul3A_268 = arith.muli %scan3A_22, %mul3A_267 : i32
      %add3A_269 = arith.constant 1 : i32
      %add3A_270 = arith.addi %mul3A_268, %add3A_269 : i32
      %swap3A_271 = arith.index_cast %add3A_270 : i32 to index
      %swap3A_272 = arith.constant 320 : index
      %swap3A_273 = tpu.vector_load %arg9[%swap3A_271, %swap3A_272] {strides = array<i32>} : memref<40x1280xf32, #tpu.memory_space<vmem>>, vector<16xf32>,
      tpu.vector_store %arg9[%swap3A_271, %swap3A_272], %broadcast_in_dim3A_6 {strides = array<i32>} : memref<40x1280xf32, #tpu.memory_space<vmem>>, vector<16xf32>,
      %mul3A_274 = arith.constant 2 : i32
      %mul3A_275 = arith.muli %scan3A_22, %mul3A_274 : i32
      %swap3A_276 = arith.index_cast %mul3A_275 : i32 to index
      %swap3A_277 = arith.constant 336 : index
      %swap3A_278 = tpu.vector_load %arg9[%swap3A_276, %swap3A_277] {strides = array<i32>} : memref<40x1280xf32, #tpu.memory_space<vmem>>, vector<16xf32>,
      tpu.vector_store %arg9[%swap3A_276, %swap3A_277], %broadcast_in_dim3A_6 {strides = array<i32>} : memref<40x1280xf32, #tpu.memory_space<vmem>>, vector<16xf32>,
      %mul3A_279 = arith.constant 2 : i32
      %mul3A_280 = arith.muli %scan3A_22, %mul3A_279 : i32
      %add3A_281 = arith.constant 1 : i32
      %add3A_282 = arith.addi %mul3A_280, %add3A_281 : i32
      %swap3A_283 = arith.index_cast %add3A_282 : i32 to index
      %swap3A_284 = arith.constant 336 : index
      %swap3A_285 = tpu.vector_load %arg9[%swap3A_283, %swap3A_284] {strides = array<i32>} : memref<40x1280xf32, #tpu.memory_space<vmem>>, vector<16xf32>,
      tpu.vector_store %arg9[%swap3A_283, %swap3A_284], %broadcast_in_dim3A_6 {strides = array<i32>} : memref<40x1280xf32, #tpu.memory_space<vmem>>, vector<16xf32>,
      %mul3A_286 = arith.constant 2 : i32
      %mul3A_287 = arith.muli %scan3A_22, %mul3A_286 : i32
      %swap3A_288 = arith.index_cast %mul3A_287 : i32 to index
      %swap3A_289 = arith.constant 352 : index
      %swap3A_290 = tpu.vector_load %arg9[%swap3A_288, %swap3A_289] {strides = array<i32>} : memref<40x1280xf32, #tpu.memory_space<vmem>>, vector<16xf32>,
      tpu.vector_store %arg9[%swap3A_288, %swap3A_289], %broadcast_in_dim3A_6 {strides = array<i32>} : memref<40x1280xf32, #tpu.memory_space<vmem>>, vector<16xf32>,
      %mul3A_291 = arith.constant 2 : i32
      %mul3A_292 = arith.muli %scan3A_22, %mul3A_291 : i32
      %add3A_293 = arith.constant 1 : i32
      %add3A_294 = arith.addi %mul3A_292, %add3A_293 : i32
      %swap3A_295 = arith.index_cast %add3A_294 : i32 to index
      %swap3A_296 = arith.constant 352 : index
      %swap3A_297 = tpu.vector_load %arg9[%swap3A_295, %swap3A_296] {strides = array<i32>} : memref<40x1280xf32, #tpu.memory_space<vmem>>, vector<16xf32>,
      tpu.vector_store %arg9[%swap3A_295, %swap3A_296], %broadcast_in_dim3A_6 {strides = array<i32>} : memref<40x1280xf32, #tpu.memory_space<vmem>>, vector<16xf32>,
      %mul3A_298 = arith.constant 2 : i32
      %mul3A_299 = arith.muli %scan3A_22, %mul3A_298 : i32
      %swap3A_300 = arith.index_cast %mul3A_299 : i32 to index
      %swap3A_301 = arith.constant 368 : index
      %swap3A_302 = tpu.vector_load %arg9[%swap3A_300, %swap3A_301] {strides = array<i32>} : memref<40x1280xf32, #tpu.memory_space<vmem>>, vector<16xf32>,
      tpu.vector_store %arg9[%swap3A_300, %swap3A_301], %broadcast_in_dim3A_6 {strides = array<i32>} : memref<40x1280xf32, #tpu.memory_space<vmem>>, vector<16xf32>,
      %mul3A_303 = arith.constant 2 : i32
      %mul3A_304 = arith.muli %scan3A_22, %mul3A_303 : i32
      %add3A_305 = arith.constant 1 : i32
      %add3A_306 = arith.addi %mul3A_304, %add3A_305 : i32
      %swap3A_307 = arith.index_cast %add3A_306 : i32 to index
      %swap3A_308 = arith.constant 368 : index
      %swap3A_309 = tpu.vector_load %arg9[%swap3A_307, %swap3A_308] {strides = array<i32>} : memref<40x1280xf32, #tpu.memory_space<vmem>>, vector<16xf32>,
      tpu.vector_store %arg9[%swap3A_307, %swap3A_308], %broadcast_in_dim3A_6 {strides = array<i32>} : memref<40x1280xf32, #tpu.memory_space<vmem>>, vector<16xf32>,
      %mul3A_310 = arith.constant 2 : i32
      %mul3A_311 = arith.muli %scan3A_22, %mul3A_310 : i32
      %swap3A_312 = arith.index_cast %mul3A_311 : i32 to index
      %swap3A_313 = arith.constant 384 : index
      %swap3A_314 = tpu.vector_load %arg9[%swap3A_312, %swap3A_313] {strides = array<i32>} : memref<40x1280xf32, #tpu.memory_space<vmem>>, vector<16xf32>,
      tpu.vector_store %arg9[%swap3A_312, %swap3A_313], %broadcast_in_dim3A_6 {strides = array<i32>} : memref<40x1280xf32, #tpu.memory_space<vmem>>, vector<16xf32>,
      %mul3A_315 = arith.constant 2 : i32
      %mul3A_316 = arith.muli %scan3A_22, %mul3A_315 : i32
      %add3A_317 = arith.constant 1 : i32
      %add3A_318 = arith.addi %mul3A_316, %add3A_317 : i32
      %swap3A_319 = arith.index_cast %add3A_318 : i32 to index
      %swap3A_320 = arith.constant 384 : index
      %swap3A_321 = tpu.vector_load %arg9[%swap3A_319, %swap3A_320] {strides = array<i32>} : memref<40x1280xf32, #tpu.memory_space<vmem>>, vector<16xf32>,
      tpu.vector_store %arg9[%swap3A_319, %swap3A_320], %broadcast_in_dim3A_6 {strides = array<i32>} : memref<40x1280xf32, #tpu.memory_space<vmem>>, vector<16xf32>,
      %mul3A_322 = arith.constant 2 : i32
      %mul3A_323 = arith.muli %scan3A_22, %mul3A_322 : i32
      %swap3A_324 = arith.index_cast %mul3A_323 : i32 to index
      %swap3A_325 = arith.constant 400 : index
      %swap3A_326 = tpu.vector_load %arg9[%swap3A_324, %swap3A_325] {strides = array<i32>} : memref<40x1280xf32, #tpu.memory_space<vmem>>, vector<16xf32>,
      tpu.vector_store %arg9[%swap3A_324, %swap3A_325], %broadcast_in_dim3A_6 {strides = array<i32>} : memref<40x1280xf32, #tpu.memory_space<vmem>>, vector<16xf32>,
      %mul3A_327 = arith.constant 2 : i32
      %mul3A_328 = arith.muli %scan3A_22, %mul3A_327 : i32
      %add3A_329 = arith.constant 1 : i32
      %add3A_330 = arith.addi %mul3A_328, %add3A_329 : i32
      %swap3A_331 = arith.index_cast %add3A_330 : i32 to index
      %swap3A_332 = arith.constant 400 : index
      %swap3A_333 = tpu.vector_load %arg9[%swap3A_331, %swap3A_332] {strides = array<i32>} : memref<40x1280xf32, #tpu.memory_space<vmem>>, vector<16xf32>,
      tpu.vector_store %arg9[%swap3A_331, %swap3A_332], %broadcast_in_dim3A_6 {strides = array<i32>} : memref<40x1280xf32, #tpu.memory_space<vmem>>, vector<16xf32>,
      %mul3A_334 = arith.constant 2 : i32
      %mul3A_335 = arith.muli %scan3A_22, %mul3A_334 : i32
      %swap3A_336 = arith.index_cast %mul3A_335 : i32 to index
      %swap3A_337 = arith.constant 416 : index
      %swap3A_338 = tpu.vector_load %arg9[%swap3A_336, %swap3A_337] {strides = array<i32>} : memref<40x1280xf32, #tpu.memory_space<vmem>>, vector<16xf32>,
      tpu.vector_store %arg9[%swap3A_336, %swap3A_337], %broadcast_in_dim3A_6 {strides = array<i32>} : memref<40x1280xf32, #tpu.memory_space<vmem>>, vector<16xf32>,
      %mul3A_339 = arith.constant 2 : i32
      %mul3A_340 = arith.muli %scan3A_22, %mul3A_339 : i32
      %add3A_341 = arith.constant 1 : i32
      %add3A_342 = arith.addi %mul3A_340, %add3A_341 : i32
      %swap3A_343 = arith.index_cast %add3A_342 : i32 to index
      %swap3A_344 = arith.constant 416 : index
      %swap3A_345 = tpu.vector_load %arg9[%swap3A_343, %swap3A_344] {strides = array<i32>} : memref<40x1280xf32, #tpu.memory_space<vmem>>, vector<16xf32>,
      tpu.vector_store %arg9[%swap3A_343, %swap3A_344], %broadcast_in_dim3A_6 {strides = array<i32>} : memref<40x1280xf32, #tpu.memory_space<vmem>>, vector<16xf32>,
      %mul3A_346 = arith.constant 2 : i32
      %mul3A_347 = arith.muli %scan3A_22, %mul3A_346 : i32
      %swap3A_348 = arith.index_cast %mul3A_347 : i32 to index
      %swap3A_349 = arith.constant 432 : index
      %swap3A_350 = tpu.vector_load %arg9[%swap3A_348, %swap3A_349] {strides = array<i32>} : memref<40x1280xf32, #tpu.memory_space<vmem>>, vector<16xf32>,
      tpu.vector_store %arg9[%swap3A_348, %swap3A_349], %broadcast_in_dim3A_6 {strides = array<i32>} : memref<40x1280xf32, #tpu.memory_space<vmem>>, vector<16xf32>,
      %mul3A_351 = arith.constant 2 : i32
      %mul3A_352 = arith.muli %scan3A_22, %mul3A_351 : i32
      %add3A_353 = arith.constant 1 : i32
      %add3A_354 = arith.addi %mul3A_352, %add3A_353 : i32
      %swap3A_355 = arith.index_cast %add3A_354 : i32 to index
      %swap3A_356 = arith.constant 432 : index
      %swap3A_357 = tpu.vector_load %arg9[%swap3A_355, %swap3A_356] {strides = array<i32>} : memref<40x1280xf32, #tpu.memory_space<vmem>>, vector<16xf32>,
      tpu.vector_store %arg9[%swap3A_355, %swap3A_356], %broadcast_in_dim3A_6 {strides = array<i32>} : memref<40x1280xf32, #tpu.memory_space<vmem>>, vector<16xf32>,
      %mul3A_358 = arith.constant 2 : i32
      %mul3A_359 = arith.muli %scan3A_22, %mul3A_358 : i32
      %swap3A_360 = arith.index_cast %mul3A_359 : i32 to index
      %swap3A_361 = arith.constant 448 : index
      %swap3A_362 = tpu.vector_load %arg9[%swap3A_360, %swap3A_361] {strides = array<i32>} : memref<40x1280xf32, #tpu.memory_space<vmem>>, vector<16xf32>,
      tpu.vector_store %arg9[%swap3A_360, %swap3A_361], %broadcast_in_dim3A_6 {strides = array<i32>} : memref<40x1280xf32, #tpu.memory_space<vmem>>, vector<16xf32>,
      %mul3A_363 = arith.constant 2 : i32
      %mul3A_364 = arith.muli %scan3A_22, %mul3A_363 : i32
      %add3A_365 = arith.constant 1 : i32
      %add3A_366 = arith.addi %mul3A_364, %add3A_365 : i32
      %swap3A_367 = arith.index_cast %add3A_366 : i32 to index
      %swap3A_368 = arith.constant 448 : index
      %swap3A_369 = tpu.vector_load %arg9[%swap3A_367, %swap3A_368] {strides = array<i32>} : memref<40x1280xf32, #tpu.memory_space<vmem>>, vector<16xf32>,
      tpu.vector_store %arg9[%swap3A_367, %swap3A_368], %broadcast_in_dim3A_6 {strides = array<i32>} : memref<40x1280xf32, #tpu.memory_space<vmem>>, vector<16xf32>,
      %mul3A_370 = arith.constant 2 : i32
      %mul3A_371 = arith.muli %scan3A_22, %mul3A_370 : i32
      %swap3A_372 = arith.index_cast %mul3A_371 : i32 to index
      %swap3A_373 = arith.constant 464 : index
      %swap3A_374 = tpu.vector_load %arg9[%swap3A_372, %swap3A_373] {strides = array<i32>} : memref<40x1280xf32, #tpu.memory_space<vmem>>, vector<16xf32>,
      tpu.vector_store %arg9[%swap3A_372, %swap3A_373], %broadcast_in_dim3A_6 {strides = array<i32>} : memref<40x1280xf32, #tpu.memory_space<vmem>>, vector<16xf32>,
      %mul3A_375 = arith.constant 2 : i32
      %mul3A_376 = arith.muli %scan3A_22, %mul3A_375 : i32
      %add3A_377 = arith.constant 1 : i32
      %add3A_378 = arith.addi %mul3A_376, %add3A_377 : i32
      %swap3A_379 = arith.index_cast %add3A_378 : i32 to index
      %swap3A_380 = arith.constant 464 : index
      %swap3A_381 = tpu.vector_load %arg9[%swap3A_379, %swap3A_380] {strides = array<i32>} : memref<40x1280xf32, #tpu.memory_space<vmem>>, vector<16xf32>,
      tpu.vector_store %arg9[%swap3A_379, %swap3A_380], %broadcast_in_dim3A_6 {strides = array<i32>} : memref<40x1280xf32, #tpu.memory_space<vmem>>, vector<16xf32>,
      %mul3A_382 = arith.constant 2 : i32
      %mul3A_383 = arith.muli %scan3A_22, %mul3A_382 : i32
      %swap3A_384 = arith.index_cast %mul3A_383 : i32 to index
      %swap3A_385 = arith.constant 480 : index
      %swap3A_386 = tpu.vector_load %arg9[%swap3A_384, %swap3A_385] {strides = array<i32>} : memref<40x1280xf32, #tpu.memory_space<vmem>>, vector<16xf32>,
      tpu.vector_store %arg9[%swap3A_384, %swap3A_385], %broadcast_in_dim3A_6 {strides = array<i32>} : memref<40x1280xf32, #tpu.memory_space<vmem>>, vector<16xf32>,
      %mul3A_387 = arith.constant 2 : i32
      %mul3A_388 = arith.muli %scan3A_22, %mul3A_387 : i32
      %add3A_389 = arith.constant 1 : i32
      %add3A_390 = arith.addi %mul3A_388, %add3A_389 : i32
      %swap3A_391 = arith.index_cast %add3A_390 : i32 to index
      %swap3A_392 = arith.constant 480 : index
      %swap3A_393 = tpu.vector_load %arg9[%swap3A_391, %swap3A_392] {strides = array<i32>} : memref<40x1280xf32, #tpu.memory_space<vmem>>, vector<16xf32>,
      tpu.vector_store %arg9[%swap3A_391, %swap3A_392], %broadcast_in_dim3A_6 {strides = array<i32>} : memref<40x1280xf32, #tpu.memory_space<vmem>>, vector<16xf32>,
      %mul3A_394 = arith.constant 2 : i32
      %mul3A_395 = arith.muli %scan3A_22, %mul3A_394 : i32
      %swap3A_396 = arith.index_cast %mul3A_395 : i32 to index
      %swap3A_397 = arith.constant 496 : index
      %swap3A_398 = tpu.vector_load %arg9[%swap3A_396, %swap3A_397] {strides = array<i32>} : memref<40x1280xf32, #tpu.memory_space<vmem>>, vector<16xf32>,
      tpu.vector_store %arg9[%swap3A_396, %swap3A_397], %broadcast_in_dim3A_6 {strides = array<i32>} : memref<40x1280xf32, #tpu.memory_space<vmem>>, vector<16xf32>,
      %mul3A_399 = arith.constant 2 : i32
      %mul3A_400 = arith.muli %scan3A_22, %mul3A_399 : i32
      %add3A_401 = arith.constant 1 : i32
      %add3A_402 = arith.addi %mul3A_400, %add3A_401 : i32
      %swap3A_403 = arith.index_cast %add3A_402 : i32 to index
      %swap3A_404 = arith.constant 496 : index
      %swap3A_405 = tpu.vector_load %arg9[%swap3A_403, %swap3A_404] {strides = array<i32>} : memref<40x1280xf32, #tpu.memory_space<vmem>>, vector<16xf32>,
      tpu.vector_store %arg9[%swap3A_403, %swap3A_404], %broadcast_in_dim3A_6 {strides = array<i32>} : memref<40x1280xf32, #tpu.memory_space<vmem>>, vector<16xf32>,
      %mul3A_406 = arith.constant 2 : i32
      %mul3A_407 = arith.muli %scan3A_22, %mul3A_406 : i32
      %swap3A_408 = arith.index_cast %mul3A_407 : i32 to index
      %swap3A_409 = arith.constant 512 : index
      %swap3A_410 = tpu.vector_load %arg9[%swap3A_408, %swap3A_409] {strides = array<i32>} : memref<40x1280xf32, #tpu.memory_space<vmem>>, vector<16xf32>,
      tpu.vector_store %arg9[%swap3A_408, %swap3A_409], %broadcast_in_dim3A_6 {strides = array<i32>} : memref<40x1280xf32, #tpu.memory_space<vmem>>, vector<16xf32>,
      %mul3A_411 = arith.constant 2 : i32
      %mul3A_412 = arith.muli %scan3A_22, %mul3A_411 : i32
      %add3A_413 = arith.constant 1 : i32
      %add3A_414 = arith.addi %mul3A_412, %add3A_413 : i32
      %swap3A_415 = arith.index_cast %add3A_414 : i32 to index
      %swap3A_416 = arith.constant 512 : index
      %swap3A_417 = tpu.vector_load %arg9[%swap3A_415, %swap3A_416] {strides = array<i32>} : memref<40x1280xf32, #tpu.memory_space<vmem>>, vector<16xf32>,
      tpu.vector_store %arg9[%swap3A_415, %swap3A_416], %broadcast_in_dim3A_6 {strides = array<i32>} : memref<40x1280xf32, #tpu.memory_space<vmem>>, vector<16xf32>,
      %mul3A_418 = arith.constant 2 : i32
      %mul3A_419 = arith.muli %scan3A_22, %mul3A_418 : i32
      %swap3A_420 = arith.index_cast %mul3A_419 : i32 to index
      %swap3A_421 = arith.constant 528 : index
      %swap3A_422 = tpu.vector_load %arg9[%swap3A_420, %swap3A_421] {strides = array<i32>} : memref<40x1280xf32, #tpu.memory_space<vmem>>, vector<16xf32>,
      tpu.vector_store %arg9[%swap3A_420, %swap3A_421], %broadcast_in_dim3A_6 {strides = array<i32>} : memref<40x1280xf32, #tpu.memory_space<vmem>>, vector<16xf32>,
      %mul3A_423 = arith.constant 2 : i32
      %mul3A_424 = arith.muli %scan3A_22, %mul3A_423 : i32
      %add3A_425 = arith.constant 1 : i32
      %add3A_426 = arith.addi %mul3A_424, %add3A_425 : i32
      %swap3A_427 = arith.index_cast %add3A_426 : i32 to index
      %swap3A_428 = arith.constant 528 : index
      %swap3A_429 = tpu.vector_load %arg9[%swap3A_427, %swap3A_428] {strides = array<i32>} : memref<40x1280xf32, #tpu.memory_space<vmem>>, vector<16xf32>,
      tpu.vector_store %arg9[%swap3A_427, %swap3A_428], %broadcast_in_dim3A_6 {strides = array<i32>} : memref<40x1280xf32, #tpu.memory_space<vmem>>, vector<16xf32>,
      %mul3A_430 = arith.constant 2 : i32
      %mul3A_431 = arith.muli %scan3A_22, %mul3A_430 : i32
      %swap3A_432 = arith.index_cast %mul3A_431 : i32 to index
      %swap3A_433 = arith.constant 544 : index
      %swap3A_434 = tpu.vector_load %arg9[%swap3A_432, %swap3A_433] {strides = array<i32>} : memref<40x1280xf32, #tpu.memory_space<vmem>>, vector<16xf32>,
      tpu.vector_store %arg9[%swap3A_432, %swap3A_433], %broadcast_in_dim3A_6 {strides = array<i32>} : memref<40x1280xf32, #tpu.memory_space<vmem>>, vector<16xf32>,
      %mul3A_435 = arith.constant 2 : i32
      %mul3A_436 = arith.muli %scan3A_22, %mul3A_435 : i32
      %add3A_437 = arith.constant 1 : i32
      %add3A_438 = arith.addi %mul3A_436, %add3A_437 : i32
      %swap3A_439 = arith.index_cast %add3A_438 : i32 to index
      %swap3A_440 = arith.constant 544 : index
      %swap3A_441 = tpu.vector_load %arg9[%swap3A_439, %swap3A_440] {strides = array<i32>} : memref<40x1280xf32, #tpu.memory_space<vmem>>, vector<16xf32>,
      tpu.vector_store %arg9[%swap3A_439, %swap3A_440], %broadcast_in_dim3A_6 {strides = array<i32>} : memref<40x1280xf32, #tpu.memory_space<vmem>>, vector<16xf32>,
      %mul3A_442 = arith.constant 2 : i32
      %mul3A_443 = arith.muli %scan3A_22, %mul3A_442 : i32
      %swap3A_444 = arith.index_cast %mul3A_443 : i32 to index
      %swap3A_445 = arith.constant 560 : index
      %swap3A_446 = tpu.vector_load %arg9[%swap3A_444, %swap3A_445] {strides = array<i32>} : memref<40x1280xf32, #tpu.memory_space<vmem>>, vector<16xf32>,
      tpu.vector_store %arg9[%swap3A_444, %swap3A_445], %broadcast_in_dim3A_6 {strides = array<i32>} : memref<40x1280xf32, #tpu.memory_space<vmem>>, vector<16xf32>,
      %mul3A_447 = arith.constant 2 : i32
      %mul3A_448 = arith.muli %scan3A_22, %mul3A_447 : i32
      %add3A_449 = arith.constant 1 : i32
      %add3A_450 = arith.addi %mul3A_448, %add3A_449 : i32
      %swap3A_451 = arith.index_cast %add3A_450 : i32 to index
      %swap3A_452 = arith.constant 560 : index
      %swap3A_453 = tpu.vector_load %arg9[%swap3A_451, %swap3A_452] {strides = array<i32>} : memref<40x1280xf32, #tpu.memory_space<vmem>>, vector<16xf32>,
      tpu.vector_store %arg9[%swap3A_451, %swap3A_452], %broadcast_in_dim3A_6 {strides = array<i32>} : memref<40x1280xf32, #tpu.memory_space<vmem>>, vector<16xf32>,
      %mul3A_454 = arith.constant 2 : i32
      %mul3A_455 = arith.muli %scan3A_22, %mul3A_454 : i32
      %swap3A_456 = arith.index_cast %mul3A_455 : i32 to index
      %swap3A_457 = arith.constant 576 : index
      %swap3A_458 = tpu.vector_load %arg9[%swap3A_456, %swap3A_457] {strides = array<i32>} : memref<40x1280xf32, #tpu.memory_space<vmem>>, vector<16xf32>,
      tpu.vector_store %arg9[%swap3A_456, %swap3A_457], %broadcast_in_dim3A_6 {strides = array<i32>} : memref<40x1280xf32, #tpu.memory_space<vmem>>, vector<16xf32>,
      %mul3A_459 = arith.constant 2 : i32
      %mul3A_460 = arith.muli %scan3A_22, %mul3A_459 : i32
      %add3A_461 = arith.constant 1 : i32
      %add3A_462 = arith.addi %mul3A_460, %add3A_461 : i32
      %swap3A_463 = arith.index_cast %add3A_462 : i32 to index
      %swap3A_464 = arith.constant 576 : index
      %swap3A_465 = tpu.vector_load %arg9[%swap3A_463, %swap3A_464] {strides = array<i32>} : memref<40x1280xf32, #tpu.memory_space<vmem>>, vector<16xf32>,
      tpu.vector_store %arg9[%swap3A_463, %swap3A_464], %broadcast_in_dim3A_6 {strides = array<i32>} : memref<40x1280xf32, #tpu.memory_space<vmem>>, vector<16xf32>,
      %mul3A_466 = arith.constant 2 : i32
      %mul3A_467 = arith.muli %scan3A_22, %mul3A_466 : i32
      %swap3A_468 = arith.index_cast %mul3A_467 : i32 to index
      %swap3A_469 = arith.constant 592 : index
      %swap3A_470 = tpu.vector_load %arg9[%swap3A_468, %swap3A_469] {strides = array<i32>} : memref<40x1280xf32, #tpu.memory_space<vmem>>, vector<16xf32>,
      tpu.vector_store %arg9[%swap3A_468, %swap3A_469], %broadcast_in_dim3A_6 {strides = array<i32>} : memref<40x1280xf32, #tpu.memory_space<vmem>>, vector<16xf32>,
      %mul3A_471 = arith.constant 2 : i32
      %mul3A_472 = arith.muli %scan3A_22, %mul3A_471 : i32
      %add3A_473 = arith.constant 1 : i32
      %add3A_474 = arith.addi %mul3A_472, %add3A_473 : i32
      %swap3A_475 = arith.index_cast %add3A_474 : i32 to index
      %swap3A_476 = arith.constant 592 : index
      %swap3A_477 = tpu.vector_load %arg9[%swap3A_475, %swap3A_476] {strides = array<i32>} : memref<40x1280xf32, #tpu.memory_space<vmem>>, vector<16xf32>,
      tpu.vector_store %arg9[%swap3A_475, %swap3A_476], %broadcast_in_dim3A_6 {strides = array<i32>} : memref<40x1280xf32, #tpu.memory_space<vmem>>, vector<16xf32>,
      %mul3A_478 = arith.constant 2 : i32
      %mul3A_479 = arith.muli %scan3A_22, %mul3A_478 : i32
      %swap3A_480 = arith.index_cast %mul3A_479 : i32 to index
      %swap3A_481 = arith.constant 608 : index
      %swap3A_482 = tpu.vector_load %arg9[%swap3A_480, %swap3A_481] {strides = array<i32>} : memref<40x1280xf32, #tpu.memory_space<vmem>>, vector<16xf32>,
      tpu.vector_store %arg9[%swap3A_480, %swap3A_481], %broadcast_in_dim3A_6 {strides = array<i32>} : memref<40x1280xf32, #tpu.memory_space<vmem>>, vector<16xf32>,
      %mul3A_483 = arith.constant 2 : i32
      %mul3A_484 = arith.muli %scan3A_22, %mul3A_483 : i32
      %add3A_485 = arith.constant 1 : i32
      %add3A_486 = arith.addi %mul3A_484, %add3A_485 : i32
      %swap3A_487 = arith.index_cast %add3A_486 : i32 to index
      %swap3A_488 = arith.constant 608 : index
      %swap3A_489 = tpu.vector_load %arg9[%swap3A_487, %swap3A_488] {strides = array<i32>} : memref<40x1280xf32, #tpu.memory_space<vmem>>, vector<16xf32>,
      tpu.vector_store %arg9[%swap3A_487, %swap3A_488], %broadcast_in_dim3A_6 {strides = array<i32>} : memref<40x1280xf32, #tpu.memory_space<vmem>>, vector<16xf32>,
      %mul3A_490 = arith.constant 2 : i32
      %mul3A_491 = arith.muli %scan3A_22, %mul3A_490 : i32
      %swap3A_492 = arith.index_cast %mul3A_491 : i32 to index
      %swap3A_493 = arith.constant 624 : index
      %swap3A_494 = tpu.vector_load %arg9[%swap3A_492, %swap3A_493] {strides = array<i32>} : memref<40x1280xf32, #tpu.memory_space<vmem>>, vector<16xf32>,
      tpu.vector_store %arg9[%swap3A_492, %swap3A_493], %broadcast_in_dim3A_6 {strides = array<i32>} : memref<40x1280xf32, #tpu.memory_space<vmem>>, vector<16xf32>,
      %mul3A_495 = arith.constant 2 : i32
      %mul3A_496 = arith.muli %scan3A_22, %mul3A_495 : i32
      %add3A_497 = arith.constant 1 : i32
      %add3A_498 = arith.addi %mul3A_496, %add3A_497 : i32
      %swap3A_499 = arith.index_cast %add3A_498 : i32 to index
      %swap3A_500 = arith.constant 624 : index
      %swap3A_501 = tpu.vector_load %arg9[%swap3A_499, %swap3A_500] {strides = array<i32>} : memref<40x1280xf32, #tpu.memory_space<vmem>>, vector<16xf32>,
      tpu.vector_store %arg9[%swap3A_499, %swap3A_500], %broadcast_in_dim3A_6 {strides = array<i32>} : memref<40x1280xf32, #tpu.memory_space<vmem>>, vector<16xf32>,
      %mul3A_502 = arith.constant 2 : i32
      %mul3A_503 = arith.muli %scan3A_22, %mul3A_502 : i32
      %swap3A_504 = arith.index_cast %mul3A_503 : i32 to index
      %swap3A_505 = arith.constant 640 : index
      %swap3A_506 = tpu.vector_load %arg9[%swap3A_504, %swap3A_505] {strides = array<i32>} : memref<40x1280xf32, #tpu.memory_space<vmem>>, vector<16xf32>,
      tpu.vector_store %arg9[%swap3A_504, %swap3A_505], %broadcast_in_dim3A_6 {strides = array<i32>} : memref<40x1280xf32, #tpu.memory_space<vmem>>, vector<16xf32>,
      %mul3A_507 = arith.constant 2 : i32
      %mul3A_508 = arith.muli %scan3A_22, %mul3A_507 : i32
      %add3A_509 = arith.constant 1 : i32
      %add3A_510 = arith.addi %mul3A_508, %add3A_509 : i32
      %swap3A_511 = arith.index_cast %add3A_510 : i32 to index
      %swap3A_512 = arith.constant 640 : index
      %swap3A_513 = tpu.vector_load %arg9[%swap3A_511, %swap3A_512] {strides = array<i32>} : memref<40x1280xf32, #tpu.memory_space<vmem>>, vector<16xf32>,
      tpu.vector_store %arg9[%swap3A_511, %swap3A_512], %broadcast_in_dim3A_6 {strides = array<i32>} : memref<40x1280xf32, #tpu.memory_space<vmem>>, vector<16xf32>,
      %mul3A_514 = arith.constant 2 : i32
      %mul3A_515 = arith.muli %scan3A_22, %mul3A_514 : i32
      %swap3A_516 = arith.index_cast %mul3A_515 : i32 to index
      %swap3A_517 = arith.constant 656 : index
      %swap3A_518 = tpu.vector_load %arg9[%swap3A_516, %swap3A_517] {strides = array<i32>} : memref<40x1280xf32, #tpu.memory_space<vmem>>, vector<16xf32>,
      tpu.vector_store %arg9[%swap3A_516, %swap3A_517], %broadcast_in_dim3A_6 {strides = array<i32>} : memref<40x1280xf32, #tpu.memory_space<vmem>>, vector<16xf32>,
      %mul3A_519 = arith.constant 2 : i32
      %mul3A_520 = arith.muli %scan3A_22, %mul3A_519 : i32
      %add3A_521 = arith.constant 1 : i32
      %add3A_522 = arith.addi %mul3A_520, %add3A_521 : i32
      %swap3A_523 = arith.index_cast %add3A_522 : i32 to index
      %swap3A_524 = arith.constant 656 : index
      %swap3A_525 = tpu.vector_load %arg9[%swap3A_523, %swap3A_524] {strides = array<i32>} : memref<40x1280xf32, #tpu.memory_space<vmem>>, vector<16xf32>,
      tpu.vector_store %arg9[%swap3A_523, %swap3A_524], %broadcast_in_dim3A_6 {strides = array<i32>} : memref<40x1280xf32, #tpu.memory_space<vmem>>, vector<16xf32>,
      %mul3A_526 = arith.constant 2 : i32
      %mul3A_527 = arith.muli %scan3A_22, %mul3A_526 : i32
      %swap3A_528 = arith.index_cast %mul3A_527 : i32 to index
      %swap3A_529 = arith.constant 672 : index
      %swap3A_530 = tpu.vector_load %arg9[%swap3A_528, %swap3A_529] {strides = array<i32>} : memref<40x1280xf32, #tpu.memory_space<vmem>>, vector<16xf32>,
      tpu.vector_store %arg9[%swap3A_528, %swap3A_529], %broadcast_in_dim3A_6 {strides = array<i32>} : memref<40x1280xf32, #tpu.memory_space<vmem>>, vector<16xf32>,
      %mul3A_531 = arith.constant 2 : i32
      %mul3A_532 = arith.muli %scan3A_22, %mul3A_531 : i32
      %add3A_533 = arith.constant 1 : i32
      %add3A_534 = arith.addi %mul3A_532, %add3A_533 : i32
      %swap3A_535 = arith.index_cast %add3A_534 : i32 to index
      %swap3A_536 = arith.constant 672 : index
      %swap3A_537 = tpu.vector_load %arg9[%swap3A_535, %swap3A_536] {strides = array<i32>} : memref<40x1280xf32, #tpu.memory_space<vmem>>, vector<16xf32>,
      tpu.vector_store %arg9[%swap3A_535, %swap3A_536], %broadcast_in_dim3A_6 {strides = array<i32>} : memref<40x1280xf32, #tpu.memory_space<vmem>>, vector<16xf32>,
      %mul3A_538 = arith.constant 2 : i32
      %mul3A_539 = arith.muli %scan3A_22, %mul3A_538 : i32
      %swap3A_540 = arith.index_cast %mul3A_539 : i32 to index
      %swap3A_541 = arith.constant 688 : index
      %swap3A_542 = tpu.vector_load %arg9[%swap3A_540, %swap3A_541] {strides = array<i32>} : memref<40x1280xf32, #tpu.memory_space<vmem>>, vector<16xf32>,
      tpu.vector_store %arg9[%swap3A_540, %swap3A_541], %broadcast_in_dim3A_6 {strides = array<i32>} : memref<40x1280xf32, #tpu.memory_space<vmem>>, vector<16xf32>,
      %mul3A_543 = arith.constant 2 : i32
      %mul3A_544 = arith.muli %scan3A_22, %mul3A_543 : i32
      %add3A_545 = arith.constant 1 : i32
      %add3A_546 = arith.addi %mul3A_544, %add3A_545 : i32
      %swap3A_547 = arith.index_cast %add3A_546 : i32 to index
      %swap3A_548 = arith.constant 688 : index
      %swap3A_549 = tpu.vector_load %arg9[%swap3A_547, %swap3A_548] {strides = array<i32>} : memref<40x1280xf32, #tpu.memory_space<vmem>>, vector<16xf32>,
      tpu.vector_store %arg9[%swap3A_547, %swap3A_548], %broadcast_in_dim3A_6 {strides = array<i32>} : memref<40x1280xf32, #tpu.memory_space<vmem>>, vector<16xf32>,
      %mul3A_550 = arith.constant 2 : i32
      %mul3A_551 = arith.muli %scan3A_22, %mul3A_550 : i32
      %swap3A_552 = arith.index_cast %mul3A_551 : i32 to index
      %swap3A_553 = arith.constant 704 : index
      %swap3A_554 = tpu.vector_load %arg9[%swap3A_552, %swap3A_553] {strides = array<i32>} : memref<40x1280xf32, #tpu.memory_space<vmem>>, vector<16xf32>,
      tpu.vector_store %arg9[%swap3A_552, %swap3A_553], %broadcast_in_dim3A_6 {strides = array<i32>} : memref<40x1280xf32, #tpu.memory_space<vmem>>, vector<16xf32>,
      %mul3A_555 = arith.constant 2 : i32
      %mul3A_556 = arith.muli %scan3A_22, %mul3A_555 : i32
      %add3A_557 = arith.constant 1 : i32
      %add3A_558 = arith.addi %mul3A_556, %add3A_557 : i32
      %swap3A_559 = arith.index_cast %add3A_558 : i32 to index
      %swap3A_560 = arith.constant 704 : index
      %swap3A_561 = tpu.vector_load %arg9[%swap3A_559, %swap3A_560] {strides = array<i32>} : memref<40x1280xf32, #tpu.memory_space<vmem>>, vector<16xf32>,
      tpu.vector_store %arg9[%swap3A_559, %swap3A_560], %broadcast_in_dim3A_6 {strides = array<i32>} : memref<40x1280xf32, #tpu.memory_space<vmem>>, vector<16xf32>,
      %mul3A_562 = arith.constant 2 : i32
      %mul3A_563 = arith.muli %scan3A_22, %mul3A_562 : i32
      %swap3A_564 = arith.index_cast %mul3A_563 : i32 to index
      %swap3A_565 = arith.constant 720 : index
      %swap3A_566 = tpu.vector_load %arg9[%swap3A_564, %swap3A_565] {strides = array<i32>} : memref<40x1280xf32, #tpu.memory_space<vmem>>, vector<16xf32>,
      tpu.vector_store %arg9[%swap3A_564, %swap3A_565], %broadcast_in_dim3A_6 {strides = array<i32>} : memref<40x1280xf32, #tpu.memory_space<vmem>>, vector<16xf32>,
      %mul3A_567 = arith.constant 2 : i32
      %mul3A_568 = arith.muli %scan3A_22, %mul3A_567 : i32
      %add3A_569 = arith.constant 1 : i32
      %add3A_570 = arith.addi %mul3A_568, %add3A_569 : i32
      %swap3A_571 = arith.index_cast %add3A_570 : i32 to index
      %swap3A_572 = arith.constant 720 : index
      %swap3A_573 = tpu.vector_load %arg9[%swap3A_571, %swap3A_572] {strides = array<i32>} : memref<40x1280xf32, #tpu.memory_space<vmem>>, vector<16xf32>,
      tpu.vector_store %arg9[%swap3A_571, %swap3A_572], %broadcast_in_dim3A_6 {strides = array<i32>} : memref<40x1280xf32, #tpu.memory_space<vmem>>, vector<16xf32>,
      %mul3A_574 = arith.constant 2 : i32
      %mul3A_575 = arith.muli %scan3A_22, %mul3A_574 : i32
      %swap3A_576 = arith.index_cast %mul3A_575 : i32 to index
      %swap3A_577 = arith.constant 736 : index
      %swap3A_578 = tpu.vector_load %arg9[%swap3A_576, %swap3A_577] {strides = array<i32>} : memref<40x1280xf32, #tpu.memory_space<vmem>>, vector<16xf32>,
      tpu.vector_store %arg9[%swap3A_576, %swap3A_577], %broadcast_in_dim3A_6 {strides = array<i32>} : memref<40x1280xf32, #tpu.memory_space<vmem>>, vector<16xf32>,
      %mul3A_579 = arith.constant 2 : i32
      %mul3A_580 = arith.muli %scan3A_22, %mul3A_579 : i32
      %add3A_581 = arith.constant 1 : i32
      %add3A_582 = arith.addi %mul3A_580, %add3A_581 : i32
      %swap3A_583 = arith.index_cast %add3A_582 : i32 to index
      %swap3A_584 = arith.constant 736 : index
      %swap3A_585 = tpu.vector_load %arg9[%swap3A_583, %swap3A_584] {strides = array<i32>} : memref<40x1280xf32, #tpu.memory_space<vmem>>, vector<16xf32>,
      tpu.vector_store %arg9[%swap3A_583, %swap3A_584], %broadcast_in_dim3A_6 {strides = array<i32>} : memref<40x1280xf32, #tpu.memory_space<vmem>>, vector<16xf32>,
      %mul3A_586 = arith.constant 2 : i32
      %mul3A_587 = arith.muli %scan3A_22, %mul3A_586 : i32
      %swap3A_588 = arith.index_cast %mul3A_587 : i32 to index
      %swap3A_589 = arith.constant 752 : index
      %swap3A_590 = tpu.vector_load %arg9[%swap3A_588, %swap3A_589] {strides = array<i32>} : memref<40x1280xf32, #tpu.memory_space<vmem>>, vector<16xf32>,
      tpu.vector_store %arg9[%swap3A_588, %swap3A_589], %broadcast_in_dim3A_6 {strides = array<i32>} : memref<40x1280xf32, #tpu.memory_space<vmem>>, vector<16xf32>,
      %mul3A_591 = arith.constant 2 : i32
      %mul3A_592 = arith.muli %scan3A_22, %mul3A_591 : i32
      %add3A_593 = arith.constant 1 : i32
      %add3A_594 = arith.addi %mul3A_592, %add3A_593 : i32
      %swap3A_595 = arith.index_cast %add3A_594 : i32 to index
      %swap3A_596 = arith.constant 752 : index
      %swap3A_597 = tpu.vector_load %arg9[%swap3A_595, %swap3A_596] {strides = array<i32>} : memref<40x1280xf32, #tpu.memory_space<vmem>>, vector<16xf32>,
      tpu.vector_store %arg9[%swap3A_595, %swap3A_596], %broadcast_in_dim3A_6 {strides = array<i32>} : memref<40x1280xf32, #tpu.memory_space<vmem>>, vector<16xf32>,
      %mul3A_598 = arith.constant 2 : i32
      %mul3A_599 = arith.muli %scan3A_22, %mul3A_598 : i32
      %swap3A_600 = arith.index_cast %mul3A_599 : i32 to index
      %swap3A_601 = arith.constant 768 : index
      %swap3A_602 = tpu.vector_load %arg9[%swap3A_600, %swap3A_601] {strides = array<i32>} : memref<40x1280xf32, #tpu.memory_space<vmem>>, vector<16xf32>,
      tpu.vector_store %arg9[%swap3A_600, %swap3A_601], %broadcast_in_dim3A_6 {strides = array<i32>} : memref<40x1280xf32, #tpu.memory_space<vmem>>, vector<16xf32>,
      %mul3A_603 = arith.constant 2 : i32
      %mul3A_604 = arith.muli %scan3A_22, %mul3A_603 : i32
      %add3A_605 = arith.constant 1 : i32
      %add3A_606 = arith.addi %mul3A_604, %add3A_605 : i32
      %swap3A_607 = arith.index_cast %add3A_606 : i32 to index
      %swap3A_608 = arith.constant 768 : index
      %swap3A_609 = tpu.vector_load %arg9[%swap3A_607, %swap3A_608] {strides = array<i32>} : memref<40x1280xf32, #tpu.memory_space<vmem>>, vector<16xf32>,
      tpu.vector_store %arg9[%swap3A_607, %swap3A_608], %broadcast_in_dim3A_6 {strides = array<i32>} : memref<40x1280xf32, #tpu.memory_space<vmem>>, vector<16xf32>,
      %mul3A_610 = arith.constant 2 : i32
      %mul3A_611 = arith.muli %scan3A_22, %mul3A_610 : i32
      %swap3A_612 = arith.index_cast %mul3A_611 : i32 to index
      %swap3A_613 = arith.constant 784 : index
      %swap3A_614 = tpu.vector_load %arg9[%swap3A_612, %swap3A_613] {strides = array<i32>} : memref<40x1280xf32, #tpu.memory_space<vmem>>, vector<16xf32>,
      tpu.vector_store %arg9[%swap3A_612, %swap3A_613], %broadcast_in_dim3A_6 {strides = array<i32>} : memref<40x1280xf32, #tpu.memory_space<vmem>>, vector<16xf32>,
      %mul3A_615 = arith.constant 2 : i32
      %mul3A_616 = arith.muli %scan3A_22, %mul3A_615 : i32
      %add3A_617 = arith.constant 1 : i32
      %add3A_618 = arith.addi %mul3A_616, %add3A_617 : i32
      %swap3A_619 = arith.index_cast %add3A_618 : i32 to index
      %swap3A_620 = arith.constant 784 : index
      %swap3A_621 = tpu.vector_load %arg9[%swap3A_619, %swap3A_620] {strides = array<i32>} : memref<40x1280xf32, #tpu.memory_space<vmem>>, vector<16xf32>,
      tpu.vector_store %arg9[%swap3A_619, %swap3A_620], %broadcast_in_dim3A_6 {strides = array<i32>} : memref<40x1280xf32, #tpu.memory_space<vmem>>, vector<16xf32>,
      %mul3A_622 = arith.constant 2 : i32
      %mul3A_623 = arith.muli %scan3A_22, %mul3A_622 : i32
      %swap3A_624 = arith.index_cast %mul3A_623 : i32 to index
      %swap3A_625 = arith.constant 800 : index
      %swap3A_626 = tpu.vector_load %arg9[%swap3A_624, %swap3A_625] {strides = array<i32>} : memref<40x1280xf32, #tpu.memory_space<vmem>>, vector<16xf32>,
      tpu.vector_store %arg9[%swap3A_624, %swap3A_625], %broadcast_in_dim3A_6 {strides = array<i32>} : memref<40x1280xf32, #tpu.memory_space<vmem>>, vector<16xf32>,
      %mul3A_627 = arith.constant 2 : i32
      %mul3A_628 = arith.muli %scan3A_22, %mul3A_627 : i32
      %add3A_629 = arith.constant 1 : i32
      %add3A_630 = arith.addi %mul3A_628, %add3A_629 : i32
      %swap3A_631 = arith.index_cast %add3A_630 : i32 to index
      %swap3A_632 = arith.constant 800 : index
      %swap3A_633 = tpu.vector_load %arg9[%swap3A_631, %swap3A_632] {strides = array<i32>} : memref<40x1280xf32, #tpu.memory_space<vmem>>, vector<16xf32>,
      tpu.vector_store %arg9[%swap3A_631, %swap3A_632], %broadcast_in_dim3A_6 {strides = array<i32>} : memref<40x1280xf32, #tpu.memory_space<vmem>>, vector<16xf32>,
      %mul3A_634 = arith.constant 2 : i32
      %mul3A_635 = arith.muli %scan3A_22, %mul3A_634 : i32
      %swap3A_636 = arith.index_cast %mul3A_635 : i32 to index
      %swap3A_637 = arith.constant 816 : index
      %swap3A_638 = tpu.vector_load %arg9[%swap3A_636, %swap3A_637] {strides = array<i32>} : memref<40x1280xf32, #tpu.memory_space<vmem>>, vector<16xf32>,
      tpu.vector_store %arg9[%swap3A_636, %swap3A_637], %broadcast_in_dim3A_6 {strides = array<i32>} : memref<40x1280xf32, #tpu.memory_space<vmem>>, vector<16xf32>,
      %mul3A_639 = arith.constant 2 : i32
      %mul3A_640 = arith.muli %scan3A_22, %mul3A_639 : i32
      %add3A_641 = arith.constant 1 : i32
      %add3A_642 = arith.addi %mul3A_640, %add3A_641 : i32
      %swap3A_643 = arith.index_cast %add3A_642 : i32 to index
      %swap3A_644 = arith.constant 816 : index
      %swap3A_645 = tpu.vector_load %arg9[%swap3A_643, %swap3A_644] {strides = array<i32>} : memref<40x1280xf32, #tpu.memory_space<vmem>>, vector<16xf32>,
      tpu.vector_store %arg9[%swap3A_643, %swap3A_644], %broadcast_in_dim3A_6 {strides = array<i32>} : memref<40x1280xf32, #tpu.memory_space<vmem>>, vector<16xf32>,
      %mul3A_646 = arith.constant 2 : i32
      %mul3A_647 = arith.muli %scan3A_22, %mul3A_646 : i32
      %swap3A_648 = arith.index_cast %mul3A_647 : i32 to index
      %swap3A_649 = arith.constant 832 : index
      %swap3A_650 = tpu.vector_load %arg9[%swap3A_648, %swap3A_649] {strides = array<i32>} : memref<40x1280xf32, #tpu.memory_space<vmem>>, vector<16xf32>,
      tpu.vector_store %arg9[%swap3A_648, %swap3A_649], %broadcast_in_dim3A_6 {strides = array<i32>} : memref<40x1280xf32, #tpu.memory_space<vmem>>, vector<16xf32>,
      %mul3A_651 = arith.constant 2 : i32
      %mul3A_652 = arith.muli %scan3A_22, %mul3A_651 : i32
      %add3A_653 = arith.constant 1 : i32
      %add3A_654 = arith.addi %mul3A_652, %add3A_653 : i32
      %swap3A_655 = arith.index_cast %add3A_654 : i32 to index
      %swap3A_656 = arith.constant 832 : index
      %swap3A_657 = tpu.vector_load %arg9[%swap3A_655, %swap3A_656] {strides = array<i32>} : memref<40x1280xf32, #tpu.memory_space<vmem>>, vector<16xf32>,
      tpu.vector_store %arg9[%swap3A_655, %swap3A_656], %broadcast_in_dim3A_6 {strides = array<i32>} : memref<40x1280xf32, #tpu.memory_space<vmem>>, vector<16xf32>,
      %mul3A_658 = arith.constant 2 : i32
      %mul3A_659 = arith.muli %scan3A_22, %mul3A_658 : i32
      %swap3A_660 = arith.index_cast %mul3A_659 : i32 to index
      %swap3A_661 = arith.constant 848 : index
      %swap3A_662 = tpu.vector_load %arg9[%swap3A_660, %swap3A_661] {strides = array<i32>} : memref<40x1280xf32, #tpu.memory_space<vmem>>, vector<16xf32>,
      tpu.vector_store %arg9[%swap3A_660, %swap3A_661], %broadcast_in_dim3A_6 {strides = array<i32>} : memref<40x1280xf32, #tpu.memory_space<vmem>>, vector<16xf32>,
      %mul3A_663 = arith.constant 2 : i32
      %mul3A_664 = arith.muli %scan3A_22, %mul3A_663 : i32
      %add3A_665 = arith.constant 1 : i32
      %add3A_666 = arith.addi %mul3A_664, %add3A_665 : i32
      %swap3A_667 = arith.index_cast %add3A_666 : i32 to index
      %swap3A_668 = arith.constant 848 : index
      %swap3A_669 = tpu.vector_load %arg9[%swap3A_667, %swap3A_668] {strides = array<i32>} : memref<40x1280xf32, #tpu.memory_space<vmem>>, vector<16xf32>,
      tpu.vector_store %arg9[%swap3A_667, %swap3A_668], %broadcast_in_dim3A_6 {strides = array<i32>} : memref<40x1280xf32, #tpu.memory_space<vmem>>, vector<16xf32>,
      %mul3A_670 = arith.constant 2 : i32
      %mul3A_671 = arith.muli %scan3A_22, %mul3A_670 : i32
      %swap3A_672 = arith.index_cast %mul3A_671 : i32 to index
      %swap3A_673 = arith.constant 864 : index
      %swap3A_674 = tpu.vector_load %arg9[%swap3A_672, %swap3A_673] {strides = array<i32>} : memref<40x1280xf32, #tpu.memory_space<vmem>>, vector<16xf32>,
      tpu.vector_store %arg9[%swap3A_672, %swap3A_673], %broadcast_in_dim3A_6 {strides = array<i32>} : memref<40x1280xf32, #tpu.memory_space<vmem>>, vector<16xf32>,
      %mul3A_675 = arith.constant 2 : i32
      %mul3A_676 = arith.muli %scan3A_22, %mul3A_675 : i32
      %add3A_677 = arith.constant 1 : i32
      %add3A_678 = arith.addi %mul3A_676, %add3A_677 : i32
      %swap3A_679 = arith.index_cast %add3A_678 : i32 to index
      %swap3A_680 = arith.constant 864 : index
      %swap3A_681 = tpu.vector_load %arg9[%swap3A_679, %swap3A_680] {strides = array<i32>} : memref<40x1280xf32, #tpu.memory_space<vmem>>, vector<16xf32>,
      tpu.vector_store %arg9[%swap3A_679, %swap3A_680], %broadcast_in_dim3A_6 {strides = array<i32>} : memref<40x1280xf32, #tpu.memory_space<vmem>>, vector<16xf32>,
      %mul3A_682 = arith.constant 2 : i32
      %mul3A_683 = arith.muli %scan3A_22, %mul3A_682 : i32
      %swap3A_684 = arith.index_cast %mul3A_683 : i32 to index
      %swap3A_685 = arith.constant 880 : index
      %swap3A_686 = tpu.vector_load %arg9[%swap3A_684, %swap3A_685] {strides = array<i32>} : memref<40x1280xf32, #tpu.memory_space<vmem>>, vector<16xf32>,
      tpu.vector_store %arg9[%swap3A_684, %swap3A_685], %broadcast_in_dim3A_6 {strides = array<i32>} : memref<40x1280xf32, #tpu.memory_space<vmem>>, vector<16xf32>,
      %mul3A_687 = arith.constant 2 : i32
      %mul3A_688 = arith.muli %scan3A_22, %mul3A_687 : i32
      %add3A_689 = arith.constant 1 : i32
      %add3A_690 = arith.addi %mul3A_688, %add3A_689 : i32
      %swap3A_691 = arith.index_cast %add3A_690 : i32 to index
      %swap3A_692 = arith.constant 880 : index
      %swap3A_693 = tpu.vector_load %arg9[%swap3A_691, %swap3A_692] {strides = array<i32>} : memref<40x1280xf32, #tpu.memory_space<vmem>>, vector<16xf32>,
      tpu.vector_store %arg9[%swap3A_691, %swap3A_692], %broadcast_in_dim3A_6 {strides = array<i32>} : memref<40x1280xf32, #tpu.memory_space<vmem>>, vector<16xf32>,
      %mul3A_694 = arith.constant 2 : i32
      %mul3A_695 = arith.muli %scan3A_22, %mul3A_694 : i32
      %swap3A_696 = arith.index_cast %mul3A_695 : i32 to index
      %swap3A_697 = arith.constant 896 : index
      %swap3A_698 = tpu.vector_load %arg9[%swap3A_696, %swap3A_697] {strides = array<i32>} : memref<40x1280xf32, #tpu.memory_space<vmem>>, vector<16xf32>,
      tpu.vector_store %arg9[%swap3A_696, %swap3A_697], %broadcast_in_dim3A_6 {strides = array<i32>} : memref<40x1280xf32, #tpu.memory_space<vmem>>, vector<16xf32>,
      %mul3A_699 = arith.constant 2 : i32
      %mul3A_700 = arith.muli %scan3A_22, %mul3A_699 : i32
      %add3A_701 = arith.constant 1 : i32
      %add3A_702 = arith.addi %mul3A_700, %add3A_701 : i32
      %swap3A_703 = arith.index_cast %add3A_702 : i32 to index
      %swap3A_704 = arith.constant 896 : index
      %swap3A_705 = tpu.vector_load %arg9[%swap3A_703, %swap3A_704] {strides = array<i32>} : memref<40x1280xf32, #tpu.memory_space<vmem>>, vector<16xf32>,
      tpu.vector_store %arg9[%swap3A_703, %swap3A_704], %broadcast_in_dim3A_6 {strides = array<i32>} : memref<40x1280xf32, #tpu.memory_space<vmem>>, vector<16xf32>,
      %mul3A_706 = arith.constant 2 : i32
      %mul3A_707 = arith.muli %scan3A_22, %mul3A_706 : i32
      %swap3A_708 = arith.index_cast %mul3A_707 : i32 to index
      %swap3A_709 = arith.constant 912 : index
      %swap3A_710 = tpu.vector_load %arg9[%swap3A_708, %swap3A_709] {strides = array<i32>} : memref<40x1280xf32, #tpu.memory_space<vmem>>, vector<16xf32>,
      tpu.vector_store %arg9[%swap3A_708, %swap3A_709], %broadcast_in_dim3A_6 {strides = array<i32>} : memref<40x1280xf32, #tpu.memory_space<vmem>>, vector<16xf32>,
      %mul3A_711 = arith.constant 2 : i32
      %mul3A_712 = arith.muli %scan3A_22, %mul3A_711 : i32
      %add3A_713 = arith.constant 1 : i32
      %add3A_714 = arith.addi %mul3A_712, %add3A_713 : i32
      %swap3A_715 = arith.index_cast %add3A_714 : i32 to index
      %swap3A_716 = arith.constant 912 : index
      %swap3A_717 = tpu.vector_load %arg9[%swap3A_715, %swap3A_716] {strides = array<i32>} : memref<40x1280xf32, #tpu.memory_space<vmem>>, vector<16xf32>,
      tpu.vector_store %arg9[%swap3A_715, %swap3A_716], %broadcast_in_dim3A_6 {strides = array<i32>} : memref<40x1280xf32, #tpu.memory_space<vmem>>, vector<16xf32>,
      %mul3A_718 = arith.constant 2 : i32
      %mul3A_719 = arith.muli %scan3A_22, %mul3A_718 : i32
      %swap3A_720 = arith.index_cast %mul3A_719 : i32 to index
      %swap3A_721 = arith.constant 928 : index
      %swap3A_722 = tpu.vector_load %arg9[%swap3A_720, %swap3A_721] {strides = array<i32>} : memref<40x1280xf32, #tpu.memory_space<vmem>>, vector<16xf32>,
      tpu.vector_store %arg9[%swap3A_720, %swap3A_721], %broadcast_in_dim3A_6 {strides = array<i32>} : memref<40x1280xf32, #tpu.memory_space<vmem>>, vector<16xf32>,
      %mul3A_723 = arith.constant 2 : i32
      %mul3A_724 = arith.muli %scan3A_22, %mul3A_723 : i32
      %add3A_725 = arith.constant 1 : i32
      %add3A_726 = arith.addi %mul3A_724, %add3A_725 : i32
      %swap3A_727 = arith.index_cast %add3A_726 : i32 to index
      %swap3A_728 = arith.constant 928 : index
      %swap3A_729 = tpu.vector_load %arg9[%swap3A_727, %swap3A_728] {strides = array<i32>} : memref<40x1280xf32, #tpu.memory_space<vmem>>, vector<16xf32>,
      tpu.vector_store %arg9[%swap3A_727, %swap3A_728], %broadcast_in_dim3A_6 {strides = array<i32>} : memref<40x1280xf32, #tpu.memory_space<vmem>>, vector<16xf32>,
      %mul3A_730 = arith.constant 2 : i32
      %mul3A_731 = arith.muli %scan3A_22, %mul3A_730 : i32
      %swap3A_732 = arith.index_cast %mul3A_731 : i32 to index
      %swap3A_733 = arith.constant 944 : index
      %swap3A_734 = tpu.vector_load %arg9[%swap3A_732, %swap3A_733] {strides = array<i32>} : memref<40x1280xf32, #tpu.memory_space<vmem>>, vector<16xf32>,
      tpu.vector_store %arg9[%swap3A_732, %swap3A_733], %broadcast_in_dim3A_6 {strides = array<i32>} : memref<40x1280xf32, #tpu.memory_space<vmem>>, vector<16xf32>,
      %mul3A_735 = arith.constant 2 : i32
      %mul3A_736 = arith.muli %scan3A_22, %mul3A_735 : i32
      %add3A_737 = arith.constant 1 : i32
      %add3A_738 = arith.addi %mul3A_736, %add3A_737 : i32
      %swap3A_739 = arith.index_cast %add3A_738 : i32 to index
      %swap3A_740 = arith.constant 944 : index
      %swap3A_741 = tpu.vector_load %arg9[%swap3A_739, %swap3A_740] {strides = array<i32>} : memref<40x1280xf32, #tpu.memory_space<vmem>>, vector<16xf32>,
      tpu.vector_store %arg9[%swap3A_739, %swap3A_740], %broadcast_in_dim3A_6 {strides = array<i32>} : memref<40x1280xf32, #tpu.memory_space<vmem>>, vector<16xf32>,
      %mul3A_742 = arith.constant 2 : i32
      %mul3A_743 = arith.muli %scan3A_22, %mul3A_742 : i32
      %swap3A_744 = arith.index_cast %mul3A_743 : i32 to index
      %swap3A_745 = arith.constant 960 : index
      %swap3A_746 = tpu.vector_load %arg9[%swap3A_744, %swap3A_745] {strides = array<i32>} : memref<40x1280xf32, #tpu.memory_space<vmem>>, vector<16xf32>,
      tpu.vector_store %arg9[%swap3A_744, %swap3A_745], %broadcast_in_dim3A_6 {strides = array<i32>} : memref<40x1280xf32, #tpu.memory_space<vmem>>, vector<16xf32>,
      %mul3A_747 = arith.constant 2 : i32
      %mul3A_748 = arith.muli %scan3A_22, %mul3A_747 : i32
      %add3A_749 = arith.constant 1 : i32
      %add3A_750 = arith.addi %mul3A_748, %add3A_749 : i32
      %swap3A_751 = arith.index_cast %add3A_750 : i32 to index
      %swap3A_752 = arith.constant 960 : index
      %swap3A_753 = tpu.vector_load %arg9[%swap3A_751, %swap3A_752] {strides = array<i32>} : memref<40x1280xf32, #tpu.memory_space<vmem>>, vector<16xf32>,
      tpu.vector_store %arg9[%swap3A_751, %swap3A_752], %broadcast_in_dim3A_6 {strides = array<i32>} : memref<40x1280xf32, #tpu.memory_space<vmem>>, vector<16xf32>,
      %mul3A_754 = arith.constant 2 : i32
      %mul3A_755 = arith.muli %scan3A_22, %mul3A_754 : i32
      %swap3A_756 = arith.index_cast %mul3A_755 : i32 to index
      %swap3A_757 = arith.constant 976 : index
      %swap3A_758 = tpu.vector_load %arg9[%swap3A_756, %swap3A_757] {strides = array<i32>} : memref<40x1280xf32, #tpu.memory_space<vmem>>, vector<16xf32>,
      tpu.vector_store %arg9[%swap3A_756, %swap3A_757], %broadcast_in_dim3A_6 {strides = array<i32>} : memref<40x1280xf32, #tpu.memory_space<vmem>>, vector<16xf32>,
      %mul3A_759 = arith.constant 2 : i32
      %mul3A_760 = arith.muli %scan3A_22, %mul3A_759 : i32
      %add3A_761 = arith.constant 1 : i32
      %add3A_762 = arith.addi %mul3A_760, %add3A_761 : i32
      %swap3A_763 = arith.index_cast %add3A_762 : i32 to index
      %swap3A_764 = arith.constant 976 : index
      %swap3A_765 = tpu.vector_load %arg9[%swap3A_763, %swap3A_764] {strides = array<i32>} : memref<40x1280xf32, #tpu.memory_space<vmem>>, vector<16xf32>,
      tpu.vector_store %arg9[%swap3A_763, %swap3A_764], %broadcast_in_dim3A_6 {strides = array<i32>} : memref<40x1280xf32, #tpu.memory_space<vmem>>, vector<16xf32>,
      %mul3A_766 = arith.constant 2 : i32
      %mul3A_767 = arith.muli %scan3A_22, %mul3A_766 : i32
      %swap3A_768 = arith.index_cast %mul3A_767 : i32 to index
      %swap3A_769 = arith.constant 992 : index
      %swap3A_770 = tpu.vector_load %arg9[%swap3A_768, %swap3A_769] {strides = array<i32>} : memref<40x1280xf32, #tpu.memory_space<vmem>>, vector<16xf32>,
      tpu.vector_store %arg9[%swap3A_768, %swap3A_769], %broadcast_in_dim3A_6 {strides = array<i32>} : memref<40x1280xf32, #tpu.memory_space<vmem>>, vector<16xf32>,
      %mul3A_771 = arith.constant 2 : i32
      %mul3A_772 = arith.muli %scan3A_22, %mul3A_771 : i32
      %add3A_773 = arith.constant 1 : i32
      %add3A_774 = arith.addi %mul3A_772, %add3A_773 : i32
      %swap3A_775 = arith.index_cast %add3A_774 : i32 to index
      %swap3A_776 = arith.constant 992 : index
      %swap3A_777 = tpu.vector_load %arg9[%swap3A_775, %swap3A_776] {strides = array<i32>} : memref<40x1280xf32, #tpu.memory_space<vmem>>, vector<16xf32>,
      tpu.vector_store %arg9[%swap3A_775, %swap3A_776], %broadcast_in_dim3A_6 {strides = array<i32>} : memref<40x1280xf32, #tpu.memory_space<vmem>>, vector<16xf32>,
      %mul3A_778 = arith.constant 2 : i32
      %mul3A_779 = arith.muli %scan3A_22, %mul3A_778 : i32
      %swap3A_780 = arith.index_cast %mul3A_779 : i32 to index
      %swap3A_781 = arith.constant 1008 : index
      %swap3A_782 = tpu.vector_load %arg9[%swap3A_780, %swap3A_781] {strides = array<i32>} : memref<40x1280xf32, #tpu.memory_space<vmem>>, vector<16xf32>,
      tpu.vector_store %arg9[%swap3A_780, %swap3A_781], %broadcast_in_dim3A_6 {strides = array<i32>} : memref<40x1280xf32, #tpu.memory_space<vmem>>, vector<16xf32>,
      %mul3A_783 = arith.constant 2 : i32
      %mul3A_784 = arith.muli %scan3A_22, %mul3A_783 : i32
      %add3A_785 = arith.constant 1 : i32
      %add3A_786 = arith.addi %mul3A_784, %add3A_785 : i32
      %swap3A_787 = arith.index_cast %add3A_786 : i32 to index
      %swap3A_788 = arith.constant 1008 : index
      %swap3A_789 = tpu.vector_load %arg9[%swap3A_787, %swap3A_788] {strides = array<i32>} : memref<40x1280xf32, #tpu.memory_space<vmem>>, vector<16xf32>,
      tpu.vector_store %arg9[%swap3A_787, %swap3A_788], %broadcast_in_dim3A_6 {strides = array<i32>} : memref<40x1280xf32, #tpu.memory_space<vmem>>, vector<16xf32>,
      %mul3A_790 = arith.constant 2 : i32
      %mul3A_791 = arith.muli %scan3A_22, %mul3A_790 : i32
      %swap3A_792 = arith.index_cast %mul3A_791 : i32 to index
      %swap3A_793 = arith.constant 1024 : index
      %swap3A_794 = tpu.vector_load %arg9[%swap3A_792, %swap3A_793] {strides = array<i32>} : memref<40x1280xf32, #tpu.memory_space<vmem>>, vector<16xf32>,
      tpu.vector_store %arg9[%swap3A_792, %swap3A_793], %broadcast_in_dim3A_6 {strides = array<i32>} : memref<40x1280xf32, #tpu.memory_space<vmem>>, vector<16xf32>,
      %mul3A_795 = arith.constant 2 : i32
      %mul3A_796 = arith.muli %scan3A_22, %mul3A_795 : i32
      %add3A_797 = arith.constant 1 : i32
      %add3A_798 = arith.addi %mul3A_796, %add3A_797 : i32
      %swap3A_799 = arith.index_cast %add3A_798 : i32 to index
      %swap3A_800 = arith.constant 1024 : index
      %swap3A_801 = tpu.vector_load %arg9[%swap3A_799, %swap3A_800] {strides = array<i32>} : memref<40x1280xf32, #tpu.memory_space<vmem>>, vector<16xf32>,
      tpu.vector_store %arg9[%swap3A_799, %swap3A_800], %broadcast_in_dim3A_6 {strides = array<i32>} : memref<40x1280xf32, #tpu.memory_space<vmem>>, vector<16xf32>,
      %mul3A_802 = arith.constant 2 : i32
      %mul3A_803 = arith.muli %scan3A_22, %mul3A_802 : i32
      %swap3A_804 = arith.index_cast %mul3A_803 : i32 to index
      %swap3A_805 = arith.constant 1040 : index
      %swap3A_806 = tpu.vector_load %arg9[%swap3A_804, %swap3A_805] {strides = array<i32>} : memref<40x1280xf32, #tpu.memory_space<vmem>>, vector<16xf32>,
      tpu.vector_store %arg9[%swap3A_804, %swap3A_805], %broadcast_in_dim3A_6 {strides = array<i32>} : memref<40x1280xf32, #tpu.memory_space<vmem>>, vector<16xf32>,
      %mul3A_807 = arith.constant 2 : i32
      %mul3A_808 = arith.muli %scan3A_22, %mul3A_807 : i32
      %add3A_809 = arith.constant 1 : i32
      %add3A_810 = arith.addi %mul3A_808, %add3A_809 : i32
      %swap3A_811 = arith.index_cast %add3A_810 : i32 to index
      %swap3A_812 = arith.constant 1040 : index
      %swap3A_813 = tpu.vector_load %arg9[%swap3A_811, %swap3A_812] {strides = array<i32>} : memref<40x1280xf32, #tpu.memory_space<vmem>>, vector<16xf32>,
      tpu.vector_store %arg9[%swap3A_811, %swap3A_812], %broadcast_in_dim3A_6 {strides = array<i32>} : memref<40x1280xf32, #tpu.memory_space<vmem>>, vector<16xf32>,
      %mul3A_814 = arith.constant 2 : i32
      %mul3A_815 = arith.muli %scan3A_22, %mul3A_814 : i32
      %swap3A_816 = arith.index_cast %mul3A_815 : i32 to index
      %swap3A_817 = arith.constant 1056 : index
      %swap3A_818 = tpu.vector_load %arg9[%swap3A_816, %swap3A_817] {strides = array<i32>} : memref<40x1280xf32, #tpu.memory_space<vmem>>, vector<16xf32>,
      tpu.vector_store %arg9[%swap3A_816, %swap3A_817], %broadcast_in_dim3A_6 {strides = array<i32>} : memref<40x1280xf32, #tpu.memory_space<vmem>>, vector<16xf32>,
      %mul3A_819 = arith.constant 2 : i32
      %mul3A_820 = arith.muli %scan3A_22, %mul3A_819 : i32
      %add3A_821 = arith.constant 1 : i32
      %add3A_822 = arith.addi %mul3A_820, %add3A_821 : i32
      %swap3A_823 = arith.index_cast %add3A_822 : i32 to index
      %swap3A_824 = arith.constant 1056 : index
      %swap3A_825 = tpu.vector_load %arg9[%swap3A_823, %swap3A_824] {strides = array<i32>} : memref<40x1280xf32, #tpu.memory_space<vmem>>, vector<16xf32>,
      tpu.vector_store %arg9[%swap3A_823, %swap3A_824], %broadcast_in_dim3A_6 {strides = array<i32>} : memref<40x1280xf32, #tpu.memory_space<vmem>>, vector<16xf32>,
      %mul3A_826 = arith.constant 2 : i32
      %mul3A_827 = arith.muli %scan3A_22, %mul3A_826 : i32
      %swap3A_828 = arith.index_cast %mul3A_827 : i32 to index
      %swap3A_829 = arith.constant 1072 : index
      %swap3A_830 = tpu.vector_load %arg9[%swap3A_828, %swap3A_829] {strides = array<i32>} : memref<40x1280xf32, #tpu.memory_space<vmem>>, vector<16xf32>,
      tpu.vector_store %arg9[%swap3A_828, %swap3A_829], %broadcast_in_dim3A_6 {strides = array<i32>} : memref<40x1280xf32, #tpu.memory_space<vmem>>, vector<16xf32>,
      %mul3A_831 = arith.constant 2 : i32
      %mul3A_832 = arith.muli %scan3A_22, %mul3A_831 : i32
      %add3A_833 = arith.constant 1 : i32
      %add3A_834 = arith.addi %mul3A_832, %add3A_833 : i32
      %swap3A_835 = arith.index_cast %add3A_834 : i32 to index
      %swap3A_836 = arith.constant 1072 : index
      %swap3A_837 = tpu.vector_load %arg9[%swap3A_835, %swap3A_836] {strides = array<i32>} : memref<40x1280xf32, #tpu.memory_space<vmem>>, vector<16xf32>,
      tpu.vector_store %arg9[%swap3A_835, %swap3A_836], %broadcast_in_dim3A_6 {strides = array<i32>} : memref<40x1280xf32, #tpu.memory_space<vmem>>, vector<16xf32>,
      %mul3A_838 = arith.constant 2 : i32
      %mul3A_839 = arith.muli %scan3A_22, %mul3A_838 : i32
      %swap3A_840 = arith.index_cast %mul3A_839 : i32 to index
      %swap3A_841 = arith.constant 1088 : index
      %swap3A_842 = tpu.vector_load %arg9[%swap3A_840, %swap3A_841] {strides = array<i32>} : memref<40x1280xf32, #tpu.memory_space<vmem>>, vector<16xf32>,
      tpu.vector_store %arg9[%swap3A_840, %swap3A_841], %broadcast_in_dim3A_6 {strides = array<i32>} : memref<40x1280xf32, #tpu.memory_space<vmem>>, vector<16xf32>,
      %mul3A_843 = arith.constant 2 : i32
      %mul3A_844 = arith.muli %scan3A_22, %mul3A_843 : i32
      %add3A_845 = arith.constant 1 : i32
      %add3A_846 = arith.addi %mul3A_844, %add3A_845 : i32
      %swap3A_847 = arith.index_cast %add3A_846 : i32 to index
      %swap3A_848 = arith.constant 1088 : index
      %swap3A_849 = tpu.vector_load %arg9[%swap3A_847, %swap3A_848] {strides = array<i32>} : memref<40x1280xf32, #tpu.memory_space<vmem>>, vector<16xf32>,
      tpu.vector_store %arg9[%swap3A_847, %swap3A_848], %broadcast_in_dim3A_6 {strides = array<i32>} : memref<40x1280xf32, #tpu.memory_space<vmem>>, vector<16xf32>,
      %mul3A_850 = arith.constant 2 : i32
      %mul3A_851 = arith.muli %scan3A_22, %mul3A_850 : i32
      %swap3A_852 = arith.index_cast %mul3A_851 : i32 to index
      %swap3A_853 = arith.constant 1104 : index
      %swap3A_854 = tpu.vector_load %arg9[%swap3A_852, %swap3A_853] {strides = array<i32>} : memref<40x1280xf32, #tpu.memory_space<vmem>>, vector<16xf32>,
      tpu.vector_store %arg9[%swap3A_852, %swap3A_853], %broadcast_in_dim3A_6 {strides = array<i32>} : memref<40x1280xf32, #tpu.memory_space<vmem>>, vector<16xf32>,
      %mul3A_855 = arith.constant 2 : i32
      %mul3A_856 = arith.muli %scan3A_22, %mul3A_855 : i32
      %add3A_857 = arith.constant 1 : i32
      %add3A_858 = arith.addi %mul3A_856, %add3A_857 : i32
      %swap3A_859 = arith.index_cast %add3A_858 : i32 to index
      %swap3A_860 = arith.constant 1104 : index
      %swap3A_861 = tpu.vector_load %arg9[%swap3A_859, %swap3A_860] {strides = array<i32>} : memref<40x1280xf32, #tpu.memory_space<vmem>>, vector<16xf32>,
      tpu.vector_store %arg9[%swap3A_859, %swap3A_860], %broadcast_in_dim3A_6 {strides = array<i32>} : memref<40x1280xf32, #tpu.memory_space<vmem>>, vector<16xf32>,
      %mul3A_862 = arith.constant 2 : i32
      %mul3A_863 = arith.muli %scan3A_22, %mul3A_862 : i32
      %swap3A_864 = arith.index_cast %mul3A_863 : i32 to index
      %swap3A_865 = arith.constant 1120 : index
      %swap3A_866 = tpu.vector_load %arg9[%swap3A_864, %swap3A_865] {strides = array<i32>} : memref<40x1280xf32, #tpu.memory_space<vmem>>, vector<16xf32>,
      tpu.vector_store %arg9[%swap3A_864, %swap3A_865], %broadcast_in_dim3A_6 {strides = array<i32>} : memref<40x1280xf32, #tpu.memory_space<vmem>>, vector<16xf32>,
      %mul3A_867 = arith.constant 2 : i32
      %mul3A_868 = arith.muli %scan3A_22, %mul3A_867 : i32
      %add3A_869 = arith.constant 1 : i32
      %add3A_870 = arith.addi %mul3A_868, %add3A_869 : i32
      %swap3A_871 = arith.index_cast %add3A_870 : i32 to index
      %swap3A_872 = arith.constant 1120 : index
      %swap3A_873 = tpu.vector_load %arg9[%swap3A_871, %swap3A_872] {strides = array<i32>} : memref<40x1280xf32, #tpu.memory_space<vmem>>, vector<16xf32>,
      tpu.vector_store %arg9[%swap3A_871, %swap3A_872], %broadcast_in_dim3A_6 {strides = array<i32>} : memref<40x1280xf32, #tpu.memory_space<vmem>>, vector<16xf32>,
      %mul3A_874 = arith.constant 2 : i32
      %mul3A_875 = arith.muli %scan3A_22, %mul3A_874 : i32
      %swap3A_876 = arith.index_cast %mul3A_875 : i32 to index
      %swap3A_877 = arith.constant 1136 : index
      %swap3A_878 = tpu.vector_load %arg9[%swap3A_876, %swap3A_877] {strides = array<i32>} : memref<40x1280xf32, #tpu.memory_space<vmem>>, vector<16xf32>,
      tpu.vector_store %arg9[%swap3A_876, %swap3A_877], %broadcast_in_dim3A_6 {strides = array<i32>} : memref<40x1280xf32, #tpu.memory_space<vmem>>, vector<16xf32>,
      %mul3A_879 = arith.constant 2 : i32
      %mul3A_880 = arith.muli %scan3A_22, %mul3A_879 : i32
      %add3A_881 = arith.constant 1 : i32
      %add3A_882 = arith.addi %mul3A_880, %add3A_881 : i32
      %swap3A_883 = arith.index_cast %add3A_882 : i32 to index
      %swap3A_884 = arith.constant 1136 : index
      %swap3A_885 = tpu.vector_load %arg9[%swap3A_883, %swap3A_884] {strides = array<i32>} : memref<40x1280xf32, #tpu.memory_space<vmem>>, vector<16xf32>,
      tpu.vector_store %arg9[%swap3A_883, %swap3A_884], %broadcast_in_dim3A_6 {strides = array<i32>} : memref<40x1280xf32, #tpu.memory_space<vmem>>, vector<16xf32>,
      %mul3A_886 = arith.constant 2 : i32
      %mul3A_887 = arith.muli %scan3A_22, %mul3A_886 : i32
      %swap3A_888 = arith.index_cast %mul3A_887 : i32 to index
      %swap3A_889 = arith.constant 1152 : index
      %swap3A_890 = tpu.vector_load %arg9[%swap3A_888, %swap3A_889] {strides = array<i32>} : memref<40x1280xf32, #tpu.memory_space<vmem>>, vector<16xf32>,
      tpu.vector_store %arg9[%swap3A_888, %swap3A_889], %broadcast_in_dim3A_6 {strides = array<i32>} : memref<40x1280xf32, #tpu.memory_space<vmem>>, vector<16xf32>,
      %mul3A_891 = arith.constant 2 : i32
      %mul3A_892 = arith.muli %scan3A_22, %mul3A_891 : i32
      %add3A_893 = arith.constant 1 : i32
      %add3A_894 = arith.addi %mul3A_892, %add3A_893 : i32
      %swap3A_895 = arith.index_cast %add3A_894 : i32 to index
      %swap3A_896 = arith.constant 1152 : index
      %swap3A_897 = tpu.vector_load %arg9[%swap3A_895, %swap3A_896] {strides = array<i32>} : memref<40x1280xf32, #tpu.memory_space<vmem>>, vector<16xf32>,
      tpu.vector_store %arg9[%swap3A_895, %swap3A_896], %broadcast_in_dim3A_6 {strides = array<i32>} : memref<40x1280xf32, #tpu.memory_space<vmem>>, vector<16xf32>,
      %mul3A_898 = arith.constant 2 : i32
      %mul3A_899 = arith.muli %scan3A_22, %mul3A_898 : i32
      %swap3A_900 = arith.index_cast %mul3A_899 : i32 to index
      %swap3A_901 = arith.constant 1168 : index
      %swap3A_902 = tpu.vector_load %arg9[%swap3A_900, %swap3A_901] {strides = array<i32>} : memref<40x1280xf32, #tpu.memory_space<vmem>>, vector<16xf32>,
      tpu.vector_store %arg9[%swap3A_900, %swap3A_901], %broadcast_in_dim3A_6 {strides = array<i32>} : memref<40x1280xf32, #tpu.memory_space<vmem>>, vector<16xf32>,
      %mul3A_903 = arith.constant 2 : i32
      %mul3A_904 = arith.muli %scan3A_22, %mul3A_903 : i32
      %add3A_905 = arith.constant 1 : i32
      %add3A_906 = arith.addi %mul3A_904, %add3A_905 : i32
      %swap3A_907 = arith.index_cast %add3A_906 : i32 to index
      %swap3A_908 = arith.constant 1168 : index
      %swap3A_909 = tpu.vector_load %arg9[%swap3A_907, %swap3A_908] {strides = array<i32>} : memref<40x1280xf32, #tpu.memory_space<vmem>>, vector<16xf32>,
      tpu.vector_store %arg9[%swap3A_907, %swap3A_908], %broadcast_in_dim3A_6 {strides = array<i32>} : memref<40x1280xf32, #tpu.memory_space<vmem>>, vector<16xf32>,
      %mul3A_910 = arith.constant 2 : i32
      %mul3A_911 = arith.muli %scan3A_22, %mul3A_910 : i32
      %swap3A_912 = arith.index_cast %mul3A_911 : i32 to index
      %swap3A_913 = arith.constant 1184 : index
      %swap3A_914 = tpu.vector_load %arg9[%swap3A_912, %swap3A_913] {strides = array<i32>} : memref<40x1280xf32, #tpu.memory_space<vmem>>, vector<16xf32>,
      tpu.vector_store %arg9[%swap3A_912, %swap3A_913], %broadcast_in_dim3A_6 {strides = array<i32>} : memref<40x1280xf32, #tpu.memory_space<vmem>>, vector<16xf32>,
      %mul3A_915 = arith.constant 2 : i32
      %mul3A_916 = arith.muli %scan3A_22, %mul3A_915 : i32
      %add3A_917 = arith.constant 1 : i32
      %add3A_918 = arith.addi %mul3A_916, %add3A_917 : i32
      %swap3A_919 = arith.index_cast %add3A_918 : i32 to index
      %swap3A_920 = arith.constant 1184 : index
      %swap3A_921 = tpu.vector_load %arg9[%swap3A_919, %swap3A_920] {strides = array<i32>} : memref<40x1280xf32, #tpu.memory_space<vmem>>, vector<16xf32>,
      tpu.vector_store %arg9[%swap3A_919, %swap3A_920], %broadcast_in_dim3A_6 {strides = array<i32>} : memref<40x1280xf32, #tpu.memory_space<vmem>>, vector<16xf32>,
      %mul3A_922 = arith.constant 2 : i32
      %mul3A_923 = arith.muli %scan3A_22, %mul3A_922 : i32
      %swap3A_924 = arith.index_cast %mul3A_923 : i32 to index
      %swap3A_925 = arith.constant 1200 : index
      %swap3A_926 = tpu.vector_load %arg9[%swap3A_924, %swap3A_925] {strides = array<i32>} : memref<40x1280xf32, #tpu.memory_space<vmem>>, vector<16xf32>,
      tpu.vector_store %arg9[%swap3A_924, %swap3A_925], %broadcast_in_dim3A_6 {strides = array<i32>} : memref<40x1280xf32, #tpu.memory_space<vmem>>, vector<16xf32>,
      %mul3A_927 = arith.constant 2 : i32
      %mul3A_928 = arith.muli %scan3A_22, %mul3A_927 : i32
      %add3A_929 = arith.constant 1 : i32
      %add3A_930 = arith.addi %mul3A_928, %add3A_929 : i32
      %swap3A_931 = arith.index_cast %add3A_930 : i32 to index
      %swap3A_932 = arith.constant 1200 : index
      %swap3A_933 = tpu.vector_load %arg9[%swap3A_931, %swap3A_932] {strides = array<i32>} : memref<40x1280xf32, #tpu.memory_space<vmem>>, vector<16xf32>,
      tpu.vector_store %arg9[%swap3A_931, %swap3A_932], %broadcast_in_dim3A_6 {strides = array<i32>} : memref<40x1280xf32, #tpu.memory_space<vmem>>, vector<16xf32>,
      %mul3A_934 = arith.constant 2 : i32
      %mul3A_935 = arith.muli %scan3A_22, %mul3A_934 : i32
      %swap3A_936 = arith.index_cast %mul3A_935 : i32 to index
      %swap3A_937 = arith.constant 1216 : index
      %swap3A_938 = tpu.vector_load %arg9[%swap3A_936, %swap3A_937] {strides = array<i32>} : memref<40x1280xf32, #tpu.memory_space<vmem>>, vector<16xf32>,
      tpu.vector_store %arg9[%swap3A_936, %swap3A_937], %broadcast_in_dim3A_6 {strides = array<i32>} : memref<40x1280xf32, #tpu.memory_space<vmem>>, vector<16xf32>,
      %mul3A_939 = arith.constant 2 : i32
      %mul3A_940 = arith.muli %scan3A_22, %mul3A_939 : i32
      %add3A_941 = arith.constant 1 : i32
      %add3A_942 = arith.addi %mul3A_940, %add3A_941 : i32
      %swap3A_943 = arith.index_cast %add3A_942 : i32 to index
      %swap3A_944 = arith.constant 1216 : index
      %swap3A_945 = tpu.vector_load %arg9[%swap3A_943, %swap3A_944] {strides = array<i32>} : memref<40x1280xf32, #tpu.memory_space<vmem>>, vector<16xf32>,
      tpu.vector_store %arg9[%swap3A_943, %swap3A_944], %broadcast_in_dim3A_6 {strides = array<i32>} : memref<40x1280xf32, #tpu.memory_space<vmem>>, vector<16xf32>,
      %mul3A_946 = arith.constant 2 : i32
      %mul3A_947 = arith.muli %scan3A_22, %mul3A_946 : i32
      %swap3A_948 = arith.index_cast %mul3A_947 : i32 to index
      %swap3A_949 = arith.constant 1232 : index
      %swap3A_950 = tpu.vector_load %arg9[%swap3A_948, %swap3A_949] {strides = array<i32>} : memref<40x1280xf32, #tpu.memory_space<vmem>>, vector<16xf32>,
      tpu.vector_store %arg9[%swap3A_948, %swap3A_949], %broadcast_in_dim3A_6 {strides = array<i32>} : memref<40x1280xf32, #tpu.memory_space<vmem>>, vector<16xf32>,
      %mul3A_951 = arith.constant 2 : i32
      %mul3A_952 = arith.muli %scan3A_22, %mul3A_951 : i32
      %add3A_953 = arith.constant 1 : i32
      %add3A_954 = arith.addi %mul3A_952, %add3A_953 : i32
      %swap3A_955 = arith.index_cast %add3A_954 : i32 to index
      %swap3A_956 = arith.constant 1232 : index
      %swap3A_957 = tpu.vector_load %arg9[%swap3A_955, %swap3A_956] {strides = array<i32>} : memref<40x1280xf32, #tpu.memory_space<vmem>>, vector<16xf32>,
      tpu.vector_store %arg9[%swap3A_955, %swap3A_956], %broadcast_in_dim3A_6 {strides = array<i32>} : memref<40x1280xf32, #tpu.memory_space<vmem>>, vector<16xf32>,
      %mul3A_958 = arith.constant 2 : i32
      %mul3A_959 = arith.muli %scan3A_22, %mul3A_958 : i32
      %swap3A_960 = arith.index_cast %mul3A_959 : i32 to index
      %swap3A_961 = arith.constant 1248 : index
      %swap3A_962 = tpu.vector_load %arg9[%swap3A_960, %swap3A_961] {strides = array<i32>} : memref<40x1280xf32, #tpu.memory_space<vmem>>, vector<16xf32>,
      tpu.vector_store %arg9[%swap3A_960, %swap3A_961], %broadcast_in_dim3A_6 {strides = array<i32>} : memref<40x1280xf32, #tpu.memory_space<vmem>>, vector<16xf32>,
      %mul3A_963 = arith.constant 2 : i32
      %mul3A_964 = arith.muli %scan3A_22, %mul3A_963 : i32
      %add3A_965 = arith.constant 1 : i32
      %add3A_966 = arith.addi %mul3A_964, %add3A_965 : i32
      %swap3A_967 = arith.index_cast %add3A_966 : i32 to index
      %swap3A_968 = arith.constant 1248 : index
      %swap3A_969 = tpu.vector_load %arg9[%swap3A_967, %swap3A_968] {strides = array<i32>} : memref<40x1280xf32, #tpu.memory_space<vmem>>, vector<16xf32>,
      tpu.vector_store %arg9[%swap3A_967, %swap3A_968], %broadcast_in_dim3A_6 {strides = array<i32>} : memref<40x1280xf32, #tpu.memory_space<vmem>>, vector<16xf32>,
      %mul3A_970 = arith.constant 2 : i32
      %mul3A_971 = arith.muli %scan3A_22, %mul3A_970 : i32
      %swap3A_972 = arith.index_cast %mul3A_971 : i32 to index
      %swap3A_973 = arith.constant 1264 : index
      %swap3A_974 = tpu.vector_load %arg9[%swap3A_972, %swap3A_973] {strides = array<i32>} : memref<40x1280xf32, #tpu.memory_space<vmem>>, vector<16xf32>,
      tpu.vector_store %arg9[%swap3A_972, %swap3A_973], %broadcast_in_dim3A_6 {strides = array<i32>} : memref<40x1280xf32, #tpu.memory_space<vmem>>, vector<16xf32>,
      %mul3A_975 = arith.constant 2 : i32
      %mul3A_976 = arith.muli %scan3A_22, %mul3A_975 : i32
      %add3A_977 = arith.constant 1 : i32
      %add3A_978 = arith.addi %mul3A_976, %add3A_977 : i32
      %swap3A_979 = arith.index_cast %add3A_978 : i32 to index
      %swap3A_980 = arith.constant 1264 : index
      %swap3A_981 = tpu.vector_load %arg9[%swap3A_979, %swap3A_980] {strides = array<i32>} : memref<40x1280xf32, #tpu.memory_space<vmem>>, vector<16xf32>,
      tpu.vector_store %arg9[%swap3A_979, %swap3A_980], %broadcast_in_dim3A_6 {strides = array<i32>} : memref<40x1280xf32, #tpu.memory_space<vmem>>, vector<16xf32>,
      %mul3A_982 = arith.constant 16 : i32
      %mul3A_983 = arith.muli %scan3A_22, %mul3A_982 : i32
      %get3A = arith.index_cast %mul3A_983 : i32 to index
      %get3A_984 = tpu.vector_load %arg6[%get3A] {strides = array<i32>} : memref<320xi32, #tpu.memory_space<vmem>>, vector<16xi32>,
      %gather3A = tpu.vector_load_idx %arg7[%get3A_984] : memref<1280xi32, #tpu.memory_space<vmem>>[vector<16xi32>], vector<16xi32>,
      %mul3A_985 = arith.constant 2 : i32
      %mul3A_986 = arith.muli %scan3A_22, %mul3A_985 : i32
      %add3A_987 = vector.broadcast %mul3A_986 : i32 to vector<16xi32>
      %add3A_988 = arith.addi %add3A_987, %select_n3A : vector<16xi32>
      %mul3A_989 = arith.constant 16 : i32
      %mul3A_990 = vector.broadcast %mul3A_989 : i32 to vector<16xi32>
      %mul3A_991 = arith.muli %gather3A, %mul3A_990 : vector<16xi32>
      %add3A_992 = arith.constant 0 : i32
      %add3A_993 = vector.broadcast %add3A_992 : i32 to vector<16xi32>
      %add3A_994 = arith.addi %mul3A_991, %add3A_993 : vector<16xi32>
      %gather3A_995 = tpu.vector_load_idx %arg8[%add3A_994] : memref<20480xi32, #tpu.memory_space<vmem>>[vector<16xi32>], vector<16xi32>,
      tpu.vector_store_idx %arg9[%add3A_988, %gather3A_995], %broadcast_in_dim3A_8 : memref<40x1280xf32, #tpu.memory_space<vmem>>[vector<16xi32>, vector<16xi32>], vector<16xf32>,
      %add3A_996 = arith.constant 1 : i32
      %add3A_997 = vector.broadcast %add3A_996 : i32 to vector<16xi32>
      %add3A_998 = arith.addi %mul3A_991, %add3A_997 : vector<16xi32>
      %gather3A_999 = tpu.vector_load_idx %arg8[%add3A_998] : memref<20480xi32, #tpu.memory_space<vmem>>[vector<16xi32>], vector<16xi32>,
      tpu.vector_store_idx %arg9[%add3A_988, %gather3A_999], %broadcast_in_dim3A_8 : memref<40x1280xf32, #tpu.memory_space<vmem>>[vector<16xi32>, vector<16xi32>], vector<16xf32>,
      %add3A_1000 = arith.constant 2 : i32
      %add3A_1001 = vector.broadcast %add3A_1000 : i32 to vector<16xi32>
      %add3A_1002 = arith.addi %mul3A_991, %add3A_1001 : vector<16xi32>
      %gather3A_1003 = tpu.vector_load_idx %arg8[%add3A_1002] : memref<20480xi32, #tpu.memory_space<vmem>>[vector<16xi32>], vector<16xi32>,
      tpu.vector_store_idx %arg9[%add3A_988, %gather3A_1003], %broadcast_in_dim3A_8 : memref<40x1280xf32, #tpu.memory_space<vmem>>[vector<16xi32>, vector<16xi32>], vector<16xf32>,
      %add3A_1004 = arith.constant 3 : i32
      %add3A_1005 = vector.broadcast %add3A_1004 : i32 to vector<16xi32>
      %add3A_1006 = arith.addi %mul3A_991, %add3A_1005 : vector<16xi32>
      %gather3A_1007 = tpu.vector_load_idx %arg8[%add3A_1006] : memref<20480xi32, #tpu.memory_space<vmem>>[vector<16xi32>], vector<16xi32>,
      tpu.vector_store_idx %arg9[%add3A_988, %gather3A_1007], %broadcast_in_dim3A_8 : memref<40x1280xf32, #tpu.memory_space<vmem>>[vector<16xi32>, vector<16xi32>], vector<16xf32>,
      %add3A_1008 = arith.constant 4 : i32
      %add3A_1009 = vector.broadcast %add3A_1008 : i32 to vector<16xi32>
      %add3A_1010 = arith.addi %mul3A_991, %add3A_1009 : vector<16xi32>
      %gather3A_1011 = tpu.vector_load_idx %arg8[%add3A_1010] : memref<20480xi32, #tpu.memory_space<vmem>>[vector<16xi32>], vector<16xi32>,
      tpu.vector_store_idx %arg9[%add3A_988, %gather3A_1011], %broadcast_in_dim3A_8 : memref<40x1280xf32, #tpu.memory_space<vmem>>[vector<16xi32>, vector<16xi32>], vector<16xf32>,
      %add3A_1012 = arith.constant 5 : i32
      %add3A_1013 = vector.broadcast %add3A_1012 : i32 to vector<16xi32>
      %add3A_1014 = arith.addi %mul3A_991, %add3A_1013 : vector<16xi32>
      %gather3A_1015 = tpu.vector_load_idx %arg8[%add3A_1014] : memref<20480xi32, #tpu.memory_space<vmem>>[vector<16xi32>], vector<16xi32>,
      tpu.vector_store_idx %arg9[%add3A_988, %gather3A_1015], %broadcast_in_dim3A_8 : memref<40x1280xf32, #tpu.memory_space<vmem>>[vector<16xi32>, vector<16xi32>], vector<16xf32>,
      %add3A_1016 = arith.constant 6 : i32
      %add3A_1017 = vector.broadcast %add3A_1016 : i32 to vector<16xi32>
      %add3A_1018 = arith.addi %mul3A_991, %add3A_1017 : vector<16xi32>
      %gather3A_1019 = tpu.vector_load_idx %arg8[%add3A_1018] : memref<20480xi32, #tpu.memory_space<vmem>>[vector<16xi32>], vector<16xi32>,
      tpu.vector_store_idx %arg9[%add3A_988, %gather3A_1019], %broadcast_in_dim3A_8 : memref<40x1280xf32, #tpu.memory_space<vmem>>[vector<16xi32>, vector<16xi32>], vector<16xf32>,
      %add3A_1020 = arith.constant 7 : i32
      %add3A_1021 = vector.broadcast %add3A_1020 : i32 to vector<16xi32>
      %add3A_1022 = arith.addi %mul3A_991, %add3A_1021 : vector<16xi32>
      %gather3A_1023 = tpu.vector_load_idx %arg8[%add3A_1022] : memref<20480xi32, #tpu.memory_space<vmem>>[vector<16xi32>], vector<16xi32>,
      tpu.vector_store_idx %arg9[%add3A_988, %gather3A_1023], %broadcast_in_dim3A_8 : memref<40x1280xf32, #tpu.memory_space<vmem>>[vector<16xi32>, vector<16xi32>], vector<16xf32>,
      %add3A_1024 = arith.constant 8 : i32
      %add3A_1025 = vector.broadcast %add3A_1024 : i32 to vector<16xi32>
      %add3A_1026 = arith.addi %mul3A_991, %add3A_1025 : vector<16xi32>
      %gather3A_1027 = tpu.vector_load_idx %arg8[%add3A_1026] : memref<20480xi32, #tpu.memory_space<vmem>>[vector<16xi32>], vector<16xi32>,
      tpu.vector_store_idx %arg9[%add3A_988, %gather3A_1027], %broadcast_in_dim3A_8 : memref<40x1280xf32, #tpu.memory_space<vmem>>[vector<16xi32>, vector<16xi32>], vector<16xf32>,
      %add3A_1028 = arith.constant 9 : i32
      %add3A_1029 = vector.broadcast %add3A_1028 : i32 to vector<16xi32>
      %add3A_1030 = arith.addi %mul3A_991, %add3A_1029 : vector<16xi32>
      %gather3A_1031 = tpu.vector_load_idx %arg8[%add3A_1030] : memref<20480xi32, #tpu.memory_space<vmem>>[vector<16xi32>], vector<16xi32>,
      tpu.vector_store_idx %arg9[%add3A_988, %gather3A_1031], %broadcast_in_dim3A_8 : memref<40x1280xf32, #tpu.memory_space<vmem>>[vector<16xi32>, vector<16xi32>], vector<16xf32>,
      %add3A_1032 = arith.constant 10 : i32
      %add3A_1033 = vector.broadcast %add3A_1032 : i32 to vector<16xi32>
      %add3A_1034 = arith.addi %mul3A_991, %add3A_1033 : vector<16xi32>
      %gather3A_1035 = tpu.vector_load_idx %arg8[%add3A_1034] : memref<20480xi32, #tpu.memory_space<vmem>>[vector<16xi32>], vector<16xi32>,
      tpu.vector_store_idx %arg9[%add3A_988, %gather3A_1035], %broadcast_in_dim3A_8 : memref<40x1280xf32, #tpu.memory_space<vmem>>[vector<16xi32>, vector<16xi32>], vector<16xf32>,
      %add3A_1036 = arith.constant 11 : i32
      %add3A_1037 = vector.broadcast %add3A_1036 : i32 to vector<16xi32>
      %add3A_1038 = arith.addi %mul3A_991, %add3A_1037 : vector<16xi32>
      %gather3A_1039 = tpu.vector_load_idx %arg8[%add3A_1038] : memref<20480xi32, #tpu.memory_space<vmem>>[vector<16xi32>], vector<16xi32>,
      tpu.vector_store_idx %arg9[%add3A_988, %gather3A_1039], %broadcast_in_dim3A_8 : memref<40x1280xf32, #tpu.memory_space<vmem>>[vector<16xi32>, vector<16xi32>], vector<16xf32>,
      %add3A_1040 = arith.constant 12 : i32
      %add3A_1041 = vector.broadcast %add3A_1040 : i32 to vector<16xi32>
      %add3A_1042 = arith.addi %mul3A_991, %add3A_1041 : vector<16xi32>
      %gather3A_1043 = tpu.vector_load_idx %arg8[%add3A_1042] : memref<20480xi32, #tpu.memory_space<vmem>>[vector<16xi32>], vector<16xi32>,
      tpu.vector_store_idx %arg9[%add3A_988, %gather3A_1043], %broadcast_in_dim3A_8 : memref<40x1280xf32, #tpu.memory_space<vmem>>[vector<16xi32>, vector<16xi32>], vector<16xf32>,
      %add3A_1044 = arith.constant 13 : i32
      %add3A_1045 = vector.broadcast %add3A_1044 : i32 to vector<16xi32>
      %add3A_1046 = arith.addi %mul3A_991, %add3A_1045 : vector<16xi32>
      %gather3A_1047 = tpu.vector_load_idx %arg8[%add3A_1046] : memref<20480xi32, #tpu.memory_space<vmem>>[vector<16xi32>], vector<16xi32>,
      tpu.vector_store_idx %arg9[%add3A_988, %gather3A_1047], %broadcast_in_dim3A_8 : memref<40x1280xf32, #tpu.memory_space<vmem>>[vector<16xi32>, vector<16xi32>], vector<16xf32>,
      %add3A_1048 = arith.constant 14 : i32
      %add3A_1049 = vector.broadcast %add3A_1048 : i32 to vector<16xi32>
      %add3A_1050 = arith.addi %mul3A_991, %add3A_1049 : vector<16xi32>
      %gather3A_1051 = tpu.vector_load_idx %arg8[%add3A_1050] : memref<20480xi32, #tpu.memory_space<vmem>>[vector<16xi32>], vector<16xi32>,
      tpu.vector_store_idx %arg9[%add3A_988, %gather3A_1051], %broadcast_in_dim3A_8 : memref<40x1280xf32, #tpu.memory_space<vmem>>[vector<16xi32>, vector<16xi32>], vector<16xf32>,
      %add3A_1052 = arith.constant 15 : i32
      %add3A_1053 = vector.broadcast %add3A_1052 : i32 to vector<16xi32>
      %add3A_1054 = arith.addi %mul3A_991, %add3A_1053 : vector<16xi32>
      %gather3A_1055 = tpu.vector_load_idx %arg8[%add3A_1054] : memref<20480xi32, #tpu.memory_space<vmem>>[vector<16xi32>], vector<16xi32>,
      tpu.vector_store_idx %arg9[%add3A_988, %gather3A_1055], %broadcast_in_dim3A_8 : memref<40x1280xf32, #tpu.memory_space<vmem>>[vector<16xi32>, vector<16xi32>], vector<16xf32>,
    }
    %scan3A_19 = arith.constant 20 : i32
    %mul3A_20 = arith.constant 40 : i32
    %mul3A_21 = arith.muli %add3A, %mul3A_20 : i32
    "tpu.region"() ({
      %run_scoped3A = tpu.sem_alloc : memref<!tpu.dma_semaphore, #tpu.memory_space<semaphore_mem>>
      %dma_start3A_22 = arith.constant 0 : i32
      %dma_start3A_23 = tpu.memref_slice %arg5[%mul3A_21, %dma_start3A_22] : memref<1280x1280xf32, #tpu.memory_space<hbm>> -> memref<40x1280xf32, #tpu.memory_space<hbm>>
      %dma_start3A_24 = arith.constant 0 : i32
      %dma_start3A_25 = tpu.memref_slice %arg5[%mul3A_21, %dma_start3A_24] : memref<1280x1280xf32, #tpu.memory_space<hbm>> -> memref<40x1280xf32, #tpu.memory_space<hbm>>
      tpu.enqueue_dma source(%arg9 : memref<40x1280xf32, #tpu.memory_space<vmem>>) target(%dma_start3A_25 : memref<40x1280xf32, #tpu.memory_space<hbm>>) target_semaphore(%run_scoped3A : memref<!tpu.dma_semaphore, #tpu.memory_space<semaphore_mem>>)
      %dma_wait3A_26 = arith.constant 0 : i32
      %dma_wait3A_27 = tpu.memref_slice %arg5[%mul3A_21, %dma_wait3A_26] : memref<1280x1280xf32, #tpu.memory_space<hbm>> -> memref<40x1280xf32, #tpu.memory_space<hbm>>
      %dma_wait3A_28 = arith.constant 0 : i32
      %dma_wait3A_29 = tpu.memref_slice %arg5[%mul3A_21, %dma_wait3A_28] : memref<1280x1280xf32, #tpu.memory_space<hbm>> -> memref<40x1280xf32, #tpu.memory_space<hbm>>
      tpu.wait_dma2 semaphore(%run_scoped3A : memref<!tpu.dma_semaphore, #tpu.memory_space<semaphore_mem>>) src(%arg9 : memref<40x1280xf32, #tpu.memory_space<vmem>>) dst(%dma_wait3A_29 : memref<40x1280xf32, #tpu.memory_space<hbm>>)
      tpu.yield
    }) : () -> ()
    return
  }
}

module attributes {stable_mosaic.version = 14 : i64} {
  func.func @_prep_body(%arg0: memref<1x128x20x64xf32, #tpu.memory_space<vmem>>, %arg1: memref<1x1280x128xf32, #tpu.memory_space<vmem>>, %arg2: memref<128x128xf32, #tpu.memory_space<vmem>>, %arg3: memref<128x128xf32, #tpu.memory_space<vmem>>, %arg4: memref<128x128xf32, #tpu.memory_space<vmem>>, %arg5: memref<128x128xf32, #tpu.memory_space<vmem>>, %arg6: memref<1280x128xf32, #tpu.memory_space<vmem>>, %arg7: memref<20x64x128xf32, #tpu.memory_space<vmem>>, %arg8: memref<20x64xf32, #tpu.memory_space<vmem>>, %arg9: memref<20x64xi32, #tpu.memory_space<vmem>>, %arg10: memref<1280x128xf32, #tpu.memory_space<vmem>>, %arg11: memref<1280x128xf32, #tpu.memory_space<vmem>>, %arg12: memref<5120x128xf32, #tpu.memory_space<vmem>>) attributes {dimension_semantics = [], scalar_prefetch = 0 : i64, scratch_operands = 0 : i64, tpu.core_type = #tpu.core_type<tc>} {
    %get3A = arith.constant 0 : index
    %get3A_0 = arith.constant 0 : index
    %get3A_1 = arith.constant 0 : index
    %get3A_2 = arith.constant 0 : index
    %get3A_3 = vector.load %arg0[%get3A, %get3A_0, %get3A_1, %get3A_2] : memref<1x128x20x64xf32, #tpu.memory_space<vmem>>, vector<1x128x20x64xf32>
    %slice3A = vector.extract_strided_slice %get3A_3 {offsets = [0, 0, 0, 0], sizes = [1, 128, 1, 64], strides = [1, 1, 1, 1]} : vector<1x128x20x64xf32> to vector<1x128x1x64xf32>
    %squeeze3A = vector.shape_cast %slice3A : vector<1x128x1x64xf32> to vector<128x64xf32>
    %slice3A_4 = vector.extract_strided_slice %get3A_3 {offsets = [0, 0, 1, 0], sizes = [1, 128, 1, 64], strides = [1, 1, 1, 1]} : vector<1x128x20x64xf32> to vector<1x128x1x64xf32>
    %squeeze3A_5 = vector.shape_cast %slice3A_4 : vector<1x128x1x64xf32> to vector<128x64xf32>
    %slice3A_6 = vector.extract_strided_slice %get3A_3 {offsets = [0, 0, 2, 0], sizes = [1, 128, 1, 64], strides = [1, 1, 1, 1]} : vector<1x128x20x64xf32> to vector<1x128x1x64xf32>
    %squeeze3A_7 = vector.shape_cast %slice3A_6 : vector<1x128x1x64xf32> to vector<128x64xf32>
    %slice3A_8 = vector.extract_strided_slice %get3A_3 {offsets = [0, 0, 3, 0], sizes = [1, 128, 1, 64], strides = [1, 1, 1, 1]} : vector<1x128x20x64xf32> to vector<1x128x1x64xf32>
    %squeeze3A_9 = vector.shape_cast %slice3A_8 : vector<1x128x1x64xf32> to vector<128x64xf32>
    %slice3A_10 = vector.extract_strided_slice %get3A_3 {offsets = [0, 0, 4, 0], sizes = [1, 128, 1, 64], strides = [1, 1, 1, 1]} : vector<1x128x20x64xf32> to vector<1x128x1x64xf32>
    %squeeze3A_11 = vector.shape_cast %slice3A_10 : vector<1x128x1x64xf32> to vector<128x64xf32>
    %slice3A_12 = vector.extract_strided_slice %get3A_3 {offsets = [0, 0, 5, 0], sizes = [1, 128, 1, 64], strides = [1, 1, 1, 1]} : vector<1x128x20x64xf32> to vector<1x128x1x64xf32>
    %squeeze3A_13 = vector.shape_cast %slice3A_12 : vector<1x128x1x64xf32> to vector<128x64xf32>
    %slice3A_14 = vector.extract_strided_slice %get3A_3 {offsets = [0, 0, 6, 0], sizes = [1, 128, 1, 64], strides = [1, 1, 1, 1]} : vector<1x128x20x64xf32> to vector<1x128x1x64xf32>
    %squeeze3A_15 = vector.shape_cast %slice3A_14 : vector<1x128x1x64xf32> to vector<128x64xf32>
    %slice3A_16 = vector.extract_strided_slice %get3A_3 {offsets = [0, 0, 7, 0], sizes = [1, 128, 1, 64], strides = [1, 1, 1, 1]} : vector<1x128x20x64xf32> to vector<1x128x1x64xf32>
    %squeeze3A_17 = vector.shape_cast %slice3A_16 : vector<1x128x1x64xf32> to vector<128x64xf32>
    %slice3A_18 = vector.extract_strided_slice %get3A_3 {offsets = [0, 0, 8, 0], sizes = [1, 128, 1, 64], strides = [1, 1, 1, 1]} : vector<1x128x20x64xf32> to vector<1x128x1x64xf32>
    %squeeze3A_19 = vector.shape_cast %slice3A_18 : vector<1x128x1x64xf32> to vector<128x64xf32>
    %slice3A_20 = vector.extract_strided_slice %get3A_3 {offsets = [0, 0, 9, 0], sizes = [1, 128, 1, 64], strides = [1, 1, 1, 1]} : vector<1x128x20x64xf32> to vector<1x128x1x64xf32>
    %squeeze3A_21 = vector.shape_cast %slice3A_20 : vector<1x128x1x64xf32> to vector<128x64xf32>
    %slice3A_22 = vector.extract_strided_slice %get3A_3 {offsets = [0, 0, 10, 0], sizes = [1, 128, 1, 64], strides = [1, 1, 1, 1]} : vector<1x128x20x64xf32> to vector<1x128x1x64xf32>
    %squeeze3A_23 = vector.shape_cast %slice3A_22 : vector<1x128x1x64xf32> to vector<128x64xf32>
    %slice3A_24 = vector.extract_strided_slice %get3A_3 {offsets = [0, 0, 11, 0], sizes = [1, 128, 1, 64], strides = [1, 1, 1, 1]} : vector<1x128x20x64xf32> to vector<1x128x1x64xf32>
    %squeeze3A_25 = vector.shape_cast %slice3A_24 : vector<1x128x1x64xf32> to vector<128x64xf32>
    %slice3A_26 = vector.extract_strided_slice %get3A_3 {offsets = [0, 0, 12, 0], sizes = [1, 128, 1, 64], strides = [1, 1, 1, 1]} : vector<1x128x20x64xf32> to vector<1x128x1x64xf32>
    %squeeze3A_27 = vector.shape_cast %slice3A_26 : vector<1x128x1x64xf32> to vector<128x64xf32>
    %slice3A_28 = vector.extract_strided_slice %get3A_3 {offsets = [0, 0, 13, 0], sizes = [1, 128, 1, 64], strides = [1, 1, 1, 1]} : vector<1x128x20x64xf32> to vector<1x128x1x64xf32>
    %squeeze3A_29 = vector.shape_cast %slice3A_28 : vector<1x128x1x64xf32> to vector<128x64xf32>
    %slice3A_30 = vector.extract_strided_slice %get3A_3 {offsets = [0, 0, 14, 0], sizes = [1, 128, 1, 64], strides = [1, 1, 1, 1]} : vector<1x128x20x64xf32> to vector<1x128x1x64xf32>
    %squeeze3A_31 = vector.shape_cast %slice3A_30 : vector<1x128x1x64xf32> to vector<128x64xf32>
    %slice3A_32 = vector.extract_strided_slice %get3A_3 {offsets = [0, 0, 15, 0], sizes = [1, 128, 1, 64], strides = [1, 1, 1, 1]} : vector<1x128x20x64xf32> to vector<1x128x1x64xf32>
    %squeeze3A_33 = vector.shape_cast %slice3A_32 : vector<1x128x1x64xf32> to vector<128x64xf32>
    %slice3A_34 = vector.extract_strided_slice %get3A_3 {offsets = [0, 0, 16, 0], sizes = [1, 128, 1, 64], strides = [1, 1, 1, 1]} : vector<1x128x20x64xf32> to vector<1x128x1x64xf32>
    %squeeze3A_35 = vector.shape_cast %slice3A_34 : vector<1x128x1x64xf32> to vector<128x64xf32>
    %slice3A_36 = vector.extract_strided_slice %get3A_3 {offsets = [0, 0, 17, 0], sizes = [1, 128, 1, 64], strides = [1, 1, 1, 1]} : vector<1x128x20x64xf32> to vector<1x128x1x64xf32>
    %squeeze3A_37 = vector.shape_cast %slice3A_36 : vector<1x128x1x64xf32> to vector<128x64xf32>
    %slice3A_38 = vector.extract_strided_slice %get3A_3 {offsets = [0, 0, 18, 0], sizes = [1, 128, 1, 64], strides = [1, 1, 1, 1]} : vector<1x128x20x64xf32> to vector<1x128x1x64xf32>
    %squeeze3A_39 = vector.shape_cast %slice3A_38 : vector<1x128x1x64xf32> to vector<128x64xf32>
    %slice3A_40 = vector.extract_strided_slice %get3A_3 {offsets = [0, 0, 19, 0], sizes = [1, 128, 1, 64], strides = [1, 1, 1, 1]} : vector<1x128x20x64xf32> to vector<1x128x1x64xf32>
    %squeeze3A_41 = vector.shape_cast %slice3A_40 : vector<1x128x1x64xf32> to vector<128x64xf32>
    %concatenate3A = tpu.concatenate %squeeze3A, %squeeze3A_5, %squeeze3A_7, %squeeze3A_9, %squeeze3A_11, %squeeze3A_13, %squeeze3A_15, %squeeze3A_17, %squeeze3A_19, %squeeze3A_21, %squeeze3A_23, %squeeze3A_25, %squeeze3A_27, %squeeze3A_29, %squeeze3A_31, %squeeze3A_33, %squeeze3A_35, %squeeze3A_37, %squeeze3A_39, %squeeze3A_41 in 1 : vector<128x64xf32>, vector<128x64xf32>, vector<128x64xf32>, vector<128x64xf32>, vector<128x64xf32>, vector<128x64xf32>, vector<128x64xf32>, vector<128x64xf32>, vector<128x64xf32>, vector<128x64xf32>, vector<128x64xf32>, vector<128x64xf32>, vector<128x64xf32>, vector<128x64xf32>, vector<128x64xf32>, vector<128x64xf32>, vector<128x64xf32>, vector<128x64xf32>, vector<128x64xf32>, vector<128x64xf32> -> vector<128x1280xf32>
    %transpose3A = tpu.transpose %concatenate3A, [1, 0] : vector<128x1280xf32> -> vector<1280x128xf32>
    %get3A_42 = arith.constant 0 : index
    %get3A_43 = arith.constant 0 : index
    %get3A_44 = arith.constant 0 : index
    %get3A_45 = vector.load %arg1[%get3A_42, %get3A_43, %get3A_44] : memref<1x1280x128xf32, #tpu.memory_space<vmem>>, vector<1x1280x128xf32>
    %get3A_46 = vector.shape_cast %get3A_45 : vector<1x1280x128xf32> to vector<1280x128xf32>
    %mul3A = arith.mulf %transpose3A, %transpose3A : vector<1280x128xf32>
    %reduce_sum3A = arith.constant dense<0.000000e+00> : vector<1280xf32>
    %reduce_sum3A_47 = vector.multi_reduction <add>, %mul3A, %reduce_sum3A [1] : vector<1280x128xf32> to vector<1280xf32>
    %broadcast_in_dim3A = vector.shape_cast %reduce_sum3A_47 : vector<1280xf32> to vector<1280x1xf32>
    %sqrt3A = math.sqrt %broadcast_in_dim3A : vector<1280x1xf32>
    %add3A = arith.constant 9.99999996E-13 : f32
    %add3A_48 = vector.broadcast %add3A : f32 to vector<1280x1xf32>
    %add3A_49 = arith.addf %sqrt3A, %add3A_48 : vector<1280x1xf32>
    %div3A = vector.broadcast %add3A_49 : vector<1280x1xf32> to vector<1280x128xf32>
    %div3A_50 = arith.divf %transpose3A, %div3A : vector<1280x128xf32>
    %mul3A_51 = arith.mulf %get3A_46, %get3A_46 : vector<1280x128xf32>
    %reduce_sum3A_52 = arith.constant dense<0.000000e+00> : vector<1280xf32>
    %reduce_sum3A_53 = vector.multi_reduction <add>, %mul3A_51, %reduce_sum3A_52 [1] : vector<1280x128xf32> to vector<1280xf32>
    %broadcast_in_dim3A_54 = vector.shape_cast %reduce_sum3A_53 : vector<1280xf32> to vector<1280x1xf32>
    %sqrt3A_55 = math.sqrt %broadcast_in_dim3A_54 : vector<1280x1xf32>
    %add3A_56 = arith.constant 9.99999996E-13 : f32
    %add3A_57 = vector.broadcast %add3A_56 : f32 to vector<1280x1xf32>
    %add3A_58 = arith.addf %sqrt3A_55, %add3A_57 : vector<1280x1xf32>
    %div3A_59 = vector.broadcast %add3A_58 : vector<1280x1xf32> to vector<1280x128xf32>
    %div3A_60 = arith.divf %get3A_46, %div3A_59 : vector<1280x128xf32>
    %dot_general3A = arith.constant dense<0.000000e+00> : vector<1280x1280xf32>
    %dot_general3A_61 = tpu.matmul %div3A_50, %div3A_60, %dot_general3A {dimension_numbers = #tpu.dot_dimension_numbers<[1], [1], [0], [0], [0, 0, 1, 0], [], []>, transpose_lhs_hint = false} : vector<1280x128xf32>, vector<1280x128xf32>, vector<1280x1280xf32> -> vector<1280x1280xf32>
    %reshape3A = vector.shape_cast %dot_general3A_61 : vector<1280x1280xf32> to vector<20x64x1280xf32>
    %reduce_max3A = arith.constant dense<0xFF800000> : vector<20x64xf32>
    %reduce_max3A_62 = vector.multi_reduction <maximumf>, %reshape3A, %reduce_max3A [2] : vector<20x64x1280xf32> to vector<20x64xf32>
    %broadcast_in_dim3A_63 = vector.shape_cast %reduce_max3A_62 : vector<20x64xf32> to vector<20x64x1xf32>
    %iota3A = tpu.iota {dimensions = array<i32: 2>} : vector<20x64x1280xi32>
    %eq3A = vector.broadcast %broadcast_in_dim3A_63 : vector<20x64x1xf32> to vector<20x64x1280xf32>
    %eq3A_64 = arith.cmpf oeq, %reshape3A, %eq3A : vector<20x64x1280xf32>
    %jit3A = arith.constant 1280 : i32
    %broadcast_in_dim3A_65 = vector.broadcast %jit3A : i32 to vector<20x64x1280xi32>
    %select_n3A = arith.select %eq3A_64, %iota3A, %broadcast_in_dim3A_65 : vector<20x64x1280xi1>, vector<20x64x1280xi32>
    %reduce_min3A = arith.constant dense<2147483647> : vector<20x64xi32>
    %reduce_min3A_66 = vector.multi_reduction <minsi>, %select_n3A, %reduce_min3A [2] : vector<20x64x1280xi32> to vector<20x64xi32>
    %swap3A = arith.constant 0 : index
    %swap3A_67 = arith.constant 0 : index
    %swap3A_68 = vector.load %arg6[%swap3A, %swap3A_67] : memref<1280x128xf32, #tpu.memory_space<vmem>>, vector<1280x128xf32>
    tpu.vector_store %arg6[%swap3A, %swap3A_67], %transpose3A {strides = array<i32>} : memref<1280x128xf32, #tpu.memory_space<vmem>>, vector<1280x128xf32>,
    %reshape3A_69 = vector.shape_cast %div3A_50 : vector<1280x128xf32> to vector<20x64x128xf32>
    %swap3A_70 = arith.constant 0 : index
    %swap3A_71 = arith.constant 0 : index
    %swap3A_72 = arith.constant 0 : index
    %swap3A_73 = vector.load %arg7[%swap3A_70, %swap3A_71, %swap3A_72] : memref<20x64x128xf32, #tpu.memory_space<vmem>>, vector<20x64x128xf32>
    tpu.vector_store %arg7[%swap3A_70, %swap3A_71, %swap3A_72], %reshape3A_69 {strides = array<i32>} : memref<20x64x128xf32, #tpu.memory_space<vmem>>, vector<20x64x128xf32>,
    %squeeze3A_74 = vector.shape_cast %broadcast_in_dim3A_63 : vector<20x64x1xf32> to vector<20x64xf32>
    %swap3A_75 = arith.constant 0 : index
    %swap3A_76 = arith.constant 0 : index
    %swap3A_77 = vector.load %arg8[%swap3A_75, %swap3A_76] : memref<20x64xf32, #tpu.memory_space<vmem>>, vector<20x64xf32>
    tpu.vector_store %arg8[%swap3A_75, %swap3A_76], %squeeze3A_74 {strides = array<i32>} : memref<20x64xf32, #tpu.memory_space<vmem>>, vector<20x64xf32>,
    %swap3A_78 = arith.constant 0 : index
    %swap3A_79 = arith.constant 0 : index
    %swap3A_80 = vector.load %arg9[%swap3A_78, %swap3A_79] : memref<20x64xi32, #tpu.memory_space<vmem>>, vector<20x64xi32>
    tpu.vector_store %arg9[%swap3A_78, %swap3A_79], %reduce_min3A_66 {strides = array<i32>} : memref<20x64xi32, #tpu.memory_space<vmem>>, vector<20x64xi32>,
    %get3A_81 = arith.constant 0 : index
    %get3A_82 = arith.constant 0 : index
    %get3A_83 = vector.load %arg2[%get3A_81, %get3A_82] : memref<128x128xf32, #tpu.memory_space<vmem>>, vector<128x128xf32>
    %dot_general3A_84 = arith.constant dense<0.000000e+00> : vector<1280x128xf32>
    %dot_general3A_85 = tpu.matmul %transpose3A, %get3A_83, %dot_general3A_84 {dimension_numbers = #tpu.dot_dimension_numbers<[1], [0], [0], [1], [0, 0, 1, 1], [], []>, transpose_lhs_hint = false} : vector<1280x128xf32>, vector<128x128xf32>, vector<1280x128xf32> -> vector<1280x128xf32>
    %mul3A_86 = arith.constant 0.176776692 : f32
    %mul3A_87 = vector.broadcast %mul3A_86 : f32 to vector<1280x128xf32>
    %mul3A_88 = arith.mulf %dot_general3A_85, %mul3A_87 : vector<1280x128xf32>
    %swap3A_89 = arith.constant 0 : index
    %swap3A_90 = arith.constant 0 : index
    %swap3A_91 = vector.load %arg10[%swap3A_89, %swap3A_90] : memref<1280x128xf32, #tpu.memory_space<vmem>>, vector<1280x128xf32>
    tpu.vector_store %arg10[%swap3A_89, %swap3A_90], %mul3A_88 {strides = array<i32>} : memref<1280x128xf32, #tpu.memory_space<vmem>>, vector<1280x128xf32>,
    %get3A_92 = arith.constant 0 : index
    %get3A_93 = arith.constant 0 : index
    %get3A_94 = vector.load %arg3[%get3A_92, %get3A_93] : memref<128x128xf32, #tpu.memory_space<vmem>>, vector<128x128xf32>
    %dot_general3A_95 = arith.constant dense<0.000000e+00> : vector<1280x128xf32>
    %dot_general3A_96 = tpu.matmul %get3A_46, %get3A_94, %dot_general3A_95 {dimension_numbers = #tpu.dot_dimension_numbers<[1], [0], [0], [1], [0, 0, 1, 1], [], []>, transpose_lhs_hint = false} : vector<1280x128xf32>, vector<128x128xf32>, vector<1280x128xf32> -> vector<1280x128xf32>
    %swap3A_97 = arith.constant 0 : index
    %swap3A_98 = arith.constant 0 : index
    %swap3A_99 = vector.load %arg11[%swap3A_97, %swap3A_98] : memref<1280x128xf32, #tpu.memory_space<vmem>>, vector<1280x128xf32>
    tpu.vector_store %arg11[%swap3A_97, %swap3A_98], %dot_general3A_96 {strides = array<i32>} : memref<1280x128xf32, #tpu.memory_space<vmem>>, vector<1280x128xf32>,
    %get3A_100 = arith.constant 0 : index
    %get3A_101 = arith.constant 0 : index
    %get3A_102 = vector.load %arg4[%get3A_100, %get3A_101] : memref<128x128xf32, #tpu.memory_space<vmem>>, vector<128x128xf32>
    %dot_general3A_103 = arith.constant dense<0.000000e+00> : vector<1280x128xf32>
    %dot_general3A_104 = tpu.matmul %get3A_46, %get3A_102, %dot_general3A_103 {dimension_numbers = #tpu.dot_dimension_numbers<[1], [0], [0], [1], [0, 0, 1, 1], [], []>, transpose_lhs_hint = false} : vector<1280x128xf32>, vector<128x128xf32>, vector<1280x128xf32> -> vector<1280x128xf32>
    %slice3A_105 = vector.extract_strided_slice %dot_general3A_104 {offsets = [0, 0], sizes = [1280, 32], strides = [1, 1]} : vector<1280x128xf32> to vector<1280x32xf32>
    %get3A_106 = arith.constant 0 : index
    %get3A_107 = arith.constant 0 : index
    %get3A_108 = vector.load %arg5[%get3A_106, %get3A_107] : memref<128x128xf32, #tpu.memory_space<vmem>>, vector<32x128xf32>
    %dot_general3A_109 = arith.constant dense<0.000000e+00> : vector<1280x128xf32>
    %dot_general3A_110 = tpu.matmul %slice3A_105, %get3A_108, %dot_general3A_109 {dimension_numbers = #tpu.dot_dimension_numbers<[1], [0], [0], [1], [0, 0, 1, 1], [], []>, transpose_lhs_hint = false} : vector<1280x32xf32>, vector<32x128xf32>, vector<1280x128xf32> -> vector<1280x128xf32>
    %swap3A_111 = arith.constant 0 : index
    %swap3A_112 = arith.constant 0 : index
    %swap3A_113 = vector.load %arg12[%swap3A_111, %swap3A_112] : memref<5120x128xf32, #tpu.memory_space<vmem>>, vector<1280x128xf32>
    tpu.vector_store %arg12[%swap3A_111, %swap3A_112], %dot_general3A_110 {strides = array<i32>} : memref<5120x128xf32, #tpu.memory_space<vmem>>, vector<1280x128xf32>,
    %slice3A_114 = vector.extract_strided_slice %dot_general3A_104 {offsets = [0, 32], sizes = [1280, 32], strides = [1, 1]} : vector<1280x128xf32> to vector<1280x32xf32>
    %get3A_115 = arith.constant 32 : index
    %get3A_116 = arith.constant 0 : index
    %get3A_117 = vector.load %arg5[%get3A_115, %get3A_116] : memref<128x128xf32, #tpu.memory_space<vmem>>, vector<32x128xf32>
    %dot_general3A_118 = arith.constant dense<0.000000e+00> : vector<1280x128xf32>
    %dot_general3A_119 = tpu.matmul %slice3A_114, %get3A_117, %dot_general3A_118 {dimension_numbers = #tpu.dot_dimension_numbers<[1], [0], [0], [1], [0, 0, 1, 1], [], []>, transpose_lhs_hint = false} : vector<1280x32xf32>, vector<32x128xf32>, vector<1280x128xf32> -> vector<1280x128xf32>
    %swap3A_120 = arith.constant 1280 : index
    %swap3A_121 = arith.constant 0 : index
    %swap3A_122 = vector.load %arg12[%swap3A_120, %swap3A_121] : memref<5120x128xf32, #tpu.memory_space<vmem>>, vector<1280x128xf32>
    tpu.vector_store %arg12[%swap3A_120, %swap3A_121], %dot_general3A_119 {strides = array<i32>} : memref<5120x128xf32, #tpu.memory_space<vmem>>, vector<1280x128xf32>,
    %slice3A_123 = vector.extract_strided_slice %dot_general3A_104 {offsets = [0, 64], sizes = [1280, 32], strides = [1, 1]} : vector<1280x128xf32> to vector<1280x32xf32>
    %get3A_124 = arith.constant 64 : index
    %get3A_125 = arith.constant 0 : index
    %get3A_126 = vector.load %arg5[%get3A_124, %get3A_125] : memref<128x128xf32, #tpu.memory_space<vmem>>, vector<32x128xf32>
    %dot_general3A_127 = arith.constant dense<0.000000e+00> : vector<1280x128xf32>
    %dot_general3A_128 = tpu.matmul %slice3A_123, %get3A_126, %dot_general3A_127 {dimension_numbers = #tpu.dot_dimension_numbers<[1], [0], [0], [1], [0, 0, 1, 1], [], []>, transpose_lhs_hint = false} : vector<1280x32xf32>, vector<32x128xf32>, vector<1280x128xf32> -> vector<1280x128xf32>
    %swap3A_129 = arith.constant 2560 : index
    %swap3A_130 = arith.constant 0 : index
    %swap3A_131 = vector.load %arg12[%swap3A_129, %swap3A_130] : memref<5120x128xf32, #tpu.memory_space<vmem>>, vector<1280x128xf32>
    tpu.vector_store %arg12[%swap3A_129, %swap3A_130], %dot_general3A_128 {strides = array<i32>} : memref<5120x128xf32, #tpu.memory_space<vmem>>, vector<1280x128xf32>,
    %slice3A_132 = vector.extract_strided_slice %dot_general3A_104 {offsets = [0, 96], sizes = [1280, 32], strides = [1, 1]} : vector<1280x128xf32> to vector<1280x32xf32>
    %get3A_133 = arith.constant 96 : index
    %get3A_134 = arith.constant 0 : index
    %get3A_135 = vector.load %arg5[%get3A_133, %get3A_134] : memref<128x128xf32, #tpu.memory_space<vmem>>, vector<32x128xf32>
    %dot_general3A_136 = arith.constant dense<0.000000e+00> : vector<1280x128xf32>
    %dot_general3A_137 = tpu.matmul %slice3A_132, %get3A_135, %dot_general3A_136 {dimension_numbers = #tpu.dot_dimension_numbers<[1], [0], [0], [1], [0, 0, 1, 1], [], []>, transpose_lhs_hint = false} : vector<1280x32xf32>, vector<32x128xf32>, vector<1280x128xf32> -> vector<1280x128xf32>
    %swap3A_138 = arith.constant 3840 : index
    %swap3A_139 = arith.constant 0 : index
    %swap3A_140 = vector.load %arg12[%swap3A_138, %swap3A_139] : memref<5120x128xf32, #tpu.memory_space<vmem>>, vector<1280x128xf32>
    tpu.vector_store %arg12[%swap3A_138, %swap3A_139], %dot_general3A_137 {strides = array<i32>} : memref<5120x128xf32, #tpu.memory_space<vmem>>, vector<1280x128xf32>,
    return
  }
}

module attributes {stable_mosaic.version = 14 : i64} {
  func.func @_select_body(%arg0: memref<20x64x128xf32, #tpu.memory_space<vmem>>, %arg1: memref<20x64xf32, #tpu.memory_space<vmem>>, %arg2: memref<8x20x64xi32, #tpu.memory_space<vmem>>, %arg3: memref<49x20x64xf32, #tpu.memory_space<vmem>>) attributes {dimension_semantics = [], scalar_prefetch = 0 : i64, scratch_operands = 1 : i64, tpu.core_type = #tpu.core_type<tc>} {
    %get3A = arith.constant 0 : index
    %get3A_0 = arith.constant 0 : index
    %get3A_1 = arith.constant 0 : index
    %get3A_2 = vector.load %arg0[%get3A, %get3A_0, %get3A_1] : memref<20x64x128xf32, #tpu.memory_space<vmem>>, vector<20x64x128xf32>
    %get3A_3 = arith.constant 0 : index
    %get3A_4 = arith.constant 0 : index
    %get3A_5 = vector.load %arg1[%get3A_3, %get3A_4] : memref<20x64xf32, #tpu.memory_space<vmem>>, vector<20x64xf32>
    %abs3A = math.absf %get3A_5 : vector<20x64xf32>
    %max3A = arith.constant 9.99999935E-39 : f32
    %max3A_6 = vector.broadcast %max3A : f32 to vector<20x64xf32>
    %max3A_7 = arith.maximumf %abs3A, %max3A_6 : vector<20x64xf32>
    %log3A = math.log %max3A_7 : vector<20x64xf32>
    %gt3A = arith.constant 0.000000e+00 : f32
    %gt3A_8 = vector.broadcast %gt3A : f32 to vector<20x64xf32>
    %gt3A_9 = arith.cmpf ogt, %get3A_5, %gt3A_8 : vector<20x64xf32>
    %jit3A = arith.constant 1.000000e+00 : f32
    %jit3A_10 = arith.constant -1.000000e+00 : f32
    %broadcast_in_dim3A = vector.broadcast %jit3A : f32 to vector<20x64xf32>
    %broadcast_in_dim3A_11 = vector.broadcast %jit3A_10 : f32 to vector<20x64xf32>
    %select_n3A = arith.select %gt3A_9, %broadcast_in_dim3A, %broadcast_in_dim3A_11 : vector<20x64xi1>, vector<20x64xf32>
    %gt3A_12 = arith.constant 0.000000e+00 : f32
    %gt3A_13 = vector.broadcast %gt3A_12 : f32 to vector<20x64xf32>
    %gt3A_14 = arith.cmpf ogt, %get3A_5, %gt3A_13 : vector<20x64xf32>
    %neg3A = arith.constant 0.000000e+00 : f32
    %neg3A_15 = vector.broadcast %neg3A : f32 to vector<20x64xf32>
    %neg3A_16 = arith.subf %neg3A_15, %log3A : vector<20x64xf32>
    %sub3A = arith.constant 1.000000e+03 : f32
    %sub3A_17 = vector.broadcast %sub3A : f32 to vector<20x64xf32>
    %sub3A_18 = arith.subf %neg3A_16, %sub3A_17 : vector<20x64xf32>
    %select_n3A_19 = arith.select %gt3A_14, %log3A, %sub3A_18 : vector<20x64xi1>, vector<20x64xf32>
    %slice3A = vector.extract_strided_slice %get3A_2 {offsets = [0, 0, 0], sizes = [20, 1, 128], strides = [1, 1, 1]} : vector<20x64x128xf32> to vector<20x1x128xf32>
    %slice3A_20 = vector.extract_strided_slice %get3A_2 {offsets = [0, 0, 0], sizes = [20, 61, 128], strides = [1, 1, 1]} : vector<20x64x128xf32> to vector<20x61x128xf32>
    %concatenate3A = tpu.concatenate %slice3A, %slice3A, %slice3A, %slice3A_20 in 1 : vector<20x1x128xf32>, vector<20x1x128xf32>, vector<20x1x128xf32>, vector<20x61x128xf32> -> vector<20x64x128xf32>
    %slice3A_21 = vector.extract_strided_slice %concatenate3A {offsets = [0, 0, 0], sizes = [1, 64, 128], strides = [1, 1, 1]} : vector<20x64x128xf32> to vector<1x64x128xf32>
    %slice3A_22 = vector.extract_strided_slice %concatenate3A {offsets = [19, 0, 0], sizes = [1, 64, 128], strides = [1, 1, 1]} : vector<20x64x128xf32> to vector<1x64x128xf32>
    %concatenate3A_23 = tpu.concatenate %slice3A_21, %slice3A_21, %slice3A_21, %concatenate3A, %slice3A_22, %slice3A_22, %slice3A_22 in 0 : vector<1x64x128xf32>, vector<1x64x128xf32>, vector<1x64x128xf32>, vector<20x64x128xf32>, vector<1x64x128xf32>, vector<1x64x128xf32>, vector<1x64x128xf32> -> vector<26x64x128xf32>
    %slice3A_24 = vector.extract_strided_slice %get3A_2 {offsets = [0, 0, 0], sizes = [20, 1, 128], strides = [1, 1, 1]} : vector<20x64x128xf32> to vector<20x1x128xf32>
    %slice3A_25 = vector.extract_strided_slice %get3A_2 {offsets = [0, 0, 0], sizes = [20, 62, 128], strides = [1, 1, 1]} : vector<20x64x128xf32> to vector<20x62x128xf32>
    %concatenate3A_26 = tpu.concatenate %slice3A_24, %slice3A_24, %slice3A_25 in 1 : vector<20x1x128xf32>, vector<20x1x128xf32>, vector<20x62x128xf32> -> vector<20x64x128xf32>
    %slice3A_27 = vector.extract_strided_slice %concatenate3A_26 {offsets = [0, 0, 0], sizes = [1, 64, 128], strides = [1, 1, 1]} : vector<20x64x128xf32> to vector<1x64x128xf32>
    %slice3A_28 = vector.extract_strided_slice %concatenate3A_26 {offsets = [19, 0, 0], sizes = [1, 64, 128], strides = [1, 1, 1]} : vector<20x64x128xf32> to vector<1x64x128xf32>
    %concatenate3A_29 = tpu.concatenate %slice3A_27, %slice3A_27, %slice3A_27, %concatenate3A_26, %slice3A_28, %slice3A_28, %slice3A_28 in 0 : vector<1x64x128xf32>, vector<1x64x128xf32>, vector<1x64x128xf32>, vector<20x64x128xf32>, vector<1x64x128xf32>, vector<1x64x128xf32>, vector<1x64x128xf32> -> vector<26x64x128xf32>
    %slice3A_30 = vector.extract_strided_slice %get3A_2 {offsets = [0, 0, 0], sizes = [20, 1, 128], strides = [1, 1, 1]} : vector<20x64x128xf32> to vector<20x1x128xf32>
    %slice3A_31 = vector.extract_strided_slice %get3A_2 {offsets = [0, 0, 0], sizes = [20, 63, 128], strides = [1, 1, 1]} : vector<20x64x128xf32> to vector<20x63x128xf32>
    %concatenate3A_32 = tpu.concatenate %slice3A_30, %slice3A_31 in 1 : vector<20x1x128xf32>, vector<20x63x128xf32> -> vector<20x64x128xf32>
    %slice3A_33 = vector.extract_strided_slice %concatenate3A_32 {offsets = [0, 0, 0], sizes = [1, 64, 128], strides = [1, 1, 1]} : vector<20x64x128xf32> to vector<1x64x128xf32>
    %slice3A_34 = vector.extract_strided_slice %concatenate3A_32 {offsets = [19, 0, 0], sizes = [1, 64, 128], strides = [1, 1, 1]} : vector<20x64x128xf32> to vector<1x64x128xf32>
    %concatenate3A_35 = tpu.concatenate %slice3A_33, %slice3A_33, %slice3A_33, %concatenate3A_32, %slice3A_34, %slice3A_34, %slice3A_34 in 0 : vector<1x64x128xf32>, vector<1x64x128xf32>, vector<1x64x128xf32>, vector<20x64x128xf32>, vector<1x64x128xf32>, vector<1x64x128xf32>, vector<1x64x128xf32> -> vector<26x64x128xf32>
    %slice3A_36 = vector.extract_strided_slice %get3A_2 {offsets = [0, 0, 0], sizes = [1, 64, 128], strides = [1, 1, 1]} : vector<20x64x128xf32> to vector<1x64x128xf32>
    %slice3A_37 = vector.extract_strided_slice %get3A_2 {offsets = [19, 0, 0], sizes = [1, 64, 128], strides = [1, 1, 1]} : vector<20x64x128xf32> to vector<1x64x128xf32>
    %concatenate3A_38 = tpu.concatenate %slice3A_36, %slice3A_36, %slice3A_36, %get3A_2, %slice3A_37, %slice3A_37, %slice3A_37 in 0 : vector<1x64x128xf32>, vector<1x64x128xf32>, vector<1x64x128xf32>, vector<20x64x128xf32>, vector<1x64x128xf32>, vector<1x64x128xf32>, vector<1x64x128xf32> -> vector<26x64x128xf32>
    %slice3A_39 = vector.extract_strided_slice %get3A_2 {offsets = [0, 1, 0], sizes = [20, 63, 128], strides = [1, 1, 1]} : vector<20x64x128xf32> to vector<20x63x128xf32>
    %slice3A_40 = vector.extract_strided_slice %get3A_2 {offsets = [0, 63, 0], sizes = [20, 1, 128], strides = [1, 1, 1]} : vector<20x64x128xf32> to vector<20x1x128xf32>
    %concatenate3A_41 = tpu.concatenate %slice3A_39, %slice3A_40 in 1 : vector<20x63x128xf32>, vector<20x1x128xf32> -> vector<20x64x128xf32>
    %slice3A_42 = vector.extract_strided_slice %concatenate3A_41 {offsets = [0, 0, 0], sizes = [1, 64, 128], strides = [1, 1, 1]} : vector<20x64x128xf32> to vector<1x64x128xf32>
    %slice3A_43 = vector.extract_strided_slice %concatenate3A_41 {offsets = [19, 0, 0], sizes = [1, 64, 128], strides = [1, 1, 1]} : vector<20x64x128xf32> to vector<1x64x128xf32>
    %concatenate3A_44 = tpu.concatenate %slice3A_42, %slice3A_42, %slice3A_42, %concatenate3A_41, %slice3A_43, %slice3A_43, %slice3A_43 in 0 : vector<1x64x128xf32>, vector<1x64x128xf32>, vector<1x64x128xf32>, vector<20x64x128xf32>, vector<1x64x128xf32>, vector<1x64x128xf32>, vector<1x64x128xf32> -> vector<26x64x128xf32>
    %slice3A_45 = vector.extract_strided_slice %get3A_2 {offsets = [0, 2, 0], sizes = [20, 62, 128], strides = [1, 1, 1]} : vector<20x64x128xf32> to vector<20x62x128xf32>
    %slice3A_46 = vector.extract_strided_slice %get3A_2 {offsets = [0, 63, 0], sizes = [20, 1, 128], strides = [1, 1, 1]} : vector<20x64x128xf32> to vector<20x1x128xf32>
    %concatenate3A_47 = tpu.concatenate %slice3A_45, %slice3A_46, %slice3A_46 in 1 : vector<20x62x128xf32>, vector<20x1x128xf32>, vector<20x1x128xf32> -> vector<20x64x128xf32>
    %slice3A_48 = vector.extract_strided_slice %concatenate3A_47 {offsets = [0, 0, 0], sizes = [1, 64, 128], strides = [1, 1, 1]} : vector<20x64x128xf32> to vector<1x64x128xf32>
    %slice3A_49 = vector.extract_strided_slice %concatenate3A_47 {offsets = [19, 0, 0], sizes = [1, 64, 128], strides = [1, 1, 1]} : vector<20x64x128xf32> to vector<1x64x128xf32>
    %concatenate3A_50 = tpu.concatenate %slice3A_48, %slice3A_48, %slice3A_48, %concatenate3A_47, %slice3A_49, %slice3A_49, %slice3A_49 in 0 : vector<1x64x128xf32>, vector<1x64x128xf32>, vector<1x64x128xf32>, vector<20x64x128xf32>, vector<1x64x128xf32>, vector<1x64x128xf32>, vector<1x64x128xf32> -> vector<26x64x128xf32>
    %slice3A_51 = vector.extract_strided_slice %get3A_2 {offsets = [0, 3, 0], sizes = [20, 61, 128], strides = [1, 1, 1]} : vector<20x64x128xf32> to vector<20x61x128xf32>
    %slice3A_52 = vector.extract_strided_slice %get3A_2 {offsets = [0, 63, 0], sizes = [20, 1, 128], strides = [1, 1, 1]} : vector<20x64x128xf32> to vector<20x1x128xf32>
    %concatenate3A_53 = tpu.concatenate %slice3A_51, %slice3A_52, %slice3A_52, %slice3A_52 in 1 : vector<20x61x128xf32>, vector<20x1x128xf32>, vector<20x1x128xf32>, vector<20x1x128xf32> -> vector<20x64x128xf32>
    %slice3A_54 = vector.extract_strided_slice %concatenate3A_53 {offsets = [0, 0, 0], sizes = [1, 64, 128], strides = [1, 1, 1]} : vector<20x64x128xf32> to vector<1x64x128xf32>
    %slice3A_55 = vector.extract_strided_slice %concatenate3A_53 {offsets = [19, 0, 0], sizes = [1, 64, 128], strides = [1, 1, 1]} : vector<20x64x128xf32> to vector<1x64x128xf32>
    %concatenate3A_56 = tpu.concatenate %slice3A_54, %slice3A_54, %slice3A_54, %concatenate3A_53, %slice3A_55, %slice3A_55, %slice3A_55 in 0 : vector<1x64x128xf32>, vector<1x64x128xf32>, vector<1x64x128xf32>, vector<20x64x128xf32>, vector<1x64x128xf32>, vector<1x64x128xf32>, vector<1x64x128xf32> -> vector<26x64x128xf32>
    %slice3A_57 = vector.extract_strided_slice %select_n3A {offsets = [0, 0], sizes = [20, 1], strides = [1, 1]} : vector<20x64xf32> to vector<20x1xf32>
    %slice3A_58 = vector.extract_strided_slice %select_n3A {offsets = [0, 0], sizes = [20, 61], strides = [1, 1]} : vector<20x64xf32> to vector<20x61xf32>
    %concatenate3A_59 = tpu.concatenate %slice3A_57, %slice3A_57, %slice3A_57, %slice3A_58 in 1 : vector<20x1xf32>, vector<20x1xf32>, vector<20x1xf32>, vector<20x61xf32> -> vector<20x64xf32>
    %slice3A_60 = vector.extract_strided_slice %concatenate3A_59 {offsets = [0, 0], sizes = [1, 64], strides = [1, 1]} : vector<20x64xf32> to vector<1x64xf32>
    %slice3A_61 = vector.extract_strided_slice %concatenate3A_59 {offsets = [19, 0], sizes = [1, 64], strides = [1, 1]} : vector<20x64xf32> to vector<1x64xf32>
    %concatenate3A_62 = tpu.concatenate %slice3A_60, %slice3A_60, %slice3A_60, %concatenate3A_59, %slice3A_61, %slice3A_61, %slice3A_61 in 0 : vector<1x64xf32>, vector<1x64xf32>, vector<1x64xf32>, vector<20x64xf32>, vector<1x64xf32>, vector<1x64xf32>, vector<1x64xf32> -> vector<26x64xf32>
    %slice3A_63 = vector.extract_strided_slice %select_n3A {offsets = [0, 0], sizes = [20, 1], strides = [1, 1]} : vector<20x64xf32> to vector<20x1xf32>
    %slice3A_64 = vector.extract_strided_slice %select_n3A {offsets = [0, 0], sizes = [20, 62], strides = [1, 1]} : vector<20x64xf32> to vector<20x62xf32>
    %concatenate3A_65 = tpu.concatenate %slice3A_63, %slice3A_63, %slice3A_64 in 1 : vector<20x1xf32>, vector<20x1xf32>, vector<20x62xf32> -> vector<20x64xf32>
    %slice3A_66 = vector.extract_strided_slice %concatenate3A_65 {offsets = [0, 0], sizes = [1, 64], strides = [1, 1]} : vector<20x64xf32> to vector<1x64xf32>
    %slice3A_67 = vector.extract_strided_slice %concatenate3A_65 {offsets = [19, 0], sizes = [1, 64], strides = [1, 1]} : vector<20x64xf32> to vector<1x64xf32>
    %concatenate3A_68 = tpu.concatenate %slice3A_66, %slice3A_66, %slice3A_66, %concatenate3A_65, %slice3A_67, %slice3A_67, %slice3A_67 in 0 : vector<1x64xf32>, vector<1x64xf32>, vector<1x64xf32>, vector<20x64xf32>, vector<1x64xf32>, vector<1x64xf32>, vector<1x64xf32> -> vector<26x64xf32>
    %slice3A_69 = vector.extract_strided_slice %select_n3A {offsets = [0, 0], sizes = [20, 1], strides = [1, 1]} : vector<20x64xf32> to vector<20x1xf32>
    %slice3A_70 = vector.extract_strided_slice %select_n3A {offsets = [0, 0], sizes = [20, 63], strides = [1, 1]} : vector<20x64xf32> to vector<20x63xf32>
    %concatenate3A_71 = tpu.concatenate %slice3A_69, %slice3A_70 in 1 : vector<20x1xf32>, vector<20x63xf32> -> vector<20x64xf32>
    %slice3A_72 = vector.extract_strided_slice %concatenate3A_71 {offsets = [0, 0], sizes = [1, 64], strides = [1, 1]} : vector<20x64xf32> to vector<1x64xf32>
    %slice3A_73 = vector.extract_strided_slice %concatenate3A_71 {offsets = [19, 0], sizes = [1, 64], strides = [1, 1]} : vector<20x64xf32> to vector<1x64xf32>
    %concatenate3A_74 = tpu.concatenate %slice3A_72, %slice3A_72, %slice3A_72, %concatenate3A_71, %slice3A_73, %slice3A_73, %slice3A_73 in 0 : vector<1x64xf32>, vector<1x64xf32>, vector<1x64xf32>, vector<20x64xf32>, vector<1x64xf32>, vector<1x64xf32>, vector<1x64xf32> -> vector<26x64xf32>
    %slice3A_75 = vector.extract_strided_slice %select_n3A {offsets = [0, 0], sizes = [1, 64], strides = [1, 1]} : vector<20x64xf32> to vector<1x64xf32>
    %slice3A_76 = vector.extract_strided_slice %select_n3A {offsets = [19, 0], sizes = [1, 64], strides = [1, 1]} : vector<20x64xf32> to vector<1x64xf32>
    %concatenate3A_77 = tpu.concatenate %slice3A_75, %slice3A_75, %slice3A_75, %select_n3A, %slice3A_76, %slice3A_76, %slice3A_76 in 0 : vector<1x64xf32>, vector<1x64xf32>, vector<1x64xf32>, vector<20x64xf32>, vector<1x64xf32>, vector<1x64xf32>, vector<1x64xf32> -> vector<26x64xf32>
    %slice3A_78 = vector.extract_strided_slice %select_n3A {offsets = [0, 1], sizes = [20, 63], strides = [1, 1]} : vector<20x64xf32> to vector<20x63xf32>
    %slice3A_79 = vector.extract_strided_slice %select_n3A {offsets = [0, 63], sizes = [20, 1], strides = [1, 1]} : vector<20x64xf32> to vector<20x1xf32>
    %concatenate3A_80 = tpu.concatenate %slice3A_78, %slice3A_79 in 1 : vector<20x63xf32>, vector<20x1xf32> -> vector<20x64xf32>
    %slice3A_81 = vector.extract_strided_slice %concatenate3A_80 {offsets = [0, 0], sizes = [1, 64], strides = [1, 1]} : vector<20x64xf32> to vector<1x64xf32>
    %slice3A_82 = vector.extract_strided_slice %concatenate3A_80 {offsets = [19, 0], sizes = [1, 64], strides = [1, 1]} : vector<20x64xf32> to vector<1x64xf32>
    %concatenate3A_83 = tpu.concatenate %slice3A_81, %slice3A_81, %slice3A_81, %concatenate3A_80, %slice3A_82, %slice3A_82, %slice3A_82 in 0 : vector<1x64xf32>, vector<1x64xf32>, vector<1x64xf32>, vector<20x64xf32>, vector<1x64xf32>, vector<1x64xf32>, vector<1x64xf32> -> vector<26x64xf32>
    %slice3A_84 = vector.extract_strided_slice %select_n3A {offsets = [0, 2], sizes = [20, 62], strides = [1, 1]} : vector<20x64xf32> to vector<20x62xf32>
    %slice3A_85 = vector.extract_strided_slice %select_n3A {offsets = [0, 63], sizes = [20, 1], strides = [1, 1]} : vector<20x64xf32> to vector<20x1xf32>
    %concatenate3A_86 = tpu.concatenate %slice3A_84, %slice3A_85, %slice3A_85 in 1 : vector<20x62xf32>, vector<20x1xf32>, vector<20x1xf32> -> vector<20x64xf32>
    %slice3A_87 = vector.extract_strided_slice %concatenate3A_86 {offsets = [0, 0], sizes = [1, 64], strides = [1, 1]} : vector<20x64xf32> to vector<1x64xf32>
    %slice3A_88 = vector.extract_strided_slice %concatenate3A_86 {offsets = [19, 0], sizes = [1, 64], strides = [1, 1]} : vector<20x64xf32> to vector<1x64xf32>
    %concatenate3A_89 = tpu.concatenate %slice3A_87, %slice3A_87, %slice3A_87, %concatenate3A_86, %slice3A_88, %slice3A_88, %slice3A_88 in 0 : vector<1x64xf32>, vector<1x64xf32>, vector<1x64xf32>, vector<20x64xf32>, vector<1x64xf32>, vector<1x64xf32>, vector<1x64xf32> -> vector<26x64xf32>
    %slice3A_90 = vector.extract_strided_slice %select_n3A {offsets = [0, 3], sizes = [20, 61], strides = [1, 1]} : vector<20x64xf32> to vector<20x61xf32>
    %slice3A_91 = vector.extract_strided_slice %select_n3A {offsets = [0, 63], sizes = [20, 1], strides = [1, 1]} : vector<20x64xf32> to vector<20x1xf32>
    %concatenate3A_92 = tpu.concatenate %slice3A_90, %slice3A_91, %slice3A_91, %slice3A_91 in 1 : vector<20x61xf32>, vector<20x1xf32>, vector<20x1xf32>, vector<20x1xf32> -> vector<20x64xf32>
    %slice3A_93 = vector.extract_strided_slice %concatenate3A_92 {offsets = [0, 0], sizes = [1, 64], strides = [1, 1]} : vector<20x64xf32> to vector<1x64xf32>
    %slice3A_94 = vector.extract_strided_slice %concatenate3A_92 {offsets = [19, 0], sizes = [1, 64], strides = [1, 1]} : vector<20x64xf32> to vector<1x64xf32>
    %concatenate3A_95 = tpu.concatenate %slice3A_93, %slice3A_93, %slice3A_93, %concatenate3A_92, %slice3A_94, %slice3A_94, %slice3A_94 in 0 : vector<1x64xf32>, vector<1x64xf32>, vector<1x64xf32>, vector<20x64xf32>, vector<1x64xf32>, vector<1x64xf32>, vector<1x64xf32> -> vector<26x64xf32>
    %slice3A_96 = vector.extract_strided_slice %select_n3A_19 {offsets = [0, 0], sizes = [20, 1], strides = [1, 1]} : vector<20x64xf32> to vector<20x1xf32>
    %slice3A_97 = vector.extract_strided_slice %select_n3A_19 {offsets = [0, 0], sizes = [20, 61], strides = [1, 1]} : vector<20x64xf32> to vector<20x61xf32>
    %concatenate3A_98 = tpu.concatenate %slice3A_96, %slice3A_96, %slice3A_96, %slice3A_97 in 1 : vector<20x1xf32>, vector<20x1xf32>, vector<20x1xf32>, vector<20x61xf32> -> vector<20x64xf32>
    %slice3A_99 = vector.extract_strided_slice %concatenate3A_98 {offsets = [0, 0], sizes = [1, 64], strides = [1, 1]} : vector<20x64xf32> to vector<1x64xf32>
    %slice3A_100 = vector.extract_strided_slice %concatenate3A_98 {offsets = [19, 0], sizes = [1, 64], strides = [1, 1]} : vector<20x64xf32> to vector<1x64xf32>
    %concatenate3A_101 = tpu.concatenate %slice3A_99, %slice3A_99, %slice3A_99, %concatenate3A_98, %slice3A_100, %slice3A_100, %slice3A_100 in 0 : vector<1x64xf32>, vector<1x64xf32>, vector<1x64xf32>, vector<20x64xf32>, vector<1x64xf32>, vector<1x64xf32>, vector<1x64xf32> -> vector<26x64xf32>
    %slice3A_102 = vector.extract_strided_slice %select_n3A_19 {offsets = [0, 0], sizes = [20, 1], strides = [1, 1]} : vector<20x64xf32> to vector<20x1xf32>
    %slice3A_103 = vector.extract_strided_slice %select_n3A_19 {offsets = [0, 0], sizes = [20, 62], strides = [1, 1]} : vector<20x64xf32> to vector<20x62xf32>
    %concatenate3A_104 = tpu.concatenate %slice3A_102, %slice3A_102, %slice3A_103 in 1 : vector<20x1xf32>, vector<20x1xf32>, vector<20x62xf32> -> vector<20x64xf32>
    %slice3A_105 = vector.extract_strided_slice %concatenate3A_104 {offsets = [0, 0], sizes = [1, 64], strides = [1, 1]} : vector<20x64xf32> to vector<1x64xf32>
    %slice3A_106 = vector.extract_strided_slice %concatenate3A_104 {offsets = [19, 0], sizes = [1, 64], strides = [1, 1]} : vector<20x64xf32> to vector<1x64xf32>
    %concatenate3A_107 = tpu.concatenate %slice3A_105, %slice3A_105, %slice3A_105, %concatenate3A_104, %slice3A_106, %slice3A_106, %slice3A_106 in 0 : vector<1x64xf32>, vector<1x64xf32>, vector<1x64xf32>, vector<20x64xf32>, vector<1x64xf32>, vector<1x64xf32>, vector<1x64xf32> -> vector<26x64xf32>
    %slice3A_108 = vector.extract_strided_slice %select_n3A_19 {offsets = [0, 0], sizes = [20, 1], strides = [1, 1]} : vector<20x64xf32> to vector<20x1xf32>
    %slice3A_109 = vector.extract_strided_slice %select_n3A_19 {offsets = [0, 0], sizes = [20, 63], strides = [1, 1]} : vector<20x64xf32> to vector<20x63xf32>
    %concatenate3A_110 = tpu.concatenate %slice3A_108, %slice3A_109 in 1 : vector<20x1xf32>, vector<20x63xf32> -> vector<20x64xf32>
    %slice3A_111 = vector.extract_strided_slice %concatenate3A_110 {offsets = [0, 0], sizes = [1, 64], strides = [1, 1]} : vector<20x64xf32> to vector<1x64xf32>
    %slice3A_112 = vector.extract_strided_slice %concatenate3A_110 {offsets = [19, 0], sizes = [1, 64], strides = [1, 1]} : vector<20x64xf32> to vector<1x64xf32>
    %concatenate3A_113 = tpu.concatenate %slice3A_111, %slice3A_111, %slice3A_111, %concatenate3A_110, %slice3A_112, %slice3A_112, %slice3A_112 in 0 : vector<1x64xf32>, vector<1x64xf32>, vector<1x64xf32>, vector<20x64xf32>, vector<1x64xf32>, vector<1x64xf32>, vector<1x64xf32> -> vector<26x64xf32>
    %slice3A_114 = vector.extract_strided_slice %select_n3A_19 {offsets = [0, 0], sizes = [1, 64], strides = [1, 1]} : vector<20x64xf32> to vector<1x64xf32>
    %slice3A_115 = vector.extract_strided_slice %select_n3A_19 {offsets = [19, 0], sizes = [1, 64], strides = [1, 1]} : vector<20x64xf32> to vector<1x64xf32>
    %concatenate3A_116 = tpu.concatenate %slice3A_114, %slice3A_114, %slice3A_114, %select_n3A_19, %slice3A_115, %slice3A_115, %slice3A_115 in 0 : vector<1x64xf32>, vector<1x64xf32>, vector<1x64xf32>, vector<20x64xf32>, vector<1x64xf32>, vector<1x64xf32>, vector<1x64xf32> -> vector<26x64xf32>
    %slice3A_117 = vector.extract_strided_slice %select_n3A_19 {offsets = [0, 1], sizes = [20, 63], strides = [1, 1]} : vector<20x64xf32> to vector<20x63xf32>
    %slice3A_118 = vector.extract_strided_slice %select_n3A_19 {offsets = [0, 63], sizes = [20, 1], strides = [1, 1]} : vector<20x64xf32> to vector<20x1xf32>
    %concatenate3A_119 = tpu.concatenate %slice3A_117, %slice3A_118 in 1 : vector<20x63xf32>, vector<20x1xf32> -> vector<20x64xf32>
    %slice3A_120 = vector.extract_strided_slice %concatenate3A_119 {offsets = [0, 0], sizes = [1, 64], strides = [1, 1]} : vector<20x64xf32> to vector<1x64xf32>
    %slice3A_121 = vector.extract_strided_slice %concatenate3A_119 {offsets = [19, 0], sizes = [1, 64], strides = [1, 1]} : vector<20x64xf32> to vector<1x64xf32>
    %concatenate3A_122 = tpu.concatenate %slice3A_120, %slice3A_120, %slice3A_120, %concatenate3A_119, %slice3A_121, %slice3A_121, %slice3A_121 in 0 : vector<1x64xf32>, vector<1x64xf32>, vector<1x64xf32>, vector<20x64xf32>, vector<1x64xf32>, vector<1x64xf32>, vector<1x64xf32> -> vector<26x64xf32>
    %slice3A_123 = vector.extract_strided_slice %select_n3A_19 {offsets = [0, 2], sizes = [20, 62], strides = [1, 1]} : vector<20x64xf32> to vector<20x62xf32>
    %slice3A_124 = vector.extract_strided_slice %select_n3A_19 {offsets = [0, 63], sizes = [20, 1], strides = [1, 1]} : vector<20x64xf32> to vector<20x1xf32>
    %concatenate3A_125 = tpu.concatenate %slice3A_123, %slice3A_124, %slice3A_124 in 1 : vector<20x62xf32>, vector<20x1xf32>, vector<20x1xf32> -> vector<20x64xf32>
    %slice3A_126 = vector.extract_strided_slice %concatenate3A_125 {offsets = [0, 0], sizes = [1, 64], strides = [1, 1]} : vector<20x64xf32> to vector<1x64xf32>
    %slice3A_127 = vector.extract_strided_slice %concatenate3A_125 {offsets = [19, 0], sizes = [1, 64], strides = [1, 1]} : vector<20x64xf32> to vector<1x64xf32>
    %concatenate3A_128 = tpu.concatenate %slice3A_126, %slice3A_126, %slice3A_126, %concatenate3A_125, %slice3A_127, %slice3A_127, %slice3A_127 in 0 : vector<1x64xf32>, vector<1x64xf32>, vector<1x64xf32>, vector<20x64xf32>, vector<1x64xf32>, vector<1x64xf32>, vector<1x64xf32> -> vector<26x64xf32>
    %slice3A_129 = vector.extract_strided_slice %select_n3A_19 {offsets = [0, 3], sizes = [20, 61], strides = [1, 1]} : vector<20x64xf32> to vector<20x61xf32>
    %slice3A_130 = vector.extract_strided_slice %select_n3A_19 {offsets = [0, 63], sizes = [20, 1], strides = [1, 1]} : vector<20x64xf32> to vector<20x1xf32>
    %concatenate3A_131 = tpu.concatenate %slice3A_129, %slice3A_130, %slice3A_130, %slice3A_130 in 1 : vector<20x61xf32>, vector<20x1xf32>, vector<20x1xf32>, vector<20x1xf32> -> vector<20x64xf32>
    %slice3A_132 = vector.extract_strided_slice %concatenate3A_131 {offsets = [0, 0], sizes = [1, 64], strides = [1, 1]} : vector<20x64xf32> to vector<1x64xf32>
    %slice3A_133 = vector.extract_strided_slice %concatenate3A_131 {offsets = [19, 0], sizes = [1, 64], strides = [1, 1]} : vector<20x64xf32> to vector<1x64xf32>
    %concatenate3A_134 = tpu.concatenate %slice3A_132, %slice3A_132, %slice3A_132, %concatenate3A_131, %slice3A_133, %slice3A_133, %slice3A_133 in 0 : vector<1x64xf32>, vector<1x64xf32>, vector<1x64xf32>, vector<20x64xf32>, vector<1x64xf32>, vector<1x64xf32>, vector<1x64xf32> -> vector<26x64xf32>
    %iota3A = tpu.iota {dimensions = array<i32: 0>} : vector<20x64xi32>
    %iota3A_135 = tpu.iota {dimensions = array<i32: 1>} : vector<20x64xi32>
    %slice3A_136 = vector.extract_strided_slice %concatenate3A_23 {offsets = [0, 0, 0], sizes = [20, 64, 128], strides = [1, 1, 1]} : vector<26x64x128xf32> to vector<20x64x128xf32>
    %mul3A = arith.mulf %slice3A_136, %get3A_2 : vector<20x64x128xf32>
    %reduce_sum3A = arith.constant dense<0.000000e+00> : vector<20x64xf32>
    %reduce_sum3A_137 = vector.multi_reduction <add>, %mul3A, %reduce_sum3A [2] : vector<20x64x128xf32> to vector<20x64xf32>
    %slice3A_138 = vector.extract_strided_slice %concatenate3A_62 {offsets = [0, 0], sizes = [20, 64], strides = [1, 1]} : vector<26x64xf32> to vector<20x64xf32>
    %mul3A_139 = arith.mulf %reduce_sum3A_137, %slice3A_138 : vector<20x64xf32>
    %slice3A_140 = vector.extract_strided_slice %concatenate3A_101 {offsets = [0, 0], sizes = [20, 64], strides = [1, 1]} : vector<26x64xf32> to vector<20x64xf32>
    %add3A = arith.addf %mul3A_139, %slice3A_140 : vector<20x64xf32>
    %add3A_141 = arith.constant -3 : i32
    %add3A_142 = vector.broadcast %add3A_141 : i32 to vector<20x64xi32>
    %add3A_143 = arith.addi %iota3A, %add3A_142 : vector<20x64xi32>
    %ge3A = arith.constant 0 : i32
    %ge3A_144 = vector.broadcast %ge3A : i32 to vector<20x64xi32>
    %ge3A_145 = arith.cmpi sge, %add3A_143, %ge3A_144 : vector<20x64xi32>
    %add3A_146 = arith.constant -3 : i32
    %add3A_147 = vector.broadcast %add3A_146 : i32 to vector<20x64xi32>
    %add3A_148 = arith.addi %iota3A, %add3A_147 : vector<20x64xi32>
    %lt3A = arith.constant 20 : i32
    %lt3A_149 = vector.broadcast %lt3A : i32 to vector<20x64xi32>
    %lt3A_150 = arith.cmpi slt, %add3A_148, %lt3A_149 : vector<20x64xi32>
    %and3A = arith.andi %ge3A_145, %lt3A_150 : vector<20x64xi1>
    %add3A_151 = arith.constant -3 : i32
    %add3A_152 = vector.broadcast %add3A_151 : i32 to vector<20x64xi32>
    %add3A_153 = arith.addi %iota3A_135, %add3A_152 : vector<20x64xi32>
    %ge3A_154 = arith.constant 0 : i32
    %ge3A_155 = vector.broadcast %ge3A_154 : i32 to vector<20x64xi32>
    %ge3A_156 = arith.cmpi sge, %add3A_153, %ge3A_155 : vector<20x64xi32>
    %and3A_157 = arith.andi %and3A, %ge3A_156 : vector<20x64xi1>
    %add3A_158 = arith.constant -3 : i32
    %add3A_159 = vector.broadcast %add3A_158 : i32 to vector<20x64xi32>
    %add3A_160 = arith.addi %iota3A_135, %add3A_159 : vector<20x64xi32>
    %lt3A_161 = arith.constant 64 : i32
    %lt3A_162 = vector.broadcast %lt3A_161 : i32 to vector<20x64xi32>
    %lt3A_163 = arith.cmpi slt, %add3A_160, %lt3A_162 : vector<20x64xi32>
    %and3A_164 = arith.andi %and3A_157, %lt3A_163 : vector<20x64xi1>
    %jit3A_165 = arith.constant -1.000000e+08 : f32
    %broadcast_in_dim3A_166 = vector.broadcast %jit3A_165 : f32 to vector<20x64xf32>
    %select_n3A_167 = arith.select %and3A_164, %add3A, %broadcast_in_dim3A_166 : vector<20x64xi1>, vector<20x64xf32>
    %swap3A = arith.constant 0 : index
    %swap3A_168 = arith.constant 0 : index
    %swap3A_169 = arith.constant 0 : index
    %swap3A_170 = vector.load %arg3[%swap3A, %swap3A_168, %swap3A_169] : memref<49x20x64xf32, #tpu.memory_space<vmem>>, vector<1x20x64xf32>
    %swap3A_171 = vector.shape_cast %swap3A_170 : vector<1x20x64xf32> to vector<20x64xf32>
    %swap3A_172 = vector.shape_cast %select_n3A_167 : vector<20x64xf32> to vector<1x20x64xf32>
    tpu.vector_store %arg3[%swap3A, %swap3A_168, %swap3A_169], %swap3A_172 {strides = array<i32>} : memref<49x20x64xf32, #tpu.memory_space<vmem>>, vector<1x20x64xf32>,
    %slice3A_173 = vector.extract_strided_slice %concatenate3A_29 {offsets = [0, 0, 0], sizes = [20, 64, 128], strides = [1, 1, 1]} : vector<26x64x128xf32> to vector<20x64x128xf32>
    %mul3A_174 = arith.mulf %slice3A_173, %get3A_2 : vector<20x64x128xf32>
    %reduce_sum3A_175 = arith.constant dense<0.000000e+00> : vector<20x64xf32>
    %reduce_sum3A_176 = vector.multi_reduction <add>, %mul3A_174, %reduce_sum3A_175 [2] : vector<20x64x128xf32> to vector<20x64xf32>
    %slice3A_177 = vector.extract_strided_slice %concatenate3A_68 {offsets = [0, 0], sizes = [20, 64], strides = [1, 1]} : vector<26x64xf32> to vector<20x64xf32>
    %mul3A_178 = arith.mulf %reduce_sum3A_176, %slice3A_177 : vector<20x64xf32>
    %slice3A_179 = vector.extract_strided_slice %concatenate3A_107 {offsets = [0, 0], sizes = [20, 64], strides = [1, 1]} : vector<26x64xf32> to vector<20x64xf32>
    %add3A_180 = arith.addf %mul3A_178, %slice3A_179 : vector<20x64xf32>
    %add3A_181 = arith.constant -3 : i32
    %add3A_182 = vector.broadcast %add3A_181 : i32 to vector<20x64xi32>
    %add3A_183 = arith.addi %iota3A, %add3A_182 : vector<20x64xi32>
    %ge3A_184 = arith.constant 0 : i32
    %ge3A_185 = vector.broadcast %ge3A_184 : i32 to vector<20x64xi32>
    %ge3A_186 = arith.cmpi sge, %add3A_183, %ge3A_185 : vector<20x64xi32>
    %add3A_187 = arith.constant -3 : i32
    %add3A_188 = vector.broadcast %add3A_187 : i32 to vector<20x64xi32>
    %add3A_189 = arith.addi %iota3A, %add3A_188 : vector<20x64xi32>
    %lt3A_190 = arith.constant 20 : i32
    %lt3A_191 = vector.broadcast %lt3A_190 : i32 to vector<20x64xi32>
    %lt3A_192 = arith.cmpi slt, %add3A_189, %lt3A_191 : vector<20x64xi32>
    %and3A_193 = arith.andi %ge3A_186, %lt3A_192 : vector<20x64xi1>
    %add3A_194 = arith.constant -2 : i32
    %add3A_195 = vector.broadcast %add3A_194 : i32 to vector<20x64xi32>
    %add3A_196 = arith.addi %iota3A_135, %add3A_195 : vector<20x64xi32>
    %ge3A_197 = arith.constant 0 : i32
    %ge3A_198 = vector.broadcast %ge3A_197 : i32 to vector<20x64xi32>
    %ge3A_199 = arith.cmpi sge, %add3A_196, %ge3A_198 : vector<20x64xi32>
    %and3A_200 = arith.andi %and3A_193, %ge3A_199 : vector<20x64xi1>
    %add3A_201 = arith.constant -2 : i32
    %add3A_202 = vector.broadcast %add3A_201 : i32 to vector<20x64xi32>
    %add3A_203 = arith.addi %iota3A_135, %add3A_202 : vector<20x64xi32>
    %lt3A_204 = arith.constant 64 : i32
    %lt3A_205 = vector.broadcast %lt3A_204 : i32 to vector<20x64xi32>
    %lt3A_206 = arith.cmpi slt, %add3A_203, %lt3A_205 : vector<20x64xi32>
    %and3A_207 = arith.andi %and3A_200, %lt3A_206 : vector<20x64xi1>
    %jit3A_208 = arith.constant -1.000000e+08 : f32
    %broadcast_in_dim3A_209 = vector.broadcast %jit3A_208 : f32 to vector<20x64xf32>
    %select_n3A_210 = arith.select %and3A_207, %add3A_180, %broadcast_in_dim3A_209 : vector<20x64xi1>, vector<20x64xf32>
    %swap3A_211 = arith.constant 1 : index
    %swap3A_212 = arith.constant 0 : index
    %swap3A_213 = arith.constant 0 : index
    %swap3A_214 = vector.load %arg3[%swap3A_211, %swap3A_212, %swap3A_213] : memref<49x20x64xf32, #tpu.memory_space<vmem>>, vector<1x20x64xf32>
    %swap3A_215 = vector.shape_cast %swap3A_214 : vector<1x20x64xf32> to vector<20x64xf32>
    %swap3A_216 = vector.shape_cast %select_n3A_210 : vector<20x64xf32> to vector<1x20x64xf32>
    tpu.vector_store %arg3[%swap3A_211, %swap3A_212, %swap3A_213], %swap3A_216 {strides = array<i32>} : memref<49x20x64xf32, #tpu.memory_space<vmem>>, vector<1x20x64xf32>,
    %slice3A_217 = vector.extract_strided_slice %concatenate3A_35 {offsets = [0, 0, 0], sizes = [20, 64, 128], strides = [1, 1, 1]} : vector<26x64x128xf32> to vector<20x64x128xf32>
    %mul3A_218 = arith.mulf %slice3A_217, %get3A_2 : vector<20x64x128xf32>
    %reduce_sum3A_219 = arith.constant dense<0.000000e+00> : vector<20x64xf32>
    %reduce_sum3A_220 = vector.multi_reduction <add>, %mul3A_218, %reduce_sum3A_219 [2] : vector<20x64x128xf32> to vector<20x64xf32>
    %slice3A_221 = vector.extract_strided_slice %concatenate3A_74 {offsets = [0, 0], sizes = [20, 64], strides = [1, 1]} : vector<26x64xf32> to vector<20x64xf32>
    %mul3A_222 = arith.mulf %reduce_sum3A_220, %slice3A_221 : vector<20x64xf32>
    %slice3A_223 = vector.extract_strided_slice %concatenate3A_113 {offsets = [0, 0], sizes = [20, 64], strides = [1, 1]} : vector<26x64xf32> to vector<20x64xf32>
    %add3A_224 = arith.addf %mul3A_222, %slice3A_223 : vector<20x64xf32>
    %add3A_225 = arith.constant -3 : i32
    %add3A_226 = vector.broadcast %add3A_225 : i32 to vector<20x64xi32>
    %add3A_227 = arith.addi %iota3A, %add3A_226 : vector<20x64xi32>
    %ge3A_228 = arith.constant 0 : i32
    %ge3A_229 = vector.broadcast %ge3A_228 : i32 to vector<20x64xi32>
    %ge3A_230 = arith.cmpi sge, %add3A_227, %ge3A_229 : vector<20x64xi32>
    %add3A_231 = arith.constant -3 : i32
    %add3A_232 = vector.broadcast %add3A_231 : i32 to vector<20x64xi32>
    %add3A_233 = arith.addi %iota3A, %add3A_232 : vector<20x64xi32>
    %lt3A_234 = arith.constant 20 : i32
    %lt3A_235 = vector.broadcast %lt3A_234 : i32 to vector<20x64xi32>
    %lt3A_236 = arith.cmpi slt, %add3A_233, %lt3A_235 : vector<20x64xi32>
    %and3A_237 = arith.andi %ge3A_230, %lt3A_236 : vector<20x64xi1>
    %add3A_238 = arith.constant -1 : i32
    %add3A_239 = vector.broadcast %add3A_238 : i32 to vector<20x64xi32>
    %add3A_240 = arith.addi %iota3A_135, %add3A_239 : vector<20x64xi32>
    %ge3A_241 = arith.constant 0 : i32
    %ge3A_242 = vector.broadcast %ge3A_241 : i32 to vector<20x64xi32>
    %ge3A_243 = arith.cmpi sge, %add3A_240, %ge3A_242 : vector<20x64xi32>
    %and3A_244 = arith.andi %and3A_237, %ge3A_243 : vector<20x64xi1>
    %add3A_245 = arith.constant -1 : i32
    %add3A_246 = vector.broadcast %add3A_245 : i32 to vector<20x64xi32>
    %add3A_247 = arith.addi %iota3A_135, %add3A_246 : vector<20x64xi32>
    %lt3A_248 = arith.constant 64 : i32
    %lt3A_249 = vector.broadcast %lt3A_248 : i32 to vector<20x64xi32>
    %lt3A_250 = arith.cmpi slt, %add3A_247, %lt3A_249 : vector<20x64xi32>
    %and3A_251 = arith.andi %and3A_244, %lt3A_250 : vector<20x64xi1>
    %jit3A_252 = arith.constant -1.000000e+08 : f32
    %broadcast_in_dim3A_253 = vector.broadcast %jit3A_252 : f32 to vector<20x64xf32>
    %select_n3A_254 = arith.select %and3A_251, %add3A_224, %broadcast_in_dim3A_253 : vector<20x64xi1>, vector<20x64xf32>
    %swap3A_255 = arith.constant 2 : index
    %swap3A_256 = arith.constant 0 : index
    %swap3A_257 = arith.constant 0 : index
    %swap3A_258 = vector.load %arg3[%swap3A_255, %swap3A_256, %swap3A_257] : memref<49x20x64xf32, #tpu.memory_space<vmem>>, vector<1x20x64xf32>
    %swap3A_259 = vector.shape_cast %swap3A_258 : vector<1x20x64xf32> to vector<20x64xf32>
    %swap3A_260 = vector.shape_cast %select_n3A_254 : vector<20x64xf32> to vector<1x20x64xf32>
    tpu.vector_store %arg3[%swap3A_255, %swap3A_256, %swap3A_257], %swap3A_260 {strides = array<i32>} : memref<49x20x64xf32, #tpu.memory_space<vmem>>, vector<1x20x64xf32>,
    %slice3A_261 = vector.extract_strided_slice %concatenate3A_38 {offsets = [0, 0, 0], sizes = [20, 64, 128], strides = [1, 1, 1]} : vector<26x64x128xf32> to vector<20x64x128xf32>
    %mul3A_262 = arith.mulf %slice3A_261, %get3A_2 : vector<20x64x128xf32>
    %reduce_sum3A_263 = arith.constant dense<0.000000e+00> : vector<20x64xf32>
    %reduce_sum3A_264 = vector.multi_reduction <add>, %mul3A_262, %reduce_sum3A_263 [2] : vector<20x64x128xf32> to vector<20x64xf32>
    %slice3A_265 = vector.extract_strided_slice %concatenate3A_77 {offsets = [0, 0], sizes = [20, 64], strides = [1, 1]} : vector<26x64xf32> to vector<20x64xf32>
    %mul3A_266 = arith.mulf %reduce_sum3A_264, %slice3A_265 : vector<20x64xf32>
    %slice3A_267 = vector.extract_strided_slice %concatenate3A_116 {offsets = [0, 0], sizes = [20, 64], strides = [1, 1]} : vector<26x64xf32> to vector<20x64xf32>
    %add3A_268 = arith.addf %mul3A_266, %slice3A_267 : vector<20x64xf32>
    %add3A_269 = arith.constant -3 : i32
    %add3A_270 = vector.broadcast %add3A_269 : i32 to vector<20x64xi32>
    %add3A_271 = arith.addi %iota3A, %add3A_270 : vector<20x64xi32>
    %ge3A_272 = arith.constant 0 : i32
    %ge3A_273 = vector.broadcast %ge3A_272 : i32 to vector<20x64xi32>
    %ge3A_274 = arith.cmpi sge, %add3A_271, %ge3A_273 : vector<20x64xi32>
    %add3A_275 = arith.constant -3 : i32
    %add3A_276 = vector.broadcast %add3A_275 : i32 to vector<20x64xi32>
    %add3A_277 = arith.addi %iota3A, %add3A_276 : vector<20x64xi32>
    %lt3A_278 = arith.constant 20 : i32
    %lt3A_279 = vector.broadcast %lt3A_278 : i32 to vector<20x64xi32>
    %lt3A_280 = arith.cmpi slt, %add3A_277, %lt3A_279 : vector<20x64xi32>
    %and3A_281 = arith.andi %ge3A_274, %lt3A_280 : vector<20x64xi1>
    %add3A_282 = arith.constant 0 : i32
    %add3A_283 = vector.broadcast %add3A_282 : i32 to vector<20x64xi32>
    %add3A_284 = arith.addi %iota3A_135, %add3A_283 : vector<20x64xi32>
    %ge3A_285 = arith.constant 0 : i32
    %ge3A_286 = vector.broadcast %ge3A_285 : i32 to vector<20x64xi32>
    %ge3A_287 = arith.cmpi sge, %add3A_284, %ge3A_286 : vector<20x64xi32>
    %and3A_288 = arith.andi %and3A_281, %ge3A_287 : vector<20x64xi1>
    %add3A_289 = arith.constant 0 : i32
    %add3A_290 = vector.broadcast %add3A_289 : i32 to vector<20x64xi32>
    %add3A_291 = arith.addi %iota3A_135, %add3A_290 : vector<20x64xi32>
    %lt3A_292 = arith.constant 64 : i32
    %lt3A_293 = vector.broadcast %lt3A_292 : i32 to vector<20x64xi32>
    %lt3A_294 = arith.cmpi slt, %add3A_291, %lt3A_293 : vector<20x64xi32>
    %and3A_295 = arith.andi %and3A_288, %lt3A_294 : vector<20x64xi1>
    %jit3A_296 = arith.constant -1.000000e+08 : f32
    %broadcast_in_dim3A_297 = vector.broadcast %jit3A_296 : f32 to vector<20x64xf32>
    %select_n3A_298 = arith.select %and3A_295, %add3A_268, %broadcast_in_dim3A_297 : vector<20x64xi1>, vector<20x64xf32>
    %swap3A_299 = arith.constant 3 : index
    %swap3A_300 = arith.constant 0 : index
    %swap3A_301 = arith.constant 0 : index
    %swap3A_302 = vector.load %arg3[%swap3A_299, %swap3A_300, %swap3A_301] : memref<49x20x64xf32, #tpu.memory_space<vmem>>, vector<1x20x64xf32>
    %swap3A_303 = vector.shape_cast %swap3A_302 : vector<1x20x64xf32> to vector<20x64xf32>
    %swap3A_304 = vector.shape_cast %select_n3A_298 : vector<20x64xf32> to vector<1x20x64xf32>
    tpu.vector_store %arg3[%swap3A_299, %swap3A_300, %swap3A_301], %swap3A_304 {strides = array<i32>} : memref<49x20x64xf32, #tpu.memory_space<vmem>>, vector<1x20x64xf32>,
    %slice3A_305 = vector.extract_strided_slice %concatenate3A_44 {offsets = [0, 0, 0], sizes = [20, 64, 128], strides = [1, 1, 1]} : vector<26x64x128xf32> to vector<20x64x128xf32>
    %mul3A_306 = arith.mulf %slice3A_305, %get3A_2 : vector<20x64x128xf32>
    %reduce_sum3A_307 = arith.constant dense<0.000000e+00> : vector<20x64xf32>
    %reduce_sum3A_308 = vector.multi_reduction <add>, %mul3A_306, %reduce_sum3A_307 [2] : vector<20x64x128xf32> to vector<20x64xf32>
    %slice3A_309 = vector.extract_strided_slice %concatenate3A_83 {offsets = [0, 0], sizes = [20, 64], strides = [1, 1]} : vector<26x64xf32> to vector<20x64xf32>
    %mul3A_310 = arith.mulf %reduce_sum3A_308, %slice3A_309 : vector<20x64xf32>
    %slice3A_311 = vector.extract_strided_slice %concatenate3A_122 {offsets = [0, 0], sizes = [20, 64], strides = [1, 1]} : vector<26x64xf32> to vector<20x64xf32>
    %add3A_312 = arith.addf %mul3A_310, %slice3A_311 : vector<20x64xf32>
    %add3A_313 = arith.constant -3 : i32
    %add3A_314 = vector.broadcast %add3A_313 : i32 to vector<20x64xi32>
    %add3A_315 = arith.addi %iota3A, %add3A_314 : vector<20x64xi32>
    %ge3A_316 = arith.constant 0 : i32
    %ge3A_317 = vector.broadcast %ge3A_316 : i32 to vector<20x64xi32>
    %ge3A_318 = arith.cmpi sge, %add3A_315, %ge3A_317 : vector<20x64xi32>
    %add3A_319 = arith.constant -3 : i32
    %add3A_320 = vector.broadcast %add3A_319 : i32 to vector<20x64xi32>
    %add3A_321 = arith.addi %iota3A, %add3A_320 : vector<20x64xi32>
    %lt3A_322 = arith.constant 20 : i32
    %lt3A_323 = vector.broadcast %lt3A_322 : i32 to vector<20x64xi32>
    %lt3A_324 = arith.cmpi slt, %add3A_321, %lt3A_323 : vector<20x64xi32>
    %and3A_325 = arith.andi %ge3A_318, %lt3A_324 : vector<20x64xi1>
    %add3A_326 = arith.constant 1 : i32
    %add3A_327 = vector.broadcast %add3A_326 : i32 to vector<20x64xi32>
    %add3A_328 = arith.addi %iota3A_135, %add3A_327 : vector<20x64xi32>
    %ge3A_329 = arith.constant 0 : i32
    %ge3A_330 = vector.broadcast %ge3A_329 : i32 to vector<20x64xi32>
    %ge3A_331 = arith.cmpi sge, %add3A_328, %ge3A_330 : vector<20x64xi32>
    %and3A_332 = arith.andi %and3A_325, %ge3A_331 : vector<20x64xi1>
    %add3A_333 = arith.constant 1 : i32
    %add3A_334 = vector.broadcast %add3A_333 : i32 to vector<20x64xi32>
    %add3A_335 = arith.addi %iota3A_135, %add3A_334 : vector<20x64xi32>
    %lt3A_336 = arith.constant 64 : i32
    %lt3A_337 = vector.broadcast %lt3A_336 : i32 to vector<20x64xi32>
    %lt3A_338 = arith.cmpi slt, %add3A_335, %lt3A_337 : vector<20x64xi32>
    %and3A_339 = arith.andi %and3A_332, %lt3A_338 : vector<20x64xi1>
    %jit3A_340 = arith.constant -1.000000e+08 : f32
    %broadcast_in_dim3A_341 = vector.broadcast %jit3A_340 : f32 to vector<20x64xf32>
    %select_n3A_342 = arith.select %and3A_339, %add3A_312, %broadcast_in_dim3A_341 : vector<20x64xi1>, vector<20x64xf32>
    %swap3A_343 = arith.constant 4 : index
    %swap3A_344 = arith.constant 0 : index
    %swap3A_345 = arith.constant 0 : index
    %swap3A_346 = vector.load %arg3[%swap3A_343, %swap3A_344, %swap3A_345] : memref<49x20x64xf32, #tpu.memory_space<vmem>>, vector<1x20x64xf32>
    %swap3A_347 = vector.shape_cast %swap3A_346 : vector<1x20x64xf32> to vector<20x64xf32>
    %swap3A_348 = vector.shape_cast %select_n3A_342 : vector<20x64xf32> to vector<1x20x64xf32>
    tpu.vector_store %arg3[%swap3A_343, %swap3A_344, %swap3A_345], %swap3A_348 {strides = array<i32>} : memref<49x20x64xf32, #tpu.memory_space<vmem>>, vector<1x20x64xf32>,
    %slice3A_349 = vector.extract_strided_slice %concatenate3A_50 {offsets = [0, 0, 0], sizes = [20, 64, 128], strides = [1, 1, 1]} : vector<26x64x128xf32> to vector<20x64x128xf32>
    %mul3A_350 = arith.mulf %slice3A_349, %get3A_2 : vector<20x64x128xf32>
    %reduce_sum3A_351 = arith.constant dense<0.000000e+00> : vector<20x64xf32>
    %reduce_sum3A_352 = vector.multi_reduction <add>, %mul3A_350, %reduce_sum3A_351 [2] : vector<20x64x128xf32> to vector<20x64xf32>
    %slice3A_353 = vector.extract_strided_slice %concatenate3A_89 {offsets = [0, 0], sizes = [20, 64], strides = [1, 1]} : vector<26x64xf32> to vector<20x64xf32>
    %mul3A_354 = arith.mulf %reduce_sum3A_352, %slice3A_353 : vector<20x64xf32>
    %slice3A_355 = vector.extract_strided_slice %concatenate3A_128 {offsets = [0, 0], sizes = [20, 64], strides = [1, 1]} : vector<26x64xf32> to vector<20x64xf32>
    %add3A_356 = arith.addf %mul3A_354, %slice3A_355 : vector<20x64xf32>
    %add3A_357 = arith.constant -3 : i32
    %add3A_358 = vector.broadcast %add3A_357 : i32 to vector<20x64xi32>
    %add3A_359 = arith.addi %iota3A, %add3A_358 : vector<20x64xi32>
    %ge3A_360 = arith.constant 0 : i32
    %ge3A_361 = vector.broadcast %ge3A_360 : i32 to vector<20x64xi32>
    %ge3A_362 = arith.cmpi sge, %add3A_359, %ge3A_361 : vector<20x64xi32>
    %add3A_363 = arith.constant -3 : i32
    %add3A_364 = vector.broadcast %add3A_363 : i32 to vector<20x64xi32>
    %add3A_365 = arith.addi %iota3A, %add3A_364 : vector<20x64xi32>
    %lt3A_366 = arith.constant 20 : i32
    %lt3A_367 = vector.broadcast %lt3A_366 : i32 to vector<20x64xi32>
    %lt3A_368 = arith.cmpi slt, %add3A_365, %lt3A_367 : vector<20x64xi32>
    %and3A_369 = arith.andi %ge3A_362, %lt3A_368 : vector<20x64xi1>
    %add3A_370 = arith.constant 2 : i32
    %add3A_371 = vector.broadcast %add3A_370 : i32 to vector<20x64xi32>
    %add3A_372 = arith.addi %iota3A_135, %add3A_371 : vector<20x64xi32>
    %ge3A_373 = arith.constant 0 : i32
    %ge3A_374 = vector.broadcast %ge3A_373 : i32 to vector<20x64xi32>
    %ge3A_375 = arith.cmpi sge, %add3A_372, %ge3A_374 : vector<20x64xi32>
    %and3A_376 = arith.andi %and3A_369, %ge3A_375 : vector<20x64xi1>
    %add3A_377 = arith.constant 2 : i32
    %add3A_378 = vector.broadcast %add3A_377 : i32 to vector<20x64xi32>
    %add3A_379 = arith.addi %iota3A_135, %add3A_378 : vector<20x64xi32>
    %lt3A_380 = arith.constant 64 : i32
    %lt3A_381 = vector.broadcast %lt3A_380 : i32 to vector<20x64xi32>
    %lt3A_382 = arith.cmpi slt, %add3A_379, %lt3A_381 : vector<20x64xi32>
    %and3A_383 = arith.andi %and3A_376, %lt3A_382 : vector<20x64xi1>
    %jit3A_384 = arith.constant -1.000000e+08 : f32
    %broadcast_in_dim3A_385 = vector.broadcast %jit3A_384 : f32 to vector<20x64xf32>
    %select_n3A_386 = arith.select %and3A_383, %add3A_356, %broadcast_in_dim3A_385 : vector<20x64xi1>, vector<20x64xf32>
    %swap3A_387 = arith.constant 5 : index
    %swap3A_388 = arith.constant 0 : index
    %swap3A_389 = arith.constant 0 : index
    %swap3A_390 = vector.load %arg3[%swap3A_387, %swap3A_388, %swap3A_389] : memref<49x20x64xf32, #tpu.memory_space<vmem>>, vector<1x20x64xf32>
    %swap3A_391 = vector.shape_cast %swap3A_390 : vector<1x20x64xf32> to vector<20x64xf32>
    %swap3A_392 = vector.shape_cast %select_n3A_386 : vector<20x64xf32> to vector<1x20x64xf32>
    tpu.vector_store %arg3[%swap3A_387, %swap3A_388, %swap3A_389], %swap3A_392 {strides = array<i32>} : memref<49x20x64xf32, #tpu.memory_space<vmem>>, vector<1x20x64xf32>,
    %slice3A_393 = vector.extract_strided_slice %concatenate3A_56 {offsets = [0, 0, 0], sizes = [20, 64, 128], strides = [1, 1, 1]} : vector<26x64x128xf32> to vector<20x64x128xf32>
    %mul3A_394 = arith.mulf %slice3A_393, %get3A_2 : vector<20x64x128xf32>
    %reduce_sum3A_395 = arith.constant dense<0.000000e+00> : vector<20x64xf32>
    %reduce_sum3A_396 = vector.multi_reduction <add>, %mul3A_394, %reduce_sum3A_395 [2] : vector<20x64x128xf32> to vector<20x64xf32>
    %slice3A_397 = vector.extract_strided_slice %concatenate3A_95 {offsets = [0, 0], sizes = [20, 64], strides = [1, 1]} : vector<26x64xf32> to vector<20x64xf32>
    %mul3A_398 = arith.mulf %reduce_sum3A_396, %slice3A_397 : vector<20x64xf32>
    %slice3A_399 = vector.extract_strided_slice %concatenate3A_134 {offsets = [0, 0], sizes = [20, 64], strides = [1, 1]} : vector<26x64xf32> to vector<20x64xf32>
    %add3A_400 = arith.addf %mul3A_398, %slice3A_399 : vector<20x64xf32>
    %add3A_401 = arith.constant -3 : i32
    %add3A_402 = vector.broadcast %add3A_401 : i32 to vector<20x64xi32>
    %add3A_403 = arith.addi %iota3A, %add3A_402 : vector<20x64xi32>
    %ge3A_404 = arith.constant 0 : i32
    %ge3A_405 = vector.broadcast %ge3A_404 : i32 to vector<20x64xi32>
    %ge3A_406 = arith.cmpi sge, %add3A_403, %ge3A_405 : vector<20x64xi32>
    %add3A_407 = arith.constant -3 : i32
    %add3A_408 = vector.broadcast %add3A_407 : i32 to vector<20x64xi32>
    %add3A_409 = arith.addi %iota3A, %add3A_408 : vector<20x64xi32>
    %lt3A_410 = arith.constant 20 : i32
    %lt3A_411 = vector.broadcast %lt3A_410 : i32 to vector<20x64xi32>
    %lt3A_412 = arith.cmpi slt, %add3A_409, %lt3A_411 : vector<20x64xi32>
    %and3A_413 = arith.andi %ge3A_406, %lt3A_412 : vector<20x64xi1>
    %add3A_414 = arith.constant 3 : i32
    %add3A_415 = vector.broadcast %add3A_414 : i32 to vector<20x64xi32>
    %add3A_416 = arith.addi %iota3A_135, %add3A_415 : vector<20x64xi32>
    %ge3A_417 = arith.constant 0 : i32
    %ge3A_418 = vector.broadcast %ge3A_417 : i32 to vector<20x64xi32>
    %ge3A_419 = arith.cmpi sge, %add3A_416, %ge3A_418 : vector<20x64xi32>
    %and3A_420 = arith.andi %and3A_413, %ge3A_419 : vector<20x64xi1>
    %add3A_421 = arith.constant 3 : i32
    %add3A_422 = vector.broadcast %add3A_421 : i32 to vector<20x64xi32>
    %add3A_423 = arith.addi %iota3A_135, %add3A_422 : vector<20x64xi32>
    %lt3A_424 = arith.constant 64 : i32
    %lt3A_425 = vector.broadcast %lt3A_424 : i32 to vector<20x64xi32>
    %lt3A_426 = arith.cmpi slt, %add3A_423, %lt3A_425 : vector<20x64xi32>
    %and3A_427 = arith.andi %and3A_420, %lt3A_426 : vector<20x64xi1>
    %jit3A_428 = arith.constant -1.000000e+08 : f32
    %broadcast_in_dim3A_429 = vector.broadcast %jit3A_428 : f32 to vector<20x64xf32>
    %select_n3A_430 = arith.select %and3A_427, %add3A_400, %broadcast_in_dim3A_429 : vector<20x64xi1>, vector<20x64xf32>
    %swap3A_431 = arith.constant 6 : index
    %swap3A_432 = arith.constant 0 : index
    %swap3A_433 = arith.constant 0 : index
    %swap3A_434 = vector.load %arg3[%swap3A_431, %swap3A_432, %swap3A_433] : memref<49x20x64xf32, #tpu.memory_space<vmem>>, vector<1x20x64xf32>
    %swap3A_435 = vector.shape_cast %swap3A_434 : vector<1x20x64xf32> to vector<20x64xf32>
    %swap3A_436 = vector.shape_cast %select_n3A_430 : vector<20x64xf32> to vector<1x20x64xf32>
    tpu.vector_store %arg3[%swap3A_431, %swap3A_432, %swap3A_433], %swap3A_436 {strides = array<i32>} : memref<49x20x64xf32, #tpu.memory_space<vmem>>, vector<1x20x64xf32>,
    %slice3A_437 = vector.extract_strided_slice %concatenate3A_23 {offsets = [1, 0, 0], sizes = [20, 64, 128], strides = [1, 1, 1]} : vector<26x64x128xf32> to vector<20x64x128xf32>
    %mul3A_438 = arith.mulf %slice3A_437, %get3A_2 : vector<20x64x128xf32>
    %reduce_sum3A_439 = arith.constant dense<0.000000e+00> : vector<20x64xf32>
    %reduce_sum3A_440 = vector.multi_reduction <add>, %mul3A_438, %reduce_sum3A_439 [2] : vector<20x64x128xf32> to vector<20x64xf32>
    %slice3A_441 = vector.extract_strided_slice %concatenate3A_62 {offsets = [1, 0], sizes = [20, 64], strides = [1, 1]} : vector<26x64xf32> to vector<20x64xf32>
    %mul3A_442 = arith.mulf %reduce_sum3A_440, %slice3A_441 : vector<20x64xf32>
    %slice3A_443 = vector.extract_strided_slice %concatenate3A_101 {offsets = [1, 0], sizes = [20, 64], strides = [1, 1]} : vector<26x64xf32> to vector<20x64xf32>
    %add3A_444 = arith.addf %mul3A_442, %slice3A_443 : vector<20x64xf32>
    %add3A_445 = arith.constant -2 : i32
    %add3A_446 = vector.broadcast %add3A_445 : i32 to vector<20x64xi32>
    %add3A_447 = arith.addi %iota3A, %add3A_446 : vector<20x64xi32>
    %ge3A_448 = arith.constant 0 : i32
    %ge3A_449 = vector.broadcast %ge3A_448 : i32 to vector<20x64xi32>
    %ge3A_450 = arith.cmpi sge, %add3A_447, %ge3A_449 : vector<20x64xi32>
    %add3A_451 = arith.constant -2 : i32
    %add3A_452 = vector.broadcast %add3A_451 : i32 to vector<20x64xi32>
    %add3A_453 = arith.addi %iota3A, %add3A_452 : vector<20x64xi32>
    %lt3A_454 = arith.constant 20 : i32
    %lt3A_455 = vector.broadcast %lt3A_454 : i32 to vector<20x64xi32>
    %lt3A_456 = arith.cmpi slt, %add3A_453, %lt3A_455 : vector<20x64xi32>
    %and3A_457 = arith.andi %ge3A_450, %lt3A_456 : vector<20x64xi1>
    %add3A_458 = arith.constant -3 : i32
    %add3A_459 = vector.broadcast %add3A_458 : i32 to vector<20x64xi32>
    %add3A_460 = arith.addi %iota3A_135, %add3A_459 : vector<20x64xi32>
    %ge3A_461 = arith.constant 0 : i32
    %ge3A_462 = vector.broadcast %ge3A_461 : i32 to vector<20x64xi32>
    %ge3A_463 = arith.cmpi sge, %add3A_460, %ge3A_462 : vector<20x64xi32>
    %and3A_464 = arith.andi %and3A_457, %ge3A_463 : vector<20x64xi1>
    %add3A_465 = arith.constant -3 : i32
    %add3A_466 = vector.broadcast %add3A_465 : i32 to vector<20x64xi32>
    %add3A_467 = arith.addi %iota3A_135, %add3A_466 : vector<20x64xi32>
    %lt3A_468 = arith.constant 64 : i32
    %lt3A_469 = vector.broadcast %lt3A_468 : i32 to vector<20x64xi32>
    %lt3A_470 = arith.cmpi slt, %add3A_467, %lt3A_469 : vector<20x64xi32>
    %and3A_471 = arith.andi %and3A_464, %lt3A_470 : vector<20x64xi1>
    %jit3A_472 = arith.constant -1.000000e+08 : f32
    %broadcast_in_dim3A_473 = vector.broadcast %jit3A_472 : f32 to vector<20x64xf32>
    %select_n3A_474 = arith.select %and3A_471, %add3A_444, %broadcast_in_dim3A_473 : vector<20x64xi1>, vector<20x64xf32>
    %swap3A_475 = arith.constant 7 : index
    %swap3A_476 = arith.constant 0 : index
    %swap3A_477 = arith.constant 0 : index
    %swap3A_478 = vector.load %arg3[%swap3A_475, %swap3A_476, %swap3A_477] : memref<49x20x64xf32, #tpu.memory_space<vmem>>, vector<1x20x64xf32>
    %swap3A_479 = vector.shape_cast %swap3A_478 : vector<1x20x64xf32> to vector<20x64xf32>
    %swap3A_480 = vector.shape_cast %select_n3A_474 : vector<20x64xf32> to vector<1x20x64xf32>
    tpu.vector_store %arg3[%swap3A_475, %swap3A_476, %swap3A_477], %swap3A_480 {strides = array<i32>} : memref<49x20x64xf32, #tpu.memory_space<vmem>>, vector<1x20x64xf32>,
    %slice3A_481 = vector.extract_strided_slice %concatenate3A_29 {offsets = [1, 0, 0], sizes = [20, 64, 128], strides = [1, 1, 1]} : vector<26x64x128xf32> to vector<20x64x128xf32>
    %mul3A_482 = arith.mulf %slice3A_481, %get3A_2 : vector<20x64x128xf32>
    %reduce_sum3A_483 = arith.constant dense<0.000000e+00> : vector<20x64xf32>
    %reduce_sum3A_484 = vector.multi_reduction <add>, %mul3A_482, %reduce_sum3A_483 [2] : vector<20x64x128xf32> to vector<20x64xf32>
    %slice3A_485 = vector.extract_strided_slice %concatenate3A_68 {offsets = [1, 0], sizes = [20, 64], strides = [1, 1]} : vector<26x64xf32> to vector<20x64xf32>
    %mul3A_486 = arith.mulf %reduce_sum3A_484, %slice3A_485 : vector<20x64xf32>
    %slice3A_487 = vector.extract_strided_slice %concatenate3A_107 {offsets = [1, 0], sizes = [20, 64], strides = [1, 1]} : vector<26x64xf32> to vector<20x64xf32>
    %add3A_488 = arith.addf %mul3A_486, %slice3A_487 : vector<20x64xf32>
    %add3A_489 = arith.constant -2 : i32
    %add3A_490 = vector.broadcast %add3A_489 : i32 to vector<20x64xi32>
    %add3A_491 = arith.addi %iota3A, %add3A_490 : vector<20x64xi32>
    %ge3A_492 = arith.constant 0 : i32
    %ge3A_493 = vector.broadcast %ge3A_492 : i32 to vector<20x64xi32>
    %ge3A_494 = arith.cmpi sge, %add3A_491, %ge3A_493 : vector<20x64xi32>
    %add3A_495 = arith.constant -2 : i32
    %add3A_496 = vector.broadcast %add3A_495 : i32 to vector<20x64xi32>
    %add3A_497 = arith.addi %iota3A, %add3A_496 : vector<20x64xi32>
    %lt3A_498 = arith.constant 20 : i32
    %lt3A_499 = vector.broadcast %lt3A_498 : i32 to vector<20x64xi32>
    %lt3A_500 = arith.cmpi slt, %add3A_497, %lt3A_499 : vector<20x64xi32>
    %and3A_501 = arith.andi %ge3A_494, %lt3A_500 : vector<20x64xi1>
    %add3A_502 = arith.constant -2 : i32
    %add3A_503 = vector.broadcast %add3A_502 : i32 to vector<20x64xi32>
    %add3A_504 = arith.addi %iota3A_135, %add3A_503 : vector<20x64xi32>
    %ge3A_505 = arith.constant 0 : i32
    %ge3A_506 = vector.broadcast %ge3A_505 : i32 to vector<20x64xi32>
    %ge3A_507 = arith.cmpi sge, %add3A_504, %ge3A_506 : vector<20x64xi32>
    %and3A_508 = arith.andi %and3A_501, %ge3A_507 : vector<20x64xi1>
    %add3A_509 = arith.constant -2 : i32
    %add3A_510 = vector.broadcast %add3A_509 : i32 to vector<20x64xi32>
    %add3A_511 = arith.addi %iota3A_135, %add3A_510 : vector<20x64xi32>
    %lt3A_512 = arith.constant 64 : i32
    %lt3A_513 = vector.broadcast %lt3A_512 : i32 to vector<20x64xi32>
    %lt3A_514 = arith.cmpi slt, %add3A_511, %lt3A_513 : vector<20x64xi32>
    %and3A_515 = arith.andi %and3A_508, %lt3A_514 : vector<20x64xi1>
    %jit3A_516 = arith.constant -1.000000e+08 : f32
    %broadcast_in_dim3A_517 = vector.broadcast %jit3A_516 : f32 to vector<20x64xf32>
    %select_n3A_518 = arith.select %and3A_515, %add3A_488, %broadcast_in_dim3A_517 : vector<20x64xi1>, vector<20x64xf32>
    %swap3A_519 = arith.constant 8 : index
    %swap3A_520 = arith.constant 0 : index
    %swap3A_521 = arith.constant 0 : index
    %swap3A_522 = vector.load %arg3[%swap3A_519, %swap3A_520, %swap3A_521] : memref<49x20x64xf32, #tpu.memory_space<vmem>>, vector<1x20x64xf32>
    %swap3A_523 = vector.shape_cast %swap3A_522 : vector<1x20x64xf32> to vector<20x64xf32>
    %swap3A_524 = vector.shape_cast %select_n3A_518 : vector<20x64xf32> to vector<1x20x64xf32>
    tpu.vector_store %arg3[%swap3A_519, %swap3A_520, %swap3A_521], %swap3A_524 {strides = array<i32>} : memref<49x20x64xf32, #tpu.memory_space<vmem>>, vector<1x20x64xf32>,
    %slice3A_525 = vector.extract_strided_slice %concatenate3A_35 {offsets = [1, 0, 0], sizes = [20, 64, 128], strides = [1, 1, 1]} : vector<26x64x128xf32> to vector<20x64x128xf32>
    %mul3A_526 = arith.mulf %slice3A_525, %get3A_2 : vector<20x64x128xf32>
    %reduce_sum3A_527 = arith.constant dense<0.000000e+00> : vector<20x64xf32>
    %reduce_sum3A_528 = vector.multi_reduction <add>, %mul3A_526, %reduce_sum3A_527 [2] : vector<20x64x128xf32> to vector<20x64xf32>
    %slice3A_529 = vector.extract_strided_slice %concatenate3A_74 {offsets = [1, 0], sizes = [20, 64], strides = [1, 1]} : vector<26x64xf32> to vector<20x64xf32>
    %mul3A_530 = arith.mulf %reduce_sum3A_528, %slice3A_529 : vector<20x64xf32>
    %slice3A_531 = vector.extract_strided_slice %concatenate3A_113 {offsets = [1, 0], sizes = [20, 64], strides = [1, 1]} : vector<26x64xf32> to vector<20x64xf32>
    %add3A_532 = arith.addf %mul3A_530, %slice3A_531 : vector<20x64xf32>
    %add3A_533 = arith.constant -2 : i32
    %add3A_534 = vector.broadcast %add3A_533 : i32 to vector<20x64xi32>
    %add3A_535 = arith.addi %iota3A, %add3A_534 : vector<20x64xi32>
    %ge3A_536 = arith.constant 0 : i32
    %ge3A_537 = vector.broadcast %ge3A_536 : i32 to vector<20x64xi32>
    %ge3A_538 = arith.cmpi sge, %add3A_535, %ge3A_537 : vector<20x64xi32>
    %add3A_539 = arith.constant -2 : i32
    %add3A_540 = vector.broadcast %add3A_539 : i32 to vector<20x64xi32>
    %add3A_541 = arith.addi %iota3A, %add3A_540 : vector<20x64xi32>
    %lt3A_542 = arith.constant 20 : i32
    %lt3A_543 = vector.broadcast %lt3A_542 : i32 to vector<20x64xi32>
    %lt3A_544 = arith.cmpi slt, %add3A_541, %lt3A_543 : vector<20x64xi32>
    %and3A_545 = arith.andi %ge3A_538, %lt3A_544 : vector<20x64xi1>
    %add3A_546 = arith.constant -1 : i32
    %add3A_547 = vector.broadcast %add3A_546 : i32 to vector<20x64xi32>
    %add3A_548 = arith.addi %iota3A_135, %add3A_547 : vector<20x64xi32>
    %ge3A_549 = arith.constant 0 : i32
    %ge3A_550 = vector.broadcast %ge3A_549 : i32 to vector<20x64xi32>
    %ge3A_551 = arith.cmpi sge, %add3A_548, %ge3A_550 : vector<20x64xi32>
    %and3A_552 = arith.andi %and3A_545, %ge3A_551 : vector<20x64xi1>
    %add3A_553 = arith.constant -1 : i32
    %add3A_554 = vector.broadcast %add3A_553 : i32 to vector<20x64xi32>
    %add3A_555 = arith.addi %iota3A_135, %add3A_554 : vector<20x64xi32>
    %lt3A_556 = arith.constant 64 : i32
    %lt3A_557 = vector.broadcast %lt3A_556 : i32 to vector<20x64xi32>
    %lt3A_558 = arith.cmpi slt, %add3A_555, %lt3A_557 : vector<20x64xi32>
    %and3A_559 = arith.andi %and3A_552, %lt3A_558 : vector<20x64xi1>
    %jit3A_560 = arith.constant -1.000000e+08 : f32
    %broadcast_in_dim3A_561 = vector.broadcast %jit3A_560 : f32 to vector<20x64xf32>
    %select_n3A_562 = arith.select %and3A_559, %add3A_532, %broadcast_in_dim3A_561 : vector<20x64xi1>, vector<20x64xf32>
    %swap3A_563 = arith.constant 9 : index
    %swap3A_564 = arith.constant 0 : index
    %swap3A_565 = arith.constant 0 : index
    %swap3A_566 = vector.load %arg3[%swap3A_563, %swap3A_564, %swap3A_565] : memref<49x20x64xf32, #tpu.memory_space<vmem>>, vector<1x20x64xf32>
    %swap3A_567 = vector.shape_cast %swap3A_566 : vector<1x20x64xf32> to vector<20x64xf32>
    %swap3A_568 = vector.shape_cast %select_n3A_562 : vector<20x64xf32> to vector<1x20x64xf32>
    tpu.vector_store %arg3[%swap3A_563, %swap3A_564, %swap3A_565], %swap3A_568 {strides = array<i32>} : memref<49x20x64xf32, #tpu.memory_space<vmem>>, vector<1x20x64xf32>,
    %slice3A_569 = vector.extract_strided_slice %concatenate3A_38 {offsets = [1, 0, 0], sizes = [20, 64, 128], strides = [1, 1, 1]} : vector<26x64x128xf32> to vector<20x64x128xf32>
    %mul3A_570 = arith.mulf %slice3A_569, %get3A_2 : vector<20x64x128xf32>
    %reduce_sum3A_571 = arith.constant dense<0.000000e+00> : vector<20x64xf32>
    %reduce_sum3A_572 = vector.multi_reduction <add>, %mul3A_570, %reduce_sum3A_571 [2] : vector<20x64x128xf32> to vector<20x64xf32>
    %slice3A_573 = vector.extract_strided_slice %concatenate3A_77 {offsets = [1, 0], sizes = [20, 64], strides = [1, 1]} : vector<26x64xf32> to vector<20x64xf32>
    %mul3A_574 = arith.mulf %reduce_sum3A_572, %slice3A_573 : vector<20x64xf32>
    %slice3A_575 = vector.extract_strided_slice %concatenate3A_116 {offsets = [1, 0], sizes = [20, 64], strides = [1, 1]} : vector<26x64xf32> to vector<20x64xf32>
    %add3A_576 = arith.addf %mul3A_574, %slice3A_575 : vector<20x64xf32>
    %add3A_577 = arith.constant -2 : i32
    %add3A_578 = vector.broadcast %add3A_577 : i32 to vector<20x64xi32>
    %add3A_579 = arith.addi %iota3A, %add3A_578 : vector<20x64xi32>
    %ge3A_580 = arith.constant 0 : i32
    %ge3A_581 = vector.broadcast %ge3A_580 : i32 to vector<20x64xi32>
    %ge3A_582 = arith.cmpi sge, %add3A_579, %ge3A_581 : vector<20x64xi32>
    %add3A_583 = arith.constant -2 : i32
    %add3A_584 = vector.broadcast %add3A_583 : i32 to vector<20x64xi32>
    %add3A_585 = arith.addi %iota3A, %add3A_584 : vector<20x64xi32>
    %lt3A_586 = arith.constant 20 : i32
    %lt3A_587 = vector.broadcast %lt3A_586 : i32 to vector<20x64xi32>
    %lt3A_588 = arith.cmpi slt, %add3A_585, %lt3A_587 : vector<20x64xi32>
    %and3A_589 = arith.andi %ge3A_582, %lt3A_588 : vector<20x64xi1>
    %add3A_590 = arith.constant 0 : i32
    %add3A_591 = vector.broadcast %add3A_590 : i32 to vector<20x64xi32>
    %add3A_592 = arith.addi %iota3A_135, %add3A_591 : vector<20x64xi32>
    %ge3A_593 = arith.constant 0 : i32
    %ge3A_594 = vector.broadcast %ge3A_593 : i32 to vector<20x64xi32>
    %ge3A_595 = arith.cmpi sge, %add3A_592, %ge3A_594 : vector<20x64xi32>
    %and3A_596 = arith.andi %and3A_589, %ge3A_595 : vector<20x64xi1>
    %add3A_597 = arith.constant 0 : i32
    %add3A_598 = vector.broadcast %add3A_597 : i32 to vector<20x64xi32>
    %add3A_599 = arith.addi %iota3A_135, %add3A_598 : vector<20x64xi32>
    %lt3A_600 = arith.constant 64 : i32
    %lt3A_601 = vector.broadcast %lt3A_600 : i32 to vector<20x64xi32>
    %lt3A_602 = arith.cmpi slt, %add3A_599, %lt3A_601 : vector<20x64xi32>
    %and3A_603 = arith.andi %and3A_596, %lt3A_602 : vector<20x64xi1>
    %jit3A_604 = arith.constant -1.000000e+08 : f32
    %broadcast_in_dim3A_605 = vector.broadcast %jit3A_604 : f32 to vector<20x64xf32>
    %select_n3A_606 = arith.select %and3A_603, %add3A_576, %broadcast_in_dim3A_605 : vector<20x64xi1>, vector<20x64xf32>
    %swap3A_607 = arith.constant 10 : index
    %swap3A_608 = arith.constant 0 : index
    %swap3A_609 = arith.constant 0 : index
    %swap3A_610 = vector.load %arg3[%swap3A_607, %swap3A_608, %swap3A_609] : memref<49x20x64xf32, #tpu.memory_space<vmem>>, vector<1x20x64xf32>
    %swap3A_611 = vector.shape_cast %swap3A_610 : vector<1x20x64xf32> to vector<20x64xf32>
    %swap3A_612 = vector.shape_cast %select_n3A_606 : vector<20x64xf32> to vector<1x20x64xf32>
    tpu.vector_store %arg3[%swap3A_607, %swap3A_608, %swap3A_609], %swap3A_612 {strides = array<i32>} : memref<49x20x64xf32, #tpu.memory_space<vmem>>, vector<1x20x64xf32>,
    %slice3A_613 = vector.extract_strided_slice %concatenate3A_44 {offsets = [1, 0, 0], sizes = [20, 64, 128], strides = [1, 1, 1]} : vector<26x64x128xf32> to vector<20x64x128xf32>
    %mul3A_614 = arith.mulf %slice3A_613, %get3A_2 : vector<20x64x128xf32>
    %reduce_sum3A_615 = arith.constant dense<0.000000e+00> : vector<20x64xf32>
    %reduce_sum3A_616 = vector.multi_reduction <add>, %mul3A_614, %reduce_sum3A_615 [2] : vector<20x64x128xf32> to vector<20x64xf32>
    %slice3A_617 = vector.extract_strided_slice %concatenate3A_83 {offsets = [1, 0], sizes = [20, 64], strides = [1, 1]} : vector<26x64xf32> to vector<20x64xf32>
    %mul3A_618 = arith.mulf %reduce_sum3A_616, %slice3A_617 : vector<20x64xf32>
    %slice3A_619 = vector.extract_strided_slice %concatenate3A_122 {offsets = [1, 0], sizes = [20, 64], strides = [1, 1]} : vector<26x64xf32> to vector<20x64xf32>
    %add3A_620 = arith.addf %mul3A_618, %slice3A_619 : vector<20x64xf32>
    %add3A_621 = arith.constant -2 : i32
    %add3A_622 = vector.broadcast %add3A_621 : i32 to vector<20x64xi32>
    %add3A_623 = arith.addi %iota3A, %add3A_622 : vector<20x64xi32>
    %ge3A_624 = arith.constant 0 : i32
    %ge3A_625 = vector.broadcast %ge3A_624 : i32 to vector<20x64xi32>
    %ge3A_626 = arith.cmpi sge, %add3A_623, %ge3A_625 : vector<20x64xi32>
    %add3A_627 = arith.constant -2 : i32
    %add3A_628 = vector.broadcast %add3A_627 : i32 to vector<20x64xi32>
    %add3A_629 = arith.addi %iota3A, %add3A_628 : vector<20x64xi32>
    %lt3A_630 = arith.constant 20 : i32
    %lt3A_631 = vector.broadcast %lt3A_630 : i32 to vector<20x64xi32>
    %lt3A_632 = arith.cmpi slt, %add3A_629, %lt3A_631 : vector<20x64xi32>
    %and3A_633 = arith.andi %ge3A_626, %lt3A_632 : vector<20x64xi1>
    %add3A_634 = arith.constant 1 : i32
    %add3A_635 = vector.broadcast %add3A_634 : i32 to vector<20x64xi32>
    %add3A_636 = arith.addi %iota3A_135, %add3A_635 : vector<20x64xi32>
    %ge3A_637 = arith.constant 0 : i32
    %ge3A_638 = vector.broadcast %ge3A_637 : i32 to vector<20x64xi32>
    %ge3A_639 = arith.cmpi sge, %add3A_636, %ge3A_638 : vector<20x64xi32>
    %and3A_640 = arith.andi %and3A_633, %ge3A_639 : vector<20x64xi1>
    %add3A_641 = arith.constant 1 : i32
    %add3A_642 = vector.broadcast %add3A_641 : i32 to vector<20x64xi32>
    %add3A_643 = arith.addi %iota3A_135, %add3A_642 : vector<20x64xi32>
    %lt3A_644 = arith.constant 64 : i32
    %lt3A_645 = vector.broadcast %lt3A_644 : i32 to vector<20x64xi32>
    %lt3A_646 = arith.cmpi slt, %add3A_643, %lt3A_645 : vector<20x64xi32>
    %and3A_647 = arith.andi %and3A_640, %lt3A_646 : vector<20x64xi1>
    %jit3A_648 = arith.constant -1.000000e+08 : f32
    %broadcast_in_dim3A_649 = vector.broadcast %jit3A_648 : f32 to vector<20x64xf32>
    %select_n3A_650 = arith.select %and3A_647, %add3A_620, %broadcast_in_dim3A_649 : vector<20x64xi1>, vector<20x64xf32>
    %swap3A_651 = arith.constant 11 : index
    %swap3A_652 = arith.constant 0 : index
    %swap3A_653 = arith.constant 0 : index
    %swap3A_654 = vector.load %arg3[%swap3A_651, %swap3A_652, %swap3A_653] : memref<49x20x64xf32, #tpu.memory_space<vmem>>, vector<1x20x64xf32>
    %swap3A_655 = vector.shape_cast %swap3A_654 : vector<1x20x64xf32> to vector<20x64xf32>
    %swap3A_656 = vector.shape_cast %select_n3A_650 : vector<20x64xf32> to vector<1x20x64xf32>
    tpu.vector_store %arg3[%swap3A_651, %swap3A_652, %swap3A_653], %swap3A_656 {strides = array<i32>} : memref<49x20x64xf32, #tpu.memory_space<vmem>>, vector<1x20x64xf32>,
    %slice3A_657 = vector.extract_strided_slice %concatenate3A_50 {offsets = [1, 0, 0], sizes = [20, 64, 128], strides = [1, 1, 1]} : vector<26x64x128xf32> to vector<20x64x128xf32>
    %mul3A_658 = arith.mulf %slice3A_657, %get3A_2 : vector<20x64x128xf32>
    %reduce_sum3A_659 = arith.constant dense<0.000000e+00> : vector<20x64xf32>
    %reduce_sum3A_660 = vector.multi_reduction <add>, %mul3A_658, %reduce_sum3A_659 [2] : vector<20x64x128xf32> to vector<20x64xf32>
    %slice3A_661 = vector.extract_strided_slice %concatenate3A_89 {offsets = [1, 0], sizes = [20, 64], strides = [1, 1]} : vector<26x64xf32> to vector<20x64xf32>
    %mul3A_662 = arith.mulf %reduce_sum3A_660, %slice3A_661 : vector<20x64xf32>
    %slice3A_663 = vector.extract_strided_slice %concatenate3A_128 {offsets = [1, 0], sizes = [20, 64], strides = [1, 1]} : vector<26x64xf32> to vector<20x64xf32>
    %add3A_664 = arith.addf %mul3A_662, %slice3A_663 : vector<20x64xf32>
    %add3A_665 = arith.constant -2 : i32
    %add3A_666 = vector.broadcast %add3A_665 : i32 to vector<20x64xi32>
    %add3A_667 = arith.addi %iota3A, %add3A_666 : vector<20x64xi32>
    %ge3A_668 = arith.constant 0 : i32
    %ge3A_669 = vector.broadcast %ge3A_668 : i32 to vector<20x64xi32>
    %ge3A_670 = arith.cmpi sge, %add3A_667, %ge3A_669 : vector<20x64xi32>
    %add3A_671 = arith.constant -2 : i32
    %add3A_672 = vector.broadcast %add3A_671 : i32 to vector<20x64xi32>
    %add3A_673 = arith.addi %iota3A, %add3A_672 : vector<20x64xi32>
    %lt3A_674 = arith.constant 20 : i32
    %lt3A_675 = vector.broadcast %lt3A_674 : i32 to vector<20x64xi32>
    %lt3A_676 = arith.cmpi slt, %add3A_673, %lt3A_675 : vector<20x64xi32>
    %and3A_677 = arith.andi %ge3A_670, %lt3A_676 : vector<20x64xi1>
    %add3A_678 = arith.constant 2 : i32
    %add3A_679 = vector.broadcast %add3A_678 : i32 to vector<20x64xi32>
    %add3A_680 = arith.addi %iota3A_135, %add3A_679 : vector<20x64xi32>
    %ge3A_681 = arith.constant 0 : i32
    %ge3A_682 = vector.broadcast %ge3A_681 : i32 to vector<20x64xi32>
    %ge3A_683 = arith.cmpi sge, %add3A_680, %ge3A_682 : vector<20x64xi32>
    %and3A_684 = arith.andi %and3A_677, %ge3A_683 : vector<20x64xi1>
    %add3A_685 = arith.constant 2 : i32
    %add3A_686 = vector.broadcast %add3A_685 : i32 to vector<20x64xi32>
    %add3A_687 = arith.addi %iota3A_135, %add3A_686 : vector<20x64xi32>
    %lt3A_688 = arith.constant 64 : i32
    %lt3A_689 = vector.broadcast %lt3A_688 : i32 to vector<20x64xi32>
    %lt3A_690 = arith.cmpi slt, %add3A_687, %lt3A_689 : vector<20x64xi32>
    %and3A_691 = arith.andi %and3A_684, %lt3A_690 : vector<20x64xi1>
    %jit3A_692 = arith.constant -1.000000e+08 : f32
    %broadcast_in_dim3A_693 = vector.broadcast %jit3A_692 : f32 to vector<20x64xf32>
    %select_n3A_694 = arith.select %and3A_691, %add3A_664, %broadcast_in_dim3A_693 : vector<20x64xi1>, vector<20x64xf32>
    %swap3A_695 = arith.constant 12 : index
    %swap3A_696 = arith.constant 0 : index
    %swap3A_697 = arith.constant 0 : index
    %swap3A_698 = vector.load %arg3[%swap3A_695, %swap3A_696, %swap3A_697] : memref<49x20x64xf32, #tpu.memory_space<vmem>>, vector<1x20x64xf32>
    %swap3A_699 = vector.shape_cast %swap3A_698 : vector<1x20x64xf32> to vector<20x64xf32>
    %swap3A_700 = vector.shape_cast %select_n3A_694 : vector<20x64xf32> to vector<1x20x64xf32>
    tpu.vector_store %arg3[%swap3A_695, %swap3A_696, %swap3A_697], %swap3A_700 {strides = array<i32>} : memref<49x20x64xf32, #tpu.memory_space<vmem>>, vector<1x20x64xf32>,
    %slice3A_701 = vector.extract_strided_slice %concatenate3A_56 {offsets = [1, 0, 0], sizes = [20, 64, 128], strides = [1, 1, 1]} : vector<26x64x128xf32> to vector<20x64x128xf32>
    %mul3A_702 = arith.mulf %slice3A_701, %get3A_2 : vector<20x64x128xf32>
    %reduce_sum3A_703 = arith.constant dense<0.000000e+00> : vector<20x64xf32>
    %reduce_sum3A_704 = vector.multi_reduction <add>, %mul3A_702, %reduce_sum3A_703 [2] : vector<20x64x128xf32> to vector<20x64xf32>
    %slice3A_705 = vector.extract_strided_slice %concatenate3A_95 {offsets = [1, 0], sizes = [20, 64], strides = [1, 1]} : vector<26x64xf32> to vector<20x64xf32>
    %mul3A_706 = arith.mulf %reduce_sum3A_704, %slice3A_705 : vector<20x64xf32>
    %slice3A_707 = vector.extract_strided_slice %concatenate3A_134 {offsets = [1, 0], sizes = [20, 64], strides = [1, 1]} : vector<26x64xf32> to vector<20x64xf32>
    %add3A_708 = arith.addf %mul3A_706, %slice3A_707 : vector<20x64xf32>
    %add3A_709 = arith.constant -2 : i32
    %add3A_710 = vector.broadcast %add3A_709 : i32 to vector<20x64xi32>
    %add3A_711 = arith.addi %iota3A, %add3A_710 : vector<20x64xi32>
    %ge3A_712 = arith.constant 0 : i32
    %ge3A_713 = vector.broadcast %ge3A_712 : i32 to vector<20x64xi32>
    %ge3A_714 = arith.cmpi sge, %add3A_711, %ge3A_713 : vector<20x64xi32>
    %add3A_715 = arith.constant -2 : i32
    %add3A_716 = vector.broadcast %add3A_715 : i32 to vector<20x64xi32>
    %add3A_717 = arith.addi %iota3A, %add3A_716 : vector<20x64xi32>
    %lt3A_718 = arith.constant 20 : i32
    %lt3A_719 = vector.broadcast %lt3A_718 : i32 to vector<20x64xi32>
    %lt3A_720 = arith.cmpi slt, %add3A_717, %lt3A_719 : vector<20x64xi32>
    %and3A_721 = arith.andi %ge3A_714, %lt3A_720 : vector<20x64xi1>
    %add3A_722 = arith.constant 3 : i32
    %add3A_723 = vector.broadcast %add3A_722 : i32 to vector<20x64xi32>
    %add3A_724 = arith.addi %iota3A_135, %add3A_723 : vector<20x64xi32>
    %ge3A_725 = arith.constant 0 : i32
    %ge3A_726 = vector.broadcast %ge3A_725 : i32 to vector<20x64xi32>
    %ge3A_727 = arith.cmpi sge, %add3A_724, %ge3A_726 : vector<20x64xi32>
    %and3A_728 = arith.andi %and3A_721, %ge3A_727 : vector<20x64xi1>
    %add3A_729 = arith.constant 3 : i32
    %add3A_730 = vector.broadcast %add3A_729 : i32 to vector<20x64xi32>
    %add3A_731 = arith.addi %iota3A_135, %add3A_730 : vector<20x64xi32>
    %lt3A_732 = arith.constant 64 : i32
    %lt3A_733 = vector.broadcast %lt3A_732 : i32 to vector<20x64xi32>
    %lt3A_734 = arith.cmpi slt, %add3A_731, %lt3A_733 : vector<20x64xi32>
    %and3A_735 = arith.andi %and3A_728, %lt3A_734 : vector<20x64xi1>
    %jit3A_736 = arith.constant -1.000000e+08 : f32
    %broadcast_in_dim3A_737 = vector.broadcast %jit3A_736 : f32 to vector<20x64xf32>
    %select_n3A_738 = arith.select %and3A_735, %add3A_708, %broadcast_in_dim3A_737 : vector<20x64xi1>, vector<20x64xf32>
    %swap3A_739 = arith.constant 13 : index
    %swap3A_740 = arith.constant 0 : index
    %swap3A_741 = arith.constant 0 : index
    %swap3A_742 = vector.load %arg3[%swap3A_739, %swap3A_740, %swap3A_741] : memref<49x20x64xf32, #tpu.memory_space<vmem>>, vector<1x20x64xf32>
    %swap3A_743 = vector.shape_cast %swap3A_742 : vector<1x20x64xf32> to vector<20x64xf32>
    %swap3A_744 = vector.shape_cast %select_n3A_738 : vector<20x64xf32> to vector<1x20x64xf32>
    tpu.vector_store %arg3[%swap3A_739, %swap3A_740, %swap3A_741], %swap3A_744 {strides = array<i32>} : memref<49x20x64xf32, #tpu.memory_space<vmem>>, vector<1x20x64xf32>,
    %slice3A_745 = vector.extract_strided_slice %concatenate3A_23 {offsets = [2, 0, 0], sizes = [20, 64, 128], strides = [1, 1, 1]} : vector<26x64x128xf32> to vector<20x64x128xf32>
    %mul3A_746 = arith.mulf %slice3A_745, %get3A_2 : vector<20x64x128xf32>
    %reduce_sum3A_747 = arith.constant dense<0.000000e+00> : vector<20x64xf32>
    %reduce_sum3A_748 = vector.multi_reduction <add>, %mul3A_746, %reduce_sum3A_747 [2] : vector<20x64x128xf32> to vector<20x64xf32>
    %slice3A_749 = vector.extract_strided_slice %concatenate3A_62 {offsets = [2, 0], sizes = [20, 64], strides = [1, 1]} : vector<26x64xf32> to vector<20x64xf32>
    %mul3A_750 = arith.mulf %reduce_sum3A_748, %slice3A_749 : vector<20x64xf32>
    %slice3A_751 = vector.extract_strided_slice %concatenate3A_101 {offsets = [2, 0], sizes = [20, 64], strides = [1, 1]} : vector<26x64xf32> to vector<20x64xf32>
    %add3A_752 = arith.addf %mul3A_750, %slice3A_751 : vector<20x64xf32>
    %add3A_753 = arith.constant -1 : i32
    %add3A_754 = vector.broadcast %add3A_753 : i32 to vector<20x64xi32>
    %add3A_755 = arith.addi %iota3A, %add3A_754 : vector<20x64xi32>
    %ge3A_756 = arith.constant 0 : i32
    %ge3A_757 = vector.broadcast %ge3A_756 : i32 to vector<20x64xi32>
    %ge3A_758 = arith.cmpi sge, %add3A_755, %ge3A_757 : vector<20x64xi32>
    %add3A_759 = arith.constant -1 : i32
    %add3A_760 = vector.broadcast %add3A_759 : i32 to vector<20x64xi32>
    %add3A_761 = arith.addi %iota3A, %add3A_760 : vector<20x64xi32>
    %lt3A_762 = arith.constant 20 : i32
    %lt3A_763 = vector.broadcast %lt3A_762 : i32 to vector<20x64xi32>
    %lt3A_764 = arith.cmpi slt, %add3A_761, %lt3A_763 : vector<20x64xi32>
    %and3A_765 = arith.andi %ge3A_758, %lt3A_764 : vector<20x64xi1>
    %add3A_766 = arith.constant -3 : i32
    %add3A_767 = vector.broadcast %add3A_766 : i32 to vector<20x64xi32>
    %add3A_768 = arith.addi %iota3A_135, %add3A_767 : vector<20x64xi32>
    %ge3A_769 = arith.constant 0 : i32
    %ge3A_770 = vector.broadcast %ge3A_769 : i32 to vector<20x64xi32>
    %ge3A_771 = arith.cmpi sge, %add3A_768, %ge3A_770 : vector<20x64xi32>
    %and3A_772 = arith.andi %and3A_765, %ge3A_771 : vector<20x64xi1>
    %add3A_773 = arith.constant -3 : i32
    %add3A_774 = vector.broadcast %add3A_773 : i32 to vector<20x64xi32>
    %add3A_775 = arith.addi %iota3A_135, %add3A_774 : vector<20x64xi32>
    %lt3A_776 = arith.constant 64 : i32
    %lt3A_777 = vector.broadcast %lt3A_776 : i32 to vector<20x64xi32>
    %lt3A_778 = arith.cmpi slt, %add3A_775, %lt3A_777 : vector<20x64xi32>
    %and3A_779 = arith.andi %and3A_772, %lt3A_778 : vector<20x64xi1>
    %jit3A_780 = arith.constant -1.000000e+08 : f32
    %broadcast_in_dim3A_781 = vector.broadcast %jit3A_780 : f32 to vector<20x64xf32>
    %select_n3A_782 = arith.select %and3A_779, %add3A_752, %broadcast_in_dim3A_781 : vector<20x64xi1>, vector<20x64xf32>
    %swap3A_783 = arith.constant 14 : index
    %swap3A_784 = arith.constant 0 : index
    %swap3A_785 = arith.constant 0 : index
    %swap3A_786 = vector.load %arg3[%swap3A_783, %swap3A_784, %swap3A_785] : memref<49x20x64xf32, #tpu.memory_space<vmem>>, vector<1x20x64xf32>
    %swap3A_787 = vector.shape_cast %swap3A_786 : vector<1x20x64xf32> to vector<20x64xf32>
    %swap3A_788 = vector.shape_cast %select_n3A_782 : vector<20x64xf32> to vector<1x20x64xf32>
    tpu.vector_store %arg3[%swap3A_783, %swap3A_784, %swap3A_785], %swap3A_788 {strides = array<i32>} : memref<49x20x64xf32, #tpu.memory_space<vmem>>, vector<1x20x64xf32>,
    %slice3A_789 = vector.extract_strided_slice %concatenate3A_29 {offsets = [2, 0, 0], sizes = [20, 64, 128], strides = [1, 1, 1]} : vector<26x64x128xf32> to vector<20x64x128xf32>
    %mul3A_790 = arith.mulf %slice3A_789, %get3A_2 : vector<20x64x128xf32>
    %reduce_sum3A_791 = arith.constant dense<0.000000e+00> : vector<20x64xf32>
    %reduce_sum3A_792 = vector.multi_reduction <add>, %mul3A_790, %reduce_sum3A_791 [2] : vector<20x64x128xf32> to vector<20x64xf32>
    %slice3A_793 = vector.extract_strided_slice %concatenate3A_68 {offsets = [2, 0], sizes = [20, 64], strides = [1, 1]} : vector<26x64xf32> to vector<20x64xf32>
    %mul3A_794 = arith.mulf %reduce_sum3A_792, %slice3A_793 : vector<20x64xf32>
    %slice3A_795 = vector.extract_strided_slice %concatenate3A_107 {offsets = [2, 0], sizes = [20, 64], strides = [1, 1]} : vector<26x64xf32> to vector<20x64xf32>
    %add3A_796 = arith.addf %mul3A_794, %slice3A_795 : vector<20x64xf32>
    %add3A_797 = arith.constant -1 : i32
    %add3A_798 = vector.broadcast %add3A_797 : i32 to vector<20x64xi32>
    %add3A_799 = arith.addi %iota3A, %add3A_798 : vector<20x64xi32>
    %ge3A_800 = arith.constant 0 : i32
    %ge3A_801 = vector.broadcast %ge3A_800 : i32 to vector<20x64xi32>
    %ge3A_802 = arith.cmpi sge, %add3A_799, %ge3A_801 : vector<20x64xi32>
    %add3A_803 = arith.constant -1 : i32
    %add3A_804 = vector.broadcast %add3A_803 : i32 to vector<20x64xi32>
    %add3A_805 = arith.addi %iota3A, %add3A_804 : vector<20x64xi32>
    %lt3A_806 = arith.constant 20 : i32
    %lt3A_807 = vector.broadcast %lt3A_806 : i32 to vector<20x64xi32>
    %lt3A_808 = arith.cmpi slt, %add3A_805, %lt3A_807 : vector<20x64xi32>
    %and3A_809 = arith.andi %ge3A_802, %lt3A_808 : vector<20x64xi1>
    %add3A_810 = arith.constant -2 : i32
    %add3A_811 = vector.broadcast %add3A_810 : i32 to vector<20x64xi32>
    %add3A_812 = arith.addi %iota3A_135, %add3A_811 : vector<20x64xi32>
    %ge3A_813 = arith.constant 0 : i32
    %ge3A_814 = vector.broadcast %ge3A_813 : i32 to vector<20x64xi32>
    %ge3A_815 = arith.cmpi sge, %add3A_812, %ge3A_814 : vector<20x64xi32>
    %and3A_816 = arith.andi %and3A_809, %ge3A_815 : vector<20x64xi1>
    %add3A_817 = arith.constant -2 : i32
    %add3A_818 = vector.broadcast %add3A_817 : i32 to vector<20x64xi32>
    %add3A_819 = arith.addi %iota3A_135, %add3A_818 : vector<20x64xi32>
    %lt3A_820 = arith.constant 64 : i32
    %lt3A_821 = vector.broadcast %lt3A_820 : i32 to vector<20x64xi32>
    %lt3A_822 = arith.cmpi slt, %add3A_819, %lt3A_821 : vector<20x64xi32>
    %and3A_823 = arith.andi %and3A_816, %lt3A_822 : vector<20x64xi1>
    %jit3A_824 = arith.constant -1.000000e+08 : f32
    %broadcast_in_dim3A_825 = vector.broadcast %jit3A_824 : f32 to vector<20x64xf32>
    %select_n3A_826 = arith.select %and3A_823, %add3A_796, %broadcast_in_dim3A_825 : vector<20x64xi1>, vector<20x64xf32>
    %swap3A_827 = arith.constant 15 : index
    %swap3A_828 = arith.constant 0 : index
    %swap3A_829 = arith.constant 0 : index
    %swap3A_830 = vector.load %arg3[%swap3A_827, %swap3A_828, %swap3A_829] : memref<49x20x64xf32, #tpu.memory_space<vmem>>, vector<1x20x64xf32>
    %swap3A_831 = vector.shape_cast %swap3A_830 : vector<1x20x64xf32> to vector<20x64xf32>
    %swap3A_832 = vector.shape_cast %select_n3A_826 : vector<20x64xf32> to vector<1x20x64xf32>
    tpu.vector_store %arg3[%swap3A_827, %swap3A_828, %swap3A_829], %swap3A_832 {strides = array<i32>} : memref<49x20x64xf32, #tpu.memory_space<vmem>>, vector<1x20x64xf32>,
    %slice3A_833 = vector.extract_strided_slice %concatenate3A_35 {offsets = [2, 0, 0], sizes = [20, 64, 128], strides = [1, 1, 1]} : vector<26x64x128xf32> to vector<20x64x128xf32>
    %mul3A_834 = arith.mulf %slice3A_833, %get3A_2 : vector<20x64x128xf32>
    %reduce_sum3A_835 = arith.constant dense<0.000000e+00> : vector<20x64xf32>
    %reduce_sum3A_836 = vector.multi_reduction <add>, %mul3A_834, %reduce_sum3A_835 [2] : vector<20x64x128xf32> to vector<20x64xf32>
    %slice3A_837 = vector.extract_strided_slice %concatenate3A_74 {offsets = [2, 0], sizes = [20, 64], strides = [1, 1]} : vector<26x64xf32> to vector<20x64xf32>
    %mul3A_838 = arith.mulf %reduce_sum3A_836, %slice3A_837 : vector<20x64xf32>
    %slice3A_839 = vector.extract_strided_slice %concatenate3A_113 {offsets = [2, 0], sizes = [20, 64], strides = [1, 1]} : vector<26x64xf32> to vector<20x64xf32>
    %add3A_840 = arith.addf %mul3A_838, %slice3A_839 : vector<20x64xf32>
    %add3A_841 = arith.constant -1 : i32
    %add3A_842 = vector.broadcast %add3A_841 : i32 to vector<20x64xi32>
    %add3A_843 = arith.addi %iota3A, %add3A_842 : vector<20x64xi32>
    %ge3A_844 = arith.constant 0 : i32
    %ge3A_845 = vector.broadcast %ge3A_844 : i32 to vector<20x64xi32>
    %ge3A_846 = arith.cmpi sge, %add3A_843, %ge3A_845 : vector<20x64xi32>
    %add3A_847 = arith.constant -1 : i32
    %add3A_848 = vector.broadcast %add3A_847 : i32 to vector<20x64xi32>
    %add3A_849 = arith.addi %iota3A, %add3A_848 : vector<20x64xi32>
    %lt3A_850 = arith.constant 20 : i32
    %lt3A_851 = vector.broadcast %lt3A_850 : i32 to vector<20x64xi32>
    %lt3A_852 = arith.cmpi slt, %add3A_849, %lt3A_851 : vector<20x64xi32>
    %and3A_853 = arith.andi %ge3A_846, %lt3A_852 : vector<20x64xi1>
    %add3A_854 = arith.constant -1 : i32
    %add3A_855 = vector.broadcast %add3A_854 : i32 to vector<20x64xi32>
    %add3A_856 = arith.addi %iota3A_135, %add3A_855 : vector<20x64xi32>
    %ge3A_857 = arith.constant 0 : i32
    %ge3A_858 = vector.broadcast %ge3A_857 : i32 to vector<20x64xi32>
    %ge3A_859 = arith.cmpi sge, %add3A_856, %ge3A_858 : vector<20x64xi32>
    %and3A_860 = arith.andi %and3A_853, %ge3A_859 : vector<20x64xi1>
    %add3A_861 = arith.constant -1 : i32
    %add3A_862 = vector.broadcast %add3A_861 : i32 to vector<20x64xi32>
    %add3A_863 = arith.addi %iota3A_135, %add3A_862 : vector<20x64xi32>
    %lt3A_864 = arith.constant 64 : i32
    %lt3A_865 = vector.broadcast %lt3A_864 : i32 to vector<20x64xi32>
    %lt3A_866 = arith.cmpi slt, %add3A_863, %lt3A_865 : vector<20x64xi32>
    %and3A_867 = arith.andi %and3A_860, %lt3A_866 : vector<20x64xi1>
    %jit3A_868 = arith.constant -1.000000e+08 : f32
    %broadcast_in_dim3A_869 = vector.broadcast %jit3A_868 : f32 to vector<20x64xf32>
    %select_n3A_870 = arith.select %and3A_867, %add3A_840, %broadcast_in_dim3A_869 : vector<20x64xi1>, vector<20x64xf32>
    %swap3A_871 = arith.constant 16 : index
    %swap3A_872 = arith.constant 0 : index
    %swap3A_873 = arith.constant 0 : index
    %swap3A_874 = vector.load %arg3[%swap3A_871, %swap3A_872, %swap3A_873] : memref<49x20x64xf32, #tpu.memory_space<vmem>>, vector<1x20x64xf32>
    %swap3A_875 = vector.shape_cast %swap3A_874 : vector<1x20x64xf32> to vector<20x64xf32>
    %swap3A_876 = vector.shape_cast %select_n3A_870 : vector<20x64xf32> to vector<1x20x64xf32>
    tpu.vector_store %arg3[%swap3A_871, %swap3A_872, %swap3A_873], %swap3A_876 {strides = array<i32>} : memref<49x20x64xf32, #tpu.memory_space<vmem>>, vector<1x20x64xf32>,
    %slice3A_877 = vector.extract_strided_slice %concatenate3A_38 {offsets = [2, 0, 0], sizes = [20, 64, 128], strides = [1, 1, 1]} : vector<26x64x128xf32> to vector<20x64x128xf32>
    %mul3A_878 = arith.mulf %slice3A_877, %get3A_2 : vector<20x64x128xf32>
    %reduce_sum3A_879 = arith.constant dense<0.000000e+00> : vector<20x64xf32>
    %reduce_sum3A_880 = vector.multi_reduction <add>, %mul3A_878, %reduce_sum3A_879 [2] : vector<20x64x128xf32> to vector<20x64xf32>
    %slice3A_881 = vector.extract_strided_slice %concatenate3A_77 {offsets = [2, 0], sizes = [20, 64], strides = [1, 1]} : vector<26x64xf32> to vector<20x64xf32>
    %mul3A_882 = arith.mulf %reduce_sum3A_880, %slice3A_881 : vector<20x64xf32>
    %slice3A_883 = vector.extract_strided_slice %concatenate3A_116 {offsets = [2, 0], sizes = [20, 64], strides = [1, 1]} : vector<26x64xf32> to vector<20x64xf32>
    %add3A_884 = arith.addf %mul3A_882, %slice3A_883 : vector<20x64xf32>
    %add3A_885 = arith.constant -1 : i32
    %add3A_886 = vector.broadcast %add3A_885 : i32 to vector<20x64xi32>
    %add3A_887 = arith.addi %iota3A, %add3A_886 : vector<20x64xi32>
    %ge3A_888 = arith.constant 0 : i32
    %ge3A_889 = vector.broadcast %ge3A_888 : i32 to vector<20x64xi32>
    %ge3A_890 = arith.cmpi sge, %add3A_887, %ge3A_889 : vector<20x64xi32>
    %add3A_891 = arith.constant -1 : i32
    %add3A_892 = vector.broadcast %add3A_891 : i32 to vector<20x64xi32>
    %add3A_893 = arith.addi %iota3A, %add3A_892 : vector<20x64xi32>
    %lt3A_894 = arith.constant 20 : i32
    %lt3A_895 = vector.broadcast %lt3A_894 : i32 to vector<20x64xi32>
    %lt3A_896 = arith.cmpi slt, %add3A_893, %lt3A_895 : vector<20x64xi32>
    %and3A_897 = arith.andi %ge3A_890, %lt3A_896 : vector<20x64xi1>
    %add3A_898 = arith.constant 0 : i32
    %add3A_899 = vector.broadcast %add3A_898 : i32 to vector<20x64xi32>
    %add3A_900 = arith.addi %iota3A_135, %add3A_899 : vector<20x64xi32>
    %ge3A_901 = arith.constant 0 : i32
    %ge3A_902 = vector.broadcast %ge3A_901 : i32 to vector<20x64xi32>
    %ge3A_903 = arith.cmpi sge, %add3A_900, %ge3A_902 : vector<20x64xi32>
    %and3A_904 = arith.andi %and3A_897, %ge3A_903 : vector<20x64xi1>
    %add3A_905 = arith.constant 0 : i32
    %add3A_906 = vector.broadcast %add3A_905 : i32 to vector<20x64xi32>
    %add3A_907 = arith.addi %iota3A_135, %add3A_906 : vector<20x64xi32>
    %lt3A_908 = arith.constant 64 : i32
    %lt3A_909 = vector.broadcast %lt3A_908 : i32 to vector<20x64xi32>
    %lt3A_910 = arith.cmpi slt, %add3A_907, %lt3A_909 : vector<20x64xi32>
    %and3A_911 = arith.andi %and3A_904, %lt3A_910 : vector<20x64xi1>
    %jit3A_912 = arith.constant -1.000000e+08 : f32
    %broadcast_in_dim3A_913 = vector.broadcast %jit3A_912 : f32 to vector<20x64xf32>
    %select_n3A_914 = arith.select %and3A_911, %add3A_884, %broadcast_in_dim3A_913 : vector<20x64xi1>, vector<20x64xf32>
    %swap3A_915 = arith.constant 17 : index
    %swap3A_916 = arith.constant 0 : index
    %swap3A_917 = arith.constant 0 : index
    %swap3A_918 = vector.load %arg3[%swap3A_915, %swap3A_916, %swap3A_917] : memref<49x20x64xf32, #tpu.memory_space<vmem>>, vector<1x20x64xf32>
    %swap3A_919 = vector.shape_cast %swap3A_918 : vector<1x20x64xf32> to vector<20x64xf32>
    %swap3A_920 = vector.shape_cast %select_n3A_914 : vector<20x64xf32> to vector<1x20x64xf32>
    tpu.vector_store %arg3[%swap3A_915, %swap3A_916, %swap3A_917], %swap3A_920 {strides = array<i32>} : memref<49x20x64xf32, #tpu.memory_space<vmem>>, vector<1x20x64xf32>,
    %slice3A_921 = vector.extract_strided_slice %concatenate3A_44 {offsets = [2, 0, 0], sizes = [20, 64, 128], strides = [1, 1, 1]} : vector<26x64x128xf32> to vector<20x64x128xf32>
    %mul3A_922 = arith.mulf %slice3A_921, %get3A_2 : vector<20x64x128xf32>
    %reduce_sum3A_923 = arith.constant dense<0.000000e+00> : vector<20x64xf32>
    %reduce_sum3A_924 = vector.multi_reduction <add>, %mul3A_922, %reduce_sum3A_923 [2] : vector<20x64x128xf32> to vector<20x64xf32>
    %slice3A_925 = vector.extract_strided_slice %concatenate3A_83 {offsets = [2, 0], sizes = [20, 64], strides = [1, 1]} : vector<26x64xf32> to vector<20x64xf32>
    %mul3A_926 = arith.mulf %reduce_sum3A_924, %slice3A_925 : vector<20x64xf32>
    %slice3A_927 = vector.extract_strided_slice %concatenate3A_122 {offsets = [2, 0], sizes = [20, 64], strides = [1, 1]} : vector<26x64xf32> to vector<20x64xf32>
    %add3A_928 = arith.addf %mul3A_926, %slice3A_927 : vector<20x64xf32>
    %add3A_929 = arith.constant -1 : i32
    %add3A_930 = vector.broadcast %add3A_929 : i32 to vector<20x64xi32>
    %add3A_931 = arith.addi %iota3A, %add3A_930 : vector<20x64xi32>
    %ge3A_932 = arith.constant 0 : i32
    %ge3A_933 = vector.broadcast %ge3A_932 : i32 to vector<20x64xi32>
    %ge3A_934 = arith.cmpi sge, %add3A_931, %ge3A_933 : vector<20x64xi32>
    %add3A_935 = arith.constant -1 : i32
    %add3A_936 = vector.broadcast %add3A_935 : i32 to vector<20x64xi32>
    %add3A_937 = arith.addi %iota3A, %add3A_936 : vector<20x64xi32>
    %lt3A_938 = arith.constant 20 : i32
    %lt3A_939 = vector.broadcast %lt3A_938 : i32 to vector<20x64xi32>
    %lt3A_940 = arith.cmpi slt, %add3A_937, %lt3A_939 : vector<20x64xi32>
    %and3A_941 = arith.andi %ge3A_934, %lt3A_940 : vector<20x64xi1>
    %add3A_942 = arith.constant 1 : i32
    %add3A_943 = vector.broadcast %add3A_942 : i32 to vector<20x64xi32>
    %add3A_944 = arith.addi %iota3A_135, %add3A_943 : vector<20x64xi32>
    %ge3A_945 = arith.constant 0 : i32
    %ge3A_946 = vector.broadcast %ge3A_945 : i32 to vector<20x64xi32>
    %ge3A_947 = arith.cmpi sge, %add3A_944, %ge3A_946 : vector<20x64xi32>
    %and3A_948 = arith.andi %and3A_941, %ge3A_947 : vector<20x64xi1>
    %add3A_949 = arith.constant 1 : i32
    %add3A_950 = vector.broadcast %add3A_949 : i32 to vector<20x64xi32>
    %add3A_951 = arith.addi %iota3A_135, %add3A_950 : vector<20x64xi32>
    %lt3A_952 = arith.constant 64 : i32
    %lt3A_953 = vector.broadcast %lt3A_952 : i32 to vector<20x64xi32>
    %lt3A_954 = arith.cmpi slt, %add3A_951, %lt3A_953 : vector<20x64xi32>
    %and3A_955 = arith.andi %and3A_948, %lt3A_954 : vector<20x64xi1>
    %jit3A_956 = arith.constant -1.000000e+08 : f32
    %broadcast_in_dim3A_957 = vector.broadcast %jit3A_956 : f32 to vector<20x64xf32>
    %select_n3A_958 = arith.select %and3A_955, %add3A_928, %broadcast_in_dim3A_957 : vector<20x64xi1>, vector<20x64xf32>
    %swap3A_959 = arith.constant 18 : index
    %swap3A_960 = arith.constant 0 : index
    %swap3A_961 = arith.constant 0 : index
    %swap3A_962 = vector.load %arg3[%swap3A_959, %swap3A_960, %swap3A_961] : memref<49x20x64xf32, #tpu.memory_space<vmem>>, vector<1x20x64xf32>
    %swap3A_963 = vector.shape_cast %swap3A_962 : vector<1x20x64xf32> to vector<20x64xf32>
    %swap3A_964 = vector.shape_cast %select_n3A_958 : vector<20x64xf32> to vector<1x20x64xf32>
    tpu.vector_store %arg3[%swap3A_959, %swap3A_960, %swap3A_961], %swap3A_964 {strides = array<i32>} : memref<49x20x64xf32, #tpu.memory_space<vmem>>, vector<1x20x64xf32>,
    %slice3A_965 = vector.extract_strided_slice %concatenate3A_50 {offsets = [2, 0, 0], sizes = [20, 64, 128], strides = [1, 1, 1]} : vector<26x64x128xf32> to vector<20x64x128xf32>
    %mul3A_966 = arith.mulf %slice3A_965, %get3A_2 : vector<20x64x128xf32>
    %reduce_sum3A_967 = arith.constant dense<0.000000e+00> : vector<20x64xf32>
    %reduce_sum3A_968 = vector.multi_reduction <add>, %mul3A_966, %reduce_sum3A_967 [2] : vector<20x64x128xf32> to vector<20x64xf32>
    %slice3A_969 = vector.extract_strided_slice %concatenate3A_89 {offsets = [2, 0], sizes = [20, 64], strides = [1, 1]} : vector<26x64xf32> to vector<20x64xf32>
    %mul3A_970 = arith.mulf %reduce_sum3A_968, %slice3A_969 : vector<20x64xf32>
    %slice3A_971 = vector.extract_strided_slice %concatenate3A_128 {offsets = [2, 0], sizes = [20, 64], strides = [1, 1]} : vector<26x64xf32> to vector<20x64xf32>
    %add3A_972 = arith.addf %mul3A_970, %slice3A_971 : vector<20x64xf32>
    %add3A_973 = arith.constant -1 : i32
    %add3A_974 = vector.broadcast %add3A_973 : i32 to vector<20x64xi32>
    %add3A_975 = arith.addi %iota3A, %add3A_974 : vector<20x64xi32>
    %ge3A_976 = arith.constant 0 : i32
    %ge3A_977 = vector.broadcast %ge3A_976 : i32 to vector<20x64xi32>
    %ge3A_978 = arith.cmpi sge, %add3A_975, %ge3A_977 : vector<20x64xi32>
    %add3A_979 = arith.constant -1 : i32
    %add3A_980 = vector.broadcast %add3A_979 : i32 to vector<20x64xi32>
    %add3A_981 = arith.addi %iota3A, %add3A_980 : vector<20x64xi32>
    %lt3A_982 = arith.constant 20 : i32
    %lt3A_983 = vector.broadcast %lt3A_982 : i32 to vector<20x64xi32>
    %lt3A_984 = arith.cmpi slt, %add3A_981, %lt3A_983 : vector<20x64xi32>
    %and3A_985 = arith.andi %ge3A_978, %lt3A_984 : vector<20x64xi1>
    %add3A_986 = arith.constant 2 : i32
    %add3A_987 = vector.broadcast %add3A_986 : i32 to vector<20x64xi32>
    %add3A_988 = arith.addi %iota3A_135, %add3A_987 : vector<20x64xi32>
    %ge3A_989 = arith.constant 0 : i32
    %ge3A_990 = vector.broadcast %ge3A_989 : i32 to vector<20x64xi32>
    %ge3A_991 = arith.cmpi sge, %add3A_988, %ge3A_990 : vector<20x64xi32>
    %and3A_992 = arith.andi %and3A_985, %ge3A_991 : vector<20x64xi1>
    %add3A_993 = arith.constant 2 : i32
    %add3A_994 = vector.broadcast %add3A_993 : i32 to vector<20x64xi32>
    %add3A_995 = arith.addi %iota3A_135, %add3A_994 : vector<20x64xi32>
    %lt3A_996 = arith.constant 64 : i32
    %lt3A_997 = vector.broadcast %lt3A_996 : i32 to vector<20x64xi32>
    %lt3A_998 = arith.cmpi slt, %add3A_995, %lt3A_997 : vector<20x64xi32>
    %and3A_999 = arith.andi %and3A_992, %lt3A_998 : vector<20x64xi1>
    %jit3A_1000 = arith.constant -1.000000e+08 : f32
    %broadcast_in_dim3A_1001 = vector.broadcast %jit3A_1000 : f32 to vector<20x64xf32>
    %select_n3A_1002 = arith.select %and3A_999, %add3A_972, %broadcast_in_dim3A_1001 : vector<20x64xi1>, vector<20x64xf32>
    %swap3A_1003 = arith.constant 19 : index
    %swap3A_1004 = arith.constant 0 : index
    %swap3A_1005 = arith.constant 0 : index
    %swap3A_1006 = vector.load %arg3[%swap3A_1003, %swap3A_1004, %swap3A_1005] : memref<49x20x64xf32, #tpu.memory_space<vmem>>, vector<1x20x64xf32>
    %swap3A_1007 = vector.shape_cast %swap3A_1006 : vector<1x20x64xf32> to vector<20x64xf32>
    %swap3A_1008 = vector.shape_cast %select_n3A_1002 : vector<20x64xf32> to vector<1x20x64xf32>
    tpu.vector_store %arg3[%swap3A_1003, %swap3A_1004, %swap3A_1005], %swap3A_1008 {strides = array<i32>} : memref<49x20x64xf32, #tpu.memory_space<vmem>>, vector<1x20x64xf32>,
    %slice3A_1009 = vector.extract_strided_slice %concatenate3A_56 {offsets = [2, 0, 0], sizes = [20, 64, 128], strides = [1, 1, 1]} : vector<26x64x128xf32> to vector<20x64x128xf32>
    %mul3A_1010 = arith.mulf %slice3A_1009, %get3A_2 : vector<20x64x128xf32>
    %reduce_sum3A_1011 = arith.constant dense<0.000000e+00> : vector<20x64xf32>
    %reduce_sum3A_1012 = vector.multi_reduction <add>, %mul3A_1010, %reduce_sum3A_1011 [2] : vector<20x64x128xf32> to vector<20x64xf32>
    %slice3A_1013 = vector.extract_strided_slice %concatenate3A_95 {offsets = [2, 0], sizes = [20, 64], strides = [1, 1]} : vector<26x64xf32> to vector<20x64xf32>
    %mul3A_1014 = arith.mulf %reduce_sum3A_1012, %slice3A_1013 : vector<20x64xf32>
    %slice3A_1015 = vector.extract_strided_slice %concatenate3A_134 {offsets = [2, 0], sizes = [20, 64], strides = [1, 1]} : vector<26x64xf32> to vector<20x64xf32>
    %add3A_1016 = arith.addf %mul3A_1014, %slice3A_1015 : vector<20x64xf32>
    %add3A_1017 = arith.constant -1 : i32
    %add3A_1018 = vector.broadcast %add3A_1017 : i32 to vector<20x64xi32>
    %add3A_1019 = arith.addi %iota3A, %add3A_1018 : vector<20x64xi32>
    %ge3A_1020 = arith.constant 0 : i32
    %ge3A_1021 = vector.broadcast %ge3A_1020 : i32 to vector<20x64xi32>
    %ge3A_1022 = arith.cmpi sge, %add3A_1019, %ge3A_1021 : vector<20x64xi32>
    %add3A_1023 = arith.constant -1 : i32
    %add3A_1024 = vector.broadcast %add3A_1023 : i32 to vector<20x64xi32>
    %add3A_1025 = arith.addi %iota3A, %add3A_1024 : vector<20x64xi32>
    %lt3A_1026 = arith.constant 20 : i32
    %lt3A_1027 = vector.broadcast %lt3A_1026 : i32 to vector<20x64xi32>
    %lt3A_1028 = arith.cmpi slt, %add3A_1025, %lt3A_1027 : vector<20x64xi32>
    %and3A_1029 = arith.andi %ge3A_1022, %lt3A_1028 : vector<20x64xi1>
    %add3A_1030 = arith.constant 3 : i32
    %add3A_1031 = vector.broadcast %add3A_1030 : i32 to vector<20x64xi32>
    %add3A_1032 = arith.addi %iota3A_135, %add3A_1031 : vector<20x64xi32>
    %ge3A_1033 = arith.constant 0 : i32
    %ge3A_1034 = vector.broadcast %ge3A_1033 : i32 to vector<20x64xi32>
    %ge3A_1035 = arith.cmpi sge, %add3A_1032, %ge3A_1034 : vector<20x64xi32>
    %and3A_1036 = arith.andi %and3A_1029, %ge3A_1035 : vector<20x64xi1>
    %add3A_1037 = arith.constant 3 : i32
    %add3A_1038 = vector.broadcast %add3A_1037 : i32 to vector<20x64xi32>
    %add3A_1039 = arith.addi %iota3A_135, %add3A_1038 : vector<20x64xi32>
    %lt3A_1040 = arith.constant 64 : i32
    %lt3A_1041 = vector.broadcast %lt3A_1040 : i32 to vector<20x64xi32>
    %lt3A_1042 = arith.cmpi slt, %add3A_1039, %lt3A_1041 : vector<20x64xi32>
    %and3A_1043 = arith.andi %and3A_1036, %lt3A_1042 : vector<20x64xi1>
    %jit3A_1044 = arith.constant -1.000000e+08 : f32
    %broadcast_in_dim3A_1045 = vector.broadcast %jit3A_1044 : f32 to vector<20x64xf32>
    %select_n3A_1046 = arith.select %and3A_1043, %add3A_1016, %broadcast_in_dim3A_1045 : vector<20x64xi1>, vector<20x64xf32>
    %swap3A_1047 = arith.constant 20 : index
    %swap3A_1048 = arith.constant 0 : index
    %swap3A_1049 = arith.constant 0 : index
    %swap3A_1050 = vector.load %arg3[%swap3A_1047, %swap3A_1048, %swap3A_1049] : memref<49x20x64xf32, #tpu.memory_space<vmem>>, vector<1x20x64xf32>
    %swap3A_1051 = vector.shape_cast %swap3A_1050 : vector<1x20x64xf32> to vector<20x64xf32>
    %swap3A_1052 = vector.shape_cast %select_n3A_1046 : vector<20x64xf32> to vector<1x20x64xf32>
    tpu.vector_store %arg3[%swap3A_1047, %swap3A_1048, %swap3A_1049], %swap3A_1052 {strides = array<i32>} : memref<49x20x64xf32, #tpu.memory_space<vmem>>, vector<1x20x64xf32>,
    %slice3A_1053 = vector.extract_strided_slice %concatenate3A_23 {offsets = [3, 0, 0], sizes = [20, 64, 128], strides = [1, 1, 1]} : vector<26x64x128xf32> to vector<20x64x128xf32>
    %mul3A_1054 = arith.mulf %slice3A_1053, %get3A_2 : vector<20x64x128xf32>
    %reduce_sum3A_1055 = arith.constant dense<0.000000e+00> : vector<20x64xf32>
    %reduce_sum3A_1056 = vector.multi_reduction <add>, %mul3A_1054, %reduce_sum3A_1055 [2] : vector<20x64x128xf32> to vector<20x64xf32>
    %slice3A_1057 = vector.extract_strided_slice %concatenate3A_62 {offsets = [3, 0], sizes = [20, 64], strides = [1, 1]} : vector<26x64xf32> to vector<20x64xf32>
    %mul3A_1058 = arith.mulf %reduce_sum3A_1056, %slice3A_1057 : vector<20x64xf32>
    %slice3A_1059 = vector.extract_strided_slice %concatenate3A_101 {offsets = [3, 0], sizes = [20, 64], strides = [1, 1]} : vector<26x64xf32> to vector<20x64xf32>
    %add3A_1060 = arith.addf %mul3A_1058, %slice3A_1059 : vector<20x64xf32>
    %add3A_1061 = arith.constant 0 : i32
    %add3A_1062 = vector.broadcast %add3A_1061 : i32 to vector<20x64xi32>
    %add3A_1063 = arith.addi %iota3A, %add3A_1062 : vector<20x64xi32>
    %ge3A_1064 = arith.constant 0 : i32
    %ge3A_1065 = vector.broadcast %ge3A_1064 : i32 to vector<20x64xi32>
    %ge3A_1066 = arith.cmpi sge, %add3A_1063, %ge3A_1065 : vector<20x64xi32>
    %add3A_1067 = arith.constant 0 : i32
    %add3A_1068 = vector.broadcast %add3A_1067 : i32 to vector<20x64xi32>
    %add3A_1069 = arith.addi %iota3A, %add3A_1068 : vector<20x64xi32>
    %lt3A_1070 = arith.constant 20 : i32
    %lt3A_1071 = vector.broadcast %lt3A_1070 : i32 to vector<20x64xi32>
    %lt3A_1072 = arith.cmpi slt, %add3A_1069, %lt3A_1071 : vector<20x64xi32>
    %and3A_1073 = arith.andi %ge3A_1066, %lt3A_1072 : vector<20x64xi1>
    %add3A_1074 = arith.constant -3 : i32
    %add3A_1075 = vector.broadcast %add3A_1074 : i32 to vector<20x64xi32>
    %add3A_1076 = arith.addi %iota3A_135, %add3A_1075 : vector<20x64xi32>
    %ge3A_1077 = arith.constant 0 : i32
    %ge3A_1078 = vector.broadcast %ge3A_1077 : i32 to vector<20x64xi32>
    %ge3A_1079 = arith.cmpi sge, %add3A_1076, %ge3A_1078 : vector<20x64xi32>
    %and3A_1080 = arith.andi %and3A_1073, %ge3A_1079 : vector<20x64xi1>
    %add3A_1081 = arith.constant -3 : i32
    %add3A_1082 = vector.broadcast %add3A_1081 : i32 to vector<20x64xi32>
    %add3A_1083 = arith.addi %iota3A_135, %add3A_1082 : vector<20x64xi32>
    %lt3A_1084 = arith.constant 64 : i32
    %lt3A_1085 = vector.broadcast %lt3A_1084 : i32 to vector<20x64xi32>
    %lt3A_1086 = arith.cmpi slt, %add3A_1083, %lt3A_1085 : vector<20x64xi32>
    %and3A_1087 = arith.andi %and3A_1080, %lt3A_1086 : vector<20x64xi1>
    %jit3A_1088 = arith.constant -1.000000e+08 : f32
    %broadcast_in_dim3A_1089 = vector.broadcast %jit3A_1088 : f32 to vector<20x64xf32>
    %select_n3A_1090 = arith.select %and3A_1087, %add3A_1060, %broadcast_in_dim3A_1089 : vector<20x64xi1>, vector<20x64xf32>
    %swap3A_1091 = arith.constant 21 : index
    %swap3A_1092 = arith.constant 0 : index
    %swap3A_1093 = arith.constant 0 : index
    %swap3A_1094 = vector.load %arg3[%swap3A_1091, %swap3A_1092, %swap3A_1093] : memref<49x20x64xf32, #tpu.memory_space<vmem>>, vector<1x20x64xf32>
    %swap3A_1095 = vector.shape_cast %swap3A_1094 : vector<1x20x64xf32> to vector<20x64xf32>
    %swap3A_1096 = vector.shape_cast %select_n3A_1090 : vector<20x64xf32> to vector<1x20x64xf32>
    tpu.vector_store %arg3[%swap3A_1091, %swap3A_1092, %swap3A_1093], %swap3A_1096 {strides = array<i32>} : memref<49x20x64xf32, #tpu.memory_space<vmem>>, vector<1x20x64xf32>,
    %slice3A_1097 = vector.extract_strided_slice %concatenate3A_29 {offsets = [3, 0, 0], sizes = [20, 64, 128], strides = [1, 1, 1]} : vector<26x64x128xf32> to vector<20x64x128xf32>
    %mul3A_1098 = arith.mulf %slice3A_1097, %get3A_2 : vector<20x64x128xf32>
    %reduce_sum3A_1099 = arith.constant dense<0.000000e+00> : vector<20x64xf32>
    %reduce_sum3A_1100 = vector.multi_reduction <add>, %mul3A_1098, %reduce_sum3A_1099 [2] : vector<20x64x128xf32> to vector<20x64xf32>
    %slice3A_1101 = vector.extract_strided_slice %concatenate3A_68 {offsets = [3, 0], sizes = [20, 64], strides = [1, 1]} : vector<26x64xf32> to vector<20x64xf32>
    %mul3A_1102 = arith.mulf %reduce_sum3A_1100, %slice3A_1101 : vector<20x64xf32>
    %slice3A_1103 = vector.extract_strided_slice %concatenate3A_107 {offsets = [3, 0], sizes = [20, 64], strides = [1, 1]} : vector<26x64xf32> to vector<20x64xf32>
    %add3A_1104 = arith.addf %mul3A_1102, %slice3A_1103 : vector<20x64xf32>
    %add3A_1105 = arith.constant 0 : i32
    %add3A_1106 = vector.broadcast %add3A_1105 : i32 to vector<20x64xi32>
    %add3A_1107 = arith.addi %iota3A, %add3A_1106 : vector<20x64xi32>
    %ge3A_1108 = arith.constant 0 : i32
    %ge3A_1109 = vector.broadcast %ge3A_1108 : i32 to vector<20x64xi32>
    %ge3A_1110 = arith.cmpi sge, %add3A_1107, %ge3A_1109 : vector<20x64xi32>
    %add3A_1111 = arith.constant 0 : i32
    %add3A_1112 = vector.broadcast %add3A_1111 : i32 to vector<20x64xi32>
    %add3A_1113 = arith.addi %iota3A, %add3A_1112 : vector<20x64xi32>
    %lt3A_1114 = arith.constant 20 : i32
    %lt3A_1115 = vector.broadcast %lt3A_1114 : i32 to vector<20x64xi32>
    %lt3A_1116 = arith.cmpi slt, %add3A_1113, %lt3A_1115 : vector<20x64xi32>
    %and3A_1117 = arith.andi %ge3A_1110, %lt3A_1116 : vector<20x64xi1>
    %add3A_1118 = arith.constant -2 : i32
    %add3A_1119 = vector.broadcast %add3A_1118 : i32 to vector<20x64xi32>
    %add3A_1120 = arith.addi %iota3A_135, %add3A_1119 : vector<20x64xi32>
    %ge3A_1121 = arith.constant 0 : i32
    %ge3A_1122 = vector.broadcast %ge3A_1121 : i32 to vector<20x64xi32>
    %ge3A_1123 = arith.cmpi sge, %add3A_1120, %ge3A_1122 : vector<20x64xi32>
    %and3A_1124 = arith.andi %and3A_1117, %ge3A_1123 : vector<20x64xi1>
    %add3A_1125 = arith.constant -2 : i32
    %add3A_1126 = vector.broadcast %add3A_1125 : i32 to vector<20x64xi32>
    %add3A_1127 = arith.addi %iota3A_135, %add3A_1126 : vector<20x64xi32>
    %lt3A_1128 = arith.constant 64 : i32
    %lt3A_1129 = vector.broadcast %lt3A_1128 : i32 to vector<20x64xi32>
    %lt3A_1130 = arith.cmpi slt, %add3A_1127, %lt3A_1129 : vector<20x64xi32>
    %and3A_1131 = arith.andi %and3A_1124, %lt3A_1130 : vector<20x64xi1>
    %jit3A_1132 = arith.constant -1.000000e+08 : f32
    %broadcast_in_dim3A_1133 = vector.broadcast %jit3A_1132 : f32 to vector<20x64xf32>
    %select_n3A_1134 = arith.select %and3A_1131, %add3A_1104, %broadcast_in_dim3A_1133 : vector<20x64xi1>, vector<20x64xf32>
    %swap3A_1135 = arith.constant 22 : index
    %swap3A_1136 = arith.constant 0 : index
    %swap3A_1137 = arith.constant 0 : index
    %swap3A_1138 = vector.load %arg3[%swap3A_1135, %swap3A_1136, %swap3A_1137] : memref<49x20x64xf32, #tpu.memory_space<vmem>>, vector<1x20x64xf32>
    %swap3A_1139 = vector.shape_cast %swap3A_1138 : vector<1x20x64xf32> to vector<20x64xf32>
    %swap3A_1140 = vector.shape_cast %select_n3A_1134 : vector<20x64xf32> to vector<1x20x64xf32>
    tpu.vector_store %arg3[%swap3A_1135, %swap3A_1136, %swap3A_1137], %swap3A_1140 {strides = array<i32>} : memref<49x20x64xf32, #tpu.memory_space<vmem>>, vector<1x20x64xf32>,
    %slice3A_1141 = vector.extract_strided_slice %concatenate3A_35 {offsets = [3, 0, 0], sizes = [20, 64, 128], strides = [1, 1, 1]} : vector<26x64x128xf32> to vector<20x64x128xf32>
    %mul3A_1142 = arith.mulf %slice3A_1141, %get3A_2 : vector<20x64x128xf32>
    %reduce_sum3A_1143 = arith.constant dense<0.000000e+00> : vector<20x64xf32>
    %reduce_sum3A_1144 = vector.multi_reduction <add>, %mul3A_1142, %reduce_sum3A_1143 [2] : vector<20x64x128xf32> to vector<20x64xf32>
    %slice3A_1145 = vector.extract_strided_slice %concatenate3A_74 {offsets = [3, 0], sizes = [20, 64], strides = [1, 1]} : vector<26x64xf32> to vector<20x64xf32>
    %mul3A_1146 = arith.mulf %reduce_sum3A_1144, %slice3A_1145 : vector<20x64xf32>
    %slice3A_1147 = vector.extract_strided_slice %concatenate3A_113 {offsets = [3, 0], sizes = [20, 64], strides = [1, 1]} : vector<26x64xf32> to vector<20x64xf32>
    %add3A_1148 = arith.addf %mul3A_1146, %slice3A_1147 : vector<20x64xf32>
    %add3A_1149 = arith.constant 0 : i32
    %add3A_1150 = vector.broadcast %add3A_1149 : i32 to vector<20x64xi32>
    %add3A_1151 = arith.addi %iota3A, %add3A_1150 : vector<20x64xi32>
    %ge3A_1152 = arith.constant 0 : i32
    %ge3A_1153 = vector.broadcast %ge3A_1152 : i32 to vector<20x64xi32>
    %ge3A_1154 = arith.cmpi sge, %add3A_1151, %ge3A_1153 : vector<20x64xi32>
    %add3A_1155 = arith.constant 0 : i32
    %add3A_1156 = vector.broadcast %add3A_1155 : i32 to vector<20x64xi32>
    %add3A_1157 = arith.addi %iota3A, %add3A_1156 : vector<20x64xi32>
    %lt3A_1158 = arith.constant 20 : i32
    %lt3A_1159 = vector.broadcast %lt3A_1158 : i32 to vector<20x64xi32>
    %lt3A_1160 = arith.cmpi slt, %add3A_1157, %lt3A_1159 : vector<20x64xi32>
    %and3A_1161 = arith.andi %ge3A_1154, %lt3A_1160 : vector<20x64xi1>
    %add3A_1162 = arith.constant -1 : i32
    %add3A_1163 = vector.broadcast %add3A_1162 : i32 to vector<20x64xi32>
    %add3A_1164 = arith.addi %iota3A_135, %add3A_1163 : vector<20x64xi32>
    %ge3A_1165 = arith.constant 0 : i32
    %ge3A_1166 = vector.broadcast %ge3A_1165 : i32 to vector<20x64xi32>
    %ge3A_1167 = arith.cmpi sge, %add3A_1164, %ge3A_1166 : vector<20x64xi32>
    %and3A_1168 = arith.andi %and3A_1161, %ge3A_1167 : vector<20x64xi1>
    %add3A_1169 = arith.constant -1 : i32
    %add3A_1170 = vector.broadcast %add3A_1169 : i32 to vector<20x64xi32>
    %add3A_1171 = arith.addi %iota3A_135, %add3A_1170 : vector<20x64xi32>
    %lt3A_1172 = arith.constant 64 : i32
    %lt3A_1173 = vector.broadcast %lt3A_1172 : i32 to vector<20x64xi32>
    %lt3A_1174 = arith.cmpi slt, %add3A_1171, %lt3A_1173 : vector<20x64xi32>
    %and3A_1175 = arith.andi %and3A_1168, %lt3A_1174 : vector<20x64xi1>
    %jit3A_1176 = arith.constant -1.000000e+08 : f32
    %broadcast_in_dim3A_1177 = vector.broadcast %jit3A_1176 : f32 to vector<20x64xf32>
    %select_n3A_1178 = arith.select %and3A_1175, %add3A_1148, %broadcast_in_dim3A_1177 : vector<20x64xi1>, vector<20x64xf32>
    %swap3A_1179 = arith.constant 23 : index
    %swap3A_1180 = arith.constant 0 : index
    %swap3A_1181 = arith.constant 0 : index
    %swap3A_1182 = vector.load %arg3[%swap3A_1179, %swap3A_1180, %swap3A_1181] : memref<49x20x64xf32, #tpu.memory_space<vmem>>, vector<1x20x64xf32>
    %swap3A_1183 = vector.shape_cast %swap3A_1182 : vector<1x20x64xf32> to vector<20x64xf32>
    %swap3A_1184 = vector.shape_cast %select_n3A_1178 : vector<20x64xf32> to vector<1x20x64xf32>
    tpu.vector_store %arg3[%swap3A_1179, %swap3A_1180, %swap3A_1181], %swap3A_1184 {strides = array<i32>} : memref<49x20x64xf32, #tpu.memory_space<vmem>>, vector<1x20x64xf32>,
    %broadcast_in_dim3A_1185 = arith.constant -1.000000e+08 : f32
    %broadcast_in_dim3A_1186 = vector.broadcast %broadcast_in_dim3A_1185 : f32 to vector<20x64xf32>
    %swap3A_1187 = arith.constant 24 : index
    %swap3A_1188 = arith.constant 0 : index
    %swap3A_1189 = arith.constant 0 : index
    %swap3A_1190 = vector.load %arg3[%swap3A_1187, %swap3A_1188, %swap3A_1189] : memref<49x20x64xf32, #tpu.memory_space<vmem>>, vector<1x20x64xf32>
    %swap3A_1191 = vector.shape_cast %swap3A_1190 : vector<1x20x64xf32> to vector<20x64xf32>
    %swap3A_1192 = vector.shape_cast %broadcast_in_dim3A_1186 : vector<20x64xf32> to vector<1x20x64xf32>
    tpu.vector_store %arg3[%swap3A_1187, %swap3A_1188, %swap3A_1189], %swap3A_1192 {strides = array<i32>} : memref<49x20x64xf32, #tpu.memory_space<vmem>>, vector<1x20x64xf32>,
    %slice3A_1193 = vector.extract_strided_slice %concatenate3A_44 {offsets = [3, 0, 0], sizes = [20, 64, 128], strides = [1, 1, 1]} : vector<26x64x128xf32> to vector<20x64x128xf32>
    %mul3A_1194 = arith.mulf %slice3A_1193, %get3A_2 : vector<20x64x128xf32>
    %reduce_sum3A_1195 = arith.constant dense<0.000000e+00> : vector<20x64xf32>
    %reduce_sum3A_1196 = vector.multi_reduction <add>, %mul3A_1194, %reduce_sum3A_1195 [2] : vector<20x64x128xf32> to vector<20x64xf32>
    %slice3A_1197 = vector.extract_strided_slice %concatenate3A_83 {offsets = [3, 0], sizes = [20, 64], strides = [1, 1]} : vector<26x64xf32> to vector<20x64xf32>
    %mul3A_1198 = arith.mulf %reduce_sum3A_1196, %slice3A_1197 : vector<20x64xf32>
    %slice3A_1199 = vector.extract_strided_slice %concatenate3A_122 {offsets = [3, 0], sizes = [20, 64], strides = [1, 1]} : vector<26x64xf32> to vector<20x64xf32>
    %add3A_1200 = arith.addf %mul3A_1198, %slice3A_1199 : vector<20x64xf32>
    %add3A_1201 = arith.constant 0 : i32
    %add3A_1202 = vector.broadcast %add3A_1201 : i32 to vector<20x64xi32>
    %add3A_1203 = arith.addi %iota3A, %add3A_1202 : vector<20x64xi32>
    %ge3A_1204 = arith.constant 0 : i32
    %ge3A_1205 = vector.broadcast %ge3A_1204 : i32 to vector<20x64xi32>
    %ge3A_1206 = arith.cmpi sge, %add3A_1203, %ge3A_1205 : vector<20x64xi32>
    %add3A_1207 = arith.constant 0 : i32
    %add3A_1208 = vector.broadcast %add3A_1207 : i32 to vector<20x64xi32>
    %add3A_1209 = arith.addi %iota3A, %add3A_1208 : vector<20x64xi32>
    %lt3A_1210 = arith.constant 20 : i32
    %lt3A_1211 = vector.broadcast %lt3A_1210 : i32 to vector<20x64xi32>
    %lt3A_1212 = arith.cmpi slt, %add3A_1209, %lt3A_1211 : vector<20x64xi32>
    %and3A_1213 = arith.andi %ge3A_1206, %lt3A_1212 : vector<20x64xi1>
    %add3A_1214 = arith.constant 1 : i32
    %add3A_1215 = vector.broadcast %add3A_1214 : i32 to vector<20x64xi32>
    %add3A_1216 = arith.addi %iota3A_135, %add3A_1215 : vector<20x64xi32>
    %ge3A_1217 = arith.constant 0 : i32
    %ge3A_1218 = vector.broadcast %ge3A_1217 : i32 to vector<20x64xi32>
    %ge3A_1219 = arith.cmpi sge, %add3A_1216, %ge3A_1218 : vector<20x64xi32>
    %and3A_1220 = arith.andi %and3A_1213, %ge3A_1219 : vector<20x64xi1>
    %add3A_1221 = arith.constant 1 : i32
    %add3A_1222 = vector.broadcast %add3A_1221 : i32 to vector<20x64xi32>
    %add3A_1223 = arith.addi %iota3A_135, %add3A_1222 : vector<20x64xi32>
    %lt3A_1224 = arith.constant 64 : i32
    %lt3A_1225 = vector.broadcast %lt3A_1224 : i32 to vector<20x64xi32>
    %lt3A_1226 = arith.cmpi slt, %add3A_1223, %lt3A_1225 : vector<20x64xi32>
    %and3A_1227 = arith.andi %and3A_1220, %lt3A_1226 : vector<20x64xi1>
    %jit3A_1228 = arith.constant -1.000000e+08 : f32
    %broadcast_in_dim3A_1229 = vector.broadcast %jit3A_1228 : f32 to vector<20x64xf32>
    %select_n3A_1230 = arith.select %and3A_1227, %add3A_1200, %broadcast_in_dim3A_1229 : vector<20x64xi1>, vector<20x64xf32>
    %swap3A_1231 = arith.constant 25 : index
    %swap3A_1232 = arith.constant 0 : index
    %swap3A_1233 = arith.constant 0 : index
    %swap3A_1234 = vector.load %arg3[%swap3A_1231, %swap3A_1232, %swap3A_1233] : memref<49x20x64xf32, #tpu.memory_space<vmem>>, vector<1x20x64xf32>
    %swap3A_1235 = vector.shape_cast %swap3A_1234 : vector<1x20x64xf32> to vector<20x64xf32>
    %swap3A_1236 = vector.shape_cast %select_n3A_1230 : vector<20x64xf32> to vector<1x20x64xf32>
    tpu.vector_store %arg3[%swap3A_1231, %swap3A_1232, %swap3A_1233], %swap3A_1236 {strides = array<i32>} : memref<49x20x64xf32, #tpu.memory_space<vmem>>, vector<1x20x64xf32>,
    %slice3A_1237 = vector.extract_strided_slice %concatenate3A_50 {offsets = [3, 0, 0], sizes = [20, 64, 128], strides = [1, 1, 1]} : vector<26x64x128xf32> to vector<20x64x128xf32>
    %mul3A_1238 = arith.mulf %slice3A_1237, %get3A_2 : vector<20x64x128xf32>
    %reduce_sum3A_1239 = arith.constant dense<0.000000e+00> : vector<20x64xf32>
    %reduce_sum3A_1240 = vector.multi_reduction <add>, %mul3A_1238, %reduce_sum3A_1239 [2] : vector<20x64x128xf32> to vector<20x64xf32>
    %slice3A_1241 = vector.extract_strided_slice %concatenate3A_89 {offsets = [3, 0], sizes = [20, 64], strides = [1, 1]} : vector<26x64xf32> to vector<20x64xf32>
    %mul3A_1242 = arith.mulf %reduce_sum3A_1240, %slice3A_1241 : vector<20x64xf32>
    %slice3A_1243 = vector.extract_strided_slice %concatenate3A_128 {offsets = [3, 0], sizes = [20, 64], strides = [1, 1]} : vector<26x64xf32> to vector<20x64xf32>
    %add3A_1244 = arith.addf %mul3A_1242, %slice3A_1243 : vector<20x64xf32>
    %add3A_1245 = arith.constant 0 : i32
    %add3A_1246 = vector.broadcast %add3A_1245 : i32 to vector<20x64xi32>
    %add3A_1247 = arith.addi %iota3A, %add3A_1246 : vector<20x64xi32>
    %ge3A_1248 = arith.constant 0 : i32
    %ge3A_1249 = vector.broadcast %ge3A_1248 : i32 to vector<20x64xi32>
    %ge3A_1250 = arith.cmpi sge, %add3A_1247, %ge3A_1249 : vector<20x64xi32>
    %add3A_1251 = arith.constant 0 : i32
    %add3A_1252 = vector.broadcast %add3A_1251 : i32 to vector<20x64xi32>
    %add3A_1253 = arith.addi %iota3A, %add3A_1252 : vector<20x64xi32>
    %lt3A_1254 = arith.constant 20 : i32
    %lt3A_1255 = vector.broadcast %lt3A_1254 : i32 to vector<20x64xi32>
    %lt3A_1256 = arith.cmpi slt, %add3A_1253, %lt3A_1255 : vector<20x64xi32>
    %and3A_1257 = arith.andi %ge3A_1250, %lt3A_1256 : vector<20x64xi1>
    %add3A_1258 = arith.constant 2 : i32
    %add3A_1259 = vector.broadcast %add3A_1258 : i32 to vector<20x64xi32>
    %add3A_1260 = arith.addi %iota3A_135, %add3A_1259 : vector<20x64xi32>
    %ge3A_1261 = arith.constant 0 : i32
    %ge3A_1262 = vector.broadcast %ge3A_1261 : i32 to vector<20x64xi32>
    %ge3A_1263 = arith.cmpi sge, %add3A_1260, %ge3A_1262 : vector<20x64xi32>
    %and3A_1264 = arith.andi %and3A_1257, %ge3A_1263 : vector<20x64xi1>
    %add3A_1265 = arith.constant 2 : i32
    %add3A_1266 = vector.broadcast %add3A_1265 : i32 to vector<20x64xi32>
    %add3A_1267 = arith.addi %iota3A_135, %add3A_1266 : vector<20x64xi32>
    %lt3A_1268 = arith.constant 64 : i32
    %lt3A_1269 = vector.broadcast %lt3A_1268 : i32 to vector<20x64xi32>
    %lt3A_1270 = arith.cmpi slt, %add3A_1267, %lt3A_1269 : vector<20x64xi32>
    %and3A_1271 = arith.andi %and3A_1264, %lt3A_1270 : vector<20x64xi1>
    %jit3A_1272 = arith.constant -1.000000e+08 : f32
    %broadcast_in_dim3A_1273 = vector.broadcast %jit3A_1272 : f32 to vector<20x64xf32>
    %select_n3A_1274 = arith.select %and3A_1271, %add3A_1244, %broadcast_in_dim3A_1273 : vector<20x64xi1>, vector<20x64xf32>
    %swap3A_1275 = arith.constant 26 : index
    %swap3A_1276 = arith.constant 0 : index
    %swap3A_1277 = arith.constant 0 : index
    %swap3A_1278 = vector.load %arg3[%swap3A_1275, %swap3A_1276, %swap3A_1277] : memref<49x20x64xf32, #tpu.memory_space<vmem>>, vector<1x20x64xf32>
    %swap3A_1279 = vector.shape_cast %swap3A_1278 : vector<1x20x64xf32> to vector<20x64xf32>
    %swap3A_1280 = vector.shape_cast %select_n3A_1274 : vector<20x64xf32> to vector<1x20x64xf32>
    tpu.vector_store %arg3[%swap3A_1275, %swap3A_1276, %swap3A_1277], %swap3A_1280 {strides = array<i32>} : memref<49x20x64xf32, #tpu.memory_space<vmem>>, vector<1x20x64xf32>,
    %slice3A_1281 = vector.extract_strided_slice %concatenate3A_56 {offsets = [3, 0, 0], sizes = [20, 64, 128], strides = [1, 1, 1]} : vector<26x64x128xf32> to vector<20x64x128xf32>
    %mul3A_1282 = arith.mulf %slice3A_1281, %get3A_2 : vector<20x64x128xf32>
    %reduce_sum3A_1283 = arith.constant dense<0.000000e+00> : vector<20x64xf32>
    %reduce_sum3A_1284 = vector.multi_reduction <add>, %mul3A_1282, %reduce_sum3A_1283 [2] : vector<20x64x128xf32> to vector<20x64xf32>
    %slice3A_1285 = vector.extract_strided_slice %concatenate3A_95 {offsets = [3, 0], sizes = [20, 64], strides = [1, 1]} : vector<26x64xf32> to vector<20x64xf32>
    %mul3A_1286 = arith.mulf %reduce_sum3A_1284, %slice3A_1285 : vector<20x64xf32>
    %slice3A_1287 = vector.extract_strided_slice %concatenate3A_134 {offsets = [3, 0], sizes = [20, 64], strides = [1, 1]} : vector<26x64xf32> to vector<20x64xf32>
    %add3A_1288 = arith.addf %mul3A_1286, %slice3A_1287 : vector<20x64xf32>
    %add3A_1289 = arith.constant 0 : i32
    %add3A_1290 = vector.broadcast %add3A_1289 : i32 to vector<20x64xi32>
    %add3A_1291 = arith.addi %iota3A, %add3A_1290 : vector<20x64xi32>
    %ge3A_1292 = arith.constant 0 : i32
    %ge3A_1293 = vector.broadcast %ge3A_1292 : i32 to vector<20x64xi32>
    %ge3A_1294 = arith.cmpi sge, %add3A_1291, %ge3A_1293 : vector<20x64xi32>
    %add3A_1295 = arith.constant 0 : i32
    %add3A_1296 = vector.broadcast %add3A_1295 : i32 to vector<20x64xi32>
    %add3A_1297 = arith.addi %iota3A, %add3A_1296 : vector<20x64xi32>
    %lt3A_1298 = arith.constant 20 : i32
    %lt3A_1299 = vector.broadcast %lt3A_1298 : i32 to vector<20x64xi32>
    %lt3A_1300 = arith.cmpi slt, %add3A_1297, %lt3A_1299 : vector<20x64xi32>
    %and3A_1301 = arith.andi %ge3A_1294, %lt3A_1300 : vector<20x64xi1>
    %add3A_1302 = arith.constant 3 : i32
    %add3A_1303 = vector.broadcast %add3A_1302 : i32 to vector<20x64xi32>
    %add3A_1304 = arith.addi %iota3A_135, %add3A_1303 : vector<20x64xi32>
    %ge3A_1305 = arith.constant 0 : i32
    %ge3A_1306 = vector.broadcast %ge3A_1305 : i32 to vector<20x64xi32>
    %ge3A_1307 = arith.cmpi sge, %add3A_1304, %ge3A_1306 : vector<20x64xi32>
    %and3A_1308 = arith.andi %and3A_1301, %ge3A_1307 : vector<20x64xi1>
    %add3A_1309 = arith.constant 3 : i32
    %add3A_1310 = vector.broadcast %add3A_1309 : i32 to vector<20x64xi32>
    %add3A_1311 = arith.addi %iota3A_135, %add3A_1310 : vector<20x64xi32>
    %lt3A_1312 = arith.constant 64 : i32
    %lt3A_1313 = vector.broadcast %lt3A_1312 : i32 to vector<20x64xi32>
    %lt3A_1314 = arith.cmpi slt, %add3A_1311, %lt3A_1313 : vector<20x64xi32>
    %and3A_1315 = arith.andi %and3A_1308, %lt3A_1314 : vector<20x64xi1>
    %jit3A_1316 = arith.constant -1.000000e+08 : f32
    %broadcast_in_dim3A_1317 = vector.broadcast %jit3A_1316 : f32 to vector<20x64xf32>
    %select_n3A_1318 = arith.select %and3A_1315, %add3A_1288, %broadcast_in_dim3A_1317 : vector<20x64xi1>, vector<20x64xf32>
    %swap3A_1319 = arith.constant 27 : index
    %swap3A_1320 = arith.constant 0 : index
    %swap3A_1321 = arith.constant 0 : index
    %swap3A_1322 = vector.load %arg3[%swap3A_1319, %swap3A_1320, %swap3A_1321] : memref<49x20x64xf32, #tpu.memory_space<vmem>>, vector<1x20x64xf32>
    %swap3A_1323 = vector.shape_cast %swap3A_1322 : vector<1x20x64xf32> to vector<20x64xf32>
    %swap3A_1324 = vector.shape_cast %select_n3A_1318 : vector<20x64xf32> to vector<1x20x64xf32>
    tpu.vector_store %arg3[%swap3A_1319, %swap3A_1320, %swap3A_1321], %swap3A_1324 {strides = array<i32>} : memref<49x20x64xf32, #tpu.memory_space<vmem>>, vector<1x20x64xf32>,
    %slice3A_1325 = vector.extract_strided_slice %concatenate3A_23 {offsets = [4, 0, 0], sizes = [20, 64, 128], strides = [1, 1, 1]} : vector<26x64x128xf32> to vector<20x64x128xf32>
    %mul3A_1326 = arith.mulf %slice3A_1325, %get3A_2 : vector<20x64x128xf32>
    %reduce_sum3A_1327 = arith.constant dense<0.000000e+00> : vector<20x64xf32>
    %reduce_sum3A_1328 = vector.multi_reduction <add>, %mul3A_1326, %reduce_sum3A_1327 [2] : vector<20x64x128xf32> to vector<20x64xf32>
    %slice3A_1329 = vector.extract_strided_slice %concatenate3A_62 {offsets = [4, 0], sizes = [20, 64], strides = [1, 1]} : vector<26x64xf32> to vector<20x64xf32>
    %mul3A_1330 = arith.mulf %reduce_sum3A_1328, %slice3A_1329 : vector<20x64xf32>
    %slice3A_1331 = vector.extract_strided_slice %concatenate3A_101 {offsets = [4, 0], sizes = [20, 64], strides = [1, 1]} : vector<26x64xf32> to vector<20x64xf32>
    %add3A_1332 = arith.addf %mul3A_1330, %slice3A_1331 : vector<20x64xf32>
    %add3A_1333 = arith.constant 1 : i32
    %add3A_1334 = vector.broadcast %add3A_1333 : i32 to vector<20x64xi32>
    %add3A_1335 = arith.addi %iota3A, %add3A_1334 : vector<20x64xi32>
    %ge3A_1336 = arith.constant 0 : i32
    %ge3A_1337 = vector.broadcast %ge3A_1336 : i32 to vector<20x64xi32>
    %ge3A_1338 = arith.cmpi sge, %add3A_1335, %ge3A_1337 : vector<20x64xi32>
    %add3A_1339 = arith.constant 1 : i32
    %add3A_1340 = vector.broadcast %add3A_1339 : i32 to vector<20x64xi32>
    %add3A_1341 = arith.addi %iota3A, %add3A_1340 : vector<20x64xi32>
    %lt3A_1342 = arith.constant 20 : i32
    %lt3A_1343 = vector.broadcast %lt3A_1342 : i32 to vector<20x64xi32>
    %lt3A_1344 = arith.cmpi slt, %add3A_1341, %lt3A_1343 : vector<20x64xi32>
    %and3A_1345 = arith.andi %ge3A_1338, %lt3A_1344 : vector<20x64xi1>
    %add3A_1346 = arith.constant -3 : i32
    %add3A_1347 = vector.broadcast %add3A_1346 : i32 to vector<20x64xi32>
    %add3A_1348 = arith.addi %iota3A_135, %add3A_1347 : vector<20x64xi32>
    %ge3A_1349 = arith.constant 0 : i32
    %ge3A_1350 = vector.broadcast %ge3A_1349 : i32 to vector<20x64xi32>
    %ge3A_1351 = arith.cmpi sge, %add3A_1348, %ge3A_1350 : vector<20x64xi32>
    %and3A_1352 = arith.andi %and3A_1345, %ge3A_1351 : vector<20x64xi1>
    %add3A_1353 = arith.constant -3 : i32
    %add3A_1354 = vector.broadcast %add3A_1353 : i32 to vector<20x64xi32>
    %add3A_1355 = arith.addi %iota3A_135, %add3A_1354 : vector<20x64xi32>
    %lt3A_1356 = arith.constant 64 : i32
    %lt3A_1357 = vector.broadcast %lt3A_1356 : i32 to vector<20x64xi32>
    %lt3A_1358 = arith.cmpi slt, %add3A_1355, %lt3A_1357 : vector<20x64xi32>
    %and3A_1359 = arith.andi %and3A_1352, %lt3A_1358 : vector<20x64xi1>
    %jit3A_1360 = arith.constant -1.000000e+08 : f32
    %broadcast_in_dim3A_1361 = vector.broadcast %jit3A_1360 : f32 to vector<20x64xf32>
    %select_n3A_1362 = arith.select %and3A_1359, %add3A_1332, %broadcast_in_dim3A_1361 : vector<20x64xi1>, vector<20x64xf32>
    %swap3A_1363 = arith.constant 28 : index
    %swap3A_1364 = arith.constant 0 : index
    %swap3A_1365 = arith.constant 0 : index
    %swap3A_1366 = vector.load %arg3[%swap3A_1363, %swap3A_1364, %swap3A_1365] : memref<49x20x64xf32, #tpu.memory_space<vmem>>, vector<1x20x64xf32>
    %swap3A_1367 = vector.shape_cast %swap3A_1366 : vector<1x20x64xf32> to vector<20x64xf32>
    %swap3A_1368 = vector.shape_cast %select_n3A_1362 : vector<20x64xf32> to vector<1x20x64xf32>
    tpu.vector_store %arg3[%swap3A_1363, %swap3A_1364, %swap3A_1365], %swap3A_1368 {strides = array<i32>} : memref<49x20x64xf32, #tpu.memory_space<vmem>>, vector<1x20x64xf32>,
    %slice3A_1369 = vector.extract_strided_slice %concatenate3A_29 {offsets = [4, 0, 0], sizes = [20, 64, 128], strides = [1, 1, 1]} : vector<26x64x128xf32> to vector<20x64x128xf32>
    %mul3A_1370 = arith.mulf %slice3A_1369, %get3A_2 : vector<20x64x128xf32>
    %reduce_sum3A_1371 = arith.constant dense<0.000000e+00> : vector<20x64xf32>
    %reduce_sum3A_1372 = vector.multi_reduction <add>, %mul3A_1370, %reduce_sum3A_1371 [2] : vector<20x64x128xf32> to vector<20x64xf32>
    %slice3A_1373 = vector.extract_strided_slice %concatenate3A_68 {offsets = [4, 0], sizes = [20, 64], strides = [1, 1]} : vector<26x64xf32> to vector<20x64xf32>
    %mul3A_1374 = arith.mulf %reduce_sum3A_1372, %slice3A_1373 : vector<20x64xf32>
    %slice3A_1375 = vector.extract_strided_slice %concatenate3A_107 {offsets = [4, 0], sizes = [20, 64], strides = [1, 1]} : vector<26x64xf32> to vector<20x64xf32>
    %add3A_1376 = arith.addf %mul3A_1374, %slice3A_1375 : vector<20x64xf32>
    %add3A_1377 = arith.constant 1 : i32
    %add3A_1378 = vector.broadcast %add3A_1377 : i32 to vector<20x64xi32>
    %add3A_1379 = arith.addi %iota3A, %add3A_1378 : vector<20x64xi32>
    %ge3A_1380 = arith.constant 0 : i32
    %ge3A_1381 = vector.broadcast %ge3A_1380 : i32 to vector<20x64xi32>
    %ge3A_1382 = arith.cmpi sge, %add3A_1379, %ge3A_1381 : vector<20x64xi32>
    %add3A_1383 = arith.constant 1 : i32
    %add3A_1384 = vector.broadcast %add3A_1383 : i32 to vector<20x64xi32>
    %add3A_1385 = arith.addi %iota3A, %add3A_1384 : vector<20x64xi32>
    %lt3A_1386 = arith.constant 20 : i32
    %lt3A_1387 = vector.broadcast %lt3A_1386 : i32 to vector<20x64xi32>
    %lt3A_1388 = arith.cmpi slt, %add3A_1385, %lt3A_1387 : vector<20x64xi32>
    %and3A_1389 = arith.andi %ge3A_1382, %lt3A_1388 : vector<20x64xi1>
    %add3A_1390 = arith.constant -2 : i32
    %add3A_1391 = vector.broadcast %add3A_1390 : i32 to vector<20x64xi32>
    %add3A_1392 = arith.addi %iota3A_135, %add3A_1391 : vector<20x64xi32>
    %ge3A_1393 = arith.constant 0 : i32
    %ge3A_1394 = vector.broadcast %ge3A_1393 : i32 to vector<20x64xi32>
    %ge3A_1395 = arith.cmpi sge, %add3A_1392, %ge3A_1394 : vector<20x64xi32>
    %and3A_1396 = arith.andi %and3A_1389, %ge3A_1395 : vector<20x64xi1>
    %add3A_1397 = arith.constant -2 : i32
    %add3A_1398 = vector.broadcast %add3A_1397 : i32 to vector<20x64xi32>
    %add3A_1399 = arith.addi %iota3A_135, %add3A_1398 : vector<20x64xi32>
    %lt3A_1400 = arith.constant 64 : i32
    %lt3A_1401 = vector.broadcast %lt3A_1400 : i32 to vector<20x64xi32>
    %lt3A_1402 = arith.cmpi slt, %add3A_1399, %lt3A_1401 : vector<20x64xi32>
    %and3A_1403 = arith.andi %and3A_1396, %lt3A_1402 : vector<20x64xi1>
    %jit3A_1404 = arith.constant -1.000000e+08 : f32
    %broadcast_in_dim3A_1405 = vector.broadcast %jit3A_1404 : f32 to vector<20x64xf32>
    %select_n3A_1406 = arith.select %and3A_1403, %add3A_1376, %broadcast_in_dim3A_1405 : vector<20x64xi1>, vector<20x64xf32>
    %swap3A_1407 = arith.constant 29 : index
    %swap3A_1408 = arith.constant 0 : index
    %swap3A_1409 = arith.constant 0 : index
    %swap3A_1410 = vector.load %arg3[%swap3A_1407, %swap3A_1408, %swap3A_1409] : memref<49x20x64xf32, #tpu.memory_space<vmem>>, vector<1x20x64xf32>
    %swap3A_1411 = vector.shape_cast %swap3A_1410 : vector<1x20x64xf32> to vector<20x64xf32>
    %swap3A_1412 = vector.shape_cast %select_n3A_1406 : vector<20x64xf32> to vector<1x20x64xf32>
    tpu.vector_store %arg3[%swap3A_1407, %swap3A_1408, %swap3A_1409], %swap3A_1412 {strides = array<i32>} : memref<49x20x64xf32, #tpu.memory_space<vmem>>, vector<1x20x64xf32>,
    %slice3A_1413 = vector.extract_strided_slice %concatenate3A_35 {offsets = [4, 0, 0], sizes = [20, 64, 128], strides = [1, 1, 1]} : vector<26x64x128xf32> to vector<20x64x128xf32>
    %mul3A_1414 = arith.mulf %slice3A_1413, %get3A_2 : vector<20x64x128xf32>
    %reduce_sum3A_1415 = arith.constant dense<0.000000e+00> : vector<20x64xf32>
    %reduce_sum3A_1416 = vector.multi_reduction <add>, %mul3A_1414, %reduce_sum3A_1415 [2] : vector<20x64x128xf32> to vector<20x64xf32>
    %slice3A_1417 = vector.extract_strided_slice %concatenate3A_74 {offsets = [4, 0], sizes = [20, 64], strides = [1, 1]} : vector<26x64xf32> to vector<20x64xf32>
    %mul3A_1418 = arith.mulf %reduce_sum3A_1416, %slice3A_1417 : vector<20x64xf32>
    %slice3A_1419 = vector.extract_strided_slice %concatenate3A_113 {offsets = [4, 0], sizes = [20, 64], strides = [1, 1]} : vector<26x64xf32> to vector<20x64xf32>
    %add3A_1420 = arith.addf %mul3A_1418, %slice3A_1419 : vector<20x64xf32>
    %add3A_1421 = arith.constant 1 : i32
    %add3A_1422 = vector.broadcast %add3A_1421 : i32 to vector<20x64xi32>
    %add3A_1423 = arith.addi %iota3A, %add3A_1422 : vector<20x64xi32>
    %ge3A_1424 = arith.constant 0 : i32
    %ge3A_1425 = vector.broadcast %ge3A_1424 : i32 to vector<20x64xi32>
    %ge3A_1426 = arith.cmpi sge, %add3A_1423, %ge3A_1425 : vector<20x64xi32>
    %add3A_1427 = arith.constant 1 : i32
    %add3A_1428 = vector.broadcast %add3A_1427 : i32 to vector<20x64xi32>
    %add3A_1429 = arith.addi %iota3A, %add3A_1428 : vector<20x64xi32>
    %lt3A_1430 = arith.constant 20 : i32
    %lt3A_1431 = vector.broadcast %lt3A_1430 : i32 to vector<20x64xi32>
    %lt3A_1432 = arith.cmpi slt, %add3A_1429, %lt3A_1431 : vector<20x64xi32>
    %and3A_1433 = arith.andi %ge3A_1426, %lt3A_1432 : vector<20x64xi1>
    %add3A_1434 = arith.constant -1 : i32
    %add3A_1435 = vector.broadcast %add3A_1434 : i32 to vector<20x64xi32>
    %add3A_1436 = arith.addi %iota3A_135, %add3A_1435 : vector<20x64xi32>
    %ge3A_1437 = arith.constant 0 : i32
    %ge3A_1438 = vector.broadcast %ge3A_1437 : i32 to vector<20x64xi32>
    %ge3A_1439 = arith.cmpi sge, %add3A_1436, %ge3A_1438 : vector<20x64xi32>
    %and3A_1440 = arith.andi %and3A_1433, %ge3A_1439 : vector<20x64xi1>
    %add3A_1441 = arith.constant -1 : i32
    %add3A_1442 = vector.broadcast %add3A_1441 : i32 to vector<20x64xi32>
    %add3A_1443 = arith.addi %iota3A_135, %add3A_1442 : vector<20x64xi32>
    %lt3A_1444 = arith.constant 64 : i32
    %lt3A_1445 = vector.broadcast %lt3A_1444 : i32 to vector<20x64xi32>
    %lt3A_1446 = arith.cmpi slt, %add3A_1443, %lt3A_1445 : vector<20x64xi32>
    %and3A_1447 = arith.andi %and3A_1440, %lt3A_1446 : vector<20x64xi1>
    %jit3A_1448 = arith.constant -1.000000e+08 : f32
    %broadcast_in_dim3A_1449 = vector.broadcast %jit3A_1448 : f32 to vector<20x64xf32>
    %select_n3A_1450 = arith.select %and3A_1447, %add3A_1420, %broadcast_in_dim3A_1449 : vector<20x64xi1>, vector<20x64xf32>
    %swap3A_1451 = arith.constant 30 : index
    %swap3A_1452 = arith.constant 0 : index
    %swap3A_1453 = arith.constant 0 : index
    %swap3A_1454 = vector.load %arg3[%swap3A_1451, %swap3A_1452, %swap3A_1453] : memref<49x20x64xf32, #tpu.memory_space<vmem>>, vector<1x20x64xf32>
    %swap3A_1455 = vector.shape_cast %swap3A_1454 : vector<1x20x64xf32> to vector<20x64xf32>
    %swap3A_1456 = vector.shape_cast %select_n3A_1450 : vector<20x64xf32> to vector<1x20x64xf32>
    tpu.vector_store %arg3[%swap3A_1451, %swap3A_1452, %swap3A_1453], %swap3A_1456 {strides = array<i32>} : memref<49x20x64xf32, #tpu.memory_space<vmem>>, vector<1x20x64xf32>,
    %slice3A_1457 = vector.extract_strided_slice %concatenate3A_38 {offsets = [4, 0, 0], sizes = [20, 64, 128], strides = [1, 1, 1]} : vector<26x64x128xf32> to vector<20x64x128xf32>
    %mul3A_1458 = arith.mulf %slice3A_1457, %get3A_2 : vector<20x64x128xf32>
    %reduce_sum3A_1459 = arith.constant dense<0.000000e+00> : vector<20x64xf32>
    %reduce_sum3A_1460 = vector.multi_reduction <add>, %mul3A_1458, %reduce_sum3A_1459 [2] : vector<20x64x128xf32> to vector<20x64xf32>
    %slice3A_1461 = vector.extract_strided_slice %concatenate3A_77 {offsets = [4, 0], sizes = [20, 64], strides = [1, 1]} : vector<26x64xf32> to vector<20x64xf32>
    %mul3A_1462 = arith.mulf %reduce_sum3A_1460, %slice3A_1461 : vector<20x64xf32>
    %slice3A_1463 = vector.extract_strided_slice %concatenate3A_116 {offsets = [4, 0], sizes = [20, 64], strides = [1, 1]} : vector<26x64xf32> to vector<20x64xf32>
    %add3A_1464 = arith.addf %mul3A_1462, %slice3A_1463 : vector<20x64xf32>
    %add3A_1465 = arith.constant 1 : i32
    %add3A_1466 = vector.broadcast %add3A_1465 : i32 to vector<20x64xi32>
    %add3A_1467 = arith.addi %iota3A, %add3A_1466 : vector<20x64xi32>
    %ge3A_1468 = arith.constant 0 : i32
    %ge3A_1469 = vector.broadcast %ge3A_1468 : i32 to vector<20x64xi32>
    %ge3A_1470 = arith.cmpi sge, %add3A_1467, %ge3A_1469 : vector<20x64xi32>
    %add3A_1471 = arith.constant 1 : i32
    %add3A_1472 = vector.broadcast %add3A_1471 : i32 to vector<20x64xi32>
    %add3A_1473 = arith.addi %iota3A, %add3A_1472 : vector<20x64xi32>
    %lt3A_1474 = arith.constant 20 : i32
    %lt3A_1475 = vector.broadcast %lt3A_1474 : i32 to vector<20x64xi32>
    %lt3A_1476 = arith.cmpi slt, %add3A_1473, %lt3A_1475 : vector<20x64xi32>
    %and3A_1477 = arith.andi %ge3A_1470, %lt3A_1476 : vector<20x64xi1>
    %add3A_1478 = arith.constant 0 : i32
    %add3A_1479 = vector.broadcast %add3A_1478 : i32 to vector<20x64xi32>
    %add3A_1480 = arith.addi %iota3A_135, %add3A_1479 : vector<20x64xi32>
    %ge3A_1481 = arith.constant 0 : i32
    %ge3A_1482 = vector.broadcast %ge3A_1481 : i32 to vector<20x64xi32>
    %ge3A_1483 = arith.cmpi sge, %add3A_1480, %ge3A_1482 : vector<20x64xi32>
    %and3A_1484 = arith.andi %and3A_1477, %ge3A_1483 : vector<20x64xi1>
    %add3A_1485 = arith.constant 0 : i32
    %add3A_1486 = vector.broadcast %add3A_1485 : i32 to vector<20x64xi32>
    %add3A_1487 = arith.addi %iota3A_135, %add3A_1486 : vector<20x64xi32>
    %lt3A_1488 = arith.constant 64 : i32
    %lt3A_1489 = vector.broadcast %lt3A_1488 : i32 to vector<20x64xi32>
    %lt3A_1490 = arith.cmpi slt, %add3A_1487, %lt3A_1489 : vector<20x64xi32>
    %and3A_1491 = arith.andi %and3A_1484, %lt3A_1490 : vector<20x64xi1>
    %jit3A_1492 = arith.constant -1.000000e+08 : f32
    %broadcast_in_dim3A_1493 = vector.broadcast %jit3A_1492 : f32 to vector<20x64xf32>
    %select_n3A_1494 = arith.select %and3A_1491, %add3A_1464, %broadcast_in_dim3A_1493 : vector<20x64xi1>, vector<20x64xf32>
    %swap3A_1495 = arith.constant 31 : index
    %swap3A_1496 = arith.constant 0 : index
    %swap3A_1497 = arith.constant 0 : index
    %swap3A_1498 = vector.load %arg3[%swap3A_1495, %swap3A_1496, %swap3A_1497] : memref<49x20x64xf32, #tpu.memory_space<vmem>>, vector<1x20x64xf32>
    %swap3A_1499 = vector.shape_cast %swap3A_1498 : vector<1x20x64xf32> to vector<20x64xf32>
    %swap3A_1500 = vector.shape_cast %select_n3A_1494 : vector<20x64xf32> to vector<1x20x64xf32>
    tpu.vector_store %arg3[%swap3A_1495, %swap3A_1496, %swap3A_1497], %swap3A_1500 {strides = array<i32>} : memref<49x20x64xf32, #tpu.memory_space<vmem>>, vector<1x20x64xf32>,
    %slice3A_1501 = vector.extract_strided_slice %concatenate3A_44 {offsets = [4, 0, 0], sizes = [20, 64, 128], strides = [1, 1, 1]} : vector<26x64x128xf32> to vector<20x64x128xf32>
    %mul3A_1502 = arith.mulf %slice3A_1501, %get3A_2 : vector<20x64x128xf32>
    %reduce_sum3A_1503 = arith.constant dense<0.000000e+00> : vector<20x64xf32>
    %reduce_sum3A_1504 = vector.multi_reduction <add>, %mul3A_1502, %reduce_sum3A_1503 [2] : vector<20x64x128xf32> to vector<20x64xf32>
    %slice3A_1505 = vector.extract_strided_slice %concatenate3A_83 {offsets = [4, 0], sizes = [20, 64], strides = [1, 1]} : vector<26x64xf32> to vector<20x64xf32>
    %mul3A_1506 = arith.mulf %reduce_sum3A_1504, %slice3A_1505 : vector<20x64xf32>
    %slice3A_1507 = vector.extract_strided_slice %concatenate3A_122 {offsets = [4, 0], sizes = [20, 64], strides = [1, 1]} : vector<26x64xf32> to vector<20x64xf32>
    %add3A_1508 = arith.addf %mul3A_1506, %slice3A_1507 : vector<20x64xf32>
    %add3A_1509 = arith.constant 1 : i32
    %add3A_1510 = vector.broadcast %add3A_1509 : i32 to vector<20x64xi32>
    %add3A_1511 = arith.addi %iota3A, %add3A_1510 : vector<20x64xi32>
    %ge3A_1512 = arith.constant 0 : i32
    %ge3A_1513 = vector.broadcast %ge3A_1512 : i32 to vector<20x64xi32>
    %ge3A_1514 = arith.cmpi sge, %add3A_1511, %ge3A_1513 : vector<20x64xi32>
    %add3A_1515 = arith.constant 1 : i32
    %add3A_1516 = vector.broadcast %add3A_1515 : i32 to vector<20x64xi32>
    %add3A_1517 = arith.addi %iota3A, %add3A_1516 : vector<20x64xi32>
    %lt3A_1518 = arith.constant 20 : i32
    %lt3A_1519 = vector.broadcast %lt3A_1518 : i32 to vector<20x64xi32>
    %lt3A_1520 = arith.cmpi slt, %add3A_1517, %lt3A_1519 : vector<20x64xi32>
    %and3A_1521 = arith.andi %ge3A_1514, %lt3A_1520 : vector<20x64xi1>
    %add3A_1522 = arith.constant 1 : i32
    %add3A_1523 = vector.broadcast %add3A_1522 : i32 to vector<20x64xi32>
    %add3A_1524 = arith.addi %iota3A_135, %add3A_1523 : vector<20x64xi32>
    %ge3A_1525 = arith.constant 0 : i32
    %ge3A_1526 = vector.broadcast %ge3A_1525 : i32 to vector<20x64xi32>
    %ge3A_1527 = arith.cmpi sge, %add3A_1524, %ge3A_1526 : vector<20x64xi32>
    %and3A_1528 = arith.andi %and3A_1521, %ge3A_1527 : vector<20x64xi1>
    %add3A_1529 = arith.constant 1 : i32
    %add3A_1530 = vector.broadcast %add3A_1529 : i32 to vector<20x64xi32>
    %add3A_1531 = arith.addi %iota3A_135, %add3A_1530 : vector<20x64xi32>
    %lt3A_1532 = arith.constant 64 : i32
    %lt3A_1533 = vector.broadcast %lt3A_1532 : i32 to vector<20x64xi32>
    %lt3A_1534 = arith.cmpi slt, %add3A_1531, %lt3A_1533 : vector<20x64xi32>
    %and3A_1535 = arith.andi %and3A_1528, %lt3A_1534 : vector<20x64xi1>
    %jit3A_1536 = arith.constant -1.000000e+08 : f32
    %broadcast_in_dim3A_1537 = vector.broadcast %jit3A_1536 : f32 to vector<20x64xf32>
    %select_n3A_1538 = arith.select %and3A_1535, %add3A_1508, %broadcast_in_dim3A_1537 : vector<20x64xi1>, vector<20x64xf32>
    %swap3A_1539 = arith.constant 32 : index
    %swap3A_1540 = arith.constant 0 : index
    %swap3A_1541 = arith.constant 0 : index
    %swap3A_1542 = vector.load %arg3[%swap3A_1539, %swap3A_1540, %swap3A_1541] : memref<49x20x64xf32, #tpu.memory_space<vmem>>, vector<1x20x64xf32>
    %swap3A_1543 = vector.shape_cast %swap3A_1542 : vector<1x20x64xf32> to vector<20x64xf32>
    %swap3A_1544 = vector.shape_cast %select_n3A_1538 : vector<20x64xf32> to vector<1x20x64xf32>
    tpu.vector_store %arg3[%swap3A_1539, %swap3A_1540, %swap3A_1541], %swap3A_1544 {strides = array<i32>} : memref<49x20x64xf32, #tpu.memory_space<vmem>>, vector<1x20x64xf32>,
    %slice3A_1545 = vector.extract_strided_slice %concatenate3A_50 {offsets = [4, 0, 0], sizes = [20, 64, 128], strides = [1, 1, 1]} : vector<26x64x128xf32> to vector<20x64x128xf32>
    %mul3A_1546 = arith.mulf %slice3A_1545, %get3A_2 : vector<20x64x128xf32>
    %reduce_sum3A_1547 = arith.constant dense<0.000000e+00> : vector<20x64xf32>
    %reduce_sum3A_1548 = vector.multi_reduction <add>, %mul3A_1546, %reduce_sum3A_1547 [2] : vector<20x64x128xf32> to vector<20x64xf32>
    %slice3A_1549 = vector.extract_strided_slice %concatenate3A_89 {offsets = [4, 0], sizes = [20, 64], strides = [1, 1]} : vector<26x64xf32> to vector<20x64xf32>
    %mul3A_1550 = arith.mulf %reduce_sum3A_1548, %slice3A_1549 : vector<20x64xf32>
    %slice3A_1551 = vector.extract_strided_slice %concatenate3A_128 {offsets = [4, 0], sizes = [20, 64], strides = [1, 1]} : vector<26x64xf32> to vector<20x64xf32>
    %add3A_1552 = arith.addf %mul3A_1550, %slice3A_1551 : vector<20x64xf32>
    %add3A_1553 = arith.constant 1 : i32
    %add3A_1554 = vector.broadcast %add3A_1553 : i32 to vector<20x64xi32>
    %add3A_1555 = arith.addi %iota3A, %add3A_1554 : vector<20x64xi32>
    %ge3A_1556 = arith.constant 0 : i32
    %ge3A_1557 = vector.broadcast %ge3A_1556 : i32 to vector<20x64xi32>
    %ge3A_1558 = arith.cmpi sge, %add3A_1555, %ge3A_1557 : vector<20x64xi32>
    %add3A_1559 = arith.constant 1 : i32
    %add3A_1560 = vector.broadcast %add3A_1559 : i32 to vector<20x64xi32>
    %add3A_1561 = arith.addi %iota3A, %add3A_1560 : vector<20x64xi32>
    %lt3A_1562 = arith.constant 20 : i32
    %lt3A_1563 = vector.broadcast %lt3A_1562 : i32 to vector<20x64xi32>
    %lt3A_1564 = arith.cmpi slt, %add3A_1561, %lt3A_1563 : vector<20x64xi32>
    %and3A_1565 = arith.andi %ge3A_1558, %lt3A_1564 : vector<20x64xi1>
    %add3A_1566 = arith.constant 2 : i32
    %add3A_1567 = vector.broadcast %add3A_1566 : i32 to vector<20x64xi32>
    %add3A_1568 = arith.addi %iota3A_135, %add3A_1567 : vector<20x64xi32>
    %ge3A_1569 = arith.constant 0 : i32
    %ge3A_1570 = vector.broadcast %ge3A_1569 : i32 to vector<20x64xi32>
    %ge3A_1571 = arith.cmpi sge, %add3A_1568, %ge3A_1570 : vector<20x64xi32>
    %and3A_1572 = arith.andi %and3A_1565, %ge3A_1571 : vector<20x64xi1>
    %add3A_1573 = arith.constant 2 : i32
    %add3A_1574 = vector.broadcast %add3A_1573 : i32 to vector<20x64xi32>
    %add3A_1575 = arith.addi %iota3A_135, %add3A_1574 : vector<20x64xi32>
    %lt3A_1576 = arith.constant 64 : i32
    %lt3A_1577 = vector.broadcast %lt3A_1576 : i32 to vector<20x64xi32>
    %lt3A_1578 = arith.cmpi slt, %add3A_1575, %lt3A_1577 : vector<20x64xi32>
    %and3A_1579 = arith.andi %and3A_1572, %lt3A_1578 : vector<20x64xi1>
    %jit3A_1580 = arith.constant -1.000000e+08 : f32
    %broadcast_in_dim3A_1581 = vector.broadcast %jit3A_1580 : f32 to vector<20x64xf32>
    %select_n3A_1582 = arith.select %and3A_1579, %add3A_1552, %broadcast_in_dim3A_1581 : vector<20x64xi1>, vector<20x64xf32>
    %swap3A_1583 = arith.constant 33 : index
    %swap3A_1584 = arith.constant 0 : index
    %swap3A_1585 = arith.constant 0 : index
    %swap3A_1586 = vector.load %arg3[%swap3A_1583, %swap3A_1584, %swap3A_1585] : memref<49x20x64xf32, #tpu.memory_space<vmem>>, vector<1x20x64xf32>
    %swap3A_1587 = vector.shape_cast %swap3A_1586 : vector<1x20x64xf32> to vector<20x64xf32>
    %swap3A_1588 = vector.shape_cast %select_n3A_1582 : vector<20x64xf32> to vector<1x20x64xf32>
    tpu.vector_store %arg3[%swap3A_1583, %swap3A_1584, %swap3A_1585], %swap3A_1588 {strides = array<i32>} : memref<49x20x64xf32, #tpu.memory_space<vmem>>, vector<1x20x64xf32>,
    %slice3A_1589 = vector.extract_strided_slice %concatenate3A_56 {offsets = [4, 0, 0], sizes = [20, 64, 128], strides = [1, 1, 1]} : vector<26x64x128xf32> to vector<20x64x128xf32>
    %mul3A_1590 = arith.mulf %slice3A_1589, %get3A_2 : vector<20x64x128xf32>
    %reduce_sum3A_1591 = arith.constant dense<0.000000e+00> : vector<20x64xf32>
    %reduce_sum3A_1592 = vector.multi_reduction <add>, %mul3A_1590, %reduce_sum3A_1591 [2] : vector<20x64x128xf32> to vector<20x64xf32>
    %slice3A_1593 = vector.extract_strided_slice %concatenate3A_95 {offsets = [4, 0], sizes = [20, 64], strides = [1, 1]} : vector<26x64xf32> to vector<20x64xf32>
    %mul3A_1594 = arith.mulf %reduce_sum3A_1592, %slice3A_1593 : vector<20x64xf32>
    %slice3A_1595 = vector.extract_strided_slice %concatenate3A_134 {offsets = [4, 0], sizes = [20, 64], strides = [1, 1]} : vector<26x64xf32> to vector<20x64xf32>
    %add3A_1596 = arith.addf %mul3A_1594, %slice3A_1595 : vector<20x64xf32>
    %add3A_1597 = arith.constant 1 : i32
    %add3A_1598 = vector.broadcast %add3A_1597 : i32 to vector<20x64xi32>
    %add3A_1599 = arith.addi %iota3A, %add3A_1598 : vector<20x64xi32>
    %ge3A_1600 = arith.constant 0 : i32
    %ge3A_1601 = vector.broadcast %ge3A_1600 : i32 to vector<20x64xi32>
    %ge3A_1602 = arith.cmpi sge, %add3A_1599, %ge3A_1601 : vector<20x64xi32>
    %add3A_1603 = arith.constant 1 : i32
    %add3A_1604 = vector.broadcast %add3A_1603 : i32 to vector<20x64xi32>
    %add3A_1605 = arith.addi %iota3A, %add3A_1604 : vector<20x64xi32>
    %lt3A_1606 = arith.constant 20 : i32
    %lt3A_1607 = vector.broadcast %lt3A_1606 : i32 to vector<20x64xi32>
    %lt3A_1608 = arith.cmpi slt, %add3A_1605, %lt3A_1607 : vector<20x64xi32>
    %and3A_1609 = arith.andi %ge3A_1602, %lt3A_1608 : vector<20x64xi1>
    %add3A_1610 = arith.constant 3 : i32
    %add3A_1611 = vector.broadcast %add3A_1610 : i32 to vector<20x64xi32>
    %add3A_1612 = arith.addi %iota3A_135, %add3A_1611 : vector<20x64xi32>
    %ge3A_1613 = arith.constant 0 : i32
    %ge3A_1614 = vector.broadcast %ge3A_1613 : i32 to vector<20x64xi32>
    %ge3A_1615 = arith.cmpi sge, %add3A_1612, %ge3A_1614 : vector<20x64xi32>
    %and3A_1616 = arith.andi %and3A_1609, %ge3A_1615 : vector<20x64xi1>
    %add3A_1617 = arith.constant 3 : i32
    %add3A_1618 = vector.broadcast %add3A_1617 : i32 to vector<20x64xi32>
    %add3A_1619 = arith.addi %iota3A_135, %add3A_1618 : vector<20x64xi32>
    %lt3A_1620 = arith.constant 64 : i32
    %lt3A_1621 = vector.broadcast %lt3A_1620 : i32 to vector<20x64xi32>
    %lt3A_1622 = arith.cmpi slt, %add3A_1619, %lt3A_1621 : vector<20x64xi32>
    %and3A_1623 = arith.andi %and3A_1616, %lt3A_1622 : vector<20x64xi1>
    %jit3A_1624 = arith.constant -1.000000e+08 : f32
    %broadcast_in_dim3A_1625 = vector.broadcast %jit3A_1624 : f32 to vector<20x64xf32>
    %select_n3A_1626 = arith.select %and3A_1623, %add3A_1596, %broadcast_in_dim3A_1625 : vector<20x64xi1>, vector<20x64xf32>
    %swap3A_1627 = arith.constant 34 : index
    %swap3A_1628 = arith.constant 0 : index
    %swap3A_1629 = arith.constant 0 : index
    %swap3A_1630 = vector.load %arg3[%swap3A_1627, %swap3A_1628, %swap3A_1629] : memref<49x20x64xf32, #tpu.memory_space<vmem>>, vector<1x20x64xf32>
    %swap3A_1631 = vector.shape_cast %swap3A_1630 : vector<1x20x64xf32> to vector<20x64xf32>
    %swap3A_1632 = vector.shape_cast %select_n3A_1626 : vector<20x64xf32> to vector<1x20x64xf32>
    tpu.vector_store %arg3[%swap3A_1627, %swap3A_1628, %swap3A_1629], %swap3A_1632 {strides = array<i32>} : memref<49x20x64xf32, #tpu.memory_space<vmem>>, vector<1x20x64xf32>,
    %slice3A_1633 = vector.extract_strided_slice %concatenate3A_23 {offsets = [5, 0, 0], sizes = [20, 64, 128], strides = [1, 1, 1]} : vector<26x64x128xf32> to vector<20x64x128xf32>
    %mul3A_1634 = arith.mulf %slice3A_1633, %get3A_2 : vector<20x64x128xf32>
    %reduce_sum3A_1635 = arith.constant dense<0.000000e+00> : vector<20x64xf32>
    %reduce_sum3A_1636 = vector.multi_reduction <add>, %mul3A_1634, %reduce_sum3A_1635 [2] : vector<20x64x128xf32> to vector<20x64xf32>
    %slice3A_1637 = vector.extract_strided_slice %concatenate3A_62 {offsets = [5, 0], sizes = [20, 64], strides = [1, 1]} : vector<26x64xf32> to vector<20x64xf32>
    %mul3A_1638 = arith.mulf %reduce_sum3A_1636, %slice3A_1637 : vector<20x64xf32>
    %slice3A_1639 = vector.extract_strided_slice %concatenate3A_101 {offsets = [5, 0], sizes = [20, 64], strides = [1, 1]} : vector<26x64xf32> to vector<20x64xf32>
    %add3A_1640 = arith.addf %mul3A_1638, %slice3A_1639 : vector<20x64xf32>
    %add3A_1641 = arith.constant 2 : i32
    %add3A_1642 = vector.broadcast %add3A_1641 : i32 to vector<20x64xi32>
    %add3A_1643 = arith.addi %iota3A, %add3A_1642 : vector<20x64xi32>
    %ge3A_1644 = arith.constant 0 : i32
    %ge3A_1645 = vector.broadcast %ge3A_1644 : i32 to vector<20x64xi32>
    %ge3A_1646 = arith.cmpi sge, %add3A_1643, %ge3A_1645 : vector<20x64xi32>
    %add3A_1647 = arith.constant 2 : i32
    %add3A_1648 = vector.broadcast %add3A_1647 : i32 to vector<20x64xi32>
    %add3A_1649 = arith.addi %iota3A, %add3A_1648 : vector<20x64xi32>
    %lt3A_1650 = arith.constant 20 : i32
    %lt3A_1651 = vector.broadcast %lt3A_1650 : i32 to vector<20x64xi32>
    %lt3A_1652 = arith.cmpi slt, %add3A_1649, %lt3A_1651 : vector<20x64xi32>
    %and3A_1653 = arith.andi %ge3A_1646, %lt3A_1652 : vector<20x64xi1>
    %add3A_1654 = arith.constant -3 : i32
    %add3A_1655 = vector.broadcast %add3A_1654 : i32 to vector<20x64xi32>
    %add3A_1656 = arith.addi %iota3A_135, %add3A_1655 : vector<20x64xi32>
    %ge3A_1657 = arith.constant 0 : i32
    %ge3A_1658 = vector.broadcast %ge3A_1657 : i32 to vector<20x64xi32>
    %ge3A_1659 = arith.cmpi sge, %add3A_1656, %ge3A_1658 : vector<20x64xi32>
    %and3A_1660 = arith.andi %and3A_1653, %ge3A_1659 : vector<20x64xi1>
    %add3A_1661 = arith.constant -3 : i32
    %add3A_1662 = vector.broadcast %add3A_1661 : i32 to vector<20x64xi32>
    %add3A_1663 = arith.addi %iota3A_135, %add3A_1662 : vector<20x64xi32>
    %lt3A_1664 = arith.constant 64 : i32
    %lt3A_1665 = vector.broadcast %lt3A_1664 : i32 to vector<20x64xi32>
    %lt3A_1666 = arith.cmpi slt, %add3A_1663, %lt3A_1665 : vector<20x64xi32>
    %and3A_1667 = arith.andi %and3A_1660, %lt3A_1666 : vector<20x64xi1>
    %jit3A_1668 = arith.constant -1.000000e+08 : f32
    %broadcast_in_dim3A_1669 = vector.broadcast %jit3A_1668 : f32 to vector<20x64xf32>
    %select_n3A_1670 = arith.select %and3A_1667, %add3A_1640, %broadcast_in_dim3A_1669 : vector<20x64xi1>, vector<20x64xf32>
    %swap3A_1671 = arith.constant 35 : index
    %swap3A_1672 = arith.constant 0 : index
    %swap3A_1673 = arith.constant 0 : index
    %swap3A_1674 = vector.load %arg3[%swap3A_1671, %swap3A_1672, %swap3A_1673] : memref<49x20x64xf32, #tpu.memory_space<vmem>>, vector<1x20x64xf32>
    %swap3A_1675 = vector.shape_cast %swap3A_1674 : vector<1x20x64xf32> to vector<20x64xf32>
    %swap3A_1676 = vector.shape_cast %select_n3A_1670 : vector<20x64xf32> to vector<1x20x64xf32>
    tpu.vector_store %arg3[%swap3A_1671, %swap3A_1672, %swap3A_1673], %swap3A_1676 {strides = array<i32>} : memref<49x20x64xf32, #tpu.memory_space<vmem>>, vector<1x20x64xf32>,
    %slice3A_1677 = vector.extract_strided_slice %concatenate3A_29 {offsets = [5, 0, 0], sizes = [20, 64, 128], strides = [1, 1, 1]} : vector<26x64x128xf32> to vector<20x64x128xf32>
    %mul3A_1678 = arith.mulf %slice3A_1677, %get3A_2 : vector<20x64x128xf32>
    %reduce_sum3A_1679 = arith.constant dense<0.000000e+00> : vector<20x64xf32>
    %reduce_sum3A_1680 = vector.multi_reduction <add>, %mul3A_1678, %reduce_sum3A_1679 [2] : vector<20x64x128xf32> to vector<20x64xf32>
    %slice3A_1681 = vector.extract_strided_slice %concatenate3A_68 {offsets = [5, 0], sizes = [20, 64], strides = [1, 1]} : vector<26x64xf32> to vector<20x64xf32>
    %mul3A_1682 = arith.mulf %reduce_sum3A_1680, %slice3A_1681 : vector<20x64xf32>
    %slice3A_1683 = vector.extract_strided_slice %concatenate3A_107 {offsets = [5, 0], sizes = [20, 64], strides = [1, 1]} : vector<26x64xf32> to vector<20x64xf32>
    %add3A_1684 = arith.addf %mul3A_1682, %slice3A_1683 : vector<20x64xf32>
    %add3A_1685 = arith.constant 2 : i32
    %add3A_1686 = vector.broadcast %add3A_1685 : i32 to vector<20x64xi32>
    %add3A_1687 = arith.addi %iota3A, %add3A_1686 : vector<20x64xi32>
    %ge3A_1688 = arith.constant 0 : i32
    %ge3A_1689 = vector.broadcast %ge3A_1688 : i32 to vector<20x64xi32>
    %ge3A_1690 = arith.cmpi sge, %add3A_1687, %ge3A_1689 : vector<20x64xi32>
    %add3A_1691 = arith.constant 2 : i32
    %add3A_1692 = vector.broadcast %add3A_1691 : i32 to vector<20x64xi32>
    %add3A_1693 = arith.addi %iota3A, %add3A_1692 : vector<20x64xi32>
    %lt3A_1694 = arith.constant 20 : i32
    %lt3A_1695 = vector.broadcast %lt3A_1694 : i32 to vector<20x64xi32>
    %lt3A_1696 = arith.cmpi slt, %add3A_1693, %lt3A_1695 : vector<20x64xi32>
    %and3A_1697 = arith.andi %ge3A_1690, %lt3A_1696 : vector<20x64xi1>
    %add3A_1698 = arith.constant -2 : i32
    %add3A_1699 = vector.broadcast %add3A_1698 : i32 to vector<20x64xi32>
    %add3A_1700 = arith.addi %iota3A_135, %add3A_1699 : vector<20x64xi32>
    %ge3A_1701 = arith.constant 0 : i32
    %ge3A_1702 = vector.broadcast %ge3A_1701 : i32 to vector<20x64xi32>
    %ge3A_1703 = arith.cmpi sge, %add3A_1700, %ge3A_1702 : vector<20x64xi32>
    %and3A_1704 = arith.andi %and3A_1697, %ge3A_1703 : vector<20x64xi1>
    %add3A_1705 = arith.constant -2 : i32
    %add3A_1706 = vector.broadcast %add3A_1705 : i32 to vector<20x64xi32>
    %add3A_1707 = arith.addi %iota3A_135, %add3A_1706 : vector<20x64xi32>
    %lt3A_1708 = arith.constant 64 : i32
    %lt3A_1709 = vector.broadcast %lt3A_1708 : i32 to vector<20x64xi32>
    %lt3A_1710 = arith.cmpi slt, %add3A_1707, %lt3A_1709 : vector<20x64xi32>
    %and3A_1711 = arith.andi %and3A_1704, %lt3A_1710 : vector<20x64xi1>
    %jit3A_1712 = arith.constant -1.000000e+08 : f32
    %broadcast_in_dim3A_1713 = vector.broadcast %jit3A_1712 : f32 to vector<20x64xf32>
    %select_n3A_1714 = arith.select %and3A_1711, %add3A_1684, %broadcast_in_dim3A_1713 : vector<20x64xi1>, vector<20x64xf32>
    %swap3A_1715 = arith.constant 36 : index
    %swap3A_1716 = arith.constant 0 : index
    %swap3A_1717 = arith.constant 0 : index
    %swap3A_1718 = vector.load %arg3[%swap3A_1715, %swap3A_1716, %swap3A_1717] : memref<49x20x64xf32, #tpu.memory_space<vmem>>, vector<1x20x64xf32>
    %swap3A_1719 = vector.shape_cast %swap3A_1718 : vector<1x20x64xf32> to vector<20x64xf32>
    %swap3A_1720 = vector.shape_cast %select_n3A_1714 : vector<20x64xf32> to vector<1x20x64xf32>
    tpu.vector_store %arg3[%swap3A_1715, %swap3A_1716, %swap3A_1717], %swap3A_1720 {strides = array<i32>} : memref<49x20x64xf32, #tpu.memory_space<vmem>>, vector<1x20x64xf32>,
    %slice3A_1721 = vector.extract_strided_slice %concatenate3A_35 {offsets = [5, 0, 0], sizes = [20, 64, 128], strides = [1, 1, 1]} : vector<26x64x128xf32> to vector<20x64x128xf32>
    %mul3A_1722 = arith.mulf %slice3A_1721, %get3A_2 : vector<20x64x128xf32>
    %reduce_sum3A_1723 = arith.constant dense<0.000000e+00> : vector<20x64xf32>
    %reduce_sum3A_1724 = vector.multi_reduction <add>, %mul3A_1722, %reduce_sum3A_1723 [2] : vector<20x64x128xf32> to vector<20x64xf32>
    %slice3A_1725 = vector.extract_strided_slice %concatenate3A_74 {offsets = [5, 0], sizes = [20, 64], strides = [1, 1]} : vector<26x64xf32> to vector<20x64xf32>
    %mul3A_1726 = arith.mulf %reduce_sum3A_1724, %slice3A_1725 : vector<20x64xf32>
    %slice3A_1727 = vector.extract_strided_slice %concatenate3A_113 {offsets = [5, 0], sizes = [20, 64], strides = [1, 1]} : vector<26x64xf32> to vector<20x64xf32>
    %add3A_1728 = arith.addf %mul3A_1726, %slice3A_1727 : vector<20x64xf32>
    %add3A_1729 = arith.constant 2 : i32
    %add3A_1730 = vector.broadcast %add3A_1729 : i32 to vector<20x64xi32>
    %add3A_1731 = arith.addi %iota3A, %add3A_1730 : vector<20x64xi32>
    %ge3A_1732 = arith.constant 0 : i32
    %ge3A_1733 = vector.broadcast %ge3A_1732 : i32 to vector<20x64xi32>
    %ge3A_1734 = arith.cmpi sge, %add3A_1731, %ge3A_1733 : vector<20x64xi32>
    %add3A_1735 = arith.constant 2 : i32
    %add3A_1736 = vector.broadcast %add3A_1735 : i32 to vector<20x64xi32>
    %add3A_1737 = arith.addi %iota3A, %add3A_1736 : vector<20x64xi32>
    %lt3A_1738 = arith.constant 20 : i32
    %lt3A_1739 = vector.broadcast %lt3A_1738 : i32 to vector<20x64xi32>
    %lt3A_1740 = arith.cmpi slt, %add3A_1737, %lt3A_1739 : vector<20x64xi32>
    %and3A_1741 = arith.andi %ge3A_1734, %lt3A_1740 : vector<20x64xi1>
    %add3A_1742 = arith.constant -1 : i32
    %add3A_1743 = vector.broadcast %add3A_1742 : i32 to vector<20x64xi32>
    %add3A_1744 = arith.addi %iota3A_135, %add3A_1743 : vector<20x64xi32>
    %ge3A_1745 = arith.constant 0 : i32
    %ge3A_1746 = vector.broadcast %ge3A_1745 : i32 to vector<20x64xi32>
    %ge3A_1747 = arith.cmpi sge, %add3A_1744, %ge3A_1746 : vector<20x64xi32>
    %and3A_1748 = arith.andi %and3A_1741, %ge3A_1747 : vector<20x64xi1>
    %add3A_1749 = arith.constant -1 : i32
    %add3A_1750 = vector.broadcast %add3A_1749 : i32 to vector<20x64xi32>
    %add3A_1751 = arith.addi %iota3A_135, %add3A_1750 : vector<20x64xi32>
    %lt3A_1752 = arith.constant 64 : i32
    %lt3A_1753 = vector.broadcast %lt3A_1752 : i32 to vector<20x64xi32>
    %lt3A_1754 = arith.cmpi slt, %add3A_1751, %lt3A_1753 : vector<20x64xi32>
    %and3A_1755 = arith.andi %and3A_1748, %lt3A_1754 : vector<20x64xi1>
    %jit3A_1756 = arith.constant -1.000000e+08 : f32
    %broadcast_in_dim3A_1757 = vector.broadcast %jit3A_1756 : f32 to vector<20x64xf32>
    %select_n3A_1758 = arith.select %and3A_1755, %add3A_1728, %broadcast_in_dim3A_1757 : vector<20x64xi1>, vector<20x64xf32>
    %swap3A_1759 = arith.constant 37 : index
    %swap3A_1760 = arith.constant 0 : index
    %swap3A_1761 = arith.constant 0 : index
    %swap3A_1762 = vector.load %arg3[%swap3A_1759, %swap3A_1760, %swap3A_1761] : memref<49x20x64xf32, #tpu.memory_space<vmem>>, vector<1x20x64xf32>
    %swap3A_1763 = vector.shape_cast %swap3A_1762 : vector<1x20x64xf32> to vector<20x64xf32>
    %swap3A_1764 = vector.shape_cast %select_n3A_1758 : vector<20x64xf32> to vector<1x20x64xf32>
    tpu.vector_store %arg3[%swap3A_1759, %swap3A_1760, %swap3A_1761], %swap3A_1764 {strides = array<i32>} : memref<49x20x64xf32, #tpu.memory_space<vmem>>, vector<1x20x64xf32>,
    %slice3A_1765 = vector.extract_strided_slice %concatenate3A_38 {offsets = [5, 0, 0], sizes = [20, 64, 128], strides = [1, 1, 1]} : vector<26x64x128xf32> to vector<20x64x128xf32>
    %mul3A_1766 = arith.mulf %slice3A_1765, %get3A_2 : vector<20x64x128xf32>
    %reduce_sum3A_1767 = arith.constant dense<0.000000e+00> : vector<20x64xf32>
    %reduce_sum3A_1768 = vector.multi_reduction <add>, %mul3A_1766, %reduce_sum3A_1767 [2] : vector<20x64x128xf32> to vector<20x64xf32>
    %slice3A_1769 = vector.extract_strided_slice %concatenate3A_77 {offsets = [5, 0], sizes = [20, 64], strides = [1, 1]} : vector<26x64xf32> to vector<20x64xf32>
    %mul3A_1770 = arith.mulf %reduce_sum3A_1768, %slice3A_1769 : vector<20x64xf32>
    %slice3A_1771 = vector.extract_strided_slice %concatenate3A_116 {offsets = [5, 0], sizes = [20, 64], strides = [1, 1]} : vector<26x64xf32> to vector<20x64xf32>
    %add3A_1772 = arith.addf %mul3A_1770, %slice3A_1771 : vector<20x64xf32>
    %add3A_1773 = arith.constant 2 : i32
    %add3A_1774 = vector.broadcast %add3A_1773 : i32 to vector<20x64xi32>
    %add3A_1775 = arith.addi %iota3A, %add3A_1774 : vector<20x64xi32>
    %ge3A_1776 = arith.constant 0 : i32
    %ge3A_1777 = vector.broadcast %ge3A_1776 : i32 to vector<20x64xi32>
    %ge3A_1778 = arith.cmpi sge, %add3A_1775, %ge3A_1777 : vector<20x64xi32>
    %add3A_1779 = arith.constant 2 : i32
    %add3A_1780 = vector.broadcast %add3A_1779 : i32 to vector<20x64xi32>
    %add3A_1781 = arith.addi %iota3A, %add3A_1780 : vector<20x64xi32>
    %lt3A_1782 = arith.constant 20 : i32
    %lt3A_1783 = vector.broadcast %lt3A_1782 : i32 to vector<20x64xi32>
    %lt3A_1784 = arith.cmpi slt, %add3A_1781, %lt3A_1783 : vector<20x64xi32>
    %and3A_1785 = arith.andi %ge3A_1778, %lt3A_1784 : vector<20x64xi1>
    %add3A_1786 = arith.constant 0 : i32
    %add3A_1787 = vector.broadcast %add3A_1786 : i32 to vector<20x64xi32>
    %add3A_1788 = arith.addi %iota3A_135, %add3A_1787 : vector<20x64xi32>
    %ge3A_1789 = arith.constant 0 : i32
    %ge3A_1790 = vector.broadcast %ge3A_1789 : i32 to vector<20x64xi32>
    %ge3A_1791 = arith.cmpi sge, %add3A_1788, %ge3A_1790 : vector<20x64xi32>
    %and3A_1792 = arith.andi %and3A_1785, %ge3A_1791 : vector<20x64xi1>
    %add3A_1793 = arith.constant 0 : i32
    %add3A_1794 = vector.broadcast %add3A_1793 : i32 to vector<20x64xi32>
    %add3A_1795 = arith.addi %iota3A_135, %add3A_1794 : vector<20x64xi32>
    %lt3A_1796 = arith.constant 64 : i32
    %lt3A_1797 = vector.broadcast %lt3A_1796 : i32 to vector<20x64xi32>
    %lt3A_1798 = arith.cmpi slt, %add3A_1795, %lt3A_1797 : vector<20x64xi32>
    %and3A_1799 = arith.andi %and3A_1792, %lt3A_1798 : vector<20x64xi1>
    %jit3A_1800 = arith.constant -1.000000e+08 : f32
    %broadcast_in_dim3A_1801 = vector.broadcast %jit3A_1800 : f32 to vector<20x64xf32>
    %select_n3A_1802 = arith.select %and3A_1799, %add3A_1772, %broadcast_in_dim3A_1801 : vector<20x64xi1>, vector<20x64xf32>
    %swap3A_1803 = arith.constant 38 : index
    %swap3A_1804 = arith.constant 0 : index
    %swap3A_1805 = arith.constant 0 : index
    %swap3A_1806 = vector.load %arg3[%swap3A_1803, %swap3A_1804, %swap3A_1805] : memref<49x20x64xf32, #tpu.memory_space<vmem>>, vector<1x20x64xf32>
    %swap3A_1807 = vector.shape_cast %swap3A_1806 : vector<1x20x64xf32> to vector<20x64xf32>
    %swap3A_1808 = vector.shape_cast %select_n3A_1802 : vector<20x64xf32> to vector<1x20x64xf32>
    tpu.vector_store %arg3[%swap3A_1803, %swap3A_1804, %swap3A_1805], %swap3A_1808 {strides = array<i32>} : memref<49x20x64xf32, #tpu.memory_space<vmem>>, vector<1x20x64xf32>,
    %slice3A_1809 = vector.extract_strided_slice %concatenate3A_44 {offsets = [5, 0, 0], sizes = [20, 64, 128], strides = [1, 1, 1]} : vector<26x64x128xf32> to vector<20x64x128xf32>
    %mul3A_1810 = arith.mulf %slice3A_1809, %get3A_2 : vector<20x64x128xf32>
    %reduce_sum3A_1811 = arith.constant dense<0.000000e+00> : vector<20x64xf32>
    %reduce_sum3A_1812 = vector.multi_reduction <add>, %mul3A_1810, %reduce_sum3A_1811 [2] : vector<20x64x128xf32> to vector<20x64xf32>
    %slice3A_1813 = vector.extract_strided_slice %concatenate3A_83 {offsets = [5, 0], sizes = [20, 64], strides = [1, 1]} : vector<26x64xf32> to vector<20x64xf32>
    %mul3A_1814 = arith.mulf %reduce_sum3A_1812, %slice3A_1813 : vector<20x64xf32>
    %slice3A_1815 = vector.extract_strided_slice %concatenate3A_122 {offsets = [5, 0], sizes = [20, 64], strides = [1, 1]} : vector<26x64xf32> to vector<20x64xf32>
    %add3A_1816 = arith.addf %mul3A_1814, %slice3A_1815 : vector<20x64xf32>
    %add3A_1817 = arith.constant 2 : i32
    %add3A_1818 = vector.broadcast %add3A_1817 : i32 to vector<20x64xi32>
    %add3A_1819 = arith.addi %iota3A, %add3A_1818 : vector<20x64xi32>
    %ge3A_1820 = arith.constant 0 : i32
    %ge3A_1821 = vector.broadcast %ge3A_1820 : i32 to vector<20x64xi32>
    %ge3A_1822 = arith.cmpi sge, %add3A_1819, %ge3A_1821 : vector<20x64xi32>
    %add3A_1823 = arith.constant 2 : i32
    %add3A_1824 = vector.broadcast %add3A_1823 : i32 to vector<20x64xi32>
    %add3A_1825 = arith.addi %iota3A, %add3A_1824 : vector<20x64xi32>
    %lt3A_1826 = arith.constant 20 : i32
    %lt3A_1827 = vector.broadcast %lt3A_1826 : i32 to vector<20x64xi32>
    %lt3A_1828 = arith.cmpi slt, %add3A_1825, %lt3A_1827 : vector<20x64xi32>
    %and3A_1829 = arith.andi %ge3A_1822, %lt3A_1828 : vector<20x64xi1>
    %add3A_1830 = arith.constant 1 : i32
    %add3A_1831 = vector.broadcast %add3A_1830 : i32 to vector<20x64xi32>
    %add3A_1832 = arith.addi %iota3A_135, %add3A_1831 : vector<20x64xi32>
    %ge3A_1833 = arith.constant 0 : i32
    %ge3A_1834 = vector.broadcast %ge3A_1833 : i32 to vector<20x64xi32>
    %ge3A_1835 = arith.cmpi sge, %add3A_1832, %ge3A_1834 : vector<20x64xi32>
    %and3A_1836 = arith.andi %and3A_1829, %ge3A_1835 : vector<20x64xi1>
    %add3A_1837 = arith.constant 1 : i32
    %add3A_1838 = vector.broadcast %add3A_1837 : i32 to vector<20x64xi32>
    %add3A_1839 = arith.addi %iota3A_135, %add3A_1838 : vector<20x64xi32>
    %lt3A_1840 = arith.constant 64 : i32
    %lt3A_1841 = vector.broadcast %lt3A_1840 : i32 to vector<20x64xi32>
    %lt3A_1842 = arith.cmpi slt, %add3A_1839, %lt3A_1841 : vector<20x64xi32>
    %and3A_1843 = arith.andi %and3A_1836, %lt3A_1842 : vector<20x64xi1>
    %jit3A_1844 = arith.constant -1.000000e+08 : f32
    %broadcast_in_dim3A_1845 = vector.broadcast %jit3A_1844 : f32 to vector<20x64xf32>
    %select_n3A_1846 = arith.select %and3A_1843, %add3A_1816, %broadcast_in_dim3A_1845 : vector<20x64xi1>, vector<20x64xf32>
    %swap3A_1847 = arith.constant 39 : index
    %swap3A_1848 = arith.constant 0 : index
    %swap3A_1849 = arith.constant 0 : index
    %swap3A_1850 = vector.load %arg3[%swap3A_1847, %swap3A_1848, %swap3A_1849] : memref<49x20x64xf32, #tpu.memory_space<vmem>>, vector<1x20x64xf32>
    %swap3A_1851 = vector.shape_cast %swap3A_1850 : vector<1x20x64xf32> to vector<20x64xf32>
    %swap3A_1852 = vector.shape_cast %select_n3A_1846 : vector<20x64xf32> to vector<1x20x64xf32>
    tpu.vector_store %arg3[%swap3A_1847, %swap3A_1848, %swap3A_1849], %swap3A_1852 {strides = array<i32>} : memref<49x20x64xf32, #tpu.memory_space<vmem>>, vector<1x20x64xf32>,
    %slice3A_1853 = vector.extract_strided_slice %concatenate3A_50 {offsets = [5, 0, 0], sizes = [20, 64, 128], strides = [1, 1, 1]} : vector<26x64x128xf32> to vector<20x64x128xf32>
    %mul3A_1854 = arith.mulf %slice3A_1853, %get3A_2 : vector<20x64x128xf32>
    %reduce_sum3A_1855 = arith.constant dense<0.000000e+00> : vector<20x64xf32>
    %reduce_sum3A_1856 = vector.multi_reduction <add>, %mul3A_1854, %reduce_sum3A_1855 [2] : vector<20x64x128xf32> to vector<20x64xf32>
    %slice3A_1857 = vector.extract_strided_slice %concatenate3A_89 {offsets = [5, 0], sizes = [20, 64], strides = [1, 1]} : vector<26x64xf32> to vector<20x64xf32>
    %mul3A_1858 = arith.mulf %reduce_sum3A_1856, %slice3A_1857 : vector<20x64xf32>
    %slice3A_1859 = vector.extract_strided_slice %concatenate3A_128 {offsets = [5, 0], sizes = [20, 64], strides = [1, 1]} : vector<26x64xf32> to vector<20x64xf32>
    %add3A_1860 = arith.addf %mul3A_1858, %slice3A_1859 : vector<20x64xf32>
    %add3A_1861 = arith.constant 2 : i32
    %add3A_1862 = vector.broadcast %add3A_1861 : i32 to vector<20x64xi32>
    %add3A_1863 = arith.addi %iota3A, %add3A_1862 : vector<20x64xi32>
    %ge3A_1864 = arith.constant 0 : i32
    %ge3A_1865 = vector.broadcast %ge3A_1864 : i32 to vector<20x64xi32>
    %ge3A_1866 = arith.cmpi sge, %add3A_1863, %ge3A_1865 : vector<20x64xi32>
    %add3A_1867 = arith.constant 2 : i32
    %add3A_1868 = vector.broadcast %add3A_1867 : i32 to vector<20x64xi32>
    %add3A_1869 = arith.addi %iota3A, %add3A_1868 : vector<20x64xi32>
    %lt3A_1870 = arith.constant 20 : i32
    %lt3A_1871 = vector.broadcast %lt3A_1870 : i32 to vector<20x64xi32>
    %lt3A_1872 = arith.cmpi slt, %add3A_1869, %lt3A_1871 : vector<20x64xi32>
    %and3A_1873 = arith.andi %ge3A_1866, %lt3A_1872 : vector<20x64xi1>
    %add3A_1874 = arith.constant 2 : i32
    %add3A_1875 = vector.broadcast %add3A_1874 : i32 to vector<20x64xi32>
    %add3A_1876 = arith.addi %iota3A_135, %add3A_1875 : vector<20x64xi32>
    %ge3A_1877 = arith.constant 0 : i32
    %ge3A_1878 = vector.broadcast %ge3A_1877 : i32 to vector<20x64xi32>
    %ge3A_1879 = arith.cmpi sge, %add3A_1876, %ge3A_1878 : vector<20x64xi32>
    %and3A_1880 = arith.andi %and3A_1873, %ge3A_1879 : vector<20x64xi1>
    %add3A_1881 = arith.constant 2 : i32
    %add3A_1882 = vector.broadcast %add3A_1881 : i32 to vector<20x64xi32>
    %add3A_1883 = arith.addi %iota3A_135, %add3A_1882 : vector<20x64xi32>
    %lt3A_1884 = arith.constant 64 : i32
    %lt3A_1885 = vector.broadcast %lt3A_1884 : i32 to vector<20x64xi32>
    %lt3A_1886 = arith.cmpi slt, %add3A_1883, %lt3A_1885 : vector<20x64xi32>
    %and3A_1887 = arith.andi %and3A_1880, %lt3A_1886 : vector<20x64xi1>
    %jit3A_1888 = arith.constant -1.000000e+08 : f32
    %broadcast_in_dim3A_1889 = vector.broadcast %jit3A_1888 : f32 to vector<20x64xf32>
    %select_n3A_1890 = arith.select %and3A_1887, %add3A_1860, %broadcast_in_dim3A_1889 : vector<20x64xi1>, vector<20x64xf32>
    %swap3A_1891 = arith.constant 40 : index
    %swap3A_1892 = arith.constant 0 : index
    %swap3A_1893 = arith.constant 0 : index
    %swap3A_1894 = vector.load %arg3[%swap3A_1891, %swap3A_1892, %swap3A_1893] : memref<49x20x64xf32, #tpu.memory_space<vmem>>, vector<1x20x64xf32>
    %swap3A_1895 = vector.shape_cast %swap3A_1894 : vector<1x20x64xf32> to vector<20x64xf32>
    %swap3A_1896 = vector.shape_cast %select_n3A_1890 : vector<20x64xf32> to vector<1x20x64xf32>
    tpu.vector_store %arg3[%swap3A_1891, %swap3A_1892, %swap3A_1893], %swap3A_1896 {strides = array<i32>} : memref<49x20x64xf32, #tpu.memory_space<vmem>>, vector<1x20x64xf32>,
    %slice3A_1897 = vector.extract_strided_slice %concatenate3A_56 {offsets = [5, 0, 0], sizes = [20, 64, 128], strides = [1, 1, 1]} : vector<26x64x128xf32> to vector<20x64x128xf32>
    %mul3A_1898 = arith.mulf %slice3A_1897, %get3A_2 : vector<20x64x128xf32>
    %reduce_sum3A_1899 = arith.constant dense<0.000000e+00> : vector<20x64xf32>
    %reduce_sum3A_1900 = vector.multi_reduction <add>, %mul3A_1898, %reduce_sum3A_1899 [2] : vector<20x64x128xf32> to vector<20x64xf32>
    %slice3A_1901 = vector.extract_strided_slice %concatenate3A_95 {offsets = [5, 0], sizes = [20, 64], strides = [1, 1]} : vector<26x64xf32> to vector<20x64xf32>
    %mul3A_1902 = arith.mulf %reduce_sum3A_1900, %slice3A_1901 : vector<20x64xf32>
    %slice3A_1903 = vector.extract_strided_slice %concatenate3A_134 {offsets = [5, 0], sizes = [20, 64], strides = [1, 1]} : vector<26x64xf32> to vector<20x64xf32>
    %add3A_1904 = arith.addf %mul3A_1902, %slice3A_1903 : vector<20x64xf32>
    %add3A_1905 = arith.constant 2 : i32
    %add3A_1906 = vector.broadcast %add3A_1905 : i32 to vector<20x64xi32>
    %add3A_1907 = arith.addi %iota3A, %add3A_1906 : vector<20x64xi32>
    %ge3A_1908 = arith.constant 0 : i32
    %ge3A_1909 = vector.broadcast %ge3A_1908 : i32 to vector<20x64xi32>
    %ge3A_1910 = arith.cmpi sge, %add3A_1907, %ge3A_1909 : vector<20x64xi32>
    %add3A_1911 = arith.constant 2 : i32
    %add3A_1912 = vector.broadcast %add3A_1911 : i32 to vector<20x64xi32>
    %add3A_1913 = arith.addi %iota3A, %add3A_1912 : vector<20x64xi32>
    %lt3A_1914 = arith.constant 20 : i32
    %lt3A_1915 = vector.broadcast %lt3A_1914 : i32 to vector<20x64xi32>
    %lt3A_1916 = arith.cmpi slt, %add3A_1913, %lt3A_1915 : vector<20x64xi32>
    %and3A_1917 = arith.andi %ge3A_1910, %lt3A_1916 : vector<20x64xi1>
    %add3A_1918 = arith.constant 3 : i32
    %add3A_1919 = vector.broadcast %add3A_1918 : i32 to vector<20x64xi32>
    %add3A_1920 = arith.addi %iota3A_135, %add3A_1919 : vector<20x64xi32>
    %ge3A_1921 = arith.constant 0 : i32
    %ge3A_1922 = vector.broadcast %ge3A_1921 : i32 to vector<20x64xi32>
    %ge3A_1923 = arith.cmpi sge, %add3A_1920, %ge3A_1922 : vector<20x64xi32>
    %and3A_1924 = arith.andi %and3A_1917, %ge3A_1923 : vector<20x64xi1>
    %add3A_1925 = arith.constant 3 : i32
    %add3A_1926 = vector.broadcast %add3A_1925 : i32 to vector<20x64xi32>
    %add3A_1927 = arith.addi %iota3A_135, %add3A_1926 : vector<20x64xi32>
    %lt3A_1928 = arith.constant 64 : i32
    %lt3A_1929 = vector.broadcast %lt3A_1928 : i32 to vector<20x64xi32>
    %lt3A_1930 = arith.cmpi slt, %add3A_1927, %lt3A_1929 : vector<20x64xi32>
    %and3A_1931 = arith.andi %and3A_1924, %lt3A_1930 : vector<20x64xi1>
    %jit3A_1932 = arith.constant -1.000000e+08 : f32
    %broadcast_in_dim3A_1933 = vector.broadcast %jit3A_1932 : f32 to vector<20x64xf32>
    %select_n3A_1934 = arith.select %and3A_1931, %add3A_1904, %broadcast_in_dim3A_1933 : vector<20x64xi1>, vector<20x64xf32>
    %swap3A_1935 = arith.constant 41 : index
    %swap3A_1936 = arith.constant 0 : index
    %swap3A_1937 = arith.constant 0 : index
    %swap3A_1938 = vector.load %arg3[%swap3A_1935, %swap3A_1936, %swap3A_1937] : memref<49x20x64xf32, #tpu.memory_space<vmem>>, vector<1x20x64xf32>
    %swap3A_1939 = vector.shape_cast %swap3A_1938 : vector<1x20x64xf32> to vector<20x64xf32>
    %swap3A_1940 = vector.shape_cast %select_n3A_1934 : vector<20x64xf32> to vector<1x20x64xf32>
    tpu.vector_store %arg3[%swap3A_1935, %swap3A_1936, %swap3A_1937], %swap3A_1940 {strides = array<i32>} : memref<49x20x64xf32, #tpu.memory_space<vmem>>, vector<1x20x64xf32>,
    %slice3A_1941 = vector.extract_strided_slice %concatenate3A_23 {offsets = [6, 0, 0], sizes = [20, 64, 128], strides = [1, 1, 1]} : vector<26x64x128xf32> to vector<20x64x128xf32>
    %mul3A_1942 = arith.mulf %slice3A_1941, %get3A_2 : vector<20x64x128xf32>
    %reduce_sum3A_1943 = arith.constant dense<0.000000e+00> : vector<20x64xf32>
    %reduce_sum3A_1944 = vector.multi_reduction <add>, %mul3A_1942, %reduce_sum3A_1943 [2] : vector<20x64x128xf32> to vector<20x64xf32>
    %slice3A_1945 = vector.extract_strided_slice %concatenate3A_62 {offsets = [6, 0], sizes = [20, 64], strides = [1, 1]} : vector<26x64xf32> to vector<20x64xf32>
    %mul3A_1946 = arith.mulf %reduce_sum3A_1944, %slice3A_1945 : vector<20x64xf32>
    %slice3A_1947 = vector.extract_strided_slice %concatenate3A_101 {offsets = [6, 0], sizes = [20, 64], strides = [1, 1]} : vector<26x64xf32> to vector<20x64xf32>
    %add3A_1948 = arith.addf %mul3A_1946, %slice3A_1947 : vector<20x64xf32>
    %add3A_1949 = arith.constant 3 : i32
    %add3A_1950 = vector.broadcast %add3A_1949 : i32 to vector<20x64xi32>
    %add3A_1951 = arith.addi %iota3A, %add3A_1950 : vector<20x64xi32>
    %ge3A_1952 = arith.constant 0 : i32
    %ge3A_1953 = vector.broadcast %ge3A_1952 : i32 to vector<20x64xi32>
    %ge3A_1954 = arith.cmpi sge, %add3A_1951, %ge3A_1953 : vector<20x64xi32>
    %add3A_1955 = arith.constant 3 : i32
    %add3A_1956 = vector.broadcast %add3A_1955 : i32 to vector<20x64xi32>
    %add3A_1957 = arith.addi %iota3A, %add3A_1956 : vector<20x64xi32>
    %lt3A_1958 = arith.constant 20 : i32
    %lt3A_1959 = vector.broadcast %lt3A_1958 : i32 to vector<20x64xi32>
    %lt3A_1960 = arith.cmpi slt, %add3A_1957, %lt3A_1959 : vector<20x64xi32>
    %and3A_1961 = arith.andi %ge3A_1954, %lt3A_1960 : vector<20x64xi1>
    %add3A_1962 = arith.constant -3 : i32
    %add3A_1963 = vector.broadcast %add3A_1962 : i32 to vector<20x64xi32>
    %add3A_1964 = arith.addi %iota3A_135, %add3A_1963 : vector<20x64xi32>
    %ge3A_1965 = arith.constant 0 : i32
    %ge3A_1966 = vector.broadcast %ge3A_1965 : i32 to vector<20x64xi32>
    %ge3A_1967 = arith.cmpi sge, %add3A_1964, %ge3A_1966 : vector<20x64xi32>
    %and3A_1968 = arith.andi %and3A_1961, %ge3A_1967 : vector<20x64xi1>
    %add3A_1969 = arith.constant -3 : i32
    %add3A_1970 = vector.broadcast %add3A_1969 : i32 to vector<20x64xi32>
    %add3A_1971 = arith.addi %iota3A_135, %add3A_1970 : vector<20x64xi32>
    %lt3A_1972 = arith.constant 64 : i32
    %lt3A_1973 = vector.broadcast %lt3A_1972 : i32 to vector<20x64xi32>
    %lt3A_1974 = arith.cmpi slt, %add3A_1971, %lt3A_1973 : vector<20x64xi32>
    %and3A_1975 = arith.andi %and3A_1968, %lt3A_1974 : vector<20x64xi1>
    %jit3A_1976 = arith.constant -1.000000e+08 : f32
    %broadcast_in_dim3A_1977 = vector.broadcast %jit3A_1976 : f32 to vector<20x64xf32>
    %select_n3A_1978 = arith.select %and3A_1975, %add3A_1948, %broadcast_in_dim3A_1977 : vector<20x64xi1>, vector<20x64xf32>
    %swap3A_1979 = arith.constant 42 : index
    %swap3A_1980 = arith.constant 0 : index
    %swap3A_1981 = arith.constant 0 : index
    %swap3A_1982 = vector.load %arg3[%swap3A_1979, %swap3A_1980, %swap3A_1981] : memref<49x20x64xf32, #tpu.memory_space<vmem>>, vector<1x20x64xf32>
    %swap3A_1983 = vector.shape_cast %swap3A_1982 : vector<1x20x64xf32> to vector<20x64xf32>
    %swap3A_1984 = vector.shape_cast %select_n3A_1978 : vector<20x64xf32> to vector<1x20x64xf32>
    tpu.vector_store %arg3[%swap3A_1979, %swap3A_1980, %swap3A_1981], %swap3A_1984 {strides = array<i32>} : memref<49x20x64xf32, #tpu.memory_space<vmem>>, vector<1x20x64xf32>,
    %slice3A_1985 = vector.extract_strided_slice %concatenate3A_29 {offsets = [6, 0, 0], sizes = [20, 64, 128], strides = [1, 1, 1]} : vector<26x64x128xf32> to vector<20x64x128xf32>
    %mul3A_1986 = arith.mulf %slice3A_1985, %get3A_2 : vector<20x64x128xf32>
    %reduce_sum3A_1987 = arith.constant dense<0.000000e+00> : vector<20x64xf32>
    %reduce_sum3A_1988 = vector.multi_reduction <add>, %mul3A_1986, %reduce_sum3A_1987 [2] : vector<20x64x128xf32> to vector<20x64xf32>
    %slice3A_1989 = vector.extract_strided_slice %concatenate3A_68 {offsets = [6, 0], sizes = [20, 64], strides = [1, 1]} : vector<26x64xf32> to vector<20x64xf32>
    %mul3A_1990 = arith.mulf %reduce_sum3A_1988, %slice3A_1989 : vector<20x64xf32>
    %slice3A_1991 = vector.extract_strided_slice %concatenate3A_107 {offsets = [6, 0], sizes = [20, 64], strides = [1, 1]} : vector<26x64xf32> to vector<20x64xf32>
    %add3A_1992 = arith.addf %mul3A_1990, %slice3A_1991 : vector<20x64xf32>
    %add3A_1993 = arith.constant 3 : i32
    %add3A_1994 = vector.broadcast %add3A_1993 : i32 to vector<20x64xi32>
    %add3A_1995 = arith.addi %iota3A, %add3A_1994 : vector<20x64xi32>
    %ge3A_1996 = arith.constant 0 : i32
    %ge3A_1997 = vector.broadcast %ge3A_1996 : i32 to vector<20x64xi32>
    %ge3A_1998 = arith.cmpi sge, %add3A_1995, %ge3A_1997 : vector<20x64xi32>
    %add3A_1999 = arith.constant 3 : i32
    %add3A_2000 = vector.broadcast %add3A_1999 : i32 to vector<20x64xi32>
    %add3A_2001 = arith.addi %iota3A, %add3A_2000 : vector<20x64xi32>
    %lt3A_2002 = arith.constant 20 : i32
    %lt3A_2003 = vector.broadcast %lt3A_2002 : i32 to vector<20x64xi32>
    %lt3A_2004 = arith.cmpi slt, %add3A_2001, %lt3A_2003 : vector<20x64xi32>
    %and3A_2005 = arith.andi %ge3A_1998, %lt3A_2004 : vector<20x64xi1>
    %add3A_2006 = arith.constant -2 : i32
    %add3A_2007 = vector.broadcast %add3A_2006 : i32 to vector<20x64xi32>
    %add3A_2008 = arith.addi %iota3A_135, %add3A_2007 : vector<20x64xi32>
    %ge3A_2009 = arith.constant 0 : i32
    %ge3A_2010 = vector.broadcast %ge3A_2009 : i32 to vector<20x64xi32>
    %ge3A_2011 = arith.cmpi sge, %add3A_2008, %ge3A_2010 : vector<20x64xi32>
    %and3A_2012 = arith.andi %and3A_2005, %ge3A_2011 : vector<20x64xi1>
    %add3A_2013 = arith.constant -2 : i32
    %add3A_2014 = vector.broadcast %add3A_2013 : i32 to vector<20x64xi32>
    %add3A_2015 = arith.addi %iota3A_135, %add3A_2014 : vector<20x64xi32>
    %lt3A_2016 = arith.constant 64 : i32
    %lt3A_2017 = vector.broadcast %lt3A_2016 : i32 to vector<20x64xi32>
    %lt3A_2018 = arith.cmpi slt, %add3A_2015, %lt3A_2017 : vector<20x64xi32>
    %and3A_2019 = arith.andi %and3A_2012, %lt3A_2018 : vector<20x64xi1>
    %jit3A_2020 = arith.constant -1.000000e+08 : f32
    %broadcast_in_dim3A_2021 = vector.broadcast %jit3A_2020 : f32 to vector<20x64xf32>
    %select_n3A_2022 = arith.select %and3A_2019, %add3A_1992, %broadcast_in_dim3A_2021 : vector<20x64xi1>, vector<20x64xf32>
    %swap3A_2023 = arith.constant 43 : index
    %swap3A_2024 = arith.constant 0 : index
    %swap3A_2025 = arith.constant 0 : index
    %swap3A_2026 = vector.load %arg3[%swap3A_2023, %swap3A_2024, %swap3A_2025] : memref<49x20x64xf32, #tpu.memory_space<vmem>>, vector<1x20x64xf32>
    %swap3A_2027 = vector.shape_cast %swap3A_2026 : vector<1x20x64xf32> to vector<20x64xf32>
    %swap3A_2028 = vector.shape_cast %select_n3A_2022 : vector<20x64xf32> to vector<1x20x64xf32>
    tpu.vector_store %arg3[%swap3A_2023, %swap3A_2024, %swap3A_2025], %swap3A_2028 {strides = array<i32>} : memref<49x20x64xf32, #tpu.memory_space<vmem>>, vector<1x20x64xf32>,
    %slice3A_2029 = vector.extract_strided_slice %concatenate3A_35 {offsets = [6, 0, 0], sizes = [20, 64, 128], strides = [1, 1, 1]} : vector<26x64x128xf32> to vector<20x64x128xf32>
    %mul3A_2030 = arith.mulf %slice3A_2029, %get3A_2 : vector<20x64x128xf32>
    %reduce_sum3A_2031 = arith.constant dense<0.000000e+00> : vector<20x64xf32>
    %reduce_sum3A_2032 = vector.multi_reduction <add>, %mul3A_2030, %reduce_sum3A_2031 [2] : vector<20x64x128xf32> to vector<20x64xf32>
    %slice3A_2033 = vector.extract_strided_slice %concatenate3A_74 {offsets = [6, 0], sizes = [20, 64], strides = [1, 1]} : vector<26x64xf32> to vector<20x64xf32>
    %mul3A_2034 = arith.mulf %reduce_sum3A_2032, %slice3A_2033 : vector<20x64xf32>
    %slice3A_2035 = vector.extract_strided_slice %concatenate3A_113 {offsets = [6, 0], sizes = [20, 64], strides = [1, 1]} : vector<26x64xf32> to vector<20x64xf32>
    %add3A_2036 = arith.addf %mul3A_2034, %slice3A_2035 : vector<20x64xf32>
    %add3A_2037 = arith.constant 3 : i32
    %add3A_2038 = vector.broadcast %add3A_2037 : i32 to vector<20x64xi32>
    %add3A_2039 = arith.addi %iota3A, %add3A_2038 : vector<20x64xi32>
    %ge3A_2040 = arith.constant 0 : i32
    %ge3A_2041 = vector.broadcast %ge3A_2040 : i32 to vector<20x64xi32>
    %ge3A_2042 = arith.cmpi sge, %add3A_2039, %ge3A_2041 : vector<20x64xi32>
    %add3A_2043 = arith.constant 3 : i32
    %add3A_2044 = vector.broadcast %add3A_2043 : i32 to vector<20x64xi32>
    %add3A_2045 = arith.addi %iota3A, %add3A_2044 : vector<20x64xi32>
    %lt3A_2046 = arith.constant 20 : i32
    %lt3A_2047 = vector.broadcast %lt3A_2046 : i32 to vector<20x64xi32>
    %lt3A_2048 = arith.cmpi slt, %add3A_2045, %lt3A_2047 : vector<20x64xi32>
    %and3A_2049 = arith.andi %ge3A_2042, %lt3A_2048 : vector<20x64xi1>
    %add3A_2050 = arith.constant -1 : i32
    %add3A_2051 = vector.broadcast %add3A_2050 : i32 to vector<20x64xi32>
    %add3A_2052 = arith.addi %iota3A_135, %add3A_2051 : vector<20x64xi32>
    %ge3A_2053 = arith.constant 0 : i32
    %ge3A_2054 = vector.broadcast %ge3A_2053 : i32 to vector<20x64xi32>
    %ge3A_2055 = arith.cmpi sge, %add3A_2052, %ge3A_2054 : vector<20x64xi32>
    %and3A_2056 = arith.andi %and3A_2049, %ge3A_2055 : vector<20x64xi1>
    %add3A_2057 = arith.constant -1 : i32
    %add3A_2058 = vector.broadcast %add3A_2057 : i32 to vector<20x64xi32>
    %add3A_2059 = arith.addi %iota3A_135, %add3A_2058 : vector<20x64xi32>
    %lt3A_2060 = arith.constant 64 : i32
    %lt3A_2061 = vector.broadcast %lt3A_2060 : i32 to vector<20x64xi32>
    %lt3A_2062 = arith.cmpi slt, %add3A_2059, %lt3A_2061 : vector<20x64xi32>
    %and3A_2063 = arith.andi %and3A_2056, %lt3A_2062 : vector<20x64xi1>
    %jit3A_2064 = arith.constant -1.000000e+08 : f32
    %broadcast_in_dim3A_2065 = vector.broadcast %jit3A_2064 : f32 to vector<20x64xf32>
    %select_n3A_2066 = arith.select %and3A_2063, %add3A_2036, %broadcast_in_dim3A_2065 : vector<20x64xi1>, vector<20x64xf32>
    %swap3A_2067 = arith.constant 44 : index
    %swap3A_2068 = arith.constant 0 : index
    %swap3A_2069 = arith.constant 0 : index
    %swap3A_2070 = vector.load %arg3[%swap3A_2067, %swap3A_2068, %swap3A_2069] : memref<49x20x64xf32, #tpu.memory_space<vmem>>, vector<1x20x64xf32>
    %swap3A_2071 = vector.shape_cast %swap3A_2070 : vector<1x20x64xf32> to vector<20x64xf32>
    %swap3A_2072 = vector.shape_cast %select_n3A_2066 : vector<20x64xf32> to vector<1x20x64xf32>
    tpu.vector_store %arg3[%swap3A_2067, %swap3A_2068, %swap3A_2069], %swap3A_2072 {strides = array<i32>} : memref<49x20x64xf32, #tpu.memory_space<vmem>>, vector<1x20x64xf32>,
    %slice3A_2073 = vector.extract_strided_slice %concatenate3A_38 {offsets = [6, 0, 0], sizes = [20, 64, 128], strides = [1, 1, 1]} : vector<26x64x128xf32> to vector<20x64x128xf32>
    %mul3A_2074 = arith.mulf %slice3A_2073, %get3A_2 : vector<20x64x128xf32>
    %reduce_sum3A_2075 = arith.constant dense<0.000000e+00> : vector<20x64xf32>
    %reduce_sum3A_2076 = vector.multi_reduction <add>, %mul3A_2074, %reduce_sum3A_2075 [2] : vector<20x64x128xf32> to vector<20x64xf32>
    %slice3A_2077 = vector.extract_strided_slice %concatenate3A_77 {offsets = [6, 0], sizes = [20, 64], strides = [1, 1]} : vector<26x64xf32> to vector<20x64xf32>
    %mul3A_2078 = arith.mulf %reduce_sum3A_2076, %slice3A_2077 : vector<20x64xf32>
    %slice3A_2079 = vector.extract_strided_slice %concatenate3A_116 {offsets = [6, 0], sizes = [20, 64], strides = [1, 1]} : vector<26x64xf32> to vector<20x64xf32>
    %add3A_2080 = arith.addf %mul3A_2078, %slice3A_2079 : vector<20x64xf32>
    %add3A_2081 = arith.constant 3 : i32
    %add3A_2082 = vector.broadcast %add3A_2081 : i32 to vector<20x64xi32>
    %add3A_2083 = arith.addi %iota3A, %add3A_2082 : vector<20x64xi32>
    %ge3A_2084 = arith.constant 0 : i32
    %ge3A_2085 = vector.broadcast %ge3A_2084 : i32 to vector<20x64xi32>
    %ge3A_2086 = arith.cmpi sge, %add3A_2083, %ge3A_2085 : vector<20x64xi32>
    %add3A_2087 = arith.constant 3 : i32
    %add3A_2088 = vector.broadcast %add3A_2087 : i32 to vector<20x64xi32>
    %add3A_2089 = arith.addi %iota3A, %add3A_2088 : vector<20x64xi32>
    %lt3A_2090 = arith.constant 20 : i32
    %lt3A_2091 = vector.broadcast %lt3A_2090 : i32 to vector<20x64xi32>
    %lt3A_2092 = arith.cmpi slt, %add3A_2089, %lt3A_2091 : vector<20x64xi32>
    %and3A_2093 = arith.andi %ge3A_2086, %lt3A_2092 : vector<20x64xi1>
    %add3A_2094 = arith.constant 0 : i32
    %add3A_2095 = vector.broadcast %add3A_2094 : i32 to vector<20x64xi32>
    %add3A_2096 = arith.addi %iota3A_135, %add3A_2095 : vector<20x64xi32>
    %ge3A_2097 = arith.constant 0 : i32
    %ge3A_2098 = vector.broadcast %ge3A_2097 : i32 to vector<20x64xi32>
    %ge3A_2099 = arith.cmpi sge, %add3A_2096, %ge3A_2098 : vector<20x64xi32>
    %and3A_2100 = arith.andi %and3A_2093, %ge3A_2099 : vector<20x64xi1>
    %add3A_2101 = arith.constant 0 : i32
    %add3A_2102 = vector.broadcast %add3A_2101 : i32 to vector<20x64xi32>
    %add3A_2103 = arith.addi %iota3A_135, %add3A_2102 : vector<20x64xi32>
    %lt3A_2104 = arith.constant 64 : i32
    %lt3A_2105 = vector.broadcast %lt3A_2104 : i32 to vector<20x64xi32>
    %lt3A_2106 = arith.cmpi slt, %add3A_2103, %lt3A_2105 : vector<20x64xi32>
    %and3A_2107 = arith.andi %and3A_2100, %lt3A_2106 : vector<20x64xi1>
    %jit3A_2108 = arith.constant -1.000000e+08 : f32
    %broadcast_in_dim3A_2109 = vector.broadcast %jit3A_2108 : f32 to vector<20x64xf32>
    %select_n3A_2110 = arith.select %and3A_2107, %add3A_2080, %broadcast_in_dim3A_2109 : vector<20x64xi1>, vector<20x64xf32>
    %swap3A_2111 = arith.constant 45 : index
    %swap3A_2112 = arith.constant 0 : index
    %swap3A_2113 = arith.constant 0 : index
    %swap3A_2114 = vector.load %arg3[%swap3A_2111, %swap3A_2112, %swap3A_2113] : memref<49x20x64xf32, #tpu.memory_space<vmem>>, vector<1x20x64xf32>
    %swap3A_2115 = vector.shape_cast %swap3A_2114 : vector<1x20x64xf32> to vector<20x64xf32>
    %swap3A_2116 = vector.shape_cast %select_n3A_2110 : vector<20x64xf32> to vector<1x20x64xf32>
    tpu.vector_store %arg3[%swap3A_2111, %swap3A_2112, %swap3A_2113], %swap3A_2116 {strides = array<i32>} : memref<49x20x64xf32, #tpu.memory_space<vmem>>, vector<1x20x64xf32>,
    %slice3A_2117 = vector.extract_strided_slice %concatenate3A_44 {offsets = [6, 0, 0], sizes = [20, 64, 128], strides = [1, 1, 1]} : vector<26x64x128xf32> to vector<20x64x128xf32>
    %mul3A_2118 = arith.mulf %slice3A_2117, %get3A_2 : vector<20x64x128xf32>
    %reduce_sum3A_2119 = arith.constant dense<0.000000e+00> : vector<20x64xf32>
    %reduce_sum3A_2120 = vector.multi_reduction <add>, %mul3A_2118, %reduce_sum3A_2119 [2] : vector<20x64x128xf32> to vector<20x64xf32>
    %slice3A_2121 = vector.extract_strided_slice %concatenate3A_83 {offsets = [6, 0], sizes = [20, 64], strides = [1, 1]} : vector<26x64xf32> to vector<20x64xf32>
    %mul3A_2122 = arith.mulf %reduce_sum3A_2120, %slice3A_2121 : vector<20x64xf32>
    %slice3A_2123 = vector.extract_strided_slice %concatenate3A_122 {offsets = [6, 0], sizes = [20, 64], strides = [1, 1]} : vector<26x64xf32> to vector<20x64xf32>
    %add3A_2124 = arith.addf %mul3A_2122, %slice3A_2123 : vector<20x64xf32>
    %add3A_2125 = arith.constant 3 : i32
    %add3A_2126 = vector.broadcast %add3A_2125 : i32 to vector<20x64xi32>
    %add3A_2127 = arith.addi %iota3A, %add3A_2126 : vector<20x64xi32>
    %ge3A_2128 = arith.constant 0 : i32
    %ge3A_2129 = vector.broadcast %ge3A_2128 : i32 to vector<20x64xi32>
    %ge3A_2130 = arith.cmpi sge, %add3A_2127, %ge3A_2129 : vector<20x64xi32>
    %add3A_2131 = arith.constant 3 : i32
    %add3A_2132 = vector.broadcast %add3A_2131 : i32 to vector<20x64xi32>
    %add3A_2133 = arith.addi %iota3A, %add3A_2132 : vector<20x64xi32>
    %lt3A_2134 = arith.constant 20 : i32
    %lt3A_2135 = vector.broadcast %lt3A_2134 : i32 to vector<20x64xi32>
    %lt3A_2136 = arith.cmpi slt, %add3A_2133, %lt3A_2135 : vector<20x64xi32>
    %and3A_2137 = arith.andi %ge3A_2130, %lt3A_2136 : vector<20x64xi1>
    %add3A_2138 = arith.constant 1 : i32
    %add3A_2139 = vector.broadcast %add3A_2138 : i32 to vector<20x64xi32>
    %add3A_2140 = arith.addi %iota3A_135, %add3A_2139 : vector<20x64xi32>
    %ge3A_2141 = arith.constant 0 : i32
    %ge3A_2142 = vector.broadcast %ge3A_2141 : i32 to vector<20x64xi32>
    %ge3A_2143 = arith.cmpi sge, %add3A_2140, %ge3A_2142 : vector<20x64xi32>
    %and3A_2144 = arith.andi %and3A_2137, %ge3A_2143 : vector<20x64xi1>
    %add3A_2145 = arith.constant 1 : i32
    %add3A_2146 = vector.broadcast %add3A_2145 : i32 to vector<20x64xi32>
    %add3A_2147 = arith.addi %iota3A_135, %add3A_2146 : vector<20x64xi32>
    %lt3A_2148 = arith.constant 64 : i32
    %lt3A_2149 = vector.broadcast %lt3A_2148 : i32 to vector<20x64xi32>
    %lt3A_2150 = arith.cmpi slt, %add3A_2147, %lt3A_2149 : vector<20x64xi32>
    %and3A_2151 = arith.andi %and3A_2144, %lt3A_2150 : vector<20x64xi1>
    %jit3A_2152 = arith.constant -1.000000e+08 : f32
    %broadcast_in_dim3A_2153 = vector.broadcast %jit3A_2152 : f32 to vector<20x64xf32>
    %select_n3A_2154 = arith.select %and3A_2151, %add3A_2124, %broadcast_in_dim3A_2153 : vector<20x64xi1>, vector<20x64xf32>
    %swap3A_2155 = arith.constant 46 : index
    %swap3A_2156 = arith.constant 0 : index
    %swap3A_2157 = arith.constant 0 : index
    %swap3A_2158 = vector.load %arg3[%swap3A_2155, %swap3A_2156, %swap3A_2157] : memref<49x20x64xf32, #tpu.memory_space<vmem>>, vector<1x20x64xf32>
    %swap3A_2159 = vector.shape_cast %swap3A_2158 : vector<1x20x64xf32> to vector<20x64xf32>
    %swap3A_2160 = vector.shape_cast %select_n3A_2154 : vector<20x64xf32> to vector<1x20x64xf32>
    tpu.vector_store %arg3[%swap3A_2155, %swap3A_2156, %swap3A_2157], %swap3A_2160 {strides = array<i32>} : memref<49x20x64xf32, #tpu.memory_space<vmem>>, vector<1x20x64xf32>,
    %slice3A_2161 = vector.extract_strided_slice %concatenate3A_50 {offsets = [6, 0, 0], sizes = [20, 64, 128], strides = [1, 1, 1]} : vector<26x64x128xf32> to vector<20x64x128xf32>
    %mul3A_2162 = arith.mulf %slice3A_2161, %get3A_2 : vector<20x64x128xf32>
    %reduce_sum3A_2163 = arith.constant dense<0.000000e+00> : vector<20x64xf32>
    %reduce_sum3A_2164 = vector.multi_reduction <add>, %mul3A_2162, %reduce_sum3A_2163 [2] : vector<20x64x128xf32> to vector<20x64xf32>
    %slice3A_2165 = vector.extract_strided_slice %concatenate3A_89 {offsets = [6, 0], sizes = [20, 64], strides = [1, 1]} : vector<26x64xf32> to vector<20x64xf32>
    %mul3A_2166 = arith.mulf %reduce_sum3A_2164, %slice3A_2165 : vector<20x64xf32>
    %slice3A_2167 = vector.extract_strided_slice %concatenate3A_128 {offsets = [6, 0], sizes = [20, 64], strides = [1, 1]} : vector<26x64xf32> to vector<20x64xf32>
    %add3A_2168 = arith.addf %mul3A_2166, %slice3A_2167 : vector<20x64xf32>
    %add3A_2169 = arith.constant 3 : i32
    %add3A_2170 = vector.broadcast %add3A_2169 : i32 to vector<20x64xi32>
    %add3A_2171 = arith.addi %iota3A, %add3A_2170 : vector<20x64xi32>
    %ge3A_2172 = arith.constant 0 : i32
    %ge3A_2173 = vector.broadcast %ge3A_2172 : i32 to vector<20x64xi32>
    %ge3A_2174 = arith.cmpi sge, %add3A_2171, %ge3A_2173 : vector<20x64xi32>
    %add3A_2175 = arith.constant 3 : i32
    %add3A_2176 = vector.broadcast %add3A_2175 : i32 to vector<20x64xi32>
    %add3A_2177 = arith.addi %iota3A, %add3A_2176 : vector<20x64xi32>
    %lt3A_2178 = arith.constant 20 : i32
    %lt3A_2179 = vector.broadcast %lt3A_2178 : i32 to vector<20x64xi32>
    %lt3A_2180 = arith.cmpi slt, %add3A_2177, %lt3A_2179 : vector<20x64xi32>
    %and3A_2181 = arith.andi %ge3A_2174, %lt3A_2180 : vector<20x64xi1>
    %add3A_2182 = arith.constant 2 : i32
    %add3A_2183 = vector.broadcast %add3A_2182 : i32 to vector<20x64xi32>
    %add3A_2184 = arith.addi %iota3A_135, %add3A_2183 : vector<20x64xi32>
    %ge3A_2185 = arith.constant 0 : i32
    %ge3A_2186 = vector.broadcast %ge3A_2185 : i32 to vector<20x64xi32>
    %ge3A_2187 = arith.cmpi sge, %add3A_2184, %ge3A_2186 : vector<20x64xi32>
    %and3A_2188 = arith.andi %and3A_2181, %ge3A_2187 : vector<20x64xi1>
    %add3A_2189 = arith.constant 2 : i32
    %add3A_2190 = vector.broadcast %add3A_2189 : i32 to vector<20x64xi32>
    %add3A_2191 = arith.addi %iota3A_135, %add3A_2190 : vector<20x64xi32>
    %lt3A_2192 = arith.constant 64 : i32
    %lt3A_2193 = vector.broadcast %lt3A_2192 : i32 to vector<20x64xi32>
    %lt3A_2194 = arith.cmpi slt, %add3A_2191, %lt3A_2193 : vector<20x64xi32>
    %and3A_2195 = arith.andi %and3A_2188, %lt3A_2194 : vector<20x64xi1>
    %jit3A_2196 = arith.constant -1.000000e+08 : f32
    %broadcast_in_dim3A_2197 = vector.broadcast %jit3A_2196 : f32 to vector<20x64xf32>
    %select_n3A_2198 = arith.select %and3A_2195, %add3A_2168, %broadcast_in_dim3A_2197 : vector<20x64xi1>, vector<20x64xf32>
    %swap3A_2199 = arith.constant 47 : index
    %swap3A_2200 = arith.constant 0 : index
    %swap3A_2201 = arith.constant 0 : index
    %swap3A_2202 = vector.load %arg3[%swap3A_2199, %swap3A_2200, %swap3A_2201] : memref<49x20x64xf32, #tpu.memory_space<vmem>>, vector<1x20x64xf32>
    %swap3A_2203 = vector.shape_cast %swap3A_2202 : vector<1x20x64xf32> to vector<20x64xf32>
    %swap3A_2204 = vector.shape_cast %select_n3A_2198 : vector<20x64xf32> to vector<1x20x64xf32>
    tpu.vector_store %arg3[%swap3A_2199, %swap3A_2200, %swap3A_2201], %swap3A_2204 {strides = array<i32>} : memref<49x20x64xf32, #tpu.memory_space<vmem>>, vector<1x20x64xf32>,
    %slice3A_2205 = vector.extract_strided_slice %concatenate3A_56 {offsets = [6, 0, 0], sizes = [20, 64, 128], strides = [1, 1, 1]} : vector<26x64x128xf32> to vector<20x64x128xf32>
    %mul3A_2206 = arith.mulf %slice3A_2205, %get3A_2 : vector<20x64x128xf32>
    %reduce_sum3A_2207 = arith.constant dense<0.000000e+00> : vector<20x64xf32>
    %reduce_sum3A_2208 = vector.multi_reduction <add>, %mul3A_2206, %reduce_sum3A_2207 [2] : vector<20x64x128xf32> to vector<20x64xf32>
    %slice3A_2209 = vector.extract_strided_slice %concatenate3A_95 {offsets = [6, 0], sizes = [20, 64], strides = [1, 1]} : vector<26x64xf32> to vector<20x64xf32>
    %mul3A_2210 = arith.mulf %reduce_sum3A_2208, %slice3A_2209 : vector<20x64xf32>
    %slice3A_2211 = vector.extract_strided_slice %concatenate3A_134 {offsets = [6, 0], sizes = [20, 64], strides = [1, 1]} : vector<26x64xf32> to vector<20x64xf32>
    %add3A_2212 = arith.addf %mul3A_2210, %slice3A_2211 : vector<20x64xf32>
    %add3A_2213 = arith.constant 3 : i32
    %add3A_2214 = vector.broadcast %add3A_2213 : i32 to vector<20x64xi32>
    %add3A_2215 = arith.addi %iota3A, %add3A_2214 : vector<20x64xi32>
    %ge3A_2216 = arith.constant 0 : i32
    %ge3A_2217 = vector.broadcast %ge3A_2216 : i32 to vector<20x64xi32>
    %ge3A_2218 = arith.cmpi sge, %add3A_2215, %ge3A_2217 : vector<20x64xi32>
    %add3A_2219 = arith.constant 3 : i32
    %add3A_2220 = vector.broadcast %add3A_2219 : i32 to vector<20x64xi32>
    %add3A_2221 = arith.addi %iota3A, %add3A_2220 : vector<20x64xi32>
    %lt3A_2222 = arith.constant 20 : i32
    %lt3A_2223 = vector.broadcast %lt3A_2222 : i32 to vector<20x64xi32>
    %lt3A_2224 = arith.cmpi slt, %add3A_2221, %lt3A_2223 : vector<20x64xi32>
    %and3A_2225 = arith.andi %ge3A_2218, %lt3A_2224 : vector<20x64xi1>
    %add3A_2226 = arith.constant 3 : i32
    %add3A_2227 = vector.broadcast %add3A_2226 : i32 to vector<20x64xi32>
    %add3A_2228 = arith.addi %iota3A_135, %add3A_2227 : vector<20x64xi32>
    %ge3A_2229 = arith.constant 0 : i32
    %ge3A_2230 = vector.broadcast %ge3A_2229 : i32 to vector<20x64xi32>
    %ge3A_2231 = arith.cmpi sge, %add3A_2228, %ge3A_2230 : vector<20x64xi32>
    %and3A_2232 = arith.andi %and3A_2225, %ge3A_2231 : vector<20x64xi1>
    %add3A_2233 = arith.constant 3 : i32
    %add3A_2234 = vector.broadcast %add3A_2233 : i32 to vector<20x64xi32>
    %add3A_2235 = arith.addi %iota3A_135, %add3A_2234 : vector<20x64xi32>
    %lt3A_2236 = arith.constant 64 : i32
    %lt3A_2237 = vector.broadcast %lt3A_2236 : i32 to vector<20x64xi32>
    %lt3A_2238 = arith.cmpi slt, %add3A_2235, %lt3A_2237 : vector<20x64xi32>
    %and3A_2239 = arith.andi %and3A_2232, %lt3A_2238 : vector<20x64xi1>
    %jit3A_2240 = arith.constant -1.000000e+08 : f32
    %broadcast_in_dim3A_2241 = vector.broadcast %jit3A_2240 : f32 to vector<20x64xf32>
    %select_n3A_2242 = arith.select %and3A_2239, %add3A_2212, %broadcast_in_dim3A_2241 : vector<20x64xi1>, vector<20x64xf32>
    %swap3A_2243 = arith.constant 48 : index
    %swap3A_2244 = arith.constant 0 : index
    %swap3A_2245 = arith.constant 0 : index
    %swap3A_2246 = vector.load %arg3[%swap3A_2243, %swap3A_2244, %swap3A_2245] : memref<49x20x64xf32, #tpu.memory_space<vmem>>, vector<1x20x64xf32>
    %swap3A_2247 = vector.shape_cast %swap3A_2246 : vector<1x20x64xf32> to vector<20x64xf32>
    %swap3A_2248 = vector.shape_cast %select_n3A_2242 : vector<20x64xf32> to vector<1x20x64xf32>
    tpu.vector_store %arg3[%swap3A_2243, %swap3A_2244, %swap3A_2245], %swap3A_2248 {strides = array<i32>} : memref<49x20x64xf32, #tpu.memory_space<vmem>>, vector<1x20x64xf32>,
    %get3A_2249 = arith.constant 0 : index
    %get3A_2250 = arith.constant 0 : index
    %get3A_2251 = arith.constant 0 : index
    %get3A_2252 = vector.load %arg3[%get3A_2249, %get3A_2250, %get3A_2251] : memref<49x20x64xf32, #tpu.memory_space<vmem>>, vector<49x20x64xf32>
    %iota3A_2253 = tpu.iota {dimensions = array<i32: 0>} : vector<49x20x64xi32>
    %mul3A_2254 = arith.constant 64 : i32
    %mul3A_2255 = vector.broadcast %mul3A_2254 : i32 to vector<20x64xi32>
    %mul3A_2256 = arith.muli %iota3A, %mul3A_2255 : vector<20x64xi32>
    %add3A_2257 = arith.addi %mul3A_2256, %iota3A_135 : vector<20x64xi32>
    %swap3A_2258 = arith.constant 0 : index
    %swap3A_2259 = arith.constant 0 : index
    %swap3A_2260 = arith.constant 0 : index
    %swap3A_2261 = vector.load %arg2[%swap3A_2258, %swap3A_2259, %swap3A_2260] : memref<8x20x64xi32, #tpu.memory_space<vmem>>, vector<1x20x64xi32>
    %swap3A_2262 = vector.shape_cast %swap3A_2261 : vector<1x20x64xi32> to vector<20x64xi32>
    %swap3A_2263 = vector.shape_cast %add3A_2257 : vector<20x64xi32> to vector<1x20x64xi32>
    tpu.vector_store %arg2[%swap3A_2258, %swap3A_2259, %swap3A_2260], %swap3A_2263 {strides = array<i32>} : memref<8x20x64xi32, #tpu.memory_space<vmem>>, vector<1x20x64xi32>,
    %reduce_max3A = arith.constant dense<0xFF800000> : vector<20x64xf32>
    %reduce_max3A_2264 = vector.multi_reduction <maximumf>, %get3A_2252, %reduce_max3A [0] : vector<49x20x64xf32> to vector<20x64xf32>
    %broadcast_in_dim3A_2265 = vector.shape_cast %reduce_max3A_2264 : vector<20x64xf32> to vector<1x20x64xf32>
    %eq3A = vector.broadcast %broadcast_in_dim3A_2265 : vector<1x20x64xf32> to vector<49x20x64xf32>
    %eq3A_2266 = arith.cmpf oeq, %get3A_2252, %eq3A : vector<49x20x64xf32>
    %jit3A_2267 = arith.constant 49 : i32
    %broadcast_in_dim3A_2268 = vector.broadcast %jit3A_2267 : i32 to vector<49x20x64xi32>
    %select_n3A_2269 = arith.select %eq3A_2266, %iota3A_2253, %broadcast_in_dim3A_2268 : vector<49x20x64xi1>, vector<49x20x64xi32>
    %reduce_min3A = arith.constant dense<2147483647> : vector<20x64xi32>
    %reduce_min3A_2270 = vector.multi_reduction <minsi>, %select_n3A_2269, %reduce_min3A [0] : vector<49x20x64xi32> to vector<20x64xi32>
    %jit3A_2271 = arith.constant 7 : i32
    %div3A = vector.broadcast %jit3A_2271 : i32 to vector<20x64xi32>
    %div3A_2272 = arith.divsi %reduce_min3A_2270, %div3A : vector<20x64xi32>
    %sign3A = arith.constant 0 : i32
    %sign3A_2273 = vector.broadcast %sign3A : i32 to vector<20x64xi32>
    %sign3A_2274 = arith.cmpi sgt, %reduce_min3A_2270, %sign3A_2273 : vector<20x64xi32>
    %sign3A_2275 = arith.extui %sign3A_2274 : vector<20x64xi1> to vector<20x64xi32>
    %sign3A_2276 = arith.constant 0 : i32
    %sign3A_2277 = vector.broadcast %sign3A_2276 : i32 to vector<20x64xi32>
    %sign3A_2278 = arith.cmpi slt, %reduce_min3A_2270, %sign3A_2277 : vector<20x64xi32>
    %sign3A_2279 = arith.extui %sign3A_2278 : vector<20x64xi1> to vector<20x64xi32>
    %sign3A_2280 = arith.subi %sign3A_2275, %sign3A_2279 : vector<20x64xi32>
    %sign3A_2281 = arith.constant 0 : i32
    %sign3A_2282 = arith.cmpi sgt, %jit3A_2271, %sign3A_2281 : i32
    %sign3A_2283 = arith.extui %sign3A_2282 : i1 to i32
    %sign3A_2284 = arith.constant 0 : i32
    %sign3A_2285 = arith.cmpi slt, %jit3A_2271, %sign3A_2284 : i32
    %sign3A_2286 = arith.extui %sign3A_2285 : i1 to i32
    %sign3A_2287 = arith.subi %sign3A_2283, %sign3A_2286 : i32
    %ne3A = vector.broadcast %sign3A_2287 : i32 to vector<20x64xi32>
    %ne3A_2288 = arith.cmpi ne, %sign3A_2280, %ne3A : vector<20x64xi32>
    %rem3A = vector.broadcast %jit3A_2271 : i32 to vector<20x64xi32>
    %rem3A_2289 = arith.remsi %reduce_min3A_2270, %rem3A : vector<20x64xi32>
    %ne3A_2290 = arith.constant 0 : i32
    %ne3A_2291 = vector.broadcast %ne3A_2290 : i32 to vector<20x64xi32>
    %ne3A_2292 = arith.cmpi ne, %rem3A_2289, %ne3A_2291 : vector<20x64xi32>
    %and3A_2293 = arith.andi %ne3A_2288, %ne3A_2292 : vector<20x64xi1>
    %sub3A_2294 = arith.constant 1 : i32
    %sub3A_2295 = vector.broadcast %sub3A_2294 : i32 to vector<20x64xi32>
    %sub3A_2296 = arith.subi %div3A_2272, %sub3A_2295 : vector<20x64xi32>
    %select_n3A_2297 = arith.select %and3A_2293, %sub3A_2296, %div3A_2272 : vector<20x64xi1>, vector<20x64xi32>
    %sub3A_2298 = arith.constant 3 : i32
    %sub3A_2299 = vector.broadcast %sub3A_2298 : i32 to vector<20x64xi32>
    %sub3A_2300 = arith.subi %select_n3A_2297, %sub3A_2299 : vector<20x64xi32>
    %jit3A_2301 = arith.constant 7 : i32
    %eq3A_2302 = arith.constant 0 : i32
    %eq3A_2303 = arith.cmpi eq, %jit3A_2301, %eq3A_2302 : i32
    %jit3A_2304 = arith.constant 1 : i32
    %select_n3A_2305 = arith.select %eq3A_2303, %jit3A_2304, %jit3A_2301 : i32
    %rem3A_2306 = vector.broadcast %select_n3A_2305 : i32 to vector<20x64xi32>
    %rem3A_2307 = arith.remsi %reduce_min3A_2270, %rem3A_2306 : vector<20x64xi32>
    %ne3A_2308 = arith.constant 0 : i32
    %ne3A_2309 = vector.broadcast %ne3A_2308 : i32 to vector<20x64xi32>
    %ne3A_2310 = arith.cmpi ne, %rem3A_2307, %ne3A_2309 : vector<20x64xi32>
    %lt3A_2311 = arith.constant 0 : i32
    %lt3A_2312 = vector.broadcast %lt3A_2311 : i32 to vector<20x64xi32>
    %lt3A_2313 = arith.cmpi slt, %rem3A_2307, %lt3A_2312 : vector<20x64xi32>
    %lt3A_2314 = arith.constant 0 : i32
    %lt3A_2315 = arith.cmpi slt, %select_n3A_2305, %lt3A_2314 : i32
    %ne3A_2316 = vector.broadcast %lt3A_2315 : i1 to vector<20x64xi1>
    %ne3A_2317 = vector.broadcast %ne3A_2316 : vector<20x64xi1> to vector<20x64xi1>
    %ne3A_2318 = arith.xori %lt3A_2313, %ne3A_2317 : vector<20x64xi1>
    %and3A_2319 = arith.andi %ne3A_2318, %ne3A_2310 : vector<20x64xi1>
    %add3A_2320 = vector.broadcast %select_n3A_2305 : i32 to vector<20x64xi32>
    %add3A_2321 = arith.addi %rem3A_2307, %add3A_2320 : vector<20x64xi32>
    %select_n3A_2322 = arith.select %and3A_2319, %add3A_2321, %rem3A_2307 : vector<20x64xi1>, vector<20x64xi32>
    %sub3A_2323 = arith.constant 3 : i32
    %sub3A_2324 = vector.broadcast %sub3A_2323 : i32 to vector<20x64xi32>
    %sub3A_2325 = arith.subi %select_n3A_2322, %sub3A_2324 : vector<20x64xi32>
    %mul3A_2326 = arith.constant 64 : i32
    %mul3A_2327 = vector.broadcast %mul3A_2326 : i32 to vector<20x64xi32>
    %mul3A_2328 = arith.muli %sub3A_2300, %mul3A_2327 : vector<20x64xi32>
    %add3A_2329 = arith.addi %add3A_2257, %mul3A_2328 : vector<20x64xi32>
    %add3A_2330 = arith.addi %add3A_2329, %sub3A_2325 : vector<20x64xi32>
    %swap3A_2331 = arith.constant 1 : index
    %swap3A_2332 = arith.constant 0 : index
    %swap3A_2333 = arith.constant 0 : index
    %swap3A_2334 = vector.load %arg2[%swap3A_2331, %swap3A_2332, %swap3A_2333] : memref<8x20x64xi32, #tpu.memory_space<vmem>>, vector<1x20x64xi32>
    %swap3A_2335 = vector.shape_cast %swap3A_2334 : vector<1x20x64xi32> to vector<20x64xi32>
    %swap3A_2336 = vector.shape_cast %add3A_2330 : vector<20x64xi32> to vector<1x20x64xi32>
    tpu.vector_store %arg2[%swap3A_2331, %swap3A_2332, %swap3A_2333], %swap3A_2336 {strides = array<i32>} : memref<8x20x64xi32, #tpu.memory_space<vmem>>, vector<1x20x64xi32>,
    %broadcast_in_dim3A_2337 = vector.shape_cast %reduce_min3A_2270 : vector<20x64xi32> to vector<1x20x64xi32>
    %eq3A_2338 = vector.broadcast %broadcast_in_dim3A_2337 : vector<1x20x64xi32> to vector<49x20x64xi32>
    %eq3A_2339 = arith.cmpi eq, %iota3A_2253, %eq3A_2338 : vector<49x20x64xi32>
    %jit3A_2340 = arith.constant -3.000000e+38 : f32
    %broadcast_in_dim3A_2341 = vector.broadcast %jit3A_2340 : f32 to vector<49x20x64xf32>
    %select_n3A_2342 = arith.select %eq3A_2339, %broadcast_in_dim3A_2341, %get3A_2252 : vector<49x20x64xi1>, vector<49x20x64xf32>
    %reduce_max3A_2343 = arith.constant dense<0xFF800000> : vector<20x64xf32>
    %reduce_max3A_2344 = vector.multi_reduction <maximumf>, %select_n3A_2342, %reduce_max3A_2343 [0] : vector<49x20x64xf32> to vector<20x64xf32>
    %broadcast_in_dim3A_2345 = vector.shape_cast %reduce_max3A_2344 : vector<20x64xf32> to vector<1x20x64xf32>
    %eq3A_2346 = vector.broadcast %broadcast_in_dim3A_2345 : vector<1x20x64xf32> to vector<49x20x64xf32>
    %eq3A_2347 = arith.cmpf oeq, %select_n3A_2342, %eq3A_2346 : vector<49x20x64xf32>
    %jit3A_2348 = arith.constant 49 : i32
    %broadcast_in_dim3A_2349 = vector.broadcast %jit3A_2348 : i32 to vector<49x20x64xi32>
    %select_n3A_2350 = arith.select %eq3A_2347, %iota3A_2253, %broadcast_in_dim3A_2349 : vector<49x20x64xi1>, vector<49x20x64xi32>
    %reduce_min3A_2351 = arith.constant dense<2147483647> : vector<20x64xi32>
    %reduce_min3A_2352 = vector.multi_reduction <minsi>, %select_n3A_2350, %reduce_min3A_2351 [0] : vector<49x20x64xi32> to vector<20x64xi32>
    %jit3A_2353 = arith.constant 7 : i32
    %div3A_2354 = vector.broadcast %jit3A_2353 : i32 to vector<20x64xi32>
    %div3A_2355 = arith.divsi %reduce_min3A_2352, %div3A_2354 : vector<20x64xi32>
    %sign3A_2356 = arith.constant 0 : i32
    %sign3A_2357 = vector.broadcast %sign3A_2356 : i32 to vector<20x64xi32>
    %sign3A_2358 = arith.cmpi sgt, %reduce_min3A_2352, %sign3A_2357 : vector<20x64xi32>
    %sign3A_2359 = arith.extui %sign3A_2358 : vector<20x64xi1> to vector<20x64xi32>
    %sign3A_2360 = arith.constant 0 : i32
    %sign3A_2361 = vector.broadcast %sign3A_2360 : i32 to vector<20x64xi32>
    %sign3A_2362 = arith.cmpi slt, %reduce_min3A_2352, %sign3A_2361 : vector<20x64xi32>
    %sign3A_2363 = arith.extui %sign3A_2362 : vector<20x64xi1> to vector<20x64xi32>
    %sign3A_2364 = arith.subi %sign3A_2359, %sign3A_2363 : vector<20x64xi32>
    %sign3A_2365 = arith.constant 0 : i32
    %sign3A_2366 = arith.cmpi sgt, %jit3A_2353, %sign3A_2365 : i32
    %sign3A_2367 = arith.extui %sign3A_2366 : i1 to i32
    %sign3A_2368 = arith.constant 0 : i32
    %sign3A_2369 = arith.cmpi slt, %jit3A_2353, %sign3A_2368 : i32
    %sign3A_2370 = arith.extui %sign3A_2369 : i1 to i32
    %sign3A_2371 = arith.subi %sign3A_2367, %sign3A_2370 : i32
    %ne3A_2372 = vector.broadcast %sign3A_2371 : i32 to vector<20x64xi32>
    %ne3A_2373 = arith.cmpi ne, %sign3A_2364, %ne3A_2372 : vector<20x64xi32>
    %rem3A_2374 = vector.broadcast %jit3A_2353 : i32 to vector<20x64xi32>
    %rem3A_2375 = arith.remsi %reduce_min3A_2352, %rem3A_2374 : vector<20x64xi32>
    %ne3A_2376 = arith.constant 0 : i32
    %ne3A_2377 = vector.broadcast %ne3A_2376 : i32 to vector<20x64xi32>
    %ne3A_2378 = arith.cmpi ne, %rem3A_2375, %ne3A_2377 : vector<20x64xi32>
    %and3A_2379 = arith.andi %ne3A_2373, %ne3A_2378 : vector<20x64xi1>
    %sub3A_2380 = arith.constant 1 : i32
    %sub3A_2381 = vector.broadcast %sub3A_2380 : i32 to vector<20x64xi32>
    %sub3A_2382 = arith.subi %div3A_2355, %sub3A_2381 : vector<20x64xi32>
    %select_n3A_2383 = arith.select %and3A_2379, %sub3A_2382, %div3A_2355 : vector<20x64xi1>, vector<20x64xi32>
    %sub3A_2384 = arith.constant 3 : i32
    %sub3A_2385 = vector.broadcast %sub3A_2384 : i32 to vector<20x64xi32>
    %sub3A_2386 = arith.subi %select_n3A_2383, %sub3A_2385 : vector<20x64xi32>
    %jit3A_2387 = arith.constant 7 : i32
    %eq3A_2388 = arith.constant 0 : i32
    %eq3A_2389 = arith.cmpi eq, %jit3A_2387, %eq3A_2388 : i32
    %jit3A_2390 = arith.constant 1 : i32
    %select_n3A_2391 = arith.select %eq3A_2389, %jit3A_2390, %jit3A_2387 : i32
    %rem3A_2392 = vector.broadcast %select_n3A_2391 : i32 to vector<20x64xi32>
    %rem3A_2393 = arith.remsi %reduce_min3A_2352, %rem3A_2392 : vector<20x64xi32>
    %ne3A_2394 = arith.constant 0 : i32
    %ne3A_2395 = vector.broadcast %ne3A_2394 : i32 to vector<20x64xi32>
    %ne3A_2396 = arith.cmpi ne, %rem3A_2393, %ne3A_2395 : vector<20x64xi32>
    %lt3A_2397 = arith.constant 0 : i32
    %lt3A_2398 = vector.broadcast %lt3A_2397 : i32 to vector<20x64xi32>
    %lt3A_2399 = arith.cmpi slt, %rem3A_2393, %lt3A_2398 : vector<20x64xi32>
    %lt3A_2400 = arith.constant 0 : i32
    %lt3A_2401 = arith.cmpi slt, %select_n3A_2391, %lt3A_2400 : i32
    %ne3A_2402 = vector.broadcast %lt3A_2401 : i1 to vector<20x64xi1>
    %ne3A_2403 = vector.broadcast %ne3A_2402 : vector<20x64xi1> to vector<20x64xi1>
    %ne3A_2404 = arith.xori %lt3A_2399, %ne3A_2403 : vector<20x64xi1>
    %and3A_2405 = arith.andi %ne3A_2404, %ne3A_2396 : vector<20x64xi1>
    %add3A_2406 = vector.broadcast %select_n3A_2391 : i32 to vector<20x64xi32>
    %add3A_2407 = arith.addi %rem3A_2393, %add3A_2406 : vector<20x64xi32>
    %select_n3A_2408 = arith.select %and3A_2405, %add3A_2407, %rem3A_2393 : vector<20x64xi1>, vector<20x64xi32>
    %sub3A_2409 = arith.constant 3 : i32
    %sub3A_2410 = vector.broadcast %sub3A_2409 : i32 to vector<20x64xi32>
    %sub3A_2411 = arith.subi %select_n3A_2408, %sub3A_2410 : vector<20x64xi32>
    %mul3A_2412 = arith.constant 64 : i32
    %mul3A_2413 = vector.broadcast %mul3A_2412 : i32 to vector<20x64xi32>
    %mul3A_2414 = arith.muli %sub3A_2386, %mul3A_2413 : vector<20x64xi32>
    %add3A_2415 = arith.addi %add3A_2257, %mul3A_2414 : vector<20x64xi32>
    %add3A_2416 = arith.addi %add3A_2415, %sub3A_2411 : vector<20x64xi32>
    %swap3A_2417 = arith.constant 2 : index
    %swap3A_2418 = arith.constant 0 : index
    %swap3A_2419 = arith.constant 0 : index
    %swap3A_2420 = vector.load %arg2[%swap3A_2417, %swap3A_2418, %swap3A_2419] : memref<8x20x64xi32, #tpu.memory_space<vmem>>, vector<1x20x64xi32>
    %swap3A_2421 = vector.shape_cast %swap3A_2420 : vector<1x20x64xi32> to vector<20x64xi32>
    %swap3A_2422 = vector.shape_cast %add3A_2416 : vector<20x64xi32> to vector<1x20x64xi32>
    tpu.vector_store %arg2[%swap3A_2417, %swap3A_2418, %swap3A_2419], %swap3A_2422 {strides = array<i32>} : memref<8x20x64xi32, #tpu.memory_space<vmem>>, vector<1x20x64xi32>,
    %broadcast_in_dim3A_2423 = vector.shape_cast %reduce_min3A_2352 : vector<20x64xi32> to vector<1x20x64xi32>
    %eq3A_2424 = vector.broadcast %broadcast_in_dim3A_2423 : vector<1x20x64xi32> to vector<49x20x64xi32>
    %eq3A_2425 = arith.cmpi eq, %iota3A_2253, %eq3A_2424 : vector<49x20x64xi32>
    %jit3A_2426 = arith.constant -3.000000e+38 : f32
    %broadcast_in_dim3A_2427 = vector.broadcast %jit3A_2426 : f32 to vector<49x20x64xf32>
    %select_n3A_2428 = arith.select %eq3A_2425, %broadcast_in_dim3A_2427, %select_n3A_2342 : vector<49x20x64xi1>, vector<49x20x64xf32>
    %reduce_max3A_2429 = arith.constant dense<0xFF800000> : vector<20x64xf32>
    %reduce_max3A_2430 = vector.multi_reduction <maximumf>, %select_n3A_2428, %reduce_max3A_2429 [0] : vector<49x20x64xf32> to vector<20x64xf32>
    %broadcast_in_dim3A_2431 = vector.shape_cast %reduce_max3A_2430 : vector<20x64xf32> to vector<1x20x64xf32>
    %eq3A_2432 = vector.broadcast %broadcast_in_dim3A_2431 : vector<1x20x64xf32> to vector<49x20x64xf32>
    %eq3A_2433 = arith.cmpf oeq, %select_n3A_2428, %eq3A_2432 : vector<49x20x64xf32>
    %jit3A_2434 = arith.constant 49 : i32
    %broadcast_in_dim3A_2435 = vector.broadcast %jit3A_2434 : i32 to vector<49x20x64xi32>
    %select_n3A_2436 = arith.select %eq3A_2433, %iota3A_2253, %broadcast_in_dim3A_2435 : vector<49x20x64xi1>, vector<49x20x64xi32>
    %reduce_min3A_2437 = arith.constant dense<2147483647> : vector<20x64xi32>
    %reduce_min3A_2438 = vector.multi_reduction <minsi>, %select_n3A_2436, %reduce_min3A_2437 [0] : vector<49x20x64xi32> to vector<20x64xi32>
    %jit3A_2439 = arith.constant 7 : i32
    %div3A_2440 = vector.broadcast %jit3A_2439 : i32 to vector<20x64xi32>
    %div3A_2441 = arith.divsi %reduce_min3A_2438, %div3A_2440 : vector<20x64xi32>
    %sign3A_2442 = arith.constant 0 : i32
    %sign3A_2443 = vector.broadcast %sign3A_2442 : i32 to vector<20x64xi32>
    %sign3A_2444 = arith.cmpi sgt, %reduce_min3A_2438, %sign3A_2443 : vector<20x64xi32>
    %sign3A_2445 = arith.extui %sign3A_2444 : vector<20x64xi1> to vector<20x64xi32>
    %sign3A_2446 = arith.constant 0 : i32
    %sign3A_2447 = vector.broadcast %sign3A_2446 : i32 to vector<20x64xi32>
    %sign3A_2448 = arith.cmpi slt, %reduce_min3A_2438, %sign3A_2447 : vector<20x64xi32>
    %sign3A_2449 = arith.extui %sign3A_2448 : vector<20x64xi1> to vector<20x64xi32>
    %sign3A_2450 = arith.subi %sign3A_2445, %sign3A_2449 : vector<20x64xi32>
    %sign3A_2451 = arith.constant 0 : i32
    %sign3A_2452 = arith.cmpi sgt, %jit3A_2439, %sign3A_2451 : i32
    %sign3A_2453 = arith.extui %sign3A_2452 : i1 to i32
    %sign3A_2454 = arith.constant 0 : i32
    %sign3A_2455 = arith.cmpi slt, %jit3A_2439, %sign3A_2454 : i32
    %sign3A_2456 = arith.extui %sign3A_2455 : i1 to i32
    %sign3A_2457 = arith.subi %sign3A_2453, %sign3A_2456 : i32
    %ne3A_2458 = vector.broadcast %sign3A_2457 : i32 to vector<20x64xi32>
    %ne3A_2459 = arith.cmpi ne, %sign3A_2450, %ne3A_2458 : vector<20x64xi32>
    %rem3A_2460 = vector.broadcast %jit3A_2439 : i32 to vector<20x64xi32>
    %rem3A_2461 = arith.remsi %reduce_min3A_2438, %rem3A_2460 : vector<20x64xi32>
    %ne3A_2462 = arith.constant 0 : i32
    %ne3A_2463 = vector.broadcast %ne3A_2462 : i32 to vector<20x64xi32>
    %ne3A_2464 = arith.cmpi ne, %rem3A_2461, %ne3A_2463 : vector<20x64xi32>
    %and3A_2465 = arith.andi %ne3A_2459, %ne3A_2464 : vector<20x64xi1>
    %sub3A_2466 = arith.constant 1 : i32
    %sub3A_2467 = vector.broadcast %sub3A_2466 : i32 to vector<20x64xi32>
    %sub3A_2468 = arith.subi %div3A_2441, %sub3A_2467 : vector<20x64xi32>
    %select_n3A_2469 = arith.select %and3A_2465, %sub3A_2468, %div3A_2441 : vector<20x64xi1>, vector<20x64xi32>
    %sub3A_2470 = arith.constant 3 : i32
    %sub3A_2471 = vector.broadcast %sub3A_2470 : i32 to vector<20x64xi32>
    %sub3A_2472 = arith.subi %select_n3A_2469, %sub3A_2471 : vector<20x64xi32>
    %jit3A_2473 = arith.constant 7 : i32
    %eq3A_2474 = arith.constant 0 : i32
    %eq3A_2475 = arith.cmpi eq, %jit3A_2473, %eq3A_2474 : i32
    %jit3A_2476 = arith.constant 1 : i32
    %select_n3A_2477 = arith.select %eq3A_2475, %jit3A_2476, %jit3A_2473 : i32
    %rem3A_2478 = vector.broadcast %select_n3A_2477 : i32 to vector<20x64xi32>
    %rem3A_2479 = arith.remsi %reduce_min3A_2438, %rem3A_2478 : vector<20x64xi32>
    %ne3A_2480 = arith.constant 0 : i32
    %ne3A_2481 = vector.broadcast %ne3A_2480 : i32 to vector<20x64xi32>
    %ne3A_2482 = arith.cmpi ne, %rem3A_2479, %ne3A_2481 : vector<20x64xi32>
    %lt3A_2483 = arith.constant 0 : i32
    %lt3A_2484 = vector.broadcast %lt3A_2483 : i32 to vector<20x64xi32>
    %lt3A_2485 = arith.cmpi slt, %rem3A_2479, %lt3A_2484 : vector<20x64xi32>
    %lt3A_2486 = arith.constant 0 : i32
    %lt3A_2487 = arith.cmpi slt, %select_n3A_2477, %lt3A_2486 : i32
    %ne3A_2488 = vector.broadcast %lt3A_2487 : i1 to vector<20x64xi1>
    %ne3A_2489 = vector.broadcast %ne3A_2488 : vector<20x64xi1> to vector<20x64xi1>
    %ne3A_2490 = arith.xori %lt3A_2485, %ne3A_2489 : vector<20x64xi1>
    %and3A_2491 = arith.andi %ne3A_2490, %ne3A_2482 : vector<20x64xi1>
    %add3A_2492 = vector.broadcast %select_n3A_2477 : i32 to vector<20x64xi32>
    %add3A_2493 = arith.addi %rem3A_2479, %add3A_2492 : vector<20x64xi32>
    %select_n3A_2494 = arith.select %and3A_2491, %add3A_2493, %rem3A_2479 : vector<20x64xi1>, vector<20x64xi32>
    %sub3A_2495 = arith.constant 3 : i32
    %sub3A_2496 = vector.broadcast %sub3A_2495 : i32 to vector<20x64xi32>
    %sub3A_2497 = arith.subi %select_n3A_2494, %sub3A_2496 : vector<20x64xi32>
    %mul3A_2498 = arith.constant 64 : i32
    %mul3A_2499 = vector.broadcast %mul3A_2498 : i32 to vector<20x64xi32>
    %mul3A_2500 = arith.muli %sub3A_2472, %mul3A_2499 : vector<20x64xi32>
    %add3A_2501 = arith.addi %add3A_2257, %mul3A_2500 : vector<20x64xi32>
    %add3A_2502 = arith.addi %add3A_2501, %sub3A_2497 : vector<20x64xi32>
    %swap3A_2503 = arith.constant 3 : index
    %swap3A_2504 = arith.constant 0 : index
    %swap3A_2505 = arith.constant 0 : index
    %swap3A_2506 = vector.load %arg2[%swap3A_2503, %swap3A_2504, %swap3A_2505] : memref<8x20x64xi32, #tpu.memory_space<vmem>>, vector<1x20x64xi32>
    %swap3A_2507 = vector.shape_cast %swap3A_2506 : vector<1x20x64xi32> to vector<20x64xi32>
    %swap3A_2508 = vector.shape_cast %add3A_2502 : vector<20x64xi32> to vector<1x20x64xi32>
    tpu.vector_store %arg2[%swap3A_2503, %swap3A_2504, %swap3A_2505], %swap3A_2508 {strides = array<i32>} : memref<8x20x64xi32, #tpu.memory_space<vmem>>, vector<1x20x64xi32>,
    %broadcast_in_dim3A_2509 = vector.shape_cast %reduce_min3A_2438 : vector<20x64xi32> to vector<1x20x64xi32>
    %eq3A_2510 = vector.broadcast %broadcast_in_dim3A_2509 : vector<1x20x64xi32> to vector<49x20x64xi32>
    %eq3A_2511 = arith.cmpi eq, %iota3A_2253, %eq3A_2510 : vector<49x20x64xi32>
    %jit3A_2512 = arith.constant -3.000000e+38 : f32
    %broadcast_in_dim3A_2513 = vector.broadcast %jit3A_2512 : f32 to vector<49x20x64xf32>
    %select_n3A_2514 = arith.select %eq3A_2511, %broadcast_in_dim3A_2513, %select_n3A_2428 : vector<49x20x64xi1>, vector<49x20x64xf32>
    %reduce_max3A_2515 = arith.constant dense<0xFF800000> : vector<20x64xf32>
    %reduce_max3A_2516 = vector.multi_reduction <maximumf>, %select_n3A_2514, %reduce_max3A_2515 [0] : vector<49x20x64xf32> to vector<20x64xf32>
    %broadcast_in_dim3A_2517 = vector.shape_cast %reduce_max3A_2516 : vector<20x64xf32> to vector<1x20x64xf32>
    %eq3A_2518 = vector.broadcast %broadcast_in_dim3A_2517 : vector<1x20x64xf32> to vector<49x20x64xf32>
    %eq3A_2519 = arith.cmpf oeq, %select_n3A_2514, %eq3A_2518 : vector<49x20x64xf32>
    %jit3A_2520 = arith.constant 49 : i32
    %broadcast_in_dim3A_2521 = vector.broadcast %jit3A_2520 : i32 to vector<49x20x64xi32>
    %select_n3A_2522 = arith.select %eq3A_2519, %iota3A_2253, %broadcast_in_dim3A_2521 : vector<49x20x64xi1>, vector<49x20x64xi32>
    %reduce_min3A_2523 = arith.constant dense<2147483647> : vector<20x64xi32>
    %reduce_min3A_2524 = vector.multi_reduction <minsi>, %select_n3A_2522, %reduce_min3A_2523 [0] : vector<49x20x64xi32> to vector<20x64xi32>
    %jit3A_2525 = arith.constant 7 : i32
    %div3A_2526 = vector.broadcast %jit3A_2525 : i32 to vector<20x64xi32>
    %div3A_2527 = arith.divsi %reduce_min3A_2524, %div3A_2526 : vector<20x64xi32>
    %sign3A_2528 = arith.constant 0 : i32
    %sign3A_2529 = vector.broadcast %sign3A_2528 : i32 to vector<20x64xi32>
    %sign3A_2530 = arith.cmpi sgt, %reduce_min3A_2524, %sign3A_2529 : vector<20x64xi32>
    %sign3A_2531 = arith.extui %sign3A_2530 : vector<20x64xi1> to vector<20x64xi32>
    %sign3A_2532 = arith.constant 0 : i32
    %sign3A_2533 = vector.broadcast %sign3A_2532 : i32 to vector<20x64xi32>
    %sign3A_2534 = arith.cmpi slt, %reduce_min3A_2524, %sign3A_2533 : vector<20x64xi32>
    %sign3A_2535 = arith.extui %sign3A_2534 : vector<20x64xi1> to vector<20x64xi32>
    %sign3A_2536 = arith.subi %sign3A_2531, %sign3A_2535 : vector<20x64xi32>
    %sign3A_2537 = arith.constant 0 : i32
    %sign3A_2538 = arith.cmpi sgt, %jit3A_2525, %sign3A_2537 : i32
    %sign3A_2539 = arith.extui %sign3A_2538 : i1 to i32
    %sign3A_2540 = arith.constant 0 : i32
    %sign3A_2541 = arith.cmpi slt, %jit3A_2525, %sign3A_2540 : i32
    %sign3A_2542 = arith.extui %sign3A_2541 : i1 to i32
    %sign3A_2543 = arith.subi %sign3A_2539, %sign3A_2542 : i32
    %ne3A_2544 = vector.broadcast %sign3A_2543 : i32 to vector<20x64xi32>
    %ne3A_2545 = arith.cmpi ne, %sign3A_2536, %ne3A_2544 : vector<20x64xi32>
    %rem3A_2546 = vector.broadcast %jit3A_2525 : i32 to vector<20x64xi32>
    %rem3A_2547 = arith.remsi %reduce_min3A_2524, %rem3A_2546 : vector<20x64xi32>
    %ne3A_2548 = arith.constant 0 : i32
    %ne3A_2549 = vector.broadcast %ne3A_2548 : i32 to vector<20x64xi32>
    %ne3A_2550 = arith.cmpi ne, %rem3A_2547, %ne3A_2549 : vector<20x64xi32>
    %and3A_2551 = arith.andi %ne3A_2545, %ne3A_2550 : vector<20x64xi1>
    %sub3A_2552 = arith.constant 1 : i32
    %sub3A_2553 = vector.broadcast %sub3A_2552 : i32 to vector<20x64xi32>
    %sub3A_2554 = arith.subi %div3A_2527, %sub3A_2553 : vector<20x64xi32>
    %select_n3A_2555 = arith.select %and3A_2551, %sub3A_2554, %div3A_2527 : vector<20x64xi1>, vector<20x64xi32>
    %sub3A_2556 = arith.constant 3 : i32
    %sub3A_2557 = vector.broadcast %sub3A_2556 : i32 to vector<20x64xi32>
    %sub3A_2558 = arith.subi %select_n3A_2555, %sub3A_2557 : vector<20x64xi32>
    %jit3A_2559 = arith.constant 7 : i32
    %eq3A_2560 = arith.constant 0 : i32
    %eq3A_2561 = arith.cmpi eq, %jit3A_2559, %eq3A_2560 : i32
    %jit3A_2562 = arith.constant 1 : i32
    %select_n3A_2563 = arith.select %eq3A_2561, %jit3A_2562, %jit3A_2559 : i32
    %rem3A_2564 = vector.broadcast %select_n3A_2563 : i32 to vector<20x64xi32>
    %rem3A_2565 = arith.remsi %reduce_min3A_2524, %rem3A_2564 : vector<20x64xi32>
    %ne3A_2566 = arith.constant 0 : i32
    %ne3A_2567 = vector.broadcast %ne3A_2566 : i32 to vector<20x64xi32>
    %ne3A_2568 = arith.cmpi ne, %rem3A_2565, %ne3A_2567 : vector<20x64xi32>
    %lt3A_2569 = arith.constant 0 : i32
    %lt3A_2570 = vector.broadcast %lt3A_2569 : i32 to vector<20x64xi32>
    %lt3A_2571 = arith.cmpi slt, %rem3A_2565, %lt3A_2570 : vector<20x64xi32>
    %lt3A_2572 = arith.constant 0 : i32
    %lt3A_2573 = arith.cmpi slt, %select_n3A_2563, %lt3A_2572 : i32
    %ne3A_2574 = vector.broadcast %lt3A_2573 : i1 to vector<20x64xi1>
    %ne3A_2575 = vector.broadcast %ne3A_2574 : vector<20x64xi1> to vector<20x64xi1>
    %ne3A_2576 = arith.xori %lt3A_2571, %ne3A_2575 : vector<20x64xi1>
    %and3A_2577 = arith.andi %ne3A_2576, %ne3A_2568 : vector<20x64xi1>
    %add3A_2578 = vector.broadcast %select_n3A_2563 : i32 to vector<20x64xi32>
    %add3A_2579 = arith.addi %rem3A_2565, %add3A_2578 : vector<20x64xi32>
    %select_n3A_2580 = arith.select %and3A_2577, %add3A_2579, %rem3A_2565 : vector<20x64xi1>, vector<20x64xi32>
    %sub3A_2581 = arith.constant 3 : i32
    %sub3A_2582 = vector.broadcast %sub3A_2581 : i32 to vector<20x64xi32>
    %sub3A_2583 = arith.subi %select_n3A_2580, %sub3A_2582 : vector<20x64xi32>
    %mul3A_2584 = arith.constant 64 : i32
    %mul3A_2585 = vector.broadcast %mul3A_2584 : i32 to vector<20x64xi32>
    %mul3A_2586 = arith.muli %sub3A_2558, %mul3A_2585 : vector<20x64xi32>
    %add3A_2587 = arith.addi %add3A_2257, %mul3A_2586 : vector<20x64xi32>
    %add3A_2588 = arith.addi %add3A_2587, %sub3A_2583 : vector<20x64xi32>
    %swap3A_2589 = arith.constant 4 : index
    %swap3A_2590 = arith.constant 0 : index
    %swap3A_2591 = arith.constant 0 : index
    %swap3A_2592 = vector.load %arg2[%swap3A_2589, %swap3A_2590, %swap3A_2591] : memref<8x20x64xi32, #tpu.memory_space<vmem>>, vector<1x20x64xi32>
    %swap3A_2593 = vector.shape_cast %swap3A_2592 : vector<1x20x64xi32> to vector<20x64xi32>
    %swap3A_2594 = vector.shape_cast %add3A_2588 : vector<20x64xi32> to vector<1x20x64xi32>
    tpu.vector_store %arg2[%swap3A_2589, %swap3A_2590, %swap3A_2591], %swap3A_2594 {strides = array<i32>} : memref<8x20x64xi32, #tpu.memory_space<vmem>>, vector<1x20x64xi32>,
    %broadcast_in_dim3A_2595 = vector.shape_cast %reduce_min3A_2524 : vector<20x64xi32> to vector<1x20x64xi32>
    %eq3A_2596 = vector.broadcast %broadcast_in_dim3A_2595 : vector<1x20x64xi32> to vector<49x20x64xi32>
    %eq3A_2597 = arith.cmpi eq, %iota3A_2253, %eq3A_2596 : vector<49x20x64xi32>
    %jit3A_2598 = arith.constant -3.000000e+38 : f32
    %broadcast_in_dim3A_2599 = vector.broadcast %jit3A_2598 : f32 to vector<49x20x64xf32>
    %select_n3A_2600 = arith.select %eq3A_2597, %broadcast_in_dim3A_2599, %select_n3A_2514 : vector<49x20x64xi1>, vector<49x20x64xf32>
    %reduce_max3A_2601 = arith.constant dense<0xFF800000> : vector<20x64xf32>
    %reduce_max3A_2602 = vector.multi_reduction <maximumf>, %select_n3A_2600, %reduce_max3A_2601 [0] : vector<49x20x64xf32> to vector<20x64xf32>
    %broadcast_in_dim3A_2603 = vector.shape_cast %reduce_max3A_2602 : vector<20x64xf32> to vector<1x20x64xf32>
    %eq3A_2604 = vector.broadcast %broadcast_in_dim3A_2603 : vector<1x20x64xf32> to vector<49x20x64xf32>
    %eq3A_2605 = arith.cmpf oeq, %select_n3A_2600, %eq3A_2604 : vector<49x20x64xf32>
    %jit3A_2606 = arith.constant 49 : i32
    %broadcast_in_dim3A_2607 = vector.broadcast %jit3A_2606 : i32 to vector<49x20x64xi32>
    %select_n3A_2608 = arith.select %eq3A_2605, %iota3A_2253, %broadcast_in_dim3A_2607 : vector<49x20x64xi1>, vector<49x20x64xi32>
    %reduce_min3A_2609 = arith.constant dense<2147483647> : vector<20x64xi32>
    %reduce_min3A_2610 = vector.multi_reduction <minsi>, %select_n3A_2608, %reduce_min3A_2609 [0] : vector<49x20x64xi32> to vector<20x64xi32>
    %jit3A_2611 = arith.constant 7 : i32
    %div3A_2612 = vector.broadcast %jit3A_2611 : i32 to vector<20x64xi32>
    %div3A_2613 = arith.divsi %reduce_min3A_2610, %div3A_2612 : vector<20x64xi32>
    %sign3A_2614 = arith.constant 0 : i32
    %sign3A_2615 = vector.broadcast %sign3A_2614 : i32 to vector<20x64xi32>
    %sign3A_2616 = arith.cmpi sgt, %reduce_min3A_2610, %sign3A_2615 : vector<20x64xi32>
    %sign3A_2617 = arith.extui %sign3A_2616 : vector<20x64xi1> to vector<20x64xi32>
    %sign3A_2618 = arith.constant 0 : i32
    %sign3A_2619 = vector.broadcast %sign3A_2618 : i32 to vector<20x64xi32>
    %sign3A_2620 = arith.cmpi slt, %reduce_min3A_2610, %sign3A_2619 : vector<20x64xi32>
    %sign3A_2621 = arith.extui %sign3A_2620 : vector<20x64xi1> to vector<20x64xi32>
    %sign3A_2622 = arith.subi %sign3A_2617, %sign3A_2621 : vector<20x64xi32>
    %sign3A_2623 = arith.constant 0 : i32
    %sign3A_2624 = arith.cmpi sgt, %jit3A_2611, %sign3A_2623 : i32
    %sign3A_2625 = arith.extui %sign3A_2624 : i1 to i32
    %sign3A_2626 = arith.constant 0 : i32
    %sign3A_2627 = arith.cmpi slt, %jit3A_2611, %sign3A_2626 : i32
    %sign3A_2628 = arith.extui %sign3A_2627 : i1 to i32
    %sign3A_2629 = arith.subi %sign3A_2625, %sign3A_2628 : i32
    %ne3A_2630 = vector.broadcast %sign3A_2629 : i32 to vector<20x64xi32>
    %ne3A_2631 = arith.cmpi ne, %sign3A_2622, %ne3A_2630 : vector<20x64xi32>
    %rem3A_2632 = vector.broadcast %jit3A_2611 : i32 to vector<20x64xi32>
    %rem3A_2633 = arith.remsi %reduce_min3A_2610, %rem3A_2632 : vector<20x64xi32>
    %ne3A_2634 = arith.constant 0 : i32
    %ne3A_2635 = vector.broadcast %ne3A_2634 : i32 to vector<20x64xi32>
    %ne3A_2636 = arith.cmpi ne, %rem3A_2633, %ne3A_2635 : vector<20x64xi32>
    %and3A_2637 = arith.andi %ne3A_2631, %ne3A_2636 : vector<20x64xi1>
    %sub3A_2638 = arith.constant 1 : i32
    %sub3A_2639 = vector.broadcast %sub3A_2638 : i32 to vector<20x64xi32>
    %sub3A_2640 = arith.subi %div3A_2613, %sub3A_2639 : vector<20x64xi32>
    %select_n3A_2641 = arith.select %and3A_2637, %sub3A_2640, %div3A_2613 : vector<20x64xi1>, vector<20x64xi32>
    %sub3A_2642 = arith.constant 3 : i32
    %sub3A_2643 = vector.broadcast %sub3A_2642 : i32 to vector<20x64xi32>
    %sub3A_2644 = arith.subi %select_n3A_2641, %sub3A_2643 : vector<20x64xi32>
    %jit3A_2645 = arith.constant 7 : i32
    %eq3A_2646 = arith.constant 0 : i32
    %eq3A_2647 = arith.cmpi eq, %jit3A_2645, %eq3A_2646 : i32
    %jit3A_2648 = arith.constant 1 : i32
    %select_n3A_2649 = arith.select %eq3A_2647, %jit3A_2648, %jit3A_2645 : i32
    %rem3A_2650 = vector.broadcast %select_n3A_2649 : i32 to vector<20x64xi32>
    %rem3A_2651 = arith.remsi %reduce_min3A_2610, %rem3A_2650 : vector<20x64xi32>
    %ne3A_2652 = arith.constant 0 : i32
    %ne3A_2653 = vector.broadcast %ne3A_2652 : i32 to vector<20x64xi32>
    %ne3A_2654 = arith.cmpi ne, %rem3A_2651, %ne3A_2653 : vector<20x64xi32>
    %lt3A_2655 = arith.constant 0 : i32
    %lt3A_2656 = vector.broadcast %lt3A_2655 : i32 to vector<20x64xi32>
    %lt3A_2657 = arith.cmpi slt, %rem3A_2651, %lt3A_2656 : vector<20x64xi32>
    %lt3A_2658 = arith.constant 0 : i32
    %lt3A_2659 = arith.cmpi slt, %select_n3A_2649, %lt3A_2658 : i32
    %ne3A_2660 = vector.broadcast %lt3A_2659 : i1 to vector<20x64xi1>
    %ne3A_2661 = vector.broadcast %ne3A_2660 : vector<20x64xi1> to vector<20x64xi1>
    %ne3A_2662 = arith.xori %lt3A_2657, %ne3A_2661 : vector<20x64xi1>
    %and3A_2663 = arith.andi %ne3A_2662, %ne3A_2654 : vector<20x64xi1>
    %add3A_2664 = vector.broadcast %select_n3A_2649 : i32 to vector<20x64xi32>
    %add3A_2665 = arith.addi %rem3A_2651, %add3A_2664 : vector<20x64xi32>
    %select_n3A_2666 = arith.select %and3A_2663, %add3A_2665, %rem3A_2651 : vector<20x64xi1>, vector<20x64xi32>
    %sub3A_2667 = arith.constant 3 : i32
    %sub3A_2668 = vector.broadcast %sub3A_2667 : i32 to vector<20x64xi32>
    %sub3A_2669 = arith.subi %select_n3A_2666, %sub3A_2668 : vector<20x64xi32>
    %mul3A_2670 = arith.constant 64 : i32
    %mul3A_2671 = vector.broadcast %mul3A_2670 : i32 to vector<20x64xi32>
    %mul3A_2672 = arith.muli %sub3A_2644, %mul3A_2671 : vector<20x64xi32>
    %add3A_2673 = arith.addi %add3A_2257, %mul3A_2672 : vector<20x64xi32>
    %add3A_2674 = arith.addi %add3A_2673, %sub3A_2669 : vector<20x64xi32>
    %swap3A_2675 = arith.constant 5 : index
    %swap3A_2676 = arith.constant 0 : index
    %swap3A_2677 = arith.constant 0 : index
    %swap3A_2678 = vector.load %arg2[%swap3A_2675, %swap3A_2676, %swap3A_2677] : memref<8x20x64xi32, #tpu.memory_space<vmem>>, vector<1x20x64xi32>
    %swap3A_2679 = vector.shape_cast %swap3A_2678 : vector<1x20x64xi32> to vector<20x64xi32>
    %swap3A_2680 = vector.shape_cast %add3A_2674 : vector<20x64xi32> to vector<1x20x64xi32>
    tpu.vector_store %arg2[%swap3A_2675, %swap3A_2676, %swap3A_2677], %swap3A_2680 {strides = array<i32>} : memref<8x20x64xi32, #tpu.memory_space<vmem>>, vector<1x20x64xi32>,
    %broadcast_in_dim3A_2681 = vector.shape_cast %reduce_min3A_2610 : vector<20x64xi32> to vector<1x20x64xi32>
    %eq3A_2682 = vector.broadcast %broadcast_in_dim3A_2681 : vector<1x20x64xi32> to vector<49x20x64xi32>
    %eq3A_2683 = arith.cmpi eq, %iota3A_2253, %eq3A_2682 : vector<49x20x64xi32>
    %jit3A_2684 = arith.constant -3.000000e+38 : f32
    %broadcast_in_dim3A_2685 = vector.broadcast %jit3A_2684 : f32 to vector<49x20x64xf32>
    %select_n3A_2686 = arith.select %eq3A_2683, %broadcast_in_dim3A_2685, %select_n3A_2600 : vector<49x20x64xi1>, vector<49x20x64xf32>
    %reduce_max3A_2687 = arith.constant dense<0xFF800000> : vector<20x64xf32>
    %reduce_max3A_2688 = vector.multi_reduction <maximumf>, %select_n3A_2686, %reduce_max3A_2687 [0] : vector<49x20x64xf32> to vector<20x64xf32>
    %broadcast_in_dim3A_2689 = vector.shape_cast %reduce_max3A_2688 : vector<20x64xf32> to vector<1x20x64xf32>
    %eq3A_2690 = vector.broadcast %broadcast_in_dim3A_2689 : vector<1x20x64xf32> to vector<49x20x64xf32>
    %eq3A_2691 = arith.cmpf oeq, %select_n3A_2686, %eq3A_2690 : vector<49x20x64xf32>
    %jit3A_2692 = arith.constant 49 : i32
    %broadcast_in_dim3A_2693 = vector.broadcast %jit3A_2692 : i32 to vector<49x20x64xi32>
    %select_n3A_2694 = arith.select %eq3A_2691, %iota3A_2253, %broadcast_in_dim3A_2693 : vector<49x20x64xi1>, vector<49x20x64xi32>
    %reduce_min3A_2695 = arith.constant dense<2147483647> : vector<20x64xi32>
    %reduce_min3A_2696 = vector.multi_reduction <minsi>, %select_n3A_2694, %reduce_min3A_2695 [0] : vector<49x20x64xi32> to vector<20x64xi32>
    %jit3A_2697 = arith.constant 7 : i32
    %div3A_2698 = vector.broadcast %jit3A_2697 : i32 to vector<20x64xi32>
    %div3A_2699 = arith.divsi %reduce_min3A_2696, %div3A_2698 : vector<20x64xi32>
    %sign3A_2700 = arith.constant 0 : i32
    %sign3A_2701 = vector.broadcast %sign3A_2700 : i32 to vector<20x64xi32>
    %sign3A_2702 = arith.cmpi sgt, %reduce_min3A_2696, %sign3A_2701 : vector<20x64xi32>
    %sign3A_2703 = arith.extui %sign3A_2702 : vector<20x64xi1> to vector<20x64xi32>
    %sign3A_2704 = arith.constant 0 : i32
    %sign3A_2705 = vector.broadcast %sign3A_2704 : i32 to vector<20x64xi32>
    %sign3A_2706 = arith.cmpi slt, %reduce_min3A_2696, %sign3A_2705 : vector<20x64xi32>
    %sign3A_2707 = arith.extui %sign3A_2706 : vector<20x64xi1> to vector<20x64xi32>
    %sign3A_2708 = arith.subi %sign3A_2703, %sign3A_2707 : vector<20x64xi32>
    %sign3A_2709 = arith.constant 0 : i32
    %sign3A_2710 = arith.cmpi sgt, %jit3A_2697, %sign3A_2709 : i32
    %sign3A_2711 = arith.extui %sign3A_2710 : i1 to i32
    %sign3A_2712 = arith.constant 0 : i32
    %sign3A_2713 = arith.cmpi slt, %jit3A_2697, %sign3A_2712 : i32
    %sign3A_2714 = arith.extui %sign3A_2713 : i1 to i32
    %sign3A_2715 = arith.subi %sign3A_2711, %sign3A_2714 : i32
    %ne3A_2716 = vector.broadcast %sign3A_2715 : i32 to vector<20x64xi32>
    %ne3A_2717 = arith.cmpi ne, %sign3A_2708, %ne3A_2716 : vector<20x64xi32>
    %rem3A_2718 = vector.broadcast %jit3A_2697 : i32 to vector<20x64xi32>
    %rem3A_2719 = arith.remsi %reduce_min3A_2696, %rem3A_2718 : vector<20x64xi32>
    %ne3A_2720 = arith.constant 0 : i32
    %ne3A_2721 = vector.broadcast %ne3A_2720 : i32 to vector<20x64xi32>
    %ne3A_2722 = arith.cmpi ne, %rem3A_2719, %ne3A_2721 : vector<20x64xi32>
    %and3A_2723 = arith.andi %ne3A_2717, %ne3A_2722 : vector<20x64xi1>
    %sub3A_2724 = arith.constant 1 : i32
    %sub3A_2725 = vector.broadcast %sub3A_2724 : i32 to vector<20x64xi32>
    %sub3A_2726 = arith.subi %div3A_2699, %sub3A_2725 : vector<20x64xi32>
    %select_n3A_2727 = arith.select %and3A_2723, %sub3A_2726, %div3A_2699 : vector<20x64xi1>, vector<20x64xi32>
    %sub3A_2728 = arith.constant 3 : i32
    %sub3A_2729 = vector.broadcast %sub3A_2728 : i32 to vector<20x64xi32>
    %sub3A_2730 = arith.subi %select_n3A_2727, %sub3A_2729 : vector<20x64xi32>
    %jit3A_2731 = arith.constant 7 : i32
    %eq3A_2732 = arith.constant 0 : i32
    %eq3A_2733 = arith.cmpi eq, %jit3A_2731, %eq3A_2732 : i32
    %jit3A_2734 = arith.constant 1 : i32
    %select_n3A_2735 = arith.select %eq3A_2733, %jit3A_2734, %jit3A_2731 : i32
    %rem3A_2736 = vector.broadcast %select_n3A_2735 : i32 to vector<20x64xi32>
    %rem3A_2737 = arith.remsi %reduce_min3A_2696, %rem3A_2736 : vector<20x64xi32>
    %ne3A_2738 = arith.constant 0 : i32
    %ne3A_2739 = vector.broadcast %ne3A_2738 : i32 to vector<20x64xi32>
    %ne3A_2740 = arith.cmpi ne, %rem3A_2737, %ne3A_2739 : vector<20x64xi32>
    %lt3A_2741 = arith.constant 0 : i32
    %lt3A_2742 = vector.broadcast %lt3A_2741 : i32 to vector<20x64xi32>
    %lt3A_2743 = arith.cmpi slt, %rem3A_2737, %lt3A_2742 : vector<20x64xi32>
    %lt3A_2744 = arith.constant 0 : i32
    %lt3A_2745 = arith.cmpi slt, %select_n3A_2735, %lt3A_2744 : i32
    %ne3A_2746 = vector.broadcast %lt3A_2745 : i1 to vector<20x64xi1>
    %ne3A_2747 = vector.broadcast %ne3A_2746 : vector<20x64xi1> to vector<20x64xi1>
    %ne3A_2748 = arith.xori %lt3A_2743, %ne3A_2747 : vector<20x64xi1>
    %and3A_2749 = arith.andi %ne3A_2748, %ne3A_2740 : vector<20x64xi1>
    %add3A_2750 = vector.broadcast %select_n3A_2735 : i32 to vector<20x64xi32>
    %add3A_2751 = arith.addi %rem3A_2737, %add3A_2750 : vector<20x64xi32>
    %select_n3A_2752 = arith.select %and3A_2749, %add3A_2751, %rem3A_2737 : vector<20x64xi1>, vector<20x64xi32>
    %sub3A_2753 = arith.constant 3 : i32
    %sub3A_2754 = vector.broadcast %sub3A_2753 : i32 to vector<20x64xi32>
    %sub3A_2755 = arith.subi %select_n3A_2752, %sub3A_2754 : vector<20x64xi32>
    %mul3A_2756 = arith.constant 64 : i32
    %mul3A_2757 = vector.broadcast %mul3A_2756 : i32 to vector<20x64xi32>
    %mul3A_2758 = arith.muli %sub3A_2730, %mul3A_2757 : vector<20x64xi32>
    %add3A_2759 = arith.addi %add3A_2257, %mul3A_2758 : vector<20x64xi32>
    %add3A_2760 = arith.addi %add3A_2759, %sub3A_2755 : vector<20x64xi32>
    %swap3A_2761 = arith.constant 6 : index
    %swap3A_2762 = arith.constant 0 : index
    %swap3A_2763 = arith.constant 0 : index
    %swap3A_2764 = vector.load %arg2[%swap3A_2761, %swap3A_2762, %swap3A_2763] : memref<8x20x64xi32, #tpu.memory_space<vmem>>, vector<1x20x64xi32>
    %swap3A_2765 = vector.shape_cast %swap3A_2764 : vector<1x20x64xi32> to vector<20x64xi32>
    %swap3A_2766 = vector.shape_cast %add3A_2760 : vector<20x64xi32> to vector<1x20x64xi32>
    tpu.vector_store %arg2[%swap3A_2761, %swap3A_2762, %swap3A_2763], %swap3A_2766 {strides = array<i32>} : memref<8x20x64xi32, #tpu.memory_space<vmem>>, vector<1x20x64xi32>,
    %broadcast_in_dim3A_2767 = vector.shape_cast %reduce_min3A_2696 : vector<20x64xi32> to vector<1x20x64xi32>
    %eq3A_2768 = vector.broadcast %broadcast_in_dim3A_2767 : vector<1x20x64xi32> to vector<49x20x64xi32>
    %eq3A_2769 = arith.cmpi eq, %iota3A_2253, %eq3A_2768 : vector<49x20x64xi32>
    %jit3A_2770 = arith.constant -3.000000e+38 : f32
    %broadcast_in_dim3A_2771 = vector.broadcast %jit3A_2770 : f32 to vector<49x20x64xf32>
    %select_n3A_2772 = arith.select %eq3A_2769, %broadcast_in_dim3A_2771, %select_n3A_2686 : vector<49x20x64xi1>, vector<49x20x64xf32>
    %reduce_max3A_2773 = arith.constant dense<0xFF800000> : vector<20x64xf32>
    %reduce_max3A_2774 = vector.multi_reduction <maximumf>, %select_n3A_2772, %reduce_max3A_2773 [0] : vector<49x20x64xf32> to vector<20x64xf32>
    %broadcast_in_dim3A_2775 = vector.shape_cast %reduce_max3A_2774 : vector<20x64xf32> to vector<1x20x64xf32>
    %eq3A_2776 = vector.broadcast %broadcast_in_dim3A_2775 : vector<1x20x64xf32> to vector<49x20x64xf32>
    %eq3A_2777 = arith.cmpf oeq, %select_n3A_2772, %eq3A_2776 : vector<49x20x64xf32>
    %jit3A_2778 = arith.constant 49 : i32
    %broadcast_in_dim3A_2779 = vector.broadcast %jit3A_2778 : i32 to vector<49x20x64xi32>
    %select_n3A_2780 = arith.select %eq3A_2777, %iota3A_2253, %broadcast_in_dim3A_2779 : vector<49x20x64xi1>, vector<49x20x64xi32>
    %reduce_min3A_2781 = arith.constant dense<2147483647> : vector<20x64xi32>
    %reduce_min3A_2782 = vector.multi_reduction <minsi>, %select_n3A_2780, %reduce_min3A_2781 [0] : vector<49x20x64xi32> to vector<20x64xi32>
    %jit3A_2783 = arith.constant 7 : i32
    %div3A_2784 = vector.broadcast %jit3A_2783 : i32 to vector<20x64xi32>
    %div3A_2785 = arith.divsi %reduce_min3A_2782, %div3A_2784 : vector<20x64xi32>
    %sign3A_2786 = arith.constant 0 : i32
    %sign3A_2787 = vector.broadcast %sign3A_2786 : i32 to vector<20x64xi32>
    %sign3A_2788 = arith.cmpi sgt, %reduce_min3A_2782, %sign3A_2787 : vector<20x64xi32>
    %sign3A_2789 = arith.extui %sign3A_2788 : vector<20x64xi1> to vector<20x64xi32>
    %sign3A_2790 = arith.constant 0 : i32
    %sign3A_2791 = vector.broadcast %sign3A_2790 : i32 to vector<20x64xi32>
    %sign3A_2792 = arith.cmpi slt, %reduce_min3A_2782, %sign3A_2791 : vector<20x64xi32>
    %sign3A_2793 = arith.extui %sign3A_2792 : vector<20x64xi1> to vector<20x64xi32>
    %sign3A_2794 = arith.subi %sign3A_2789, %sign3A_2793 : vector<20x64xi32>
    %sign3A_2795 = arith.constant 0 : i32
    %sign3A_2796 = arith.cmpi sgt, %jit3A_2783, %sign3A_2795 : i32
    %sign3A_2797 = arith.extui %sign3A_2796 : i1 to i32
    %sign3A_2798 = arith.constant 0 : i32
    %sign3A_2799 = arith.cmpi slt, %jit3A_2783, %sign3A_2798 : i32
    %sign3A_2800 = arith.extui %sign3A_2799 : i1 to i32
    %sign3A_2801 = arith.subi %sign3A_2797, %sign3A_2800 : i32
    %ne3A_2802 = vector.broadcast %sign3A_2801 : i32 to vector<20x64xi32>
    %ne3A_2803 = arith.cmpi ne, %sign3A_2794, %ne3A_2802 : vector<20x64xi32>
    %rem3A_2804 = vector.broadcast %jit3A_2783 : i32 to vector<20x64xi32>
    %rem3A_2805 = arith.remsi %reduce_min3A_2782, %rem3A_2804 : vector<20x64xi32>
    %ne3A_2806 = arith.constant 0 : i32
    %ne3A_2807 = vector.broadcast %ne3A_2806 : i32 to vector<20x64xi32>
    %ne3A_2808 = arith.cmpi ne, %rem3A_2805, %ne3A_2807 : vector<20x64xi32>
    %and3A_2809 = arith.andi %ne3A_2803, %ne3A_2808 : vector<20x64xi1>
    %sub3A_2810 = arith.constant 1 : i32
    %sub3A_2811 = vector.broadcast %sub3A_2810 : i32 to vector<20x64xi32>
    %sub3A_2812 = arith.subi %div3A_2785, %sub3A_2811 : vector<20x64xi32>
    %select_n3A_2813 = arith.select %and3A_2809, %sub3A_2812, %div3A_2785 : vector<20x64xi1>, vector<20x64xi32>
    %sub3A_2814 = arith.constant 3 : i32
    %sub3A_2815 = vector.broadcast %sub3A_2814 : i32 to vector<20x64xi32>
    %sub3A_2816 = arith.subi %select_n3A_2813, %sub3A_2815 : vector<20x64xi32>
    %jit3A_2817 = arith.constant 7 : i32
    %eq3A_2818 = arith.constant 0 : i32
    %eq3A_2819 = arith.cmpi eq, %jit3A_2817, %eq3A_2818 : i32
    %jit3A_2820 = arith.constant 1 : i32
    %select_n3A_2821 = arith.select %eq3A_2819, %jit3A_2820, %jit3A_2817 : i32
    %rem3A_2822 = vector.broadcast %select_n3A_2821 : i32 to vector<20x64xi32>
    %rem3A_2823 = arith.remsi %reduce_min3A_2782, %rem3A_2822 : vector<20x64xi32>
    %ne3A_2824 = arith.constant 0 : i32
    %ne3A_2825 = vector.broadcast %ne3A_2824 : i32 to vector<20x64xi32>
    %ne3A_2826 = arith.cmpi ne, %rem3A_2823, %ne3A_2825 : vector<20x64xi32>
    %lt3A_2827 = arith.constant 0 : i32
    %lt3A_2828 = vector.broadcast %lt3A_2827 : i32 to vector<20x64xi32>
    %lt3A_2829 = arith.cmpi slt, %rem3A_2823, %lt3A_2828 : vector<20x64xi32>
    %lt3A_2830 = arith.constant 0 : i32
    %lt3A_2831 = arith.cmpi slt, %select_n3A_2821, %lt3A_2830 : i32
    %ne3A_2832 = vector.broadcast %lt3A_2831 : i1 to vector<20x64xi1>
    %ne3A_2833 = vector.broadcast %ne3A_2832 : vector<20x64xi1> to vector<20x64xi1>
    %ne3A_2834 = arith.xori %lt3A_2829, %ne3A_2833 : vector<20x64xi1>
    %and3A_2835 = arith.andi %ne3A_2834, %ne3A_2826 : vector<20x64xi1>
    %add3A_2836 = vector.broadcast %select_n3A_2821 : i32 to vector<20x64xi32>
    %add3A_2837 = arith.addi %rem3A_2823, %add3A_2836 : vector<20x64xi32>
    %select_n3A_2838 = arith.select %and3A_2835, %add3A_2837, %rem3A_2823 : vector<20x64xi1>, vector<20x64xi32>
    %sub3A_2839 = arith.constant 3 : i32
    %sub3A_2840 = vector.broadcast %sub3A_2839 : i32 to vector<20x64xi32>
    %sub3A_2841 = arith.subi %select_n3A_2838, %sub3A_2840 : vector<20x64xi32>
    %mul3A_2842 = arith.constant 64 : i32
    %mul3A_2843 = vector.broadcast %mul3A_2842 : i32 to vector<20x64xi32>
    %mul3A_2844 = arith.muli %sub3A_2816, %mul3A_2843 : vector<20x64xi32>
    %add3A_2845 = arith.addi %add3A_2257, %mul3A_2844 : vector<20x64xi32>
    %add3A_2846 = arith.addi %add3A_2845, %sub3A_2841 : vector<20x64xi32>
    %swap3A_2847 = arith.constant 7 : index
    %swap3A_2848 = arith.constant 0 : index
    %swap3A_2849 = arith.constant 0 : index
    %swap3A_2850 = vector.load %arg2[%swap3A_2847, %swap3A_2848, %swap3A_2849] : memref<8x20x64xi32, #tpu.memory_space<vmem>>, vector<1x20x64xi32>
    %swap3A_2851 = vector.shape_cast %swap3A_2850 : vector<1x20x64xi32> to vector<20x64xi32>
    %swap3A_2852 = vector.shape_cast %add3A_2846 : vector<20x64xi32> to vector<1x20x64xi32>
    tpu.vector_store %arg2[%swap3A_2847, %swap3A_2848, %swap3A_2849], %swap3A_2852 {strides = array<i32>} : memref<8x20x64xi32, #tpu.memory_space<vmem>>, vector<1x20x64xi32>,
    return
  }
}

module attributes {stable_mosaic.version = 14 : i64} {
  func.func @_attn_body(%arg0: i32, %arg1: memref<256x128xf32, #tpu.memory_space<vmem>>, %arg2: memref<256x128xf32, #tpu.memory_space<vmem>>, %arg3: memref<256x1280xf32, #tpu.memory_space<vmem>>, %arg4: memref<1280x128xf32, #tpu.memory_space<vmem>>, %arg5: memref<5120x128xf32, #tpu.memory_space<vmem>>, %arg6: memref<256x128xf32, #tpu.memory_space<vmem>>) attributes {dimension_semantics = [#tpu.dimension_semantics<arbitrary>], iteration_bounds = array<i64: 5>, scalar_prefetch = 0 : i64, scratch_operands = 0 : i64, tpu.core_type = #tpu.core_type<tc>, window_params = [{transform_indices = @transform_0, window_bounds = array<i64: 256, 128>}, {transform_indices = @transform_1, window_bounds = array<i64: 256, 128>}, {transform_indices = @transform_2, window_bounds = array<i64: 256, 1280>}, {pipeline_mode = #tpu.pipeline_mode<synchronous>, transform_indices = @transform_3, window_bounds = array<i64: 1280, 128>}, {pipeline_mode = #tpu.pipeline_mode<synchronous>, transform_indices = @transform_4, window_bounds = array<i64: 5120, 128>}, {transform_indices = @transform_5, window_bounds = array<i64: 256, 128>}]} {
    %get3A = arith.constant 0 : index
    %get3A_0 = arith.constant 0 : index
    %get3A_1 = vector.load %arg1[%get3A, %get3A_0] : memref<256x128xf32, #tpu.memory_space<vmem>>, vector<256x128xf32>
    %get3A_2 = arith.constant 0 : index
    %get3A_3 = arith.constant 0 : index
    %get3A_4 = vector.load %arg3[%get3A_2, %get3A_3] : memref<256x1280xf32, #tpu.memory_space<vmem>>, vector<256x1280xf32>
    %get3A_5 = arith.constant 0 : index
    %get3A_6 = arith.constant 0 : index
    %get3A_7 = vector.load %arg2[%get3A_5, %get3A_6] : memref<256x128xf32, #tpu.memory_space<vmem>>, vector<256x128xf32>
    %slice3A = vector.extract_strided_slice %get3A_1 {offsets = [0, 0], sizes = [256, 32], strides = [1, 1]} : vector<256x128xf32> to vector<256x32xf32>
    %get3A_8 = arith.constant 0 : index
    %get3A_9 = arith.constant 0 : index
    %get3A_10 = vector.load %arg4[%get3A_8, %get3A_9] : memref<1280x128xf32, #tpu.memory_space<vmem>>, vector<1280x32xf32>
    %dot_general3A = arith.constant dense<0.000000e+00> : vector<256x1280xf32>
    %dot_general3A_11 = tpu.matmul %slice3A, %get3A_10, %dot_general3A {dimension_numbers = #tpu.dot_dimension_numbers<[1], [1], [0], [0], [0, 0, 1, 0], [], []>, transpose_lhs_hint = false} : vector<256x32xf32>, vector<1280x32xf32>, vector<256x1280xf32> -> vector<256x1280xf32>
    %exp3A = math.exp %dot_general3A_11 : vector<256x1280xf32>
    %mul3A = arith.mulf %exp3A, %get3A_4 : vector<256x1280xf32>
    %reduce_sum3A = arith.constant dense<0.000000e+00> : vector<256xf32>
    %reduce_sum3A_12 = vector.multi_reduction <add>, %mul3A, %reduce_sum3A [1] : vector<256x1280xf32> to vector<256xf32>
    %broadcast_in_dim3A = vector.shape_cast %reduce_sum3A_12 : vector<256xf32> to vector<256x1xf32>
    %div3A = arith.constant 1.000000e+00 : f32
    %div3A_13 = vector.broadcast %div3A : f32 to vector<256x1xf32>
    %div3A_14 = arith.divf %div3A_13, %broadcast_in_dim3A : vector<256x1xf32>
    %get3A_15 = arith.constant 0 : index
    %get3A_16 = arith.constant 0 : index
    %get3A_17 = vector.load %arg5[%get3A_15, %get3A_16] : memref<5120x128xf32, #tpu.memory_space<vmem>>, vector<1280x128xf32>
    %dot_general3A_18 = arith.constant dense<0.000000e+00> : vector<256x128xf32>
    %dot_general3A_19 = tpu.matmul %mul3A, %get3A_17, %dot_general3A_18 {dimension_numbers = #tpu.dot_dimension_numbers<[1], [0], [0], [1], [0, 0, 1, 1], [], []>, transpose_lhs_hint = false} : vector<256x1280xf32>, vector<1280x128xf32>, vector<256x128xf32> -> vector<256x128xf32>
    %mul3A_20 = vector.broadcast %div3A_14 : vector<256x1xf32> to vector<256x128xf32>
    %mul3A_21 = arith.mulf %dot_general3A_19, %mul3A_20 : vector<256x128xf32>
    %add3A = arith.addf %get3A_7, %mul3A_21 : vector<256x128xf32>
    %slice3A_22 = vector.extract_strided_slice %get3A_1 {offsets = [0, 32], sizes = [256, 32], strides = [1, 1]} : vector<256x128xf32> to vector<256x32xf32>
    %get3A_23 = arith.constant 0 : index
    %get3A_24 = arith.constant 32 : index
    %get3A_25 = vector.load %arg4[%get3A_23, %get3A_24] : memref<1280x128xf32, #tpu.memory_space<vmem>>, vector<1280x32xf32>
    %dot_general3A_26 = arith.constant dense<0.000000e+00> : vector<256x1280xf32>
    %dot_general3A_27 = tpu.matmul %slice3A_22, %get3A_25, %dot_general3A_26 {dimension_numbers = #tpu.dot_dimension_numbers<[1], [1], [0], [0], [0, 0, 1, 0], [], []>, transpose_lhs_hint = false} : vector<256x32xf32>, vector<1280x32xf32>, vector<256x1280xf32> -> vector<256x1280xf32>
    %exp3A_28 = math.exp %dot_general3A_27 : vector<256x1280xf32>
    %mul3A_29 = arith.mulf %exp3A_28, %get3A_4 : vector<256x1280xf32>
    %reduce_sum3A_30 = arith.constant dense<0.000000e+00> : vector<256xf32>
    %reduce_sum3A_31 = vector.multi_reduction <add>, %mul3A_29, %reduce_sum3A_30 [1] : vector<256x1280xf32> to vector<256xf32>
    %broadcast_in_dim3A_32 = vector.shape_cast %reduce_sum3A_31 : vector<256xf32> to vector<256x1xf32>
    %div3A_33 = arith.constant 1.000000e+00 : f32
    %div3A_34 = vector.broadcast %div3A_33 : f32 to vector<256x1xf32>
    %div3A_35 = arith.divf %div3A_34, %broadcast_in_dim3A_32 : vector<256x1xf32>
    %get3A_36 = arith.constant 1280 : index
    %get3A_37 = arith.constant 0 : index
    %get3A_38 = vector.load %arg5[%get3A_36, %get3A_37] : memref<5120x128xf32, #tpu.memory_space<vmem>>, vector<1280x128xf32>
    %dot_general3A_39 = arith.constant dense<0.000000e+00> : vector<256x128xf32>
    %dot_general3A_40 = tpu.matmul %mul3A_29, %get3A_38, %dot_general3A_39 {dimension_numbers = #tpu.dot_dimension_numbers<[1], [0], [0], [1], [0, 0, 1, 1], [], []>, transpose_lhs_hint = false} : vector<256x1280xf32>, vector<1280x128xf32>, vector<256x128xf32> -> vector<256x128xf32>
    %mul3A_41 = vector.broadcast %div3A_35 : vector<256x1xf32> to vector<256x128xf32>
    %mul3A_42 = arith.mulf %dot_general3A_40, %mul3A_41 : vector<256x128xf32>
    %add3A_43 = arith.addf %add3A, %mul3A_42 : vector<256x128xf32>
    %slice3A_44 = vector.extract_strided_slice %get3A_1 {offsets = [0, 64], sizes = [256, 32], strides = [1, 1]} : vector<256x128xf32> to vector<256x32xf32>
    %get3A_45 = arith.constant 0 : index
    %get3A_46 = arith.constant 64 : index
    %get3A_47 = vector.load %arg4[%get3A_45, %get3A_46] : memref<1280x128xf32, #tpu.memory_space<vmem>>, vector<1280x32xf32>
    %dot_general3A_48 = arith.constant dense<0.000000e+00> : vector<256x1280xf32>
    %dot_general3A_49 = tpu.matmul %slice3A_44, %get3A_47, %dot_general3A_48 {dimension_numbers = #tpu.dot_dimension_numbers<[1], [1], [0], [0], [0, 0, 1, 0], [], []>, transpose_lhs_hint = false} : vector<256x32xf32>, vector<1280x32xf32>, vector<256x1280xf32> -> vector<256x1280xf32>
    %exp3A_50 = math.exp %dot_general3A_49 : vector<256x1280xf32>
    %mul3A_51 = arith.mulf %exp3A_50, %get3A_4 : vector<256x1280xf32>
    %reduce_sum3A_52 = arith.constant dense<0.000000e+00> : vector<256xf32>
    %reduce_sum3A_53 = vector.multi_reduction <add>, %mul3A_51, %reduce_sum3A_52 [1] : vector<256x1280xf32> to vector<256xf32>
    %broadcast_in_dim3A_54 = vector.shape_cast %reduce_sum3A_53 : vector<256xf32> to vector<256x1xf32>
    %div3A_55 = arith.constant 1.000000e+00 : f32
    %div3A_56 = vector.broadcast %div3A_55 : f32 to vector<256x1xf32>
    %div3A_57 = arith.divf %div3A_56, %broadcast_in_dim3A_54 : vector<256x1xf32>
    %get3A_58 = arith.constant 2560 : index
    %get3A_59 = arith.constant 0 : index
    %get3A_60 = vector.load %arg5[%get3A_58, %get3A_59] : memref<5120x128xf32, #tpu.memory_space<vmem>>, vector<1280x128xf32>
    %dot_general3A_61 = arith.constant dense<0.000000e+00> : vector<256x128xf32>
    %dot_general3A_62 = tpu.matmul %mul3A_51, %get3A_60, %dot_general3A_61 {dimension_numbers = #tpu.dot_dimension_numbers<[1], [0], [0], [1], [0, 0, 1, 1], [], []>, transpose_lhs_hint = false} : vector<256x1280xf32>, vector<1280x128xf32>, vector<256x128xf32> -> vector<256x128xf32>
    %mul3A_63 = vector.broadcast %div3A_57 : vector<256x1xf32> to vector<256x128xf32>
    %mul3A_64 = arith.mulf %dot_general3A_62, %mul3A_63 : vector<256x128xf32>
    %add3A_65 = arith.addf %add3A_43, %mul3A_64 : vector<256x128xf32>
    %slice3A_66 = vector.extract_strided_slice %get3A_1 {offsets = [0, 96], sizes = [256, 32], strides = [1, 1]} : vector<256x128xf32> to vector<256x32xf32>
    %get3A_67 = arith.constant 0 : index
    %get3A_68 = arith.constant 96 : index
    %get3A_69 = vector.load %arg4[%get3A_67, %get3A_68] : memref<1280x128xf32, #tpu.memory_space<vmem>>, vector<1280x32xf32>
    %dot_general3A_70 = arith.constant dense<0.000000e+00> : vector<256x1280xf32>
    %dot_general3A_71 = tpu.matmul %slice3A_66, %get3A_69, %dot_general3A_70 {dimension_numbers = #tpu.dot_dimension_numbers<[1], [1], [0], [0], [0, 0, 1, 0], [], []>, transpose_lhs_hint = false} : vector<256x32xf32>, vector<1280x32xf32>, vector<256x1280xf32> -> vector<256x1280xf32>
    %exp3A_72 = math.exp %dot_general3A_71 : vector<256x1280xf32>
    %mul3A_73 = arith.mulf %exp3A_72, %get3A_4 : vector<256x1280xf32>
    %reduce_sum3A_74 = arith.constant dense<0.000000e+00> : vector<256xf32>
    %reduce_sum3A_75 = vector.multi_reduction <add>, %mul3A_73, %reduce_sum3A_74 [1] : vector<256x1280xf32> to vector<256xf32>
    %broadcast_in_dim3A_76 = vector.shape_cast %reduce_sum3A_75 : vector<256xf32> to vector<256x1xf32>
    %div3A_77 = arith.constant 1.000000e+00 : f32
    %div3A_78 = vector.broadcast %div3A_77 : f32 to vector<256x1xf32>
    %div3A_79 = arith.divf %div3A_78, %broadcast_in_dim3A_76 : vector<256x1xf32>
    %get3A_80 = arith.constant 3840 : index
    %get3A_81 = arith.constant 0 : index
    %get3A_82 = vector.load %arg5[%get3A_80, %get3A_81] : memref<5120x128xf32, #tpu.memory_space<vmem>>, vector<1280x128xf32>
    %dot_general3A_83 = arith.constant dense<0.000000e+00> : vector<256x128xf32>
    %dot_general3A_84 = tpu.matmul %mul3A_73, %get3A_82, %dot_general3A_83 {dimension_numbers = #tpu.dot_dimension_numbers<[1], [0], [0], [1], [0, 0, 1, 1], [], []>, transpose_lhs_hint = false} : vector<256x1280xf32>, vector<1280x128xf32>, vector<256x128xf32> -> vector<256x128xf32>
    %mul3A_85 = vector.broadcast %div3A_79 : vector<256x1xf32> to vector<256x128xf32>
    %mul3A_86 = arith.mulf %dot_general3A_84, %mul3A_85 : vector<256x128xf32>
    %add3A_87 = arith.addf %add3A_65, %mul3A_86 : vector<256x128xf32>
    %swap3A = arith.constant 0 : index
    %swap3A_88 = arith.constant 0 : index
    %swap3A_89 = vector.load %arg6[%swap3A, %swap3A_88] : memref<256x128xf32, #tpu.memory_space<vmem>>, vector<256x128xf32>
    tpu.vector_store %arg6[%swap3A, %swap3A_88], %add3A_87 {strides = array<i32>} : memref<256x128xf32, #tpu.memory_space<vmem>>, vector<256x128xf32>,
    return
  }
  func.func @transform_0(%arg0: i32) -> (i32, i32) {
    %c0_i32 = arith.constant 0 : i32
    %c0_i32_0 = arith.constant 0 : i32
    return %arg0, %c0_i32 : i32, i32
  }
  func.func @transform_1(%arg0: i32) -> (i32, i32) {
    %c0_i32 = arith.constant 0 : i32
    %c0_i32_0 = arith.constant 0 : i32
    return %arg0, %c0_i32 : i32, i32
  }
  func.func @transform_2(%arg0: i32) -> (i32, i32) {
    %c0_i32 = arith.constant 0 : i32
    %c0_i32_0 = arith.constant 0 : i32
    return %arg0, %c0_i32 : i32, i32
  }
  func.func @transform_3(%arg0: i32) -> (i32, i32) {
    %c0_i32 = arith.constant 0 : i32
    %c0_i32_0 = arith.constant 0 : i32
    %c0_i32_1 = arith.constant 0 : i32
    return %c0_i32, %c0_i32_0 : i32, i32
  }
  func.func @transform_4(%arg0: i32) -> (i32, i32) {
    %c0_i32 = arith.constant 0 : i32
    %c0_i32_0 = arith.constant 0 : i32
    %c0_i32_1 = arith.constant 0 : i32
    return %c0_i32, %c0_i32_0 : i32, i32
  }
  func.func @transform_5(%arg0: i32) -> (i32, i32) {
    %c0_i32 = arith.constant 0 : i32
    %c0_i32_0 = arith.constant 0 : i32
    return %arg0, %c0_i32 : i32, i32
  }
}

</mosaic_0001>

<sc_bundles>
// kernel: kernel.6.cloned.1.call-start
scs
__scs_entry_jumppad:
0x0: {  	(pc) =	sbr.rel $0x88, $3  }
0x1: {  	(tag) =	ssettag $0x0;
	lr =	simm.s32 $0x1  }
0x2: {  	[smem:$0x3F9A] =	sst lr;
	_ =	strace $0xD0000000  }
0x3: {  	_ = 	snop  }
0x4: {  	_ = 	snop  }
0x5: {  	_ = 	snop  }
0x6: {  	_ = 	snop  }
0x7: {  	_ = 	snop  }
__scs_overlays_trampoline_lowered:
0x8: {  	[smem:$0x3FA9] =	sst s0  }
0x9: {  	[smem:$0x3FAA] =	sst s1  }
0xa: {  	[smem:$0x3FAB] =	sst s2  }
0xb: {  	[smem:$0x3FAC] =	sst s3  }
0xc: {  	[smem:$0x3FAD] =	sst s4  }
0xd: {  	[smem:$0x3FAE] =	sst s5  }
0xe: {  	[smem:$0x3FAF] =	sst s6  }
0xf: {  	[smem:$0x3FB0] =	sst s7  }
0x10: {  	[smem:$0x3FB1] =	sst s8  }
0x11: {  	[smem:$0x3FB2] =	sst s9;
	s0 =	simm.s32 @!p0 $0x0  }
0x12: {  	s1 =	sld [smem:$0x3F98];
	s0 =	simm.s32 @p0 $0x1  }
0x13: {  	[smem:$0x3FB3] =	sst s0;
	s0 =	simm.s32 @!p1 $0x0  }
0x14: {  	s2 =	sld [smem:$0x3F97];
	s0 =	simm.s32 @p1 $0x1  }
0x15: {  	[smem:$0x3FB4] =	sst s0;
	s0 =	simm.s32 @!p2 $0x0  }
0x16: {  	s3 =	sld [smem:$0x3FDB];
	s0 =	simm.s32 @p2 $0x1  }
0x17: {  	s4 =	simm.s32 $0x1BF5;
	[smem:$0x3FB6] =	sst s0  }
0x18: {  	s0 =	sld [smem:$0x3F99];
	_ =	swait.ge [sflag:s4], $0x0  }
0x19: {  	s7 =	sld [smem:$0x3F9A]  }
0x1a: {  	s8 =	sadd.s32 $0xFFFFE003, lr  }
0x1b: {  	s9 =	sadd.s32 $0xFFFFFEF7, lr;
	s5 =	simm.s32 $0xFFFFFFFF;
	p2 =	slt.u32 s8, $0xFFFFF086  }
0x1c: {  	p1 =	slt.u32 s9, $0xF7A;
	s5 =	simm.s32 @!p2 $0x0  }
0x1d: {  	s5 =	simm.s32 @p1 $0x1;
	p0 =	seq.s32 s7, s2  }
0x1e: {  	s7 =	smul.u32 @!p0 $0xF7A, s2;
	p2 =	seq.s32 @!p0 s5, $0x0  }
0x1f: {  	s9 =	smul.u32 $0xF7A, s1;
	s8 =	simm.s32 @!p0 $0x1BF5;
	p2 =	por !p2, p0  }
0x20: {  	[sflag:s8] =	ssyncset.s32 @!p0 $0xFFFFF086;
	s6 =	sadd.s32 @!p0 s3, s7;
	s7 =	simm.s32 @!p0 $0x108  }
0x21: {  	s3 =	sadd.s32 s3, s9;
	s6 =	sadd.s32 @!p0 $0x88, s6;
	s7 =	simm.s32 @p2 $0x1082  }
0x22: {  	[simem:s7], [sflag:s8] =	dma.local @!p0 [hbm:s6], $0xF7A  }
0x23: {  	s9 =	sor.u32 $0xD0000000, s2;
	s6 =	simm.s32 $0x108;
	_ =	swait.ge @!p0 [sflag:s8], $0x0  }
0x24: {  	s3 =	sadd.s32 $0x88, s3;
	s6 =	simm.s32 @!p1 $0x1082;
	[sflag:s4] =	ssyncset.s32 $0xFFFFF086  }
0x25: {  	[simem:s6], [sflag:s4] =	dma.local [hbm:s3], $0xF7A  }
0x26: {  	[smem:$0x3F9A] =	sst s1;
	(tag) =	ssettag s2;
	_ =	strace s9  }
0x27: {  	s1 =	sld [smem:$0x3FAA]  }
0x28: {  	s2 =	sld [smem:$0x3FAB]  }
0x29: {  	s4 =	sld [smem:$0x3FAD]  }
0x2a: {  	p0 =	seq.s32 s5, $0x0;
	s5 =	sld [smem:$0x3FAE]  }
0x2b: {  	s6 =	sld [smem:$0x3FAF]  }
0x2c: {  	s7 =	sld [smem:$0x3FB0]  }
0x2d: {  	s3 =	simm.s32 $0x108;
	s8 =	sld [smem:$0x3FB1]  }
0x2e: {  	s3 =	simm.s32 @!p0 $0x1082;
	s9 =	sld [smem:$0x3FB2]  }
0x2f: {  	lr =	sadd.s32 s0, s3;
	s0 =	sld [smem:$0x3FA9]  }
0x30: {  	s3 =	sld [smem:$0x3FAC]  }
0x31: {  	[smem:$0x3FB5] =	sst s10  }
0x32: {  	s10 =	sld [smem:$0x3FB3];
	_ =	sdelay $0x3  }
0x33: {  	p0 =	seq.s32 s10, $0x1;
	s10 =	sld [smem:$0x3FB5];
	_ =	sdelay $0x3  }
0x34: {  	[smem:$0x3FB5] =	sst s10  }
0x35: {  	s10 =	sld [smem:$0x3FB4];
	_ =	sdelay $0x3  }
0x36: {  	p1 =	seq.s32 s10, $0x1;
	s10 =	sld [smem:$0x3FB5];
	_ =	sdelay $0x3  }
0x37: {  	[smem:$0x3FB5] =	sst s10  }
0x38: {  	s10 =	sld [smem:$0x3FB6]  }
0x39: {  	_ = 	snop;
	(pc) =	sbr.ind lr, $3  }
0x3a: {  	_ = 	snop  }
0x3b: {  	_ = 	snop  }
0x3c: {  	p2 =	seq.s32 s10, $0x1;
	s10 =	sld [smem:$0x3FB5]  }
0x3d: {  	_ =	shalt  }
0x3e: {  	_ =	shalt  }
0x3f: {  	_ =	shalt  }
0x40: {  	_ =	shalt  }
0x41: {  	_ =	shalt  }
0x42: {  	_ =	shalt  }
0x43: {  	_ =	shalt  }
0x44: {  	_ =	shalt  }
0x45: {  	_ =	shalt  }
0x46: {  	_ =	shalt  }
0x47: {  	_ =	shalt  }
0x48: {  	_ =	shalt  }
0x49: {  	_ =	shalt  }
0x4a: {  	_ =	shalt  }
0x4b: {  	_ =	shalt  }
0x4c: {  	_ =	shalt  }
0x4d: {  	_ =	shalt  }
0x4e: {  	_ =	shalt  }
0x4f: {  	_ =	shalt  }
0x50: {  	_ =	shalt  }
0x51: {  	_ =	shalt  }
0x52: {  	_ =	shalt  }
0x53: {  	_ =	shalt  }
0x54: {  	_ =	shalt  }
0x55: {  	_ =	shalt  }
0x56: {  	_ =	shalt  }
0x57: {  	_ =	shalt  }
0x58: {  	_ =	shalt  }
0x59: {  	_ =	shalt  }
0x5a: {  	_ =	shalt  }
0x5b: {  	_ =	shalt  }
0x5c: {  	_ =	shalt  }
0x5d: {  	_ =	shalt  }
0x5e: {  	_ =	shalt  }
0x5f: {  	_ =	shalt  }
0x60: {  	_ =	shalt  }
0x61: {  	_ =	shalt  }
0x62: {  	_ =	shalt  }
0x63: {  	_ =	shalt  }
0x64: {  	_ =	shalt  }
0x65: {  	_ =	shalt  }
0x66: {  	_ =	shalt  }
0x67: {  	_ =	shalt  }
0x68: {  	_ =	shalt  }
0x69: {  	_ =	shalt  }
0x6a: {  	_ =	shalt  }
0x6b: {  	_ =	shalt  }
0x6c: {  	_ =	shalt  }
0x6d: {  	_ =	shalt  }
0x6e: {  	_ =	shalt  }
0x6f: {  	_ =	shalt  }
0x70: {  	_ =	shalt  }
0x71: {  	_ =	shalt  }
0x72: {  	_ =	shalt  }
0x73: {  	_ =	shalt  }
0x74: {  	_ =	shalt  }
0x75: {  	_ =	shalt  }
0x76: {  	_ =	shalt  }
0x77: {  	_ =	shalt  }
0x78: {  	_ =	shalt  }
0x79: {  	_ =	shalt  }
0x7a: {  	_ =	shalt  }
0x7b: {  	_ =	shalt  }
0x7c: {  	_ =	shalt  }
0x7d: {  	_ =	shalt  }
0x7e: {  	_ =	shalt  }
0x7f: {  	_ =	shalt  }
0x80: {  	_ =	shalt  }
0x81: {  	_ =	shalt  }
0x82: {  	_ =	shalt  }
0x83: {  	_ =	shalt  }
0x84: {  	_ =	shalt  }
0x85: {  	_ =	shalt  }
0x86: {  	_ =	shalt  }
0x87: {  	_ =	shalt  }
.Lfunc_end0:
.L_simem_size_0:
called_computation_lowered:
.L_overlay_start_0:
0x88: {  	s2 =	sld [smem:$0x3FD9]  }
0x89: {  	s3 =	sld [smem:$0x3FFE];
	_ =	sdelay $0x1  }
0x8a: {  	s1 =	srdreg.scid  }
0x8b: {  	s0 =	sand.u32 $0x1, s1  }
0x8c: {  	s16 =	sshll.u32 s0, $0xA;
	s2 =	sadd.s32 s3, s2  }
0x8d: {  	s2 =	sadd.s32 s2, s16  }
0x8e: {  	[smem:$0x3FC1] =	sst s2  }
0x8f: {  	_ = 	snop  }
0x90: {  	(tm) =	ssettm $0x1  }
0x91: {  	s17 =	sld [smem:$0x3FFB];
	_ =	sdelay $0x3  }
0x92: {  	_ =	strace s17  }
0x93: {  	s2 =	sld [smem:$0x3FFC];
	_ =	sdelay $0x3  }
0x94: {  	_ =	strace s2  }
0x95: {  	s2 =	sld [smem:$0x3FFD];
	_ =	sdelay $0x3  }
0x96: {  	_ =	strace s2  }
0x97: {  	_ =	strace $0x8FFFFFFF  }
0x98: {  	s18 =	sld [smem:$0x3FDB];
	_ =	sdelay $0x1  }
0x99: {  	s19 =	simm.s32 $_scs_section_size  }
0x9a: {  	s4 =	simm.s32 $_size__tile_overlayer_lowered;
	s5 =	simm.s32 $_tile_overlayer_lowered  }
0x9b: {  	s22 =	simm.s32 $0x1BFF;
	s21 =	sshll.u32 s5, $0x1;
	s2 =	sadd.s32 s19, s18  }
0x9c: {  	s6 =	simm.s32 $0x0;
	s20 =	sshll.u32 s4, $0x1;
	s4 =	sadd.s32 s21, s2  }
0x9d: {  	[timem:s6], [sflag:s22] =	dma.local [hbm:s4], s20  }
0x9e: {  	_ =	swait.ge [sflag:s22], s20  }
0x9f: {  	s3 =	ssub.s32 $0x0, s20;
	[sflag:s22] =	ssyncset.done $0x0  }
0xa0: {  	[sflag:s22] =	ssyncadd.s32 s3;
	_ =	sdelay $0x1  }
0xa1: {  	s23 =	simm.s32 $0x1B8B  }
0xa2: {  	_ =	swait.ge [sflag:s23], $0x1  }
0xa3: {  	[sflag:s23] =	ssyncset.done $0x0  }
0xa4: {  	s25 =	simm.s32 $0x1B8E;
	s24 =	sld [smem:$0x3FFE];
	[sflag:s23] =	ssyncadd.s32 $0xFFFFFFFF  }
0xa5: {  	s26 =	simm.s32 $execute0_lowered;
	[smem:$0x3FD2] =	sst s25  }
0xa6: {  	s4 =	sshll.u32 s26, $0x1;
	_ =	strace $0x80000046;
	[dreg:$0x1] =	wrdreg $0xFFFFFFFF  }
0xa7: {  	s28 =	simm.s32 $_size_execute0_lowered;
	s2 =	sadd.s32 s2, s4;
	[dreg:$0x0] =	wrdreg $0x0  }
0xa8: {  	s4 =	sshll.u32 s28, $0x1;
	[dreg:$0x2] =	wrdreg s2  }
0xa9: {  	[dreg:$0x3] =	wrdreg s4  }
0xaa: {  	[dreg:$0x4] =	wrdreg $0xC0  }
0xab: {  	_ =	task [dreg:s6], $0x5FFFF  }
0xac: {  	[dreg:$0x1] =	wrdreg $0xFFFFFFFF  }
0xad: {  	[dreg:$0x0] =	wrdreg $0x60  }
0xae: {  	[dreg:$0x2] =	wrdreg s24  }
0xaf: {  	[dreg:$0x3] =	wrdreg $0x9  }
0xb0: {  	_ =	task.clear_ibuf [dreg:s6], $0x4FFFF;
	_ =	strace $0x90000046  }
0xb1: {  	s29 =	simm.s32 $0x9;
	_ =	strace $0x80000048  }
0xb2: {  	_ =	swait.ge [sflag:s29], $0x1  }
0xb3: {  	[sflag:s29] =	ssyncadd.s32 $0xFFFFFFFF  }
0xb4: {  	_ =	strace $0x90000048  }
0xb5: {  	_ =	sfence  }
0xb6: {  	s30 =	sld [smem:$0x0];
	_ =	sdelay $0x2  }
0xb7: {  	s31 =	sshll.u32 s1, $0xD;
	s1 =	sshrl.u32 s1, $0x2  }
0xb8: {  	s3 =	sand.u32 $0x4000, s31;
	s1 =	sadd.s32 s1, s30  }
0xb9: {  	s0 =	sor.u32 s3, s0;
	s1 =	sshll.u32 s1, $0x11  }
0xba: {  	s0 =	sor.u32 s1, s0  }
0xbb: {  	s0 =	sadd.s32 $0x8F2B, s0  }
0xbc: {  	[sflag:s0] =	ssyncadd.remote.s32 $0x1  }
0xbd: {  	_ =	sfence.sel $0xFFFF  }
0xbe: {  	[dreg:$0x0] =	wrdreg $0xFFFFFFFF;
	(pc) =	sbr.abs _section_cstart, $3  }
0xbf: {  	[dreg:$0x1] =	wrdreg $0xFFFFFFFF  }
0xc0: {  	_ =	task.clear_ibuf [dreg:s6], $0x2FFFF;
	_ =	strace $0x9FFFFFFF  }
0xc1: {  	(tm) =	ssettm $0x7FFFFFFF  }
tec
execute0_lowered:
.L_overlay_start_1:
0x0: {  	(tag) =	ssettag $0x1  }
0x1: {  	s1 =	srdreg.scid  }
0x2: {  	s0 =	stileid.u32;
	s5 =	rddreg [dreg:$0x0]  }
0x3: {  	s2 =	simm.s32 $0x0;
	s9 =	simm.s32 $0x680;
	s10 =	simm.s32 $0x1  }
0x4: {  	s11 =	simm.s32 $0x2;
	s12 =	simm.s32 $0x3;
	s13 =	simm.s32 $0x5680  }
0x5: {  	s14 =	simm.s32 $0x4;
	s4 =	sand.u32 $0x1, s1;
	s3 =	sshll.u32 s0, $0x1  }
0x6: {  	s15 =	simm.s32 $0x0;
	[smem:$0x7FF] =	sst s2;
	s3 =	sor.u32 s4, s3  }
0x7: {  	s1 =	rddreg [dreg:$0x1];
	_ =	strace $0x80000047;
	s6 =	smul.u32 $0x28, s3  }
0x8: {  	s8 =	ssub.s32 $0x2, s4;
	s4 =	sadd.s32 $0x2600, s5;
	s7 =	smul.u32 $0x1900, s3  }
0x9: {  	v0 =	vlaneseq.u32;
	s3 =	sadd.s32 $0x26200, s5;
	s31 =	sshrl.u32 s8, $0x1;
	s6 =	sadd.s32 s6, s5  }
0xa: {  	v1 =	vshrl.u32 v0, $0x3;
	s8 =	ssub.s32 s8, s31;
	s7 =	sadd.s32 s7, s5;
	s5 =	sadd.s32 $0x21000, s6  }
0xb: {  	v2 =	vimm.f32 $1.000000000e+00;
	v0 =	vimm.f32 $0.0e+00;
	v1 =	vmul.u32 $0x80, v1;
	s6 =	sadd.s32 $0x26400, s7;
	s7 =	smax.u32 s8, $0x1;
	s8 =	simm.s32 $0x180  }
.LBB2_1:
0xc: {  	[tilespmem:s8], [sflag:$0x1] =	stream.linear.gather [hbm4b:s3+s2], $0x500, $0x38;
	[tilespmem:$0x11E80] =	vst v63  }
0xd: {  	_ = 	snop  }
0xe: {  	[tilespmem:s9], [sflag:$0x2] =	stream.linear.gather [hbm4b:s4+s2], $0x5000, $0x38;
	[tilespmem:$0x11E80] =	vst v63  }
0xf: {  	_ = 	snop  }
0x10: {  	[tilespmem:s2], [sflag:$0x3] =	stream.linear.gather [hbm4b:s5+s2], $0x140, $0x38;
	[tilespmem:$0x11E80] =	vst v63  }
0x11: {  	_ =	swait.ge [sflag:s10], $0x500  }
0x12: {  	[sflag:s10] =	ssyncset.done $0x0  }
0x13: {  	[sflag:s10] =	ssyncadd.s32 $0xFFFFFB00  }
0x14: {  	_ =	swait.ge [sflag:s11], $0x5000  }
0x15: {  	[sflag:s11] =	ssyncset.done $0x0  }
0x16: {  	[sflag:s11] =	ssyncadd.s32 $0xFFFFB000  }
0x17: {  	_ =	swait.ge [sflag:s12], $0x140  }
0x18: {  	s16 =	simm.s32 $0x0;
	s17 =	simm.s32 $0x0;
	[sflag:s12] =	ssyncset.done $0x0  }
0x19: {  	s18 =	simm.s32 $0x0;
	s19 =	simm.s32 $0x0;
	[sflag:s12] =	ssyncadd.s32 $0xFFFFFEC0  }
.LBB2_2:
0x1a: {  	s20 =	sshrl.u32 s19, $0x2  }
0x1b: {  	s20 =	smul.u32 $0xA000, s20;
	_ =	sdelay $0x1  }
0x1c: {  	s21 =	sshra.s32 s20, $0x2  }
0x1d: {  	s20 =	sand.u32 $0x300, s17;
	s23 =	sadd.s32 $0x5680, s21  }
0x1e: {  	s22 =	sor.u32 $0x80, s20;
	s24 =	sadd.s32 s20, s23  }
0x1f: {  	s23 =	sadd.s32 s22, s23;
	[tilespmem:s24+$0x0] =	vst v0  }
0x20: {  	[tilespmem:s23+$0x0] =	vst v0  }
0x21: {  	[tilespmem:s24+$0x10] =	vst v0  }
0x22: {  	[tilespmem:s23+$0x10] =	vst v0  }
0x23: {  	[tilespmem:s24+$0x20] =	vst v0  }
0x24: {  	[tilespmem:s23+$0x20] =	vst v0  }
0x25: {  	[tilespmem:s24+$0x30] =	vst v0  }
0x26: {  	[tilespmem:s23+$0x30] =	vst v0  }
0x27: {  	[tilespmem:s24+$0x40] =	vst v0  }
0x28: {  	[tilespmem:s23+$0x40] =	vst v0  }
0x29: {  	[tilespmem:s23+$0x50] =	vst v0  }
0x2a: {  	[tilespmem:s23+$0x60] =	vst v0  }
0x2b: {  	[tilespmem:s23+$0x70] =	vst v0  }
0x2c: {  	[tilespmem:s24+$0x400] =	vst v0  }
0x2d: {  	[tilespmem:s23+$0x400] =	vst v0  }
0x2e: {  	[tilespmem:s24+$0x410] =	vst v0  }
0x2f: {  	[tilespmem:s23+$0x410] =	vst v0  }
0x30: {  	[tilespmem:s24+$0x420] =	vst v0  }
0x31: {  	[tilespmem:s23+$0x420] =	vst v0  }
0x32: {  	[tilespmem:s24+$0x430] =	vst v0  }
0x33: {  	[tilespmem:s23+$0x430] =	vst v0  }
0x34: {  	[tilespmem:s24+$0x440] =	vst v0  }
0x35: {  	[tilespmem:s23+$0x440] =	vst v0  }
0x36: {  	[tilespmem:s23+$0x450] =	vst v0  }
0x37: {  	[tilespmem:s23+$0x460] =	vst v0  }
0x38: {  	[tilespmem:s23+$0x470] =	vst v0  }
0x39: {  	[tilespmem:s24+$0x50] =	vst v0  }
0x3a: {  	[tilespmem:s24+$0x60] =	vst v0  }
0x3b: {  	[tilespmem:s24+$0x70] =	vst v0  }
0x3c: {  	[tilespmem:s24+$0x450] =	vst v0  }
0x3d: {  	s30 =	sadd.s32 $0x5E80, s21;
	[tilespmem:s24+$0x460] =	vst v0  }
0x3e: {  	s31 =	sadd.s32 s20, s30;
	[tilespmem:s24+$0x470] =	vst v0  }
0x3f: {  	s24 =	sadd.s32 s22, s30;
	[tilespmem:s31+$0x0] =	vst v0  }
0x40: {  	[tilespmem:s24+$0x0] =	vst v0  }
0x41: {  	[tilespmem:s31+$0x10] =	vst v0  }
0x42: {  	[tilespmem:s24+$0x10] =	vst v0  }
0x43: {  	[tilespmem:s31+$0x20] =	vst v0  }
0x44: {  	[tilespmem:s24+$0x20] =	vst v0  }
0x45: {  	[tilespmem:s31+$0x30] =	vst v0  }
0x46: {  	[tilespmem:s24+$0x30] =	vst v0  }
0x47: {  	[tilespmem:s31+$0x40] =	vst v0  }
0x48: {  	[tilespmem:s24+$0x40] =	vst v0  }
0x49: {  	[tilespmem:s24+$0x50] =	vst v0  }
0x4a: {  	[tilespmem:s24+$0x60] =	vst v0  }
0x4b: {  	[tilespmem:s24+$0x70] =	vst v0  }
0x4c: {  	[tilespmem:s31+$0x50] =	vst v0  }
0x4d: {  	s25 =	sadd.s32 $0x6280, s21;
	[tilespmem:s31+$0x60] =	vst v0  }
0x4e: {  	s26 =	sadd.s32 s20, s25;
	[tilespmem:s31+$0x70] =	vst v0  }
0x4f: {  	s23 =	sadd.s32 s22, s25;
	[tilespmem:s26+$0x0] =	vst v0  }
0x50: {  	[tilespmem:s23+$0x0] =	vst v0  }
0x51: {  	[tilespmem:s26+$0x10] =	vst v0  }
0x52: {  	[tilespmem:s23+$0x10] =	vst v0  }
0x53: {  	[tilespmem:s26+$0x20] =	vst v0  }
0x54: {  	[tilespmem:s23+$0x20] =	vst v0  }
0x55: {  	[tilespmem:s26+$0x30] =	vst v0  }
0x56: {  	[tilespmem:s23+$0x30] =	vst v0  }
0x57: {  	[tilespmem:s26+$0x40] =	vst v0  }
0x58: {  	[tilespmem:s23+$0x40] =	vst v0  }
0x59: {  	[tilespmem:s23+$0x50] =	vst v0  }
0x5a: {  	[tilespmem:s23+$0x60] =	vst v0  }
0x5b: {  	[tilespmem:s23+$0x70] =	vst v0  }
0x5c: {  	[tilespmem:s26+$0x50] =	vst v0  }
0x5d: {  	s28 =	sadd.s32 $0x6680, s21;
	[tilespmem:s26+$0x60] =	vst v0  }
0x5e: {  	s29 =	sadd.s32 s20, s28;
	[tilespmem:s26+$0x70] =	vst v0  }
0x5f: {  	s24 =	sadd.s32 s22, s28;
	[tilespmem:s29+$0x0] =	vst v0  }
0x60: {  	[tilespmem:s24+$0x0] =	vst v0  }
0x61: {  	[tilespmem:s29+$0x10] =	vst v0  }
0x62: {  	[tilespmem:s24+$0x10] =	vst v0  }
0x63: {  	[tilespmem:s29+$0x20] =	vst v0  }
0x64: {  	[tilespmem:s24+$0x20] =	vst v0  }
0x65: {  	[tilespmem:s29+$0x30] =	vst v0  }
0x66: {  	[tilespmem:s24+$0x30] =	vst v0  }
0x67: {  	[tilespmem:s29+$0x40] =	vst v0  }
0x68: {  	[tilespmem:s24+$0x40] =	vst v0  }
0x69: {  	[tilespmem:s24+$0x50] =	vst v0  }
0x6a: {  	[tilespmem:s24+$0x60] =	vst v0  }
0x6b: {  	[tilespmem:s24+$0x70] =	vst v0  }
0x6c: {  	[tilespmem:s29+$0x50] =	vst v0  }
0x6d: {  	s30 =	sadd.s32 $0x6A80, s21;
	[tilespmem:s29+$0x60] =	vst v0  }
0x6e: {  	s31 =	sadd.s32 s20, s30;
	[tilespmem:s29+$0x70] =	vst v0  }
0x6f: {  	s23 =	sadd.s32 s22, s30;
	[tilespmem:s31+$0x0] =	vst v0  }
0x70: {  	[tilespmem:s23+$0x0] =	vst v0  }
0x71: {  	[tilespmem:s31+$0x10] =	vst v0  }
0x72: {  	[tilespmem:s23+$0x10] =	vst v0  }
0x73: {  	[tilespmem:s31+$0x20] =	vst v0  }
0x74: {  	[tilespmem:s23+$0x20] =	vst v0  }
0x75: {  	[tilespmem:s31+$0x30] =	vst v0  }
0x76: {  	[tilespmem:s23+$0x30] =	vst v0  }
0x77: {  	[tilespmem:s31+$0x40] =	vst v0  }
0x78: {  	[tilespmem:s23+$0x40] =	vst v0  }
0x79: {  	[tilespmem:s23+$0x50] =	vst v0  }
0x7a: {  	[tilespmem:s23+$0x60] =	vst v0  }
0x7b: {  	[tilespmem:s23+$0x70] =	vst v0  }
0x7c: {  	[tilespmem:s31+$0x50] =	vst v0  }
0x7d: {  	s25 =	sadd.s32 $0x6E80, s21;
	[tilespmem:s31+$0x60] =	vst v0  }
0x7e: {  	s26 =	sadd.s32 s20, s25;
	[tilespmem:s31+$0x70] =	vst v0  }
0x7f: {  	s24 =	sadd.s32 s22, s25;
	[tilespmem:s26+$0x0] =	vst v0  }
0x80: {  	[tilespmem:s24+$0x0] =	vst v0  }
0x81: {  	[tilespmem:s26+$0x10] =	vst v0  }
0x82: {  	[tilespmem:s24+$0x10] =	vst v0  }
0x83: {  	[tilespmem:s26+$0x20] =	vst v0  }
0x84: {  	[tilespmem:s24+$0x20] =	vst v0  }
0x85: {  	[tilespmem:s26+$0x30] =	vst v0  }
0x86: {  	[tilespmem:s24+$0x30] =	vst v0  }
0x87: {  	[tilespmem:s26+$0x40] =	vst v0  }
0x88: {  	[tilespmem:s24+$0x40] =	vst v0  }
0x89: {  	[tilespmem:s24+$0x50] =	vst v0  }
0x8a: {  	[tilespmem:s24+$0x60] =	vst v0  }
0x8b: {  	[tilespmem:s24+$0x70] =	vst v0  }
0x8c: {  	[tilespmem:s26+$0x50] =	vst v0  }
0x8d: {  	s28 =	sadd.s32 $0x7280, s21;
	[tilespmem:s26+$0x60] =	vst v0  }
0x8e: {  	s29 =	sadd.s32 s20, s28;
	[tilespmem:s26+$0x70] =	vst v0  }
0x8f: {  	s23 =	sadd.s32 s22, s28;
	[tilespmem:s29+$0x0] =	vst v0  }
0x90: {  	[tilespmem:s23+$0x0] =	vst v0  }
0x91: {  	[tilespmem:s29+$0x10] =	vst v0  }
0x92: {  	[tilespmem:s23+$0x10] =	vst v0  }
0x93: {  	[tilespmem:s29+$0x20] =	vst v0  }
0x94: {  	[tilespmem:s23+$0x20] =	vst v0  }
0x95: {  	[tilespmem:s29+$0x30] =	vst v0  }
0x96: {  	[tilespmem:s23+$0x30] =	vst v0  }
0x97: {  	[tilespmem:s29+$0x40] =	vst v0  }
0x98: {  	[tilespmem:s23+$0x40] =	vst v0  }
0x99: {  	[tilespmem:s23+$0x50] =	vst v0  }
0x9a: {  	[tilespmem:s23+$0x60] =	vst v0  }
0x9b: {  	[tilespmem:s23+$0x70] =	vst v0  }
0x9c: {  	[tilespmem:s29+$0x50] =	vst v0  }
0x9d: {  	s30 =	sadd.s32 $0x7680, s21;
	[tilespmem:s29+$0x60] =	vst v0  }
0x9e: {  	s31 =	sadd.s32 s20, s30;
	[tilespmem:s29+$0x70] =	vst v0  }
0x9f: {  	s24 =	sadd.s32 s22, s30;
	[tilespmem:s31+$0x0] =	vst v0  }
0xa0: {  	[tilespmem:s24+$0x0] =	vst v0  }
0xa1: {  	[tilespmem:s31+$0x10] =	vst v0  }
0xa2: {  	[tilespmem:s24+$0x10] =	vst v0  }
0xa3: {  	[tilespmem:s31+$0x20] =	vst v0  }
0xa4: {  	[tilespmem:s24+$0x20] =	vst v0  }
0xa5: {  	[tilespmem:s31+$0x30] =	vst v0  }
0xa6: {  	[tilespmem:s24+$0x30] =	vst v0  }
0xa7: {  	[tilespmem:s31+$0x40] =	vst v0  }
0xa8: {  	[tilespmem:s24+$0x40] =	vst v0  }
0xa9: {  	[tilespmem:s24+$0x50] =	vst v0  }
0xaa: {  	[tilespmem:s24+$0x60] =	vst v0  }
0xab: {  	[tilespmem:s24+$0x70] =	vst v0  }
0xac: {  	[tilespmem:s31+$0x50] =	vst v0  }
0xad: {  	s21 =	sadd.s32 $0x7A80, s21;
	[tilespmem:s31+$0x60] =	vst v0  }
0xae: {  	s20 =	sadd.s32 s20, s21;
	[tilespmem:s31+$0x70] =	vst v0  }
0xaf: {  	s21 =	sadd.s32 s22, s21;
	[tilespmem:s20+$0x0] =	vst v0  }
0xb0: {  	[tilespmem:s21+$0x0] =	vst v0  }
0xb1: {  	[tilespmem:s20+$0x10] =	vst v0  }
0xb2: {  	[tilespmem:s21+$0x10] =	vst v0  }
0xb3: {  	[tilespmem:s20+$0x20] =	vst v0  }
0xb4: {  	[tilespmem:s21+$0x20] =	vst v0  }
0xb5: {  	[tilespmem:s20+$0x30] =	vst v0  }
0xb6: {  	[tilespmem:s21+$0x30] =	vst v0  }
0xb7: {  	[tilespmem:s20+$0x40] =	vst v0  }
0xb8: {  	[tilespmem:s21+$0x40] =	vst v0  }
0xb9: {  	[tilespmem:s21+$0x50] =	vst v0  }
0xba: {  	[tilespmem:s21+$0x60] =	vst v0  }
0xbb: {  	[tilespmem:s21+$0x70] =	vst v0  }
0xbc: {  	[tilespmem:s20+$0x50] =	vst v0  }
0xbd: {  	[tilespmem:s20+$0x60] =	vst v0  }
0xbe: {  	[tilespmem:s20+$0x70] =	vst v0  }
0xbf: {  	v3 =	vld [tilespmem:s18+$0x0];
	_ =	sdelay $0x7  }
0xc0: {  	v3 =	vld.idx.msk [tilespmem:v3+s8+$0x0], $0xffff;
	_ =	sdelay $0x4  }
0xc1: {  	v4 =	vshll.u32 v3, $0x4;
	_ =	sdelay $0x4  }
0xc2: {  	v5 =	vld.idx.msk [tilespmem:v4+s9+$0x0], $0xffff;
	_ =	sdelay $0x2  }
0xc3: {  	v6 =	vmov s16  }
0xc4: {  	v3 =	vshrl.u32 v6, $0x3  }
0xc5: {  	v3 =	vmul.u32 $0x2800, v3;
	v7 =	vshll.u32 v5, $0x3  }
0xc6: {  	v6 =	vshll.u32 v6, $0x7;
	v7 =	vand.u32 $0xFFFFFC00, v7  }
0xc7: {  	v47 =	vor.u32 v1, v6;
	v8 =	vand.u32 $0x7F, v5;
	v7 =	vadd.s32 v3, v7  }
0xc8: {  	v5 =	vand.u32 $0x380, v47;
	v48 =	vor.u32 v8, v7  }
0xc9: {  	v6 =	vor.u32 v5, v48  }
0xca: {  	v49 =	vor.u32 $0x1, v4;
	_ =	sdelay $0x3  }
0xcb: {  	[tilespmem:v6+s13+$0x0] =	vst.idx.msk $0xffff, v2  }
0xcc: {  	v6 =	vld.idx.msk [tilespmem:v49+s9+$0x0], $0xffff;
	_ =	sdelay $0x4  }
0xcd: {  	v7 =	vshll.u32 v6, $0x3  }
0xce: {  	v7 =	vand.u32 $0xFFFFFC00, v7  }
0xcf: {  	v6 =	vand.u32 $0x7F, v6;
	v7 =	vadd.s32 v3, v7  }
0xd0: {  	v6 =	vor.u32 v6, v7  }
0xd1: {  	v6 =	vor.u32 v5, v6  }
0xd2: {  	v50 =	vor.u32 $0x2, v4;
	_ =	sdelay $0x3  }
0xd3: {  	[tilespmem:v6+s13+$0x0] =	vst.idx.msk $0xffff, v2  }
0xd4: {  	v6 =	vld.idx.msk [tilespmem:v50+s9+$0x0], $0xffff;
	_ =	sdelay $0x4  }
0xd5: {  	v7 =	vshll.u32 v6, $0x3  }
0xd6: {  	v7 =	vand.u32 $0xFFFFFC00, v7  }
0xd7: {  	v6 =	vand.u32 $0x7F, v6;
	v7 =	vadd.s32 v3, v7  }
0xd8: {  	v6 =	vor.u32 v6, v7  }
0xd9: {  	v6 =	vor.u32 v5, v6  }
0xda: {  	v51 =	vor.u32 $0x3, v4;
	_ =	sdelay $0x3  }
0xdb: {  	[tilespmem:v6+s13+$0x0] =	vst.idx.msk $0xffff, v2  }
0xdc: {  	v6 =	vld.idx.msk [tilespmem:v51+s9+$0x0], $0xffff;
	_ =	sdelay $0x4  }
0xdd: {  	v7 =	vshll.u32 v6, $0x3  }
0xde: {  	v7 =	vand.u32 $0xFFFFFC00, v7  }
0xdf: {  	v6 =	vand.u32 $0x7F, v6;
	v7 =	vadd.s32 v3, v7  }
0xe0: {  	v6 =	vor.u32 v6, v7  }
0xe1: {  	v6 =	vor.u32 v5, v6  }
0xe2: {  	v52 =	vor.u32 $0x4, v4;
	_ =	sdelay $0x3  }
0xe3: {  	[tilespmem:v6+s13+$0x0] =	vst.idx.msk $0xffff, v2  }
0xe4: {  	v6 =	vld.idx.msk [tilespmem:v52+s9+$0x0], $0xffff;
	_ =	sdelay $0x4  }
0xe5: {  	v7 =	vshll.u32 v6, $0x3  }
0xe6: {  	v7 =	vand.u32 $0xFFFFFC00, v7  }
0xe7: {  	v6 =	vand.u32 $0x7F, v6;
	v7 =	vadd.s32 v3, v7  }
0xe8: {  	v6 =	vor.u32 v6, v7  }
0xe9: {  	v6 =	vor.u32 v5, v6  }
0xea: {  	v53 =	vor.u32 $0x5, v4;
	_ =	sdelay $0x3  }
0xeb: {  	[tilespmem:v6+s13+$0x0] =	vst.idx.msk $0xffff, v2  }
0xec: {  	v6 =	vld.idx.msk [tilespmem:v53+s9+$0x0], $0xffff;
	_ =	sdelay $0x4  }
0xed: {  	v7 =	vshll.u32 v6, $0x3  }
0xee: {  	v7 =	vand.u32 $0xFFFFFC00, v7  }
0xef: {  	v6 =	vand.u32 $0x7F, v6;
	v7 =	vadd.s32 v3, v7  }
0xf0: {  	v6 =	vor.u32 v6, v7  }
0xf1: {  	v6 =	vor.u32 v5, v6  }
0xf2: {  	v54 =	vor.u32 $0x6, v4;
	_ =	sdelay $0x3  }
0xf3: {  	[tilespmem:v6+s13+$0x0] =	vst.idx.msk $0xffff, v2  }
0xf4: {  	v6 =	vld.idx.msk [tilespmem:v54+s9+$0x0], $0xffff;
	_ =	sdelay $0x4  }
0xf5: {  	v7 =	vshll.u32 v6, $0x3  }
0xf6: {  	v7 =	vand.u32 $0xFFFFFC00, v7  }
0xf7: {  	v6 =	vand.u32 $0x7F, v6;
	v7 =	vadd.s32 v3, v7  }
0xf8: {  	v6 =	vor.u32 v6, v7  }
0xf9: {  	v6 =	vor.u32 v5, v6  }
0xfa: {  	v55 =	vor.u32 $0x7, v4;
	_ =	sdelay $0x3  }
0xfb: {  	[tilespmem:v6+s13+$0x0] =	vst.idx.msk $0xffff, v2  }
0xfc: {  	v6 =	vld.idx.msk [tilespmem:v55+s9+$0x0], $0xffff;
	_ =	sdelay $0x4  }
0xfd: {  	v7 =	vshll.u32 v6, $0x3  }
0xfe: {  	v7 =	vand.u32 $0xFFFFFC00, v7  }
0xff: {  	v6 =	vand.u32 $0x7F, v6;
	v7 =	vadd.s32 v3, v7  }
0x100: {  	v6 =	vor.u32 v6, v7  }
0x101: {  	v6 =	vor.u32 v5, v6  }
0x102: {  	v56 =	vor.u32 $0x8, v4;
	_ =	sdelay $0x3  }
0x103: {  	[tilespmem:v6+s13+$0x0] =	vst.idx.msk $0xffff, v2  }
0x104: {  	v6 =	vld.idx.msk [tilespmem:v56+s9+$0x0], $0xffff;
	_ =	sdelay $0x4  }
0x105: {  	v7 =	vshll.u32 v6, $0x3  }
0x106: {  	v7 =	vand.u32 $0xFFFFFC00, v7  }
0x107: {  	v6 =	vand.u32 $0x7F, v6;
	v7 =	vadd.s32 v3, v7  }
0x108: {  	v6 =	vor.u32 v6, v7  }
0x109: {  	v6 =	vor.u32 v5, v6  }
0x10a: {  	v57 =	vor.u32 $0x9, v4;
	_ =	sdelay $0x3  }
0x10b: {  	[tilespmem:v6+s13+$0x0] =	vst.idx.msk $0xffff, v2  }
0x10c: {  	v6 =	vld.idx.msk [tilespmem:v57+s9+$0x0], $0xffff;
	_ =	sdelay $0x4  }
0x10d: {  	v7 =	vshll.u32 v6, $0x3  }
0x10e: {  	v7 =	vand.u32 $0xFFFFFC00, v7  }
0x10f: {  	v6 =	vand.u32 $0x7F, v6;
	v7 =	vadd.s32 v3, v7  }
0x110: {  	v6 =	vor.u32 v6, v7  }
0x111: {  	v6 =	vor.u32 v5, v6  }
0x112: {  	v58 =	vor.u32 $0xA, v4;
	_ =	sdelay $0x3  }
0x113: {  	[tilespmem:v6+s13+$0x0] =	vst.idx.msk $0xffff, v2  }
0x114: {  	v6 =	vld.idx.msk [tilespmem:v58+s9+$0x0], $0xffff;
	_ =	sdelay $0x4  }
0x115: {  	v7 =	vshll.u32 v6, $0x3  }
0x116: {  	v7 =	vand.u32 $0xFFFFFC00, v7  }
0x117: {  	v6 =	vand.u32 $0x7F, v6;
	v7 =	vadd.s32 v3, v7  }
0x118: {  	v6 =	vor.u32 v6, v7  }
0x119: {  	v6 =	vor.u32 v5, v6  }
0x11a: {  	v59 =	vor.u32 $0xB, v4;
	_ =	sdelay $0x3  }
0x11b: {  	[tilespmem:v6+s13+$0x0] =	vst.idx.msk $0xffff, v2  }
0x11c: {  	v6 =	vld.idx.msk [tilespmem:v59+s9+$0x0], $0xffff;
	_ =	sdelay $0x4  }
0x11d: {  	v7 =	vshll.u32 v6, $0x3  }
0x11e: {  	v7 =	vand.u32 $0xFFFFFC00, v7  }
0x11f: {  	v6 =	vand.u32 $0x7F, v6;
	v7 =	vadd.s32 v3, v7  }
0x120: {  	v6 =	vor.u32 v6, v7  }
0x121: {  	v6 =	vor.u32 v5, v6  }
0x122: {  	v60 =	vor.u32 $0xC, v4;
	_ =	sdelay $0x3  }
0x123: {  	[tilespmem:v6+s13+$0x0] =	vst.idx.msk $0xffff, v2  }
0x124: {  	v6 =	vld.idx.msk [tilespmem:v60+s9+$0x0], $0xffff;
	_ =	sdelay $0x4  }
0x125: {  	v7 =	vshll.u32 v6, $0x3  }
0x126: {  	v7 =	vand.u32 $0xFFFFFC00, v7  }
0x127: {  	v6 =	vand.u32 $0x7F, v6;
	v7 =	vadd.s32 v3, v7  }
0x128: {  	v6 =	vor.u32 v6, v7  }
0x129: {  	v6 =	vor.u32 v5, v6  }
0x12a: {  	v61 =	vor.u32 $0xD, v4;
	_ =	sdelay $0x3  }
0x12b: {  	[tilespmem:v6+s13+$0x0] =	vst.idx.msk $0xffff, v2  }
0x12c: {  	v6 =	vld.idx.msk [tilespmem:v61+s9+$0x0], $0xffff;
	_ =	sdelay $0x4  }
0x12d: {  	v7 =	vshll.u32 v6, $0x3  }
0x12e: {  	v7 =	vand.u32 $0xFFFFFC00, v7  }
0x12f: {  	v6 =	vand.u32 $0x7F, v6;
	v7 =	vadd.s32 v3, v7  }
0x130: {  	v6 =	vor.u32 v6, v7  }
0x131: {  	v6 =	vor.u32 v5, v6  }
0x132: {  	v62 =	vor.u32 $0xE, v4;
	_ =	sdelay $0x3  }
0x133: {  	[tilespmem:v6+s13+$0x0] =	vst.idx.msk $0xffff, v2  }
0x134: {  	v6 =	vld.idx.msk [tilespmem:v62+s9+$0x0], $0xffff;
	_ =	sdelay $0x4  }
0x135: {  	v7 =	vshll.u32 v6, $0x3  }
0x136: {  	v7 =	vand.u32 $0xFFFFFC00, v7  }
0x137: {  	v6 =	vand.u32 $0x7F, v6;
	v7 =	vadd.s32 v3, v7  }
0x138: {  	v6 =	vor.u32 v6, v7  }
0x139: {  	v6 =	vor.u32 v5, v6  }
0x13a: {  	v4 =	vor.u32 $0xF, v4;
	_ =	sdelay $0x3  }
0x13b: {  	[tilespmem:v6+s13+$0x0] =	vst.idx.msk $0xffff, v2  }
0x13c: {  	v4 =	vld.idx.msk [tilespmem:v4+s9+$0x0], $0xffff;
	_ =	sdelay $0x4  }
0x13d: {  	v63 =	vshll.u32 v4, $0x3  }
0x13e: {  	v6 =	vand.u32 $0xFFFFFC00, v63  }
0x13f: {  	v4 =	vand.u32 $0x7F, v4;
	v3 =	vadd.s32 v3, v6  }
0x140: {  	v3 =	vor.u32 v4, v3  }
0x141: {  	p0 =	sne.s32 s19, $0x13;
	v3 =	vor.u32 v5, v3  }
.Ltmp0:
0x142: {  	_ = 	snop;
	(pc) =	sbr.rel @p0 .LBB2_2-.Ltmp0, $3  }
0x143: {  	_ =	sdelay $0x1  }
0x144: {  	s16 =	sadd.s32 $0x2, s16  }
0x145: {  	s19 =	sadd.s32 $0x1, s19;
	s17 =	sadd.s32 $0x100, s17;
	s18 =	sadd.s32 $0x10, s18;
	[tilespmem:v3+s13+$0x0] =	vst.idx.msk $0xffff, v2  }
0x146: {  	s15 =	sadd.s32 $0x1, s15  }
0x147: {  	p0 =	sne.s32 s15, s7  }
.Ltmp1:
0x148: {  	_ = 	snop;
	(pc) =	sbr.rel @p0 .LBB2_1-.Ltmp1, $4  }
0x149: {  	[hbm4b:s6+s2] =	stream.linear.scatter [tilespmem:s13], [sflag:$0x4], $0xC800, $0x38;
	[tilespmem:$0x11E80] =	vst v63  }
0x14a: {  	_ =	swait.ge [sflag:s14], $0xC800  }
0x14b: {  	[sflag:s14] =	ssyncset.done $0x0  }
0x14c: {  	[sflag:s14] =	ssyncadd.s32 $0xFFFF3800  }
0x14d: {  	_ =	sfence.sel $0x180000  }
0x14e: {  	[bflag:$0x0] =	sbarrier.arrive $0xFFFF  }
0x14f: {  	p0 =	sne.s32 s0, $0x0;
	_ =	strace $0x90000047  }
0x150: {  	s0 =	sadd.s32 @!p0 $0x100000, s1;
	[bflag:$0x2] =	sbarrier.arrive $0xFFFF  }
0x151: {  	[sflag:s0] =	ssyncadd.tile.s32 @!p0 $0x1;
	_ =	shalt  }
.Lfunc_end2:
_tile_overlayer_lowered:
.L_overlay_start_2:
0x152: {  	(tag) =	ssettag $0x2  }
0x153: {  	s0 =	rddreg [dreg:$0x0];
	s2 =	stileid.u32  }
0x154: {  	s1 =	rddreg [dreg:$0x1];
	p0 =	sne.s32 s2, $0x0  }
0x155: {  	s3 =	rddreg [dreg:$0x2];
	[bflag:$0x3] =	sbarrier.arrive $0xFFFF;
	s2 =	simm.s32 @!p0 $0x1C04  }
0x156: {  	[timem:s3], [sflag:s2] =	dma.local @!p0 [hbm:s0], s1  }
0x157: {  	s0 =	simm.s32 @!p0 $0x4  }
0x158: {  	_ =	swait.ge @!p0 [sflag:s0], s1  }
0x159: {  	s1 =	ssub.s32 @!p0 $0x0, s1;
	[sflag:s0] =	ssyncset.done @!p0 $0x0  }
0x15a: {  	[sflag:s0] =	ssyncadd.s32 @!p0 s1  }
0x15b: {  	[bflag:$0x3] =	sbarrier.arrive $0xFFFF  }
0x15c: {  	_ =	shalt  }

</sc_bundles>
